<compile_context>
chip_gen: v7x
topology: tpu7x:2x2x1
jax: 0.10.2.dev20260603
libtpu: 0.0.44.dev20260713+nightly
codegen_flags: <defaults>
</compile_context>

<pallas_src>
import functools

import jax
import jax.numpy as jnp
from jax import lax
from jax.experimental import pallas as pl
from jax.experimental.pallas import tpu as pltpu
from jax.experimental.pallas import tpu_sc as plsc

B = 16384
D = 128
L = 16
NC = 2
NS = 16
NW = NC * NS
BPW = B // NW
CH = 128
NCHUNK = BPW // CH
NBUF = 2

_mesh = plsc.VectorSubcoreMesh(core_axis_name="c", subcore_axis_name="s")


@functools.partial(
    pl.kernel,
    out_type=jax.ShapeDtypeStruct((B,), jnp.float32),
    mesh=_mesh,
    compiler_params=pltpu.CompilerParams(needs_layout_passes=False),
    scratch_types=[
        pltpu.VMEM((BPW,), jnp.int32),
        pltpu.VMEM((BPW,), jnp.int32),
        pltpu.VMEM((NBUF, CH, D), jnp.float32),
        pltpu.VMEM((NBUF, CH, D), jnp.float32),
        pltpu.VMEM((BPW,), jnp.float32),
        pltpu.SemaphoreType.DMA,
        pltpu.SemaphoreType.DMA,
        pltpu.SemaphoreType.DMA,
    ],
)
def _mf_sc(uidx_hbm, vidx_hbm, uemb_hbm, vemb_hbm, out_hbm,
           uidx_v, vidx_v, urows, vrows, out_v, sem0, sem1, sem2):
    wid = lax.axis_index("s") * NC + lax.axis_index("c")
    base = wid * BPW

    ciu = pltpu.async_copy(uidx_hbm.at[pl.ds(base, BPW)], uidx_v, sem0)
    civ = pltpu.async_copy(vidx_hbm.at[pl.ds(base, BPW)], vidx_v, sem1)

    sems = (sem0, sem1)

    def start(c):
        s = sems[c % NBUF]
        cu = pltpu.async_copy(uemb_hbm.at[uidx_v.at[pl.ds(c * CH, CH)]],
                              urows.at[c % NBUF], s)
        cv = pltpu.async_copy(vemb_hbm.at[vidx_v.at[pl.ds(c * CH, CH)]],
                              vrows.at[c % NBUF], s)
        return cu, cv

    ciu.wait()
    civ.wait()
    pend = [start(c) for c in range(NBUF - 1)]
    outs = []
    for c in range(NCHUNK):
        cu, cv = pend.pop(0)
        cu.wait()
        cv.wait()
        if c + NBUF - 1 < NCHUNK:
            pend.append(start(c + NBUF - 1))
        ub = urows.at[c % NBUF]
        vb = vrows.at[c % NBUF]

        lane = lax.broadcasted_iota(jnp.int32, (L,), 0)
        last = jnp.full((L,), L - 1, jnp.int32)

        def ibody(i, res, ub=ub, vb=vb, c=c):
            p0 = ub[i, pl.ds(0, L)] * vb[i, pl.ds(0, L)]
            for j in range(1, D // L):
                p0 = p0 + ub[i, pl.ds(j * L, L)] * vb[i, pl.ds(j * L, L)]
            cs = plsc.cumsum(p0)
            tot = cs[last]
            res = jnp.where(lane == (i & (L - 1)), tot, res)

            @pl.when((i & (L - 1)) == L - 1)
            def _():
                out_v[pl.ds(c * CH + i - (L - 1), L)] = (
                    1.0 / (1.0 + jnp.exp(-res)))

            return res

        lax.fori_loop(0, CH, ibody, jnp.zeros((L,), jnp.float32), unroll=4)

        outs.append(pltpu.async_copy(
            out_v.at[pl.ds(c * CH, CH)],
            out_hbm.at[pl.ds(base + c * CH, CH)], sem2))

    for d in outs:
        d.wait()


def kernel(user_idx, video_idx, user_emb, video_emb, user_bias, video_bias):
    return _mf_sc(user_idx.astype(jnp.int32), video_idx.astype(jnp.int32),
                  user_emb, video_emb)

# --- scband reference (transcript-rebuilt; emitter-appended) ---
"""Pipeline reference for scband-matrix-factorization-17901423690253 (READ-ONLY COPY).

The authoritative reference and input builder live on the scoring server;
editing this copy changes nothing except your own understanding.
"""

import jax, jax.numpy as jnp
import numpy as np

N_USERS = 1000000
N_VIDEOS = 1000000
DIM = 128
BATCH = 16384

def setup_inputs(seed: int = 0) -> dict:
    key = jax.random.key(seed)
    k1, k2, k3, k4 = jax.random.split(key, 4)
    user_idx = jax.random.randint(k1, (BATCH,), 0, N_USERS, dtype=jnp.int64) if jax.config.jax_enable_x64 else jax.random.randint(k1, (BATCH,), 0, N_USERS, dtype=jnp.int32)
    video_idx = jax.random.randint(k2, (BATCH,), 0, N_VIDEOS, dtype=jnp.int64) if jax.config.jax_enable_x64 else jax.random.randint(k2, (BATCH,), 0, N_VIDEOS, dtype=jnp.int32)
    user_emb = jax.random.normal(k3, (N_USERS, DIM), dtype=jnp.float32) * 0.01
    video_emb = jax.random.normal(k4, (N_VIDEOS, DIM), dtype=jnp.float32) * 0.01
    user_bias = jnp.zeros((N_USERS, 1), dtype=jnp.float32)
    video_bias = jnp.zeros((N_VIDEOS, 1), dtype=jnp.float32)
    return {
        "user_idx": user_idx,
        "video_idx": video_idx,
        "user_emb": user_emb,
        "video_emb": video_emb,
        "user_bias": user_bias,
        "video_bias": video_bias,
    }

def reference(user_idx, video_idx, user_emb, video_emb, user_bias, video_bias):
    u = jnp.take(user_emb, user_idx, axis=0)          # [B, D]
    v = jnp.take(video_emb, video_idx, axis=0)        # [B, D]
    dot = jnp.sum(u * v, axis=1, keepdims=True)       # [B, 1]
    bias = jnp.take(user_bias, user_idx, axis=0) + jnp.take(video_bias, video_idx, axis=0)  # [B, 1]
    out = jax.nn.sigmoid(dot + bias)
    return jnp.squeeze(out, axis=-1)                  # [B]

if __name__ == "__main__":
    import jax
    _d = setup_inputs()
    print(jax.jit(kernel)(*tuple(_d.values())))

</pallas_src>

<mosaic_0001>
#map = affine_map<(d0, d1) -> (0)>
#map1 = affine_map<(d0, d1) -> (0, 0)>
module attributes {stable_mosaic.version = 14 : i64} {
  func.func @_mf_sc(%arg0: i32, %arg1: i32, %arg2: memref<16384xi32, #tpu.memory_space<hbm>>, %arg3: memref<16384xi32, #tpu.memory_space<hbm>>, %arg4: memref<1000000x128xf32, #tpu.memory_space<hbm>>, %arg5: memref<1000000x128xf32, #tpu.memory_space<hbm>>, %arg6: memref<16384xf32, #tpu.memory_space<hbm>>, %arg7: memref<512xi32, #tpu.memory_space<vmem>>, %arg8: memref<512xi32, #tpu.memory_space<vmem>>, %arg9: memref<2x128x128xf32, #tpu.memory_space<vmem>>, %arg10: memref<2x128x128xf32, #tpu.memory_space<vmem>>, %arg11: memref<512xf32, #tpu.memory_space<vmem>>, %arg12: memref<!tpu.dma_semaphore, #tpu.memory_space<semaphore_mem>>, %arg13: memref<!tpu.dma_semaphore, #tpu.memory_space<semaphore_mem>>, %arg14: memref<!tpu.dma_semaphore, #tpu.memory_space<semaphore_mem>>) attributes {dimension_semantics = [#tpu.dimension_semantics<core_parallel>, #tpu.dimension_semantics<subcore_parallel>], iteration_bounds = array<i64: 2, 16>, scalar_prefetch = 0 : i64, scratch_operands = 8 : i64, tpu.core_type = #tpu.core_type<sc_vector_subcore>, window_params = [{transform_indices = #map}, {transform_indices = #map}, {transform_indices = #map1}, {transform_indices = #map1}, {transform_indices = #map}]} {
    %mul3A = arith.constant 2 : i32
    %mul3A_0 = arith.muli %arg1, %mul3A : i32
    %add3A = arith.addi %mul3A_0, %arg0 : i32
    %mul3A_1 = arith.constant 512 : i32
    %mul3A_2 = arith.muli %add3A, %mul3A_1 : i32
    %dma_start3A = tpu.memref_slice %arg2[%mul3A_2] : memref<16384xi32, #tpu.memory_space<hbm>> -> memref<512xi32, #tpu.memory_space<hbm>>
    %dma_start3A_3 = tpu.memref_slice %arg2[%mul3A_2] : memref<16384xi32, #tpu.memory_space<hbm>> -> memref<512xi32, #tpu.memory_space<hbm>>
    tpu.enqueue_dma source(%dma_start3A_3 : memref<512xi32, #tpu.memory_space<hbm>>) target(%arg7 : memref<512xi32, #tpu.memory_space<vmem>>) target_semaphore(%arg12 : memref<!tpu.dma_semaphore, #tpu.memory_space<semaphore_mem>>)
    %dma_start3A_4 = tpu.memref_slice %arg3[%mul3A_2] : memref<16384xi32, #tpu.memory_space<hbm>> -> memref<512xi32, #tpu.memory_space<hbm>>
    %dma_start3A_5 = tpu.memref_slice %arg3[%mul3A_2] : memref<16384xi32, #tpu.memory_space<hbm>> -> memref<512xi32, #tpu.memory_space<hbm>>
    tpu.enqueue_dma source(%dma_start3A_5 : memref<512xi32, #tpu.memory_space<hbm>>) target(%arg8 : memref<512xi32, #tpu.memory_space<vmem>>) target_semaphore(%arg13 : memref<!tpu.dma_semaphore, #tpu.memory_space<semaphore_mem>>)
    %dma_wait3A = tpu.memref_slice %arg2[%mul3A_2] : memref<16384xi32, #tpu.memory_space<hbm>> -> memref<512xi32, #tpu.memory_space<hbm>>
    %dma_wait3A_6 = tpu.memref_slice %arg2[%mul3A_2] : memref<16384xi32, #tpu.memory_space<hbm>> -> memref<512xi32, #tpu.memory_space<hbm>>
    tpu.wait_dma2 semaphore(%arg12 : memref<!tpu.dma_semaphore, #tpu.memory_space<semaphore_mem>>) src(%dma_wait3A_6 : memref<512xi32, #tpu.memory_space<hbm>>) dst(%arg7 : memref<512xi32, #tpu.memory_space<vmem>>)
    %dma_wait3A_7 = tpu.memref_slice %arg3[%mul3A_2] : memref<16384xi32, #tpu.memory_space<hbm>> -> memref<512xi32, #tpu.memory_space<hbm>>
    %dma_wait3A_8 = tpu.memref_slice %arg3[%mul3A_2] : memref<16384xi32, #tpu.memory_space<hbm>> -> memref<512xi32, #tpu.memory_space<hbm>>
    tpu.wait_dma2 semaphore(%arg13 : memref<!tpu.dma_semaphore, #tpu.memory_space<semaphore_mem>>) src(%dma_wait3A_8 : memref<512xi32, #tpu.memory_space<hbm>>) dst(%arg8 : memref<512xi32, #tpu.memory_space<vmem>>)
    %dma_start3A_9 = arith.constant 0 : i32
    %dma_start3A_10 = arith.constant 0 : i32
    %dma_start3A_11 = arith.constant 0 : i32
    %dma_start3A_12 = tpu.memref_slice %arg9[%dma_start3A_9, %dma_start3A_10, %dma_start3A_11] : memref<2x128x128xf32, #tpu.memory_space<vmem>> -> memref<1x128x128xf32, #tpu.memory_space<vmem>>
    %dma_start3A_13 = tpu.memref_squeeze %dma_start3A_12 : memref<1x128x128xf32, #tpu.memory_space<vmem>> -> memref<128x128xf32, #tpu.memory_space<vmem>>
    %dma_start3A_14 = arith.constant 0 : i32
    %dma_start3A_15 = tpu.memref_slice %arg7[%dma_start3A_14] : memref<512xi32, #tpu.memory_space<vmem>> -> memref<128xi32, #tpu.memory_space<vmem>>
    %dma_start3A_16 = arith.constant 0 : i32
    %dma_start3A_17 = arith.constant 0 : i32
    %dma_start3A_18 = tpu.memref_slice %arg4[%dma_start3A_16, %dma_start3A_17] : memref<1000000x128xf32, #tpu.memory_space<hbm>> -> memref<1000000x128xf32, #tpu.memory_space<hbm>>
    tpu.enqueue_indirect_dma source(%dma_start3A_18 : memref<1000000x128xf32, #tpu.memory_space<hbm>>) target(%dma_start3A_13 : memref<128x128xf32, #tpu.memory_space<vmem>>) offsets(%dma_start3A_15 : memref<128xi32, #tpu.memory_space<vmem>>) semaphore(%arg12 : memref<!tpu.dma_semaphore, #tpu.memory_space<semaphore_mem>>)
    %dma_start3A_19 = arith.constant 0 : i32
    %dma_start3A_20 = arith.constant 0 : i32
    %dma_start3A_21 = arith.constant 0 : i32
    %dma_start3A_22 = tpu.memref_slice %arg10[%dma_start3A_19, %dma_start3A_20, %dma_start3A_21] : memref<2x128x128xf32, #tpu.memory_space<vmem>> -> memref<1x128x128xf32, #tpu.memory_space<vmem>>
    %dma_start3A_23 = tpu.memref_squeeze %dma_start3A_22 : memref<1x128x128xf32, #tpu.memory_space<vmem>> -> memref<128x128xf32, #tpu.memory_space<vmem>>
    %dma_start3A_24 = arith.constant 0 : i32
    %dma_start3A_25 = tpu.memref_slice %arg8[%dma_start3A_24] : memref<512xi32, #tpu.memory_space<vmem>> -> memref<128xi32, #tpu.memory_space<vmem>>
    %dma_start3A_26 = arith.constant 0 : i32
    %dma_start3A_27 = arith.constant 0 : i32
    %dma_start3A_28 = tpu.memref_slice %arg5[%dma_start3A_26, %dma_start3A_27] : memref<1000000x128xf32, #tpu.memory_space<hbm>> -> memref<1000000x128xf32, #tpu.memory_space<hbm>>
    tpu.enqueue_indirect_dma source(%dma_start3A_28 : memref<1000000x128xf32, #tpu.memory_space<hbm>>) target(%dma_start3A_23 : memref<128x128xf32, #tpu.memory_space<vmem>>) offsets(%dma_start3A_25 : memref<128xi32, #tpu.memory_space<vmem>>) semaphore(%arg12 : memref<!tpu.dma_semaphore, #tpu.memory_space<semaphore_mem>>)
    %dma_wait3A_29 = arith.constant 0 : i32
    %dma_wait3A_30 = arith.constant 0 : i32
    %dma_wait3A_31 = arith.constant 0 : i32
    %dma_wait3A_32 = tpu.memref_slice %arg9[%dma_wait3A_29, %dma_wait3A_30, %dma_wait3A_31] : memref<2x128x128xf32, #tpu.memory_space<vmem>> -> memref<1x128x128xf32, #tpu.memory_space<vmem>>
    %dma_wait3A_33 = tpu.memref_squeeze %dma_wait3A_32 : memref<1x128x128xf32, #tpu.memory_space<vmem>> -> memref<128x128xf32, #tpu.memory_space<vmem>>
    %dma_wait3A_34 = arith.constant 0 : i32
    %dma_wait3A_35 = tpu.memref_slice %arg7[%dma_wait3A_34] : memref<512xi32, #tpu.memory_space<vmem>> -> memref<128xi32, #tpu.memory_space<vmem>>
    %dma_wait3A_36 = arith.constant 0 : i32
    %dma_wait3A_37 = arith.constant 0 : i32
    %dma_wait3A_38 = tpu.memref_slice %arg4[%dma_wait3A_36, %dma_wait3A_37] : memref<1000000x128xf32, #tpu.memory_space<hbm>> -> memref<1000000x128xf32, #tpu.memory_space<hbm>>
    tpu.wait_indirect_dma semaphore(%arg12 : memref<!tpu.dma_semaphore, #tpu.memory_space<semaphore_mem>>) src(%dma_wait3A_38 : memref<1000000x128xf32, #tpu.memory_space<hbm>>) dst(%dma_wait3A_33 : memref<128x128xf32, #tpu.memory_space<vmem>>)
    %dma_wait3A_39 = arith.constant 0 : i32
    %dma_wait3A_40 = arith.constant 0 : i32
    %dma_wait3A_41 = arith.constant 0 : i32
    %dma_wait3A_42 = tpu.memref_slice %arg10[%dma_wait3A_39, %dma_wait3A_40, %dma_wait3A_41] : memref<2x128x128xf32, #tpu.memory_space<vmem>> -> memref<1x128x128xf32, #tpu.memory_space<vmem>>
    %dma_wait3A_43 = tpu.memref_squeeze %dma_wait3A_42 : memref<1x128x128xf32, #tpu.memory_space<vmem>> -> memref<128x128xf32, #tpu.memory_space<vmem>>
    %dma_wait3A_44 = arith.constant 0 : i32
    %dma_wait3A_45 = tpu.memref_slice %arg8[%dma_wait3A_44] : memref<512xi32, #tpu.memory_space<vmem>> -> memref<128xi32, #tpu.memory_space<vmem>>
    %dma_wait3A_46 = arith.constant 0 : i32
    %dma_wait3A_47 = arith.constant 0 : i32
    %dma_wait3A_48 = tpu.memref_slice %arg5[%dma_wait3A_46, %dma_wait3A_47] : memref<1000000x128xf32, #tpu.memory_space<hbm>> -> memref<1000000x128xf32, #tpu.memory_space<hbm>>
    tpu.wait_indirect_dma semaphore(%arg12 : memref<!tpu.dma_semaphore, #tpu.memory_space<semaphore_mem>>) src(%dma_wait3A_48 : memref<1000000x128xf32, #tpu.memory_space<hbm>>) dst(%dma_wait3A_43 : memref<128x128xf32, #tpu.memory_space<vmem>>)
    %dma_start3A_49 = arith.constant 1 : i32
    %dma_start3A_50 = arith.constant 0 : i32
    %dma_start3A_51 = arith.constant 0 : i32
    %dma_start3A_52 = tpu.memref_slice %arg9[%dma_start3A_49, %dma_start3A_50, %dma_start3A_51] : memref<2x128x128xf32, #tpu.memory_space<vmem>> -> memref<1x128x128xf32, #tpu.memory_space<vmem>>
    %dma_start3A_53 = tpu.memref_squeeze %dma_start3A_52 : memref<1x128x128xf32, #tpu.memory_space<vmem>> -> memref<128x128xf32, #tpu.memory_space<vmem>>
    %dma_start3A_54 = arith.constant 128 : i32
    %dma_start3A_55 = tpu.memref_slice %arg7[%dma_start3A_54] : memref<512xi32, #tpu.memory_space<vmem>> -> memref<128xi32, #tpu.memory_space<vmem>>
    %dma_start3A_56 = arith.constant 0 : i32
    %dma_start3A_57 = arith.constant 0 : i32
    %dma_start3A_58 = tpu.memref_slice %arg4[%dma_start3A_56, %dma_start3A_57] : memref<1000000x128xf32, #tpu.memory_space<hbm>> -> memref<1000000x128xf32, #tpu.memory_space<hbm>>
    tpu.enqueue_indirect_dma source(%dma_start3A_58 : memref<1000000x128xf32, #tpu.memory_space<hbm>>) target(%dma_start3A_53 : memref<128x128xf32, #tpu.memory_space<vmem>>) offsets(%dma_start3A_55 : memref<128xi32, #tpu.memory_space<vmem>>) semaphore(%arg13 : memref<!tpu.dma_semaphore, #tpu.memory_space<semaphore_mem>>)
    %dma_start3A_59 = arith.constant 1 : i32
    %dma_start3A_60 = arith.constant 0 : i32
    %dma_start3A_61 = arith.constant 0 : i32
    %dma_start3A_62 = tpu.memref_slice %arg10[%dma_start3A_59, %dma_start3A_60, %dma_start3A_61] : memref<2x128x128xf32, #tpu.memory_space<vmem>> -> memref<1x128x128xf32, #tpu.memory_space<vmem>>
    %dma_start3A_63 = tpu.memref_squeeze %dma_start3A_62 : memref<1x128x128xf32, #tpu.memory_space<vmem>> -> memref<128x128xf32, #tpu.memory_space<vmem>>
    %dma_start3A_64 = arith.constant 128 : i32
    %dma_start3A_65 = tpu.memref_slice %arg8[%dma_start3A_64] : memref<512xi32, #tpu.memory_space<vmem>> -> memref<128xi32, #tpu.memory_space<vmem>>
    %dma_start3A_66 = arith.constant 0 : i32
    %dma_start3A_67 = arith.constant 0 : i32
    %dma_start3A_68 = tpu.memref_slice %arg5[%dma_start3A_66, %dma_start3A_67] : memref<1000000x128xf32, #tpu.memory_space<hbm>> -> memref<1000000x128xf32, #tpu.memory_space<hbm>>
    tpu.enqueue_indirect_dma source(%dma_start3A_68 : memref<1000000x128xf32, #tpu.memory_space<hbm>>) target(%dma_start3A_63 : memref<128x128xf32, #tpu.memory_space<vmem>>) offsets(%dma_start3A_65 : memref<128xi32, #tpu.memory_space<vmem>>) semaphore(%arg13 : memref<!tpu.dma_semaphore, #tpu.memory_space<semaphore_mem>>)
    %iota3A = tpu.iota {dimensions = array<i32: 0>} : vector<16xi32>
    %broadcast_in_dim3A = arith.constant 15 : i32
    %broadcast_in_dim3A_69 = vector.broadcast %broadcast_in_dim3A : i32 to vector<16xi32>
    %broadcast_in_dim3A_70 = arith.constant 0.000000e+00 : f32
    %broadcast_in_dim3A_71 = vector.broadcast %broadcast_in_dim3A_70 : f32 to vector<16xf32>
    %scan3A = arith.constant 0 : i32
    %scan3A_72 = arith.constant 0 : i32
    %scan3A_73 = arith.constant 0 : i32
    %scan3A_74 = arith.constant 128 : i32
    %scan3A_75 = arith.addi %scan3A_73, %scan3A_74 : i32
    %scan3A_76 = arith.constant 4 : i32
    %scan3A_77 = scf.for %scan3A_274 = %scan3A_73 to %scan3A_75 step %scan3A_76 iter_args(%scan3A_275 = %broadcast_in_dim3A_71) -> (vector<16xf32>)  : i32 {
      %get3A = arith.constant 0 : i32
      %get3A_276 = arith.constant 0 : i32
      %get3A_277 = tpu.memref_slice %arg9[%scan3A, %get3A, %get3A_276] : memref<2x128x128xf32, #tpu.memory_space<vmem>> -> memref<1x128x128xf32, #tpu.memory_space<vmem>>
      %get3A_278 = tpu.memref_squeeze %get3A_277 : memref<1x128x128xf32, #tpu.memory_space<vmem>> -> memref<128x128xf32, #tpu.memory_space<vmem>>
      %get3A_279 = arith.index_cast %scan3A_274 : i32 to index
      %get3A_280 = arith.constant 0 : index
      %get3A_281 = tpu.vector_load %get3A_278[%get3A_279, %get3A_280] {strides = array<i32>} : memref<128x128xf32, #tpu.memory_space<vmem>>, vector<16xf32>,
      %get3A_282 = arith.constant 0 : i32
      %get3A_283 = arith.constant 0 : i32
      %get3A_284 = tpu.memref_slice %arg10[%scan3A_72, %get3A_282, %get3A_283] : memref<2x128x128xf32, #tpu.memory_space<vmem>> -> memref<1x128x128xf32, #tpu.memory_space<vmem>>
      %get3A_285 = tpu.memref_squeeze %get3A_284 : memref<1x128x128xf32, #tpu.memory_space<vmem>> -> memref<128x128xf32, #tpu.memory_space<vmem>>
      %get3A_286 = arith.index_cast %scan3A_274 : i32 to index
      %get3A_287 = arith.constant 0 : index
      %get3A_288 = tpu.vector_load %get3A_285[%get3A_286, %get3A_287] {strides = array<i32>} : memref<128x128xf32, #tpu.memory_space<vmem>>, vector<16xf32>,
      %mul3A_289 = arith.mulf %get3A_281, %get3A_288 : vector<16xf32>
      %get3A_290 = arith.constant 0 : i32
      %get3A_291 = arith.constant 0 : i32
      %get3A_292 = tpu.memref_slice %arg9[%scan3A, %get3A_290, %get3A_291] : memref<2x128x128xf32, #tpu.memory_space<vmem>> -> memref<1x128x128xf32, #tpu.memory_space<vmem>>
      %get3A_293 = tpu.memref_squeeze %get3A_292 : memref<1x128x128xf32, #tpu.memory_space<vmem>> -> memref<128x128xf32, #tpu.memory_space<vmem>>
      %get3A_294 = arith.index_cast %scan3A_274 : i32 to index
      %get3A_295 = arith.constant 16 : index
      %get3A_296 = tpu.vector_load %get3A_293[%get3A_294, %get3A_295] {strides = array<i32>} : memref<128x128xf32, #tpu.memory_space<vmem>>, vector<16xf32>,
      %get3A_297 = arith.constant 0 : i32
      %get3A_298 = arith.constant 0 : i32
      %get3A_299 = tpu.memref_slice %arg10[%scan3A_72, %get3A_297, %get3A_298] : memref<2x128x128xf32, #tpu.memory_space<vmem>> -> memref<1x128x128xf32, #tpu.memory_space<vmem>>
      %get3A_300 = tpu.memref_squeeze %get3A_299 : memref<1x128x128xf32, #tpu.memory_space<vmem>> -> memref<128x128xf32, #tpu.memory_space<vmem>>
      %get3A_301 = arith.index_cast %scan3A_274 : i32 to index
      %get3A_302 = arith.constant 16 : index
      %get3A_303 = tpu.vector_load %get3A_300[%get3A_301, %get3A_302] {strides = array<i32>} : memref<128x128xf32, #tpu.memory_space<vmem>>, vector<16xf32>,
      %mul3A_304 = arith.mulf %get3A_296, %get3A_303 : vector<16xf32>
      %add3A_305 = arith.addf %mul3A_289, %mul3A_304 : vector<16xf32>
      %get3A_306 = arith.constant 0 : i32
      %get3A_307 = arith.constant 0 : i32
      %get3A_308 = tpu.memref_slice %arg9[%scan3A, %get3A_306, %get3A_307] : memref<2x128x128xf32, #tpu.memory_space<vmem>> -> memref<1x128x128xf32, #tpu.memory_space<vmem>>
      %get3A_309 = tpu.memref_squeeze %get3A_308 : memref<1x128x128xf32, #tpu.memory_space<vmem>> -> memref<128x128xf32, #tpu.memory_space<vmem>>
      %get3A_310 = arith.index_cast %scan3A_274 : i32 to index
      %get3A_311 = arith.constant 32 : index
      %get3A_312 = tpu.vector_load %get3A_309[%get3A_310, %get3A_311] {strides = array<i32>} : memref<128x128xf32, #tpu.memory_space<vmem>>, vector<16xf32>,
      %get3A_313 = arith.constant 0 : i32
      %get3A_314 = arith.constant 0 : i32
      %get3A_315 = tpu.memref_slice %arg10[%scan3A_72, %get3A_313, %get3A_314] : memref<2x128x128xf32, #tpu.memory_space<vmem>> -> memref<1x128x128xf32, #tpu.memory_space<vmem>>
      %get3A_316 = tpu.memref_squeeze %get3A_315 : memref<1x128x128xf32, #tpu.memory_space<vmem>> -> memref<128x128xf32, #tpu.memory_space<vmem>>
      %get3A_317 = arith.index_cast %scan3A_274 : i32 to index
      %get3A_318 = arith.constant 32 : index
      %get3A_319 = tpu.vector_load %get3A_316[%get3A_317, %get3A_318] {strides = array<i32>} : memref<128x128xf32, #tpu.memory_space<vmem>>, vector<16xf32>,
      %mul3A_320 = arith.mulf %get3A_312, %get3A_319 : vector<16xf32>
      %add3A_321 = arith.addf %add3A_305, %mul3A_320 : vector<16xf32>
      %get3A_322 = arith.constant 0 : i32
      %get3A_323 = arith.constant 0 : i32
      %get3A_324 = tpu.memref_slice %arg9[%scan3A, %get3A_322, %get3A_323] : memref<2x128x128xf32, #tpu.memory_space<vmem>> -> memref<1x128x128xf32, #tpu.memory_space<vmem>>
      %get3A_325 = tpu.memref_squeeze %get3A_324 : memref<1x128x128xf32, #tpu.memory_space<vmem>> -> memref<128x128xf32, #tpu.memory_space<vmem>>
      %get3A_326 = arith.index_cast %scan3A_274 : i32 to index
      %get3A_327 = arith.constant 48 : index
      %get3A_328 = tpu.vector_load %get3A_325[%get3A_326, %get3A_327] {strides = array<i32>} : memref<128x128xf32, #tpu.memory_space<vmem>>, vector<16xf32>,
      %get3A_329 = arith.constant 0 : i32
      %get3A_330 = arith.constant 0 : i32
      %get3A_331 = tpu.memref_slice %arg10[%scan3A_72, %get3A_329, %get3A_330] : memref<2x128x128xf32, #tpu.memory_space<vmem>> -> memref<1x128x128xf32, #tpu.memory_space<vmem>>
      %get3A_332 = tpu.memref_squeeze %get3A_331 : memref<1x128x128xf32, #tpu.memory_space<vmem>> -> memref<128x128xf32, #tpu.memory_space<vmem>>
      %get3A_333 = arith.index_cast %scan3A_274 : i32 to index
      %get3A_334 = arith.constant 48 : index
      %get3A_335 = tpu.vector_load %get3A_332[%get3A_333, %get3A_334] {strides = array<i32>} : memref<128x128xf32, #tpu.memory_space<vmem>>, vector<16xf32>,
      %mul3A_336 = arith.mulf %get3A_328, %get3A_335 : vector<16xf32>
      %add3A_337 = arith.addf %add3A_321, %mul3A_336 : vector<16xf32>
      %get3A_338 = arith.constant 0 : i32
      %get3A_339 = arith.constant 0 : i32
      %get3A_340 = tpu.memref_slice %arg9[%scan3A, %get3A_338, %get3A_339] : memref<2x128x128xf32, #tpu.memory_space<vmem>> -> memref<1x128x128xf32, #tpu.memory_space<vmem>>
      %get3A_341 = tpu.memref_squeeze %get3A_340 : memref<1x128x128xf32, #tpu.memory_space<vmem>> -> memref<128x128xf32, #tpu.memory_space<vmem>>
      %get3A_342 = arith.index_cast %scan3A_274 : i32 to index
      %get3A_343 = arith.constant 64 : index
      %get3A_344 = tpu.vector_load %get3A_341[%get3A_342, %get3A_343] {strides = array<i32>} : memref<128x128xf32, #tpu.memory_space<vmem>>, vector<16xf32>,
      %get3A_345 = arith.constant 0 : i32
      %get3A_346 = arith.constant 0 : i32
      %get3A_347 = tpu.memref_slice %arg10[%scan3A_72, %get3A_345, %get3A_346] : memref<2x128x128xf32, #tpu.memory_space<vmem>> -> memref<1x128x128xf32, #tpu.memory_space<vmem>>
      %get3A_348 = tpu.memref_squeeze %get3A_347 : memref<1x128x128xf32, #tpu.memory_space<vmem>> -> memref<128x128xf32, #tpu.memory_space<vmem>>
      %get3A_349 = arith.index_cast %scan3A_274 : i32 to index
      %get3A_350 = arith.constant 64 : index
      %get3A_351 = tpu.vector_load %get3A_348[%get3A_349, %get3A_350] {strides = array<i32>} : memref<128x128xf32, #tpu.memory_space<vmem>>, vector<16xf32>,
      %mul3A_352 = arith.mulf %get3A_344, %get3A_351 : vector<16xf32>
      %add3A_353 = arith.addf %add3A_337, %mul3A_352 : vector<16xf32>
      %get3A_354 = arith.constant 0 : i32
      %get3A_355 = arith.constant 0 : i32
      %get3A_356 = tpu.memref_slice %arg9[%scan3A, %get3A_354, %get3A_355] : memref<2x128x128xf32, #tpu.memory_space<vmem>> -> memref<1x128x128xf32, #tpu.memory_space<vmem>>
      %get3A_357 = tpu.memref_squeeze %get3A_356 : memref<1x128x128xf32, #tpu.memory_space<vmem>> -> memref<128x128xf32, #tpu.memory_space<vmem>>
      %get3A_358 = arith.index_cast %scan3A_274 : i32 to index
      %get3A_359 = arith.constant 80 : index
      %get3A_360 = tpu.vector_load %get3A_357[%get3A_358, %get3A_359] {strides = array<i32>} : memref<128x128xf32, #tpu.memory_space<vmem>>, vector<16xf32>,
      %get3A_361 = arith.constant 0 : i32
      %get3A_362 = arith.constant 0 : i32
      %get3A_363 = tpu.memref_slice %arg10[%scan3A_72, %get3A_361, %get3A_362] : memref<2x128x128xf32, #tpu.memory_space<vmem>> -> memref<1x128x128xf32, #tpu.memory_space<vmem>>
      %get3A_364 = tpu.memref_squeeze %get3A_363 : memref<1x128x128xf32, #tpu.memory_space<vmem>> -> memref<128x128xf32, #tpu.memory_space<vmem>>
      %get3A_365 = arith.index_cast %scan3A_274 : i32 to index
      %get3A_366 = arith.constant 80 : index
      %get3A_367 = tpu.vector_load %get3A_364[%get3A_365, %get3A_366] {strides = array<i32>} : memref<128x128xf32, #tpu.memory_space<vmem>>, vector<16xf32>,
      %mul3A_368 = arith.mulf %get3A_360, %get3A_367 : vector<16xf32>
      %add3A_369 = arith.addf %add3A_353, %mul3A_368 : vector<16xf32>
      %get3A_370 = arith.constant 0 : i32
      %get3A_371 = arith.constant 0 : i32
      %get3A_372 = tpu.memref_slice %arg9[%scan3A, %get3A_370, %get3A_371] : memref<2x128x128xf32, #tpu.memory_space<vmem>> -> memref<1x128x128xf32, #tpu.memory_space<vmem>>
      %get3A_373 = tpu.memref_squeeze %get3A_372 : memref<1x128x128xf32, #tpu.memory_space<vmem>> -> memref<128x128xf32, #tpu.memory_space<vmem>>
      %get3A_374 = arith.index_cast %scan3A_274 : i32 to index
      %get3A_375 = arith.constant 96 : index
      %get3A_376 = tpu.vector_load %get3A_373[%get3A_374, %get3A_375] {strides = array<i32>} : memref<128x128xf32, #tpu.memory_space<vmem>>, vector<16xf32>,
      %get3A_377 = arith.constant 0 : i32
      %get3A_378 = arith.constant 0 : i32
      %get3A_379 = tpu.memref_slice %arg10[%scan3A_72, %get3A_377, %get3A_378] : memref<2x128x128xf32, #tpu.memory_space<vmem>> -> memref<1x128x128xf32, #tpu.memory_space<vmem>>
      %get3A_380 = tpu.memref_squeeze %get3A_379 : memref<1x128x128xf32, #tpu.memory_space<vmem>> -> memref<128x128xf32, #tpu.memory_space<vmem>>
      %get3A_381 = arith.index_cast %scan3A_274 : i32 to index
      %get3A_382 = arith.constant 96 : index
      %get3A_383 = tpu.vector_load %get3A_380[%get3A_381, %get3A_382] {strides = array<i32>} : memref<128x128xf32, #tpu.memory_space<vmem>>, vector<16xf32>,
      %mul3A_384 = arith.mulf %get3A_376, %get3A_383 : vector<16xf32>
      %add3A_385 = arith.addf %add3A_369, %mul3A_384 : vector<16xf32>
      %get3A_386 = arith.constant 0 : i32
      %get3A_387 = arith.constant 0 : i32
      %get3A_388 = tpu.memref_slice %arg9[%scan3A, %get3A_386, %get3A_387] : memref<2x128x128xf32, #tpu.memory_space<vmem>> -> memref<1x128x128xf32, #tpu.memory_space<vmem>>
      %get3A_389 = tpu.memref_squeeze %get3A_388 : memref<1x128x128xf32, #tpu.memory_space<vmem>> -> memref<128x128xf32, #tpu.memory_space<vmem>>
      %get3A_390 = arith.index_cast %scan3A_274 : i32 to index
      %get3A_391 = arith.constant 112 : index
      %get3A_392 = tpu.vector_load %get3A_389[%get3A_390, %get3A_391] {strides = array<i32>} : memref<128x128xf32, #tpu.memory_space<vmem>>, vector<16xf32>,
      %get3A_393 = arith.constant 0 : i32
      %get3A_394 = arith.constant 0 : i32
      %get3A_395 = tpu.memref_slice %arg10[%scan3A_72, %get3A_393, %get3A_394] : memref<2x128x128xf32, #tpu.memory_space<vmem>> -> memref<1x128x128xf32, #tpu.memory_space<vmem>>
      %get3A_396 = tpu.memref_squeeze %get3A_395 : memref<1x128x128xf32, #tpu.memory_space<vmem>> -> memref<128x128xf32, #tpu.memory_space<vmem>>
      %get3A_397 = arith.index_cast %scan3A_274 : i32 to index
      %get3A_398 = arith.constant 112 : index
      %get3A_399 = tpu.vector_load %get3A_396[%get3A_397, %get3A_398] {strides = array<i32>} : memref<128x128xf32, #tpu.memory_space<vmem>>, vector<16xf32>,
      %mul3A_400 = arith.mulf %get3A_392, %get3A_399 : vector<16xf32>
      %add3A_401 = arith.addf %add3A_385, %mul3A_400 : vector<16xf32>
      %broadcast_in_dim3A_402 = arith.constant true
      %broadcast_in_dim3A_403 = vector.broadcast %broadcast_in_dim3A_402 : i1 to vector<16xi1>
      %masked_cumsum3A = tpu.scan <sum>, %add3A_401 masked %broadcast_in_dim3A_403 : vector<16xf32>, vector<16xi1> -> vector<16xf32>
      %lt3A = arith.constant 0 : i32
      %lt3A_404 = vector.broadcast %lt3A : i32 to vector<16xi32>
      %lt3A_405 = arith.cmpi slt, %broadcast_in_dim3A_69, %lt3A_404 : vector<16xi32>
      %add3A_406 = arith.constant 16 : i32
      %add3A_407 = vector.broadcast %add3A_406 : i32 to vector<16xi32>
      %add3A_408 = arith.addi %broadcast_in_dim3A_69, %add3A_407 : vector<16xi32>
      %select_n3A = arith.select %lt3A_405, %add3A_408, %broadcast_in_dim3A_69 : vector<16xi1>, vector<16xi32>
      %broadcast_in_dim3A_409 = vector.shape_cast %select_n3A : vector<16xi32> to vector<16x1xi32>
      %gather3A = vector.shape_cast %broadcast_in_dim3A_409 : vector<16x1xi32> to vector<16xi32>
      %gather3A_410 = tpu.dynamic_gather %masked_cumsum3A[%gather3A] in [0] : vector<16xf32>, vector<16xi32> -> vector<16xf32>
      %and3A = arith.constant 15 : i32
      %and3A_411 = arith.andi %scan3A_274, %and3A : i32
      %eq3A = vector.broadcast %and3A_411 : i32 to vector<16xi32>
      %eq3A_412 = arith.cmpi eq, %iota3A, %eq3A : vector<16xi32>
      %select_n3A_413 = arith.select %eq3A_412, %gather3A_410, %scan3A_275 : vector<16xi1>, vector<16xf32>
      %and3A_414 = arith.constant 15 : i32
      %and3A_415 = arith.andi %scan3A_274, %and3A_414 : i32
      %eq3A_416 = arith.constant 15 : i32
      %eq3A_417 = arith.cmpi eq, %and3A_415, %eq3A_416 : i32
      %convert_element_type3A = arith.extui %eq3A_417 : i1 to i32
      %cond3A = arith.constant 0 : i32
      %cond3A_418 = arith.cmpi ne, %convert_element_type3A, %cond3A : i32
      scf.if %cond3A_418 {
        %neg3A = arith.constant 0.000000e+00 : f32
        %neg3A_881 = vector.broadcast %neg3A : f32 to vector<16xf32>
        %neg3A_882 = arith.subf %neg3A_881, %select_n3A_413 : vector<16xf32>
        %exp3A = math.exp %neg3A_882 : vector<16xf32>
        %add3A_883 = arith.constant 1.000000e+00 : f32
        %add3A_884 = vector.broadcast %add3A_883 : f32 to vector<16xf32>
        %add3A_885 = arith.addf %add3A_884, %exp3A : vector<16xf32>
        %div3A = arith.constant 1.000000e+00 : f32
        %div3A_886 = vector.broadcast %div3A : f32 to vector<16xf32>
        %div3A_887 = arith.divf %div3A_886, %add3A_885 : vector<16xf32>
        %add3A_888 = arith.constant 0 : i32
        %add3A_889 = arith.addi %add3A_888, %scan3A_274 : i32
        %sub3A = arith.constant 15 : i32
        %sub3A_890 = arith.subi %add3A_889, %sub3A : i32
        %swap3A = arith.index_cast %sub3A_890 : i32 to index
        %swap3A_891 = tpu.vector_load %arg11[%swap3A] {strides = array<i32>} : memref<512xf32, #tpu.memory_space<vmem>>, vector<16xf32>,
        tpu.vector_store %arg11[%swap3A], %div3A_887 {strides = array<i32>} : memref<512xf32, #tpu.memory_space<vmem>>, vector<16xf32>,
      } else {
      }
      %scan3A_419 = arith.constant 1 : i32
      %scan3A_420 = arith.addi %scan3A_274, %scan3A_419 : i32
      %get3A_421 = arith.constant 0 : i32
      %get3A_422 = arith.constant 0 : i32
      %get3A_423 = tpu.memref_slice %arg9[%scan3A, %get3A_421, %get3A_422] : memref<2x128x128xf32, #tpu.memory_space<vmem>> -> memref<1x128x128xf32, #tpu.memory_space<vmem>>
      %get3A_424 = tpu.memref_squeeze %get3A_423 : memref<1x128x128xf32, #tpu.memory_space<vmem>> -> memref<128x128xf32, #tpu.memory_space<vmem>>
      %get3A_425 = arith.index_cast %scan3A_420 : i32 to index
      %get3A_426 = arith.constant 0 : index
      %get3A_427 = tpu.vector_load %get3A_424[%get3A_425, %get3A_426] {strides = array<i32>} : memref<128x128xf32, #tpu.memory_space<vmem>>, vector<16xf32>,
      %get3A_428 = arith.constant 0 : i32
      %get3A_429 = arith.constant 0 : i32
      %get3A_430 = tpu.memref_slice %arg10[%scan3A_72, %get3A_428, %get3A_429] : memref<2x128x128xf32, #tpu.memory_space<vmem>> -> memref<1x128x128xf32, #tpu.memory_space<vmem>>
      %get3A_431 = tpu.memref_squeeze %get3A_430 : memref<1x128x128xf32, #tpu.memory_space<vmem>> -> memref<128x128xf32, #tpu.memory_space<vmem>>
      %get3A_432 = arith.index_cast %scan3A_420 : i32 to index
      %get3A_433 = arith.constant 0 : index
      %get3A_434 = tpu.vector_load %get3A_431[%get3A_432, %get3A_433] {strides = array<i32>} : memref<128x128xf32, #tpu.memory_space<vmem>>, vector<16xf32>,
      %mul3A_435 = arith.mulf %get3A_427, %get3A_434 : vector<16xf32>
      %get3A_436 = arith.constant 0 : i32
      %get3A_437 = arith.constant 0 : i32
      %get3A_438 = tpu.memref_slice %arg9[%scan3A, %get3A_436, %get3A_437] : memref<2x128x128xf32, #tpu.memory_space<vmem>> -> memref<1x128x128xf32, #tpu.memory_space<vmem>>
      %get3A_439 = tpu.memref_squeeze %get3A_438 : memref<1x128x128xf32, #tpu.memory_space<vmem>> -> memref<128x128xf32, #tpu.memory_space<vmem>>
      %get3A_440 = arith.index_cast %scan3A_420 : i32 to index
      %get3A_441 = arith.constant 16 : index
      %get3A_442 = tpu.vector_load %get3A_439[%get3A_440, %get3A_441] {strides = array<i32>} : memref<128x128xf32, #tpu.memory_space<vmem>>, vector<16xf32>,
      %get3A_443 = arith.constant 0 : i32
      %get3A_444 = arith.constant 0 : i32
      %get3A_445 = tpu.memref_slice %arg10[%scan3A_72, %get3A_443, %get3A_444] : memref<2x128x128xf32, #tpu.memory_space<vmem>> -> memref<1x128x128xf32, #tpu.memory_space<vmem>>
      %get3A_446 = tpu.memref_squeeze %get3A_445 : memref<1x128x128xf32, #tpu.memory_space<vmem>> -> memref<128x128xf32, #tpu.memory_space<vmem>>
      %get3A_447 = arith.index_cast %scan3A_420 : i32 to index
      %get3A_448 = arith.constant 16 : index
      %get3A_449 = tpu.vector_load %get3A_446[%get3A_447, %get3A_448] {strides = array<i32>} : memref<128x128xf32, #tpu.memory_space<vmem>>, vector<16xf32>,
      %mul3A_450 = arith.mulf %get3A_442, %get3A_449 : vector<16xf32>
      %add3A_451 = arith.addf %mul3A_435, %mul3A_450 : vector<16xf32>
      %get3A_452 = arith.constant 0 : i32
      %get3A_453 = arith.constant 0 : i32
      %get3A_454 = tpu.memref_slice %arg9[%scan3A, %get3A_452, %get3A_453] : memref<2x128x128xf32, #tpu.memory_space<vmem>> -> memref<1x128x128xf32, #tpu.memory_space<vmem>>
      %get3A_455 = tpu.memref_squeeze %get3A_454 : memref<1x128x128xf32, #tpu.memory_space<vmem>> -> memref<128x128xf32, #tpu.memory_space<vmem>>
      %get3A_456 = arith.index_cast %scan3A_420 : i32 to index
      %get3A_457 = arith.constant 32 : index
      %get3A_458 = tpu.vector_load %get3A_455[%get3A_456, %get3A_457] {strides = array<i32>} : memref<128x128xf32, #tpu.memory_space<vmem>>, vector<16xf32>,
      %get3A_459 = arith.constant 0 : i32
      %get3A_460 = arith.constant 0 : i32
      %get3A_461 = tpu.memref_slice %arg10[%scan3A_72, %get3A_459, %get3A_460] : memref<2x128x128xf32, #tpu.memory_space<vmem>> -> memref<1x128x128xf32, #tpu.memory_space<vmem>>
      %get3A_462 = tpu.memref_squeeze %get3A_461 : memref<1x128x128xf32, #tpu.memory_space<vmem>> -> memref<128x128xf32, #tpu.memory_space<vmem>>
      %get3A_463 = arith.index_cast %scan3A_420 : i32 to index
      %get3A_464 = arith.constant 32 : index
      %get3A_465 = tpu.vector_load %get3A_462[%get3A_463, %get3A_464] {strides = array<i32>} : memref<128x128xf32, #tpu.memory_space<vmem>>, vector<16xf32>,
      %mul3A_466 = arith.mulf %get3A_458, %get3A_465 : vector<16xf32>
      %add3A_467 = arith.addf %add3A_451, %mul3A_466 : vector<16xf32>
      %get3A_468 = arith.constant 0 : i32
      %get3A_469 = arith.constant 0 : i32
      %get3A_470 = tpu.memref_slice %arg9[%scan3A, %get3A_468, %get3A_469] : memref<2x128x128xf32, #tpu.memory_space<vmem>> -> memref<1x128x128xf32, #tpu.memory_space<vmem>>
      %get3A_471 = tpu.memref_squeeze %get3A_470 : memref<1x128x128xf32, #tpu.memory_space<vmem>> -> memref<128x128xf32, #tpu.memory_space<vmem>>
      %get3A_472 = arith.index_cast %scan3A_420 : i32 to index
      %get3A_473 = arith.constant 48 : index
      %get3A_474 = tpu.vector_load %get3A_471[%get3A_472, %get3A_473] {strides = array<i32>} : memref<128x128xf32, #tpu.memory_space<vmem>>, vector<16xf32>,
      %get3A_475 = arith.constant 0 : i32
      %get3A_476 = arith.constant 0 : i32
      %get3A_477 = tpu.memref_slice %arg10[%scan3A_72, %get3A_475, %get3A_476] : memref<2x128x128xf32, #tpu.memory_space<vmem>> -> memref<1x128x128xf32, #tpu.memory_space<vmem>>
      %get3A_478 = tpu.memref_squeeze %get3A_477 : memref<1x128x128xf32, #tpu.memory_space<vmem>> -> memref<128x128xf32, #tpu.memory_space<vmem>>
      %get3A_479 = arith.index_cast %scan3A_420 : i32 to index
      %get3A_480 = arith.constant 48 : index
      %get3A_481 = tpu.vector_load %get3A_478[%get3A_479, %get3A_480] {strides = array<i32>} : memref<128x128xf32, #tpu.memory_space<vmem>>, vector<16xf32>,
      %mul3A_482 = arith.mulf %get3A_474, %get3A_481 : vector<16xf32>
      %add3A_483 = arith.addf %add3A_467, %mul3A_482 : vector<16xf32>
      %get3A_484 = arith.constant 0 : i32
      %get3A_485 = arith.constant 0 : i32
      %get3A_486 = tpu.memref_slice %arg9[%scan3A, %get3A_484, %get3A_485] : memref<2x128x128xf32, #tpu.memory_space<vmem>> -> memref<1x128x128xf32, #tpu.memory_space<vmem>>
      %get3A_487 = tpu.memref_squeeze %get3A_486 : memref<1x128x128xf32, #tpu.memory_space<vmem>> -> memref<128x128xf32, #tpu.memory_space<vmem>>
      %get3A_488 = arith.index_cast %scan3A_420 : i32 to index
      %get3A_489 = arith.constant 64 : index
      %get3A_490 = tpu.vector_load %get3A_487[%get3A_488, %get3A_489] {strides = array<i32>} : memref<128x128xf32, #tpu.memory_space<vmem>>, vector<16xf32>,
      %get3A_491 = arith.constant 0 : i32
      %get3A_492 = arith.constant 0 : i32
      %get3A_493 = tpu.memref_slice %arg10[%scan3A_72, %get3A_491, %get3A_492] : memref<2x128x128xf32, #tpu.memory_space<vmem>> -> memref<1x128x128xf32, #tpu.memory_space<vmem>>
      %get3A_494 = tpu.memref_squeeze %get3A_493 : memref<1x128x128xf32, #tpu.memory_space<vmem>> -> memref<128x128xf32, #tpu.memory_space<vmem>>
      %get3A_495 = arith.index_cast %scan3A_420 : i32 to index
      %get3A_496 = arith.constant 64 : index
      %get3A_497 = tpu.vector_load %get3A_494[%get3A_495, %get3A_496] {strides = array<i32>} : memref<128x128xf32, #tpu.memory_space<vmem>>, vector<16xf32>,
      %mul3A_498 = arith.mulf %get3A_490, %get3A_497 : vector<16xf32>
      %add3A_499 = arith.addf %add3A_483, %mul3A_498 : vector<16xf32>
      %get3A_500 = arith.constant 0 : i32
      %get3A_501 = arith.constant 0 : i32
      %get3A_502 = tpu.memref_slice %arg9[%scan3A, %get3A_500, %get3A_501] : memref<2x128x128xf32, #tpu.memory_space<vmem>> -> memref<1x128x128xf32, #tpu.memory_space<vmem>>
      %get3A_503 = tpu.memref_squeeze %get3A_502 : memref<1x128x128xf32, #tpu.memory_space<vmem>> -> memref<128x128xf32, #tpu.memory_space<vmem>>
      %get3A_504 = arith.index_cast %scan3A_420 : i32 to index
      %get3A_505 = arith.constant 80 : index
      %get3A_506 = tpu.vector_load %get3A_503[%get3A_504, %get3A_505] {strides = array<i32>} : memref<128x128xf32, #tpu.memory_space<vmem>>, vector<16xf32>,
      %get3A_507 = arith.constant 0 : i32
      %get3A_508 = arith.constant 0 : i32
      %get3A_509 = tpu.memref_slice %arg10[%scan3A_72, %get3A_507, %get3A_508] : memref<2x128x128xf32, #tpu.memory_space<vmem>> -> memref<1x128x128xf32, #tpu.memory_space<vmem>>
      %get3A_510 = tpu.memref_squeeze %get3A_509 : memref<1x128x128xf32, #tpu.memory_space<vmem>> -> memref<128x128xf32, #tpu.memory_space<vmem>>
      %get3A_511 = arith.index_cast %scan3A_420 : i32 to index
      %get3A_512 = arith.constant 80 : index
      %get3A_513 = tpu.vector_load %get3A_510[%get3A_511, %get3A_512] {strides = array<i32>} : memref<128x128xf32, #tpu.memory_space<vmem>>, vector<16xf32>,
      %mul3A_514 = arith.mulf %get3A_506, %get3A_513 : vector<16xf32>
      %add3A_515 = arith.addf %add3A_499, %mul3A_514 : vector<16xf32>
      %get3A_516 = arith.constant 0 : i32
      %get3A_517 = arith.constant 0 : i32
      %get3A_518 = tpu.memref_slice %arg9[%scan3A, %get3A_516, %get3A_517] : memref<2x128x128xf32, #tpu.memory_space<vmem>> -> memref<1x128x128xf32, #tpu.memory_space<vmem>>
      %get3A_519 = tpu.memref_squeeze %get3A_518 : memref<1x128x128xf32, #tpu.memory_space<vmem>> -> memref<128x128xf32, #tpu.memory_space<vmem>>
      %get3A_520 = arith.index_cast %scan3A_420 : i32 to index
      %get3A_521 = arith.constant 96 : index
      %get3A_522 = tpu.vector_load %get3A_519[%get3A_520, %get3A_521] {strides = array<i32>} : memref<128x128xf32, #tpu.memory_space<vmem>>, vector<16xf32>,
      %get3A_523 = arith.constant 0 : i32
      %get3A_524 = arith.constant 0 : i32
      %get3A_525 = tpu.memref_slice %arg10[%scan3A_72, %get3A_523, %get3A_524] : memref<2x128x128xf32, #tpu.memory_space<vmem>> -> memref<1x128x128xf32, #tpu.memory_space<vmem>>
      %get3A_526 = tpu.memref_squeeze %get3A_525 : memref<1x128x128xf32, #tpu.memory_space<vmem>> -> memref<128x128xf32, #tpu.memory_space<vmem>>
      %get3A_527 = arith.index_cast %scan3A_420 : i32 to index
      %get3A_528 = arith.constant 96 : index
      %get3A_529 = tpu.vector_load %get3A_526[%get3A_527, %get3A_528] {strides = array<i32>} : memref<128x128xf32, #tpu.memory_space<vmem>>, vector<16xf32>,
      %mul3A_530 = arith.mulf %get3A_522, %get3A_529 : vector<16xf32>
      %add3A_531 = arith.addf %add3A_515, %mul3A_530 : vector<16xf32>
      %get3A_532 = arith.constant 0 : i32
      %get3A_533 = arith.constant 0 : i32
      %get3A_534 = tpu.memref_slice %arg9[%scan3A, %get3A_532, %get3A_533] : memref<2x128x128xf32, #tpu.memory_space<vmem>> -> memref<1x128x128xf32, #tpu.memory_space<vmem>>
      %get3A_535 = tpu.memref_squeeze %get3A_534 : memref<1x128x128xf32, #tpu.memory_space<vmem>> -> memref<128x128xf32, #tpu.memory_space<vmem>>
      %get3A_536 = arith.index_cast %scan3A_420 : i32 to index
      %get3A_537 = arith.constant 112 : index
      %get3A_538 = tpu.vector_load %get3A_535[%get3A_536, %get3A_537] {strides = array<i32>} : memref<128x128xf32, #tpu.memory_space<vmem>>, vector<16xf32>,
      %get3A_539 = arith.constant 0 : i32
      %get3A_540 = arith.constant 0 : i32
      %get3A_541 = tpu.memref_slice %arg10[%scan3A_72, %get3A_539, %get3A_540] : memref<2x128x128xf32, #tpu.memory_space<vmem>> -> memref<1x128x128xf32, #tpu.memory_space<vmem>>
      %get3A_542 = tpu.memref_squeeze %get3A_541 : memref<1x128x128xf32, #tpu.memory_space<vmem>> -> memref<128x128xf32, #tpu.memory_space<vmem>>
      %get3A_543 = arith.index_cast %scan3A_420 : i32 to index
      %get3A_544 = arith.constant 112 : index
      %get3A_545 = tpu.vector_load %get3A_542[%get3A_543, %get3A_544] {strides = array<i32>} : memref<128x128xf32, #tpu.memory_space<vmem>>, vector<16xf32>,
      %mul3A_546 = arith.mulf %get3A_538, %get3A_545 : vector<16xf32>
      %add3A_547 = arith.addf %add3A_531, %mul3A_546 : vector<16xf32>
      %broadcast_in_dim3A_548 = arith.constant true
      %broadcast_in_dim3A_549 = vector.broadcast %broadcast_in_dim3A_548 : i1 to vector<16xi1>
      %masked_cumsum3A_550 = tpu.scan <sum>, %add3A_547 masked %broadcast_in_dim3A_549 : vector<16xf32>, vector<16xi1> -> vector<16xf32>
      %lt3A_551 = arith.constant 0 : i32
      %lt3A_552 = vector.broadcast %lt3A_551 : i32 to vector<16xi32>
      %lt3A_553 = arith.cmpi slt, %broadcast_in_dim3A_69, %lt3A_552 : vector<16xi32>
      %add3A_554 = arith.constant 16 : i32
      %add3A_555 = vector.broadcast %add3A_554 : i32 to vector<16xi32>
      %add3A_556 = arith.addi %broadcast_in_dim3A_69, %add3A_555 : vector<16xi32>
      %select_n3A_557 = arith.select %lt3A_553, %add3A_556, %broadcast_in_dim3A_69 : vector<16xi1>, vector<16xi32>
      %broadcast_in_dim3A_558 = vector.shape_cast %select_n3A_557 : vector<16xi32> to vector<16x1xi32>
      %gather3A_559 = vector.shape_cast %broadcast_in_dim3A_558 : vector<16x1xi32> to vector<16xi32>
      %gather3A_560 = tpu.dynamic_gather %masked_cumsum3A_550[%gather3A_559] in [0] : vector<16xf32>, vector<16xi32> -> vector<16xf32>
      %and3A_561 = arith.constant 15 : i32
      %and3A_562 = arith.andi %scan3A_420, %and3A_561 : i32
      %eq3A_563 = vector.broadcast %and3A_562 : i32 to vector<16xi32>
      %eq3A_564 = arith.cmpi eq, %iota3A, %eq3A_563 : vector<16xi32>
      %select_n3A_565 = arith.select %eq3A_564, %gather3A_560, %select_n3A_413 : vector<16xi1>, vector<16xf32>
      %and3A_566 = arith.constant 15 : i32
      %and3A_567 = arith.andi %scan3A_420, %and3A_566 : i32
      %eq3A_568 = arith.constant 15 : i32
      %eq3A_569 = arith.cmpi eq, %and3A_567, %eq3A_568 : i32
      %convert_element_type3A_570 = arith.extui %eq3A_569 : i1 to i32
      %cond3A_571 = arith.constant 0 : i32
      %cond3A_572 = arith.cmpi ne, %convert_element_type3A_570, %cond3A_571 : i32
      scf.if %cond3A_572 {
        %neg3A = arith.constant 0.000000e+00 : f32
        %neg3A_881 = vector.broadcast %neg3A : f32 to vector<16xf32>
        %neg3A_882 = arith.subf %neg3A_881, %select_n3A_565 : vector<16xf32>
        %exp3A = math.exp %neg3A_882 : vector<16xf32>
        %add3A_883 = arith.constant 1.000000e+00 : f32
        %add3A_884 = vector.broadcast %add3A_883 : f32 to vector<16xf32>
        %add3A_885 = arith.addf %add3A_884, %exp3A : vector<16xf32>
        %div3A = arith.constant 1.000000e+00 : f32
        %div3A_886 = vector.broadcast %div3A : f32 to vector<16xf32>
        %div3A_887 = arith.divf %div3A_886, %add3A_885 : vector<16xf32>
        %add3A_888 = arith.constant 0 : i32
        %add3A_889 = arith.addi %add3A_888, %scan3A_420 : i32
        %sub3A = arith.constant 15 : i32
        %sub3A_890 = arith.subi %add3A_889, %sub3A : i32
        %swap3A = arith.index_cast %sub3A_890 : i32 to index
        %swap3A_891 = tpu.vector_load %arg11[%swap3A] {strides = array<i32>} : memref<512xf32, #tpu.memory_space<vmem>>, vector<16xf32>,
        tpu.vector_store %arg11[%swap3A], %div3A_887 {strides = array<i32>} : memref<512xf32, #tpu.memory_space<vmem>>, vector<16xf32>,
      } else {
      }
      %scan3A_573 = arith.constant 2 : i32
      %scan3A_574 = arith.addi %scan3A_274, %scan3A_573 : i32
      %get3A_575 = arith.constant 0 : i32
      %get3A_576 = arith.constant 0 : i32
      %get3A_577 = tpu.memref_slice %arg9[%scan3A, %get3A_575, %get3A_576] : memref<2x128x128xf32, #tpu.memory_space<vmem>> -> memref<1x128x128xf32, #tpu.memory_space<vmem>>
      %get3A_578 = tpu.memref_squeeze %get3A_577 : memref<1x128x128xf32, #tpu.memory_space<vmem>> -> memref<128x128xf32, #tpu.memory_space<vmem>>
      %get3A_579 = arith.index_cast %scan3A_574 : i32 to index
      %get3A_580 = arith.constant 0 : index
      %get3A_581 = tpu.vector_load %get3A_578[%get3A_579, %get3A_580] {strides = array<i32>} : memref<128x128xf32, #tpu.memory_space<vmem>>, vector<16xf32>,
      %get3A_582 = arith.constant 0 : i32
      %get3A_583 = arith.constant 0 : i32
      %get3A_584 = tpu.memref_slice %arg10[%scan3A_72, %get3A_582, %get3A_583] : memref<2x128x128xf32, #tpu.memory_space<vmem>> -> memref<1x128x128xf32, #tpu.memory_space<vmem>>
      %get3A_585 = tpu.memref_squeeze %get3A_584 : memref<1x128x128xf32, #tpu.memory_space<vmem>> -> memref<128x128xf32, #tpu.memory_space<vmem>>
      %get3A_586 = arith.index_cast %scan3A_574 : i32 to index
      %get3A_587 = arith.constant 0 : index
      %get3A_588 = tpu.vector_load %get3A_585[%get3A_586, %get3A_587] {strides = array<i32>} : memref<128x128xf32, #tpu.memory_space<vmem>>, vector<16xf32>,
      %mul3A_589 = arith.mulf %get3A_581, %get3A_588 : vector<16xf32>
      %get3A_590 = arith.constant 0 : i32
      %get3A_591 = arith.constant 0 : i32
      %get3A_592 = tpu.memref_slice %arg9[%scan3A, %get3A_590, %get3A_591] : memref<2x128x128xf32, #tpu.memory_space<vmem>> -> memref<1x128x128xf32, #tpu.memory_space<vmem>>
      %get3A_593 = tpu.memref_squeeze %get3A_592 : memref<1x128x128xf32, #tpu.memory_space<vmem>> -> memref<128x128xf32, #tpu.memory_space<vmem>>
      %get3A_594 = arith.index_cast %scan3A_574 : i32 to index
      %get3A_595 = arith.constant 16 : index
      %get3A_596 = tpu.vector_load %get3A_593[%get3A_594, %get3A_595] {strides = array<i32>} : memref<128x128xf32, #tpu.memory_space<vmem>>, vector<16xf32>,
      %get3A_597 = arith.constant 0 : i32
      %get3A_598 = arith.constant 0 : i32
      %get3A_599 = tpu.memref_slice %arg10[%scan3A_72, %get3A_597, %get3A_598] : memref<2x128x128xf32, #tpu.memory_space<vmem>> -> memref<1x128x128xf32, #tpu.memory_space<vmem>>
      %get3A_600 = tpu.memref_squeeze %get3A_599 : memref<1x128x128xf32, #tpu.memory_space<vmem>> -> memref<128x128xf32, #tpu.memory_space<vmem>>
      %get3A_601 = arith.index_cast %scan3A_574 : i32 to index
      %get3A_602 = arith.constant 16 : index
      %get3A_603 = tpu.vector_load %get3A_600[%get3A_601, %get3A_602] {strides = array<i32>} : memref<128x128xf32, #tpu.memory_space<vmem>>, vector<16xf32>,
      %mul3A_604 = arith.mulf %get3A_596, %get3A_603 : vector<16xf32>
      %add3A_605 = arith.addf %mul3A_589, %mul3A_604 : vector<16xf32>
      %get3A_606 = arith.constant 0 : i32
      %get3A_607 = arith.constant 0 : i32
      %get3A_608 = tpu.memref_slice %arg9[%scan3A, %get3A_606, %get3A_607] : memref<2x128x128xf32, #tpu.memory_space<vmem>> -> memref<1x128x128xf32, #tpu.memory_space<vmem>>
      %get3A_609 = tpu.memref_squeeze %get3A_608 : memref<1x128x128xf32, #tpu.memory_space<vmem>> -> memref<128x128xf32, #tpu.memory_space<vmem>>
      %get3A_610 = arith.index_cast %scan3A_574 : i32 to index
      %get3A_611 = arith.constant 32 : index
      %get3A_612 = tpu.vector_load %get3A_609[%get3A_610, %get3A_611] {strides = array<i32>} : memref<128x128xf32, #tpu.memory_space<vmem>>, vector<16xf32>,
      %get3A_613 = arith.constant 0 : i32
      %get3A_614 = arith.constant 0 : i32
      %get3A_615 = tpu.memref_slice %arg10[%scan3A_72, %get3A_613, %get3A_614] : memref<2x128x128xf32, #tpu.memory_space<vmem>> -> memref<1x128x128xf32, #tpu.memory_space<vmem>>
      %get3A_616 = tpu.memref_squeeze %get3A_615 : memref<1x128x128xf32, #tpu.memory_space<vmem>> -> memref<128x128xf32, #tpu.memory_space<vmem>>
      %get3A_617 = arith.index_cast %scan3A_574 : i32 to index
      %get3A_618 = arith.constant 32 : index
      %get3A_619 = tpu.vector_load %get3A_616[%get3A_617, %get3A_618] {strides = array<i32>} : memref<128x128xf32, #tpu.memory_space<vmem>>, vector<16xf32>,
      %mul3A_620 = arith.mulf %get3A_612, %get3A_619 : vector<16xf32>
      %add3A_621 = arith.addf %add3A_605, %mul3A_620 : vector<16xf32>
      %get3A_622 = arith.constant 0 : i32
      %get3A_623 = arith.constant 0 : i32
      %get3A_624 = tpu.memref_slice %arg9[%scan3A, %get3A_622, %get3A_623] : memref<2x128x128xf32, #tpu.memory_space<vmem>> -> memref<1x128x128xf32, #tpu.memory_space<vmem>>
      %get3A_625 = tpu.memref_squeeze %get3A_624 : memref<1x128x128xf32, #tpu.memory_space<vmem>> -> memref<128x128xf32, #tpu.memory_space<vmem>>
      %get3A_626 = arith.index_cast %scan3A_574 : i32 to index
      %get3A_627 = arith.constant 48 : index
      %get3A_628 = tpu.vector_load %get3A_625[%get3A_626, %get3A_627] {strides = array<i32>} : memref<128x128xf32, #tpu.memory_space<vmem>>, vector<16xf32>,
      %get3A_629 = arith.constant 0 : i32
      %get3A_630 = arith.constant 0 : i32
      %get3A_631 = tpu.memref_slice %arg10[%scan3A_72, %get3A_629, %get3A_630] : memref<2x128x128xf32, #tpu.memory_space<vmem>> -> memref<1x128x128xf32, #tpu.memory_space<vmem>>
      %get3A_632 = tpu.memref_squeeze %get3A_631 : memref<1x128x128xf32, #tpu.memory_space<vmem>> -> memref<128x128xf32, #tpu.memory_space<vmem>>
      %get3A_633 = arith.index_cast %scan3A_574 : i32 to index
      %get3A_634 = arith.constant 48 : index
      %get3A_635 = tpu.vector_load %get3A_632[%get3A_633, %get3A_634] {strides = array<i32>} : memref<128x128xf32, #tpu.memory_space<vmem>>, vector<16xf32>,
      %mul3A_636 = arith.mulf %get3A_628, %get3A_635 : vector<16xf32>
      %add3A_637 = arith.addf %add3A_621, %mul3A_636 : vector<16xf32>
      %get3A_638 = arith.constant 0 : i32
      %get3A_639 = arith.constant 0 : i32
      %get3A_640 = tpu.memref_slice %arg9[%scan3A, %get3A_638, %get3A_639] : memref<2x128x128xf32, #tpu.memory_space<vmem>> -> memref<1x128x128xf32, #tpu.memory_space<vmem>>
      %get3A_641 = tpu.memref_squeeze %get3A_640 : memref<1x128x128xf32, #tpu.memory_space<vmem>> -> memref<128x128xf32, #tpu.memory_space<vmem>>
      %get3A_642 = arith.index_cast %scan3A_574 : i32 to index
      %get3A_643 = arith.constant 64 : index
      %get3A_644 = tpu.vector_load %get3A_641[%get3A_642, %get3A_643] {strides = array<i32>} : memref<128x128xf32, #tpu.memory_space<vmem>>, vector<16xf32>,
      %get3A_645 = arith.constant 0 : i32
      %get3A_646 = arith.constant 0 : i32
      %get3A_647 = tpu.memref_slice %arg10[%scan3A_72, %get3A_645, %get3A_646] : memref<2x128x128xf32, #tpu.memory_space<vmem>> -> memref<1x128x128xf32, #tpu.memory_space<vmem>>
      %get3A_648 = tpu.memref_squeeze %get3A_647 : memref<1x128x128xf32, #tpu.memory_space<vmem>> -> memref<128x128xf32, #tpu.memory_space<vmem>>
      %get3A_649 = arith.index_cast %scan3A_574 : i32 to index
      %get3A_650 = arith.constant 64 : index
      %get3A_651 = tpu.vector_load %get3A_648[%get3A_649, %get3A_650] {strides = array<i32>} : memref<128x128xf32, #tpu.memory_space<vmem>>, vector<16xf32>,
      %mul3A_652 = arith.mulf %get3A_644, %get3A_651 : vector<16xf32>
      %add3A_653 = arith.addf %add3A_637, %mul3A_652 : vector<16xf32>
      %get3A_654 = arith.constant 0 : i32
      %get3A_655 = arith.constant 0 : i32
      %get3A_656 = tpu.memref_slice %arg9[%scan3A, %get3A_654, %get3A_655] : memref<2x128x128xf32, #tpu.memory_space<vmem>> -> memref<1x128x128xf32, #tpu.memory_space<vmem>>
      %get3A_657 = tpu.memref_squeeze %get3A_656 : memref<1x128x128xf32, #tpu.memory_space<vmem>> -> memref<128x128xf32, #tpu.memory_space<vmem>>
      %get3A_658 = arith.index_cast %scan3A_574 : i32 to index
      %get3A_659 = arith.constant 80 : index
      %get3A_660 = tpu.vector_load %get3A_657[%get3A_658, %get3A_659] {strides = array<i32>} : memref<128x128xf32, #tpu.memory_space<vmem>>, vector<16xf32>,
      %get3A_661 = arith.constant 0 : i32
      %get3A_662 = arith.constant 0 : i32
      %get3A_663 = tpu.memref_slice %arg10[%scan3A_72, %get3A_661, %get3A_662] : memref<2x128x128xf32, #tpu.memory_space<vmem>> -> memref<1x128x128xf32, #tpu.memory_space<vmem>>
      %get3A_664 = tpu.memref_squeeze %get3A_663 : memref<1x128x128xf32, #tpu.memory_space<vmem>> -> memref<128x128xf32, #tpu.memory_space<vmem>>
      %get3A_665 = arith.index_cast %scan3A_574 : i32 to index
      %get3A_666 = arith.constant 80 : index
      %get3A_667 = tpu.vector_load %get3A_664[%get3A_665, %get3A_666] {strides = array<i32>} : memref<128x128xf32, #tpu.memory_space<vmem>>, vector<16xf32>,
      %mul3A_668 = arith.mulf %get3A_660, %get3A_667 : vector<16xf32>
      %add3A_669 = arith.addf %add3A_653, %mul3A_668 : vector<16xf32>
      %get3A_670 = arith.constant 0 : i32
      %get3A_671 = arith.constant 0 : i32
      %get3A_672 = tpu.memref_slice %arg9[%scan3A, %get3A_670, %get3A_671] : memref<2x128x128xf32, #tpu.memory_space<vmem>> -> memref<1x128x128xf32, #tpu.memory_space<vmem>>
      %get3A_673 = tpu.memref_squeeze %get3A_672 : memref<1x128x128xf32, #tpu.memory_space<vmem>> -> memref<128x128xf32, #tpu.memory_space<vmem>>
      %get3A_674 = arith.index_cast %scan3A_574 : i32 to index
      %get3A_675 = arith.constant 96 : index
      %get3A_676 = tpu.vector_load %get3A_673[%get3A_674, %get3A_675] {strides = array<i32>} : memref<128x128xf32, #tpu.memory_space<vmem>>, vector<16xf32>,
      %get3A_677 = arith.constant 0 : i32
      %get3A_678 = arith.constant 0 : i32
      %get3A_679 = tpu.memref_slice %arg10[%scan3A_72, %get3A_677, %get3A_678] : memref<2x128x128xf32, #tpu.memory_space<vmem>> -> memref<1x128x128xf32, #tpu.memory_space<vmem>>
      %get3A_680 = tpu.memref_squeeze %get3A_679 : memref<1x128x128xf32, #tpu.memory_space<vmem>> -> memref<128x128xf32, #tpu.memory_space<vmem>>
      %get3A_681 = arith.index_cast %scan3A_574 : i32 to index
      %get3A_682 = arith.constant 96 : index
      %get3A_683 = tpu.vector_load %get3A_680[%get3A_681, %get3A_682] {strides = array<i32>} : memref<128x128xf32, #tpu.memory_space<vmem>>, vector<16xf32>,
      %mul3A_684 = arith.mulf %get3A_676, %get3A_683 : vector<16xf32>
      %add3A_685 = arith.addf %add3A_669, %mul3A_684 : vector<16xf32>
      %get3A_686 = arith.constant 0 : i32
      %get3A_687 = arith.constant 0 : i32
      %get3A_688 = tpu.memref_slice %arg9[%scan3A, %get3A_686, %get3A_687] : memref<2x128x128xf32, #tpu.memory_space<vmem>> -> memref<1x128x128xf32, #tpu.memory_space<vmem>>
      %get3A_689 = tpu.memref_squeeze %get3A_688 : memref<1x128x128xf32, #tpu.memory_space<vmem>> -> memref<128x128xf32, #tpu.memory_space<vmem>>
      %get3A_690 = arith.index_cast %scan3A_574 : i32 to index
      %get3A_691 = arith.constant 112 : index
      %get3A_692 = tpu.vector_load %get3A_689[%get3A_690, %get3A_691] {strides = array<i32>} : memref<128x128xf32, #tpu.memory_space<vmem>>, vector<16xf32>,
      %get3A_693 = arith.constant 0 : i32
      %get3A_694 = arith.constant 0 : i32
      %get3A_695 = tpu.memref_slice %arg10[%scan3A_72, %get3A_693, %get3A_694] : memref<2x128x128xf32, #tpu.memory_space<vmem>> -> memref<1x128x128xf32, #tpu.memory_space<vmem>>
      %get3A_696 = tpu.memref_squeeze %get3A_695 : memref<1x128x128xf32, #tpu.memory_space<vmem>> -> memref<128x128xf32, #tpu.memory_space<vmem>>
      %get3A_697 = arith.index_cast %scan3A_574 : i32 to index
      %get3A_698 = arith.constant 112 : index
      %get3A_699 = tpu.vector_load %get3A_696[%get3A_697, %get3A_698] {strides = array<i32>} : memref<128x128xf32, #tpu.memory_space<vmem>>, vector<16xf32>,
      %mul3A_700 = arith.mulf %get3A_692, %get3A_699 : vector<16xf32>
      %add3A_701 = arith.addf %add3A_685, %mul3A_700 : vector<16xf32>
      %broadcast_in_dim3A_702 = arith.constant true
      %broadcast_in_dim3A_703 = vector.broadcast %broadcast_in_dim3A_702 : i1 to vector<16xi1>
      %masked_cumsum3A_704 = tpu.scan <sum>, %add3A_701 masked %broadcast_in_dim3A_703 : vector<16xf32>, vector<16xi1> -> vector<16xf32>
      %lt3A_705 = arith.constant 0 : i32
      %lt3A_706 = vector.broadcast %lt3A_705 : i32 to vector<16xi32>
      %lt3A_707 = arith.cmpi slt, %broadcast_in_dim3A_69, %lt3A_706 : vector<16xi32>
      %add3A_708 = arith.constant 16 : i32
      %add3A_709 = vector.broadcast %add3A_708 : i32 to vector<16xi32>
      %add3A_710 = arith.addi %broadcast_in_dim3A_69, %add3A_709 : vector<16xi32>
      %select_n3A_711 = arith.select %lt3A_707, %add3A_710, %broadcast_in_dim3A_69 : vector<16xi1>, vector<16xi32>
      %broadcast_in_dim3A_712 = vector.shape_cast %select_n3A_711 : vector<16xi32> to vector<16x1xi32>
      %gather3A_713 = vector.shape_cast %broadcast_in_dim3A_712 : vector<16x1xi32> to vector<16xi32>
      %gather3A_714 = tpu.dynamic_gather %masked_cumsum3A_704[%gather3A_713] in [0] : vector<16xf32>, vector<16xi32> -> vector<16xf32>
      %and3A_715 = arith.constant 15 : i32
      %and3A_716 = arith.andi %scan3A_574, %and3A_715 : i32
      %eq3A_717 = vector.broadcast %and3A_716 : i32 to vector<16xi32>
      %eq3A_718 = arith.cmpi eq, %iota3A, %eq3A_717 : vector<16xi32>
      %select_n3A_719 = arith.select %eq3A_718, %gather3A_714, %select_n3A_565 : vector<16xi1>, vector<16xf32>
      %and3A_720 = arith.constant 15 : i32
      %and3A_721 = arith.andi %scan3A_574, %and3A_720 : i32
      %eq3A_722 = arith.constant 15 : i32
      %eq3A_723 = arith.cmpi eq, %and3A_721, %eq3A_722 : i32
      %convert_element_type3A_724 = arith.extui %eq3A_723 : i1 to i32
      %cond3A_725 = arith.constant 0 : i32
      %cond3A_726 = arith.cmpi ne, %convert_element_type3A_724, %cond3A_725 : i32
      scf.if %cond3A_726 {
        %neg3A = arith.constant 0.000000e+00 : f32
        %neg3A_881 = vector.broadcast %neg3A : f32 to vector<16xf32>
        %neg3A_882 = arith.subf %neg3A_881, %select_n3A_719 : vector<16xf32>
        %exp3A = math.exp %neg3A_882 : vector<16xf32>
        %add3A_883 = arith.constant 1.000000e+00 : f32
        %add3A_884 = vector.broadcast %add3A_883 : f32 to vector<16xf32>
        %add3A_885 = arith.addf %add3A_884, %exp3A : vector<16xf32>
        %div3A = arith.constant 1.000000e+00 : f32
        %div3A_886 = vector.broadcast %div3A : f32 to vector<16xf32>
        %div3A_887 = arith.divf %div3A_886, %add3A_885 : vector<16xf32>
        %add3A_888 = arith.constant 0 : i32
        %add3A_889 = arith.addi %add3A_888, %scan3A_574 : i32
        %sub3A = arith.constant 15 : i32
        %sub3A_890 = arith.subi %add3A_889, %sub3A : i32
        %swap3A = arith.index_cast %sub3A_890 : i32 to index
        %swap3A_891 = tpu.vector_load %arg11[%swap3A] {strides = array<i32>} : memref<512xf32, #tpu.memory_space<vmem>>, vector<16xf32>,
        tpu.vector_store %arg11[%swap3A], %div3A_887 {strides = array<i32>} : memref<512xf32, #tpu.memory_space<vmem>>, vector<16xf32>,
      } else {
      }
      %scan3A_727 = arith.constant 3 : i32
      %scan3A_728 = arith.addi %scan3A_274, %scan3A_727 : i32
      %get3A_729 = arith.constant 0 : i32
      %get3A_730 = arith.constant 0 : i32
      %get3A_731 = tpu.memref_slice %arg9[%scan3A, %get3A_729, %get3A_730] : memref<2x128x128xf32, #tpu.memory_space<vmem>> -> memref<1x128x128xf32, #tpu.memory_space<vmem>>
      %get3A_732 = tpu.memref_squeeze %get3A_731 : memref<1x128x128xf32, #tpu.memory_space<vmem>> -> memref<128x128xf32, #tpu.memory_space<vmem>>
      %get3A_733 = arith.index_cast %scan3A_728 : i32 to index
      %get3A_734 = arith.constant 0 : index
      %get3A_735 = tpu.vector_load %get3A_732[%get3A_733, %get3A_734] {strides = array<i32>} : memref<128x128xf32, #tpu.memory_space<vmem>>, vector<16xf32>,
      %get3A_736 = arith.constant 0 : i32
      %get3A_737 = arith.constant 0 : i32
      %get3A_738 = tpu.memref_slice %arg10[%scan3A_72, %get3A_736, %get3A_737] : memref<2x128x128xf32, #tpu.memory_space<vmem>> -> memref<1x128x128xf32, #tpu.memory_space<vmem>>
      %get3A_739 = tpu.memref_squeeze %get3A_738 : memref<1x128x128xf32, #tpu.memory_space<vmem>> -> memref<128x128xf32, #tpu.memory_space<vmem>>
      %get3A_740 = arith.index_cast %scan3A_728 : i32 to index
      %get3A_741 = arith.constant 0 : index
      %get3A_742 = tpu.vector_load %get3A_739[%get3A_740, %get3A_741] {strides = array<i32>} : memref<128x128xf32, #tpu.memory_space<vmem>>, vector<16xf32>,
      %mul3A_743 = arith.mulf %get3A_735, %get3A_742 : vector<16xf32>
      %get3A_744 = arith.constant 0 : i32
      %get3A_745 = arith.constant 0 : i32
      %get3A_746 = tpu.memref_slice %arg9[%scan3A, %get3A_744, %get3A_745] : memref<2x128x128xf32, #tpu.memory_space<vmem>> -> memref<1x128x128xf32, #tpu.memory_space<vmem>>
      %get3A_747 = tpu.memref_squeeze %get3A_746 : memref<1x128x128xf32, #tpu.memory_space<vmem>> -> memref<128x128xf32, #tpu.memory_space<vmem>>
      %get3A_748 = arith.index_cast %scan3A_728 : i32 to index
      %get3A_749 = arith.constant 16 : index
      %get3A_750 = tpu.vector_load %get3A_747[%get3A_748, %get3A_749] {strides = array<i32>} : memref<128x128xf32, #tpu.memory_space<vmem>>, vector<16xf32>,
      %get3A_751 = arith.constant 0 : i32
      %get3A_752 = arith.constant 0 : i32
      %get3A_753 = tpu.memref_slice %arg10[%scan3A_72, %get3A_751, %get3A_752] : memref<2x128x128xf32, #tpu.memory_space<vmem>> -> memref<1x128x128xf32, #tpu.memory_space<vmem>>
      %get3A_754 = tpu.memref_squeeze %get3A_753 : memref<1x128x128xf32, #tpu.memory_space<vmem>> -> memref<128x128xf32, #tpu.memory_space<vmem>>
      %get3A_755 = arith.index_cast %scan3A_728 : i32 to index
      %get3A_756 = arith.constant 16 : index
      %get3A_757 = tpu.vector_load %get3A_754[%get3A_755, %get3A_756] {strides = array<i32>} : memref<128x128xf32, #tpu.memory_space<vmem>>, vector<16xf32>,
      %mul3A_758 = arith.mulf %get3A_750, %get3A_757 : vector<16xf32>
      %add3A_759 = arith.addf %mul3A_743, %mul3A_758 : vector<16xf32>
      %get3A_760 = arith.constant 0 : i32
      %get3A_761 = arith.constant 0 : i32
      %get3A_762 = tpu.memref_slice %arg9[%scan3A, %get3A_760, %get3A_761] : memref<2x128x128xf32, #tpu.memory_space<vmem>> -> memref<1x128x128xf32, #tpu.memory_space<vmem>>
      %get3A_763 = tpu.memref_squeeze %get3A_762 : memref<1x128x128xf32, #tpu.memory_space<vmem>> -> memref<128x128xf32, #tpu.memory_space<vmem>>
      %get3A_764 = arith.index_cast %scan3A_728 : i32 to index
      %get3A_765 = arith.constant 32 : index
      %get3A_766 = tpu.vector_load %get3A_763[%get3A_764, %get3A_765] {strides = array<i32>} : memref<128x128xf32, #tpu.memory_space<vmem>>, vector<16xf32>,
      %get3A_767 = arith.constant 0 : i32
      %get3A_768 = arith.constant 0 : i32
      %get3A_769 = tpu.memref_slice %arg10[%scan3A_72, %get3A_767, %get3A_768] : memref<2x128x128xf32, #tpu.memory_space<vmem>> -> memref<1x128x128xf32, #tpu.memory_space<vmem>>
      %get3A_770 = tpu.memref_squeeze %get3A_769 : memref<1x128x128xf32, #tpu.memory_space<vmem>> -> memref<128x128xf32, #tpu.memory_space<vmem>>
      %get3A_771 = arith.index_cast %scan3A_728 : i32 to index
      %get3A_772 = arith.constant 32 : index
      %get3A_773 = tpu.vector_load %get3A_770[%get3A_771, %get3A_772] {strides = array<i32>} : memref<128x128xf32, #tpu.memory_space<vmem>>, vector<16xf32>,
      %mul3A_774 = arith.mulf %get3A_766, %get3A_773 : vector<16xf32>
      %add3A_775 = arith.addf %add3A_759, %mul3A_774 : vector<16xf32>
      %get3A_776 = arith.constant 0 : i32
      %get3A_777 = arith.constant 0 : i32
      %get3A_778 = tpu.memref_slice %arg9[%scan3A, %get3A_776, %get3A_777] : memref<2x128x128xf32, #tpu.memory_space<vmem>> -> memref<1x128x128xf32, #tpu.memory_space<vmem>>
      %get3A_779 = tpu.memref_squeeze %get3A_778 : memref<1x128x128xf32, #tpu.memory_space<vmem>> -> memref<128x128xf32, #tpu.memory_space<vmem>>
      %get3A_780 = arith.index_cast %scan3A_728 : i32 to index
      %get3A_781 = arith.constant 48 : index
      %get3A_782 = tpu.vector_load %get3A_779[%get3A_780, %get3A_781] {strides = array<i32>} : memref<128x128xf32, #tpu.memory_space<vmem>>, vector<16xf32>,
      %get3A_783 = arith.constant 0 : i32
      %get3A_784 = arith.constant 0 : i32
      %get3A_785 = tpu.memref_slice %arg10[%scan3A_72, %get3A_783, %get3A_784] : memref<2x128x128xf32, #tpu.memory_space<vmem>> -> memref<1x128x128xf32, #tpu.memory_space<vmem>>
      %get3A_786 = tpu.memref_squeeze %get3A_785 : memref<1x128x128xf32, #tpu.memory_space<vmem>> -> memref<128x128xf32, #tpu.memory_space<vmem>>
      %get3A_787 = arith.index_cast %scan3A_728 : i32 to index
      %get3A_788 = arith.constant 48 : index
      %get3A_789 = tpu.vector_load %get3A_786[%get3A_787, %get3A_788] {strides = array<i32>} : memref<128x128xf32, #tpu.memory_space<vmem>>, vector<16xf32>,
      %mul3A_790 = arith.mulf %get3A_782, %get3A_789 : vector<16xf32>
      %add3A_791 = arith.addf %add3A_775, %mul3A_790 : vector<16xf32>
      %get3A_792 = arith.constant 0 : i32
      %get3A_793 = arith.constant 0 : i32
      %get3A_794 = tpu.memref_slice %arg9[%scan3A, %get3A_792, %get3A_793] : memref<2x128x128xf32, #tpu.memory_space<vmem>> -> memref<1x128x128xf32, #tpu.memory_space<vmem>>
      %get3A_795 = tpu.memref_squeeze %get3A_794 : memref<1x128x128xf32, #tpu.memory_space<vmem>> -> memref<128x128xf32, #tpu.memory_space<vmem>>
      %get3A_796 = arith.index_cast %scan3A_728 : i32 to index
      %get3A_797 = arith.constant 64 : index
      %get3A_798 = tpu.vector_load %get3A_795[%get3A_796, %get3A_797] {strides = array<i32>} : memref<128x128xf32, #tpu.memory_space<vmem>>, vector<16xf32>,
      %get3A_799 = arith.constant 0 : i32
      %get3A_800 = arith.constant 0 : i32
      %get3A_801 = tpu.memref_slice %arg10[%scan3A_72, %get3A_799, %get3A_800] : memref<2x128x128xf32, #tpu.memory_space<vmem>> -> memref<1x128x128xf32, #tpu.memory_space<vmem>>
      %get3A_802 = tpu.memref_squeeze %get3A_801 : memref<1x128x128xf32, #tpu.memory_space<vmem>> -> memref<128x128xf32, #tpu.memory_space<vmem>>
      %get3A_803 = arith.index_cast %scan3A_728 : i32 to index
      %get3A_804 = arith.constant 64 : index
      %get3A_805 = tpu.vector_load %get3A_802[%get3A_803, %get3A_804] {strides = array<i32>} : memref<128x128xf32, #tpu.memory_space<vmem>>, vector<16xf32>,
      %mul3A_806 = arith.mulf %get3A_798, %get3A_805 : vector<16xf32>
      %add3A_807 = arith.addf %add3A_791, %mul3A_806 : vector<16xf32>
      %get3A_808 = arith.constant 0 : i32
      %get3A_809 = arith.constant 0 : i32
      %get3A_810 = tpu.memref_slice %arg9[%scan3A, %get3A_808, %get3A_809] : memref<2x128x128xf32, #tpu.memory_space<vmem>> -> memref<1x128x128xf32, #tpu.memory_space<vmem>>
      %get3A_811 = tpu.memref_squeeze %get3A_810 : memref<1x128x128xf32, #tpu.memory_space<vmem>> -> memref<128x128xf32, #tpu.memory_space<vmem>>
      %get3A_812 = arith.index_cast %scan3A_728 : i32 to index
      %get3A_813 = arith.constant 80 : index
      %get3A_814 = tpu.vector_load %get3A_811[%get3A_812, %get3A_813] {strides = array<i32>} : memref<128x128xf32, #tpu.memory_space<vmem>>, vector<16xf32>,
      %get3A_815 = arith.constant 0 : i32
      %get3A_816 = arith.constant 0 : i32
      %get3A_817 = tpu.memref_slice %arg10[%scan3A_72, %get3A_815, %get3A_816] : memref<2x128x128xf32, #tpu.memory_space<vmem>> -> memref<1x128x128xf32, #tpu.memory_space<vmem>>
      %get3A_818 = tpu.memref_squeeze %get3A_817 : memref<1x128x128xf32, #tpu.memory_space<vmem>> -> memref<128x128xf32, #tpu.memory_space<vmem>>
      %get3A_819 = arith.index_cast %scan3A_728 : i32 to index
      %get3A_820 = arith.constant 80 : index
      %get3A_821 = tpu.vector_load %get3A_818[%get3A_819, %get3A_820] {strides = array<i32>} : memref<128x128xf32, #tpu.memory_space<vmem>>, vector<16xf32>,
      %mul3A_822 = arith.mulf %get3A_814, %get3A_821 : vector<16xf32>
      %add3A_823 = arith.addf %add3A_807, %mul3A_822 : vector<16xf32>
      %get3A_824 = arith.constant 0 : i32
      %get3A_825 = arith.constant 0 : i32
      %get3A_826 = tpu.memref_slice %arg9[%scan3A, %get3A_824, %get3A_825] : memref<2x128x128xf32, #tpu.memory_space<vmem>> -> memref<1x128x128xf32, #tpu.memory_space<vmem>>
      %get3A_827 = tpu.memref_squeeze %get3A_826 : memref<1x128x128xf32, #tpu.memory_space<vmem>> -> memref<128x128xf32, #tpu.memory_space<vmem>>
      %get3A_828 = arith.index_cast %scan3A_728 : i32 to index
      %get3A_829 = arith.constant 96 : index
      %get3A_830 = tpu.vector_load %get3A_827[%get3A_828, %get3A_829] {strides = array<i32>} : memref<128x128xf32, #tpu.memory_space<vmem>>, vector<16xf32>,
      %get3A_831 = arith.constant 0 : i32
      %get3A_832 = arith.constant 0 : i32
      %get3A_833 = tpu.memref_slice %arg10[%scan3A_72, %get3A_831, %get3A_832] : memref<2x128x128xf32, #tpu.memory_space<vmem>> -> memref<1x128x128xf32, #tpu.memory_space<vmem>>
      %get3A_834 = tpu.memref_squeeze %get3A_833 : memref<1x128x128xf32, #tpu.memory_space<vmem>> -> memref<128x128xf32, #tpu.memory_space<vmem>>
      %get3A_835 = arith.index_cast %scan3A_728 : i32 to index
      %get3A_836 = arith.constant 96 : index
      %get3A_837 = tpu.vector_load %get3A_834[%get3A_835, %get3A_836] {strides = array<i32>} : memref<128x128xf32, #tpu.memory_space<vmem>>, vector<16xf32>,
      %mul3A_838 = arith.mulf %get3A_830, %get3A_837 : vector<16xf32>
      %add3A_839 = arith.addf %add3A_823, %mul3A_838 : vector<16xf32>
      %get3A_840 = arith.constant 0 : i32
      %get3A_841 = arith.constant 0 : i32
      %get3A_842 = tpu.memref_slice %arg9[%scan3A, %get3A_840, %get3A_841] : memref<2x128x128xf32, #tpu.memory_space<vmem>> -> memref<1x128x128xf32, #tpu.memory_space<vmem>>
      %get3A_843 = tpu.memref_squeeze %get3A_842 : memref<1x128x128xf32, #tpu.memory_space<vmem>> -> memref<128x128xf32, #tpu.memory_space<vmem>>
      %get3A_844 = arith.index_cast %scan3A_728 : i32 to index
      %get3A_845 = arith.constant 112 : index
      %get3A_846 = tpu.vector_load %get3A_843[%get3A_844, %get3A_845] {strides = array<i32>} : memref<128x128xf32, #tpu.memory_space<vmem>>, vector<16xf32>,
      %get3A_847 = arith.constant 0 : i32
      %get3A_848 = arith.constant 0 : i32
      %get3A_849 = tpu.memref_slice %arg10[%scan3A_72, %get3A_847, %get3A_848] : memref<2x128x128xf32, #tpu.memory_space<vmem>> -> memref<1x128x128xf32, #tpu.memory_space<vmem>>
      %get3A_850 = tpu.memref_squeeze %get3A_849 : memref<1x128x128xf32, #tpu.memory_space<vmem>> -> memref<128x128xf32, #tpu.memory_space<vmem>>
      %get3A_851 = arith.index_cast %scan3A_728 : i32 to index
      %get3A_852 = arith.constant 112 : index
      %get3A_853 = tpu.vector_load %get3A_850[%get3A_851, %get3A_852] {strides = array<i32>} : memref<128x128xf32, #tpu.memory_space<vmem>>, vector<16xf32>,
      %mul3A_854 = arith.mulf %get3A_846, %get3A_853 : vector<16xf32>
      %add3A_855 = arith.addf %add3A_839, %mul3A_854 : vector<16xf32>
      %broadcast_in_dim3A_856 = arith.constant true
      %broadcast_in_dim3A_857 = vector.broadcast %broadcast_in_dim3A_856 : i1 to vector<16xi1>
      %masked_cumsum3A_858 = tpu.scan <sum>, %add3A_855 masked %broadcast_in_dim3A_857 : vector<16xf32>, vector<16xi1> -> vector<16xf32>
      %lt3A_859 = arith.constant 0 : i32
      %lt3A_860 = vector.broadcast %lt3A_859 : i32 to vector<16xi32>
      %lt3A_861 = arith.cmpi slt, %broadcast_in_dim3A_69, %lt3A_860 : vector<16xi32>
      %add3A_862 = arith.constant 16 : i32
      %add3A_863 = vector.broadcast %add3A_862 : i32 to vector<16xi32>
      %add3A_864 = arith.addi %broadcast_in_dim3A_69, %add3A_863 : vector<16xi32>
      %select_n3A_865 = arith.select %lt3A_861, %add3A_864, %broadcast_in_dim3A_69 : vector<16xi1>, vector<16xi32>
      %broadcast_in_dim3A_866 = vector.shape_cast %select_n3A_865 : vector<16xi32> to vector<16x1xi32>
      %gather3A_867 = vector.shape_cast %broadcast_in_dim3A_866 : vector<16x1xi32> to vector<16xi32>
      %gather3A_868 = tpu.dynamic_gather %masked_cumsum3A_858[%gather3A_867] in [0] : vector<16xf32>, vector<16xi32> -> vector<16xf32>
      %and3A_869 = arith.constant 15 : i32
      %and3A_870 = arith.andi %scan3A_728, %and3A_869 : i32
      %eq3A_871 = vector.broadcast %and3A_870 : i32 to vector<16xi32>
      %eq3A_872 = arith.cmpi eq, %iota3A, %eq3A_871 : vector<16xi32>
      %select_n3A_873 = arith.select %eq3A_872, %gather3A_868, %select_n3A_719 : vector<16xi1>, vector<16xf32>
      %and3A_874 = arith.constant 15 : i32
      %and3A_875 = arith.andi %scan3A_728, %and3A_874 : i32
      %eq3A_876 = arith.constant 15 : i32
      %eq3A_877 = arith.cmpi eq, %and3A_875, %eq3A_876 : i32
      %convert_element_type3A_878 = arith.extui %eq3A_877 : i1 to i32
      %cond3A_879 = arith.constant 0 : i32
      %cond3A_880 = arith.cmpi ne, %convert_element_type3A_878, %cond3A_879 : i32
      scf.if %cond3A_880 {
        %neg3A = arith.constant 0.000000e+00 : f32
        %neg3A_881 = vector.broadcast %neg3A : f32 to vector<16xf32>
        %neg3A_882 = arith.subf %neg3A_881, %select_n3A_873 : vector<16xf32>
        %exp3A = math.exp %neg3A_882 : vector<16xf32>
        %add3A_883 = arith.constant 1.000000e+00 : f32
        %add3A_884 = vector.broadcast %add3A_883 : f32 to vector<16xf32>
        %add3A_885 = arith.addf %add3A_884, %exp3A : vector<16xf32>
        %div3A = arith.constant 1.000000e+00 : f32
        %div3A_886 = vector.broadcast %div3A : f32 to vector<16xf32>
        %div3A_887 = arith.divf %div3A_886, %add3A_885 : vector<16xf32>
        %add3A_888 = arith.constant 0 : i32
        %add3A_889 = arith.addi %add3A_888, %scan3A_728 : i32
        %sub3A = arith.constant 15 : i32
        %sub3A_890 = arith.subi %add3A_889, %sub3A : i32
        %swap3A = arith.index_cast %sub3A_890 : i32 to index
        %swap3A_891 = tpu.vector_load %arg11[%swap3A] {strides = array<i32>} : memref<512xf32, #tpu.memory_space<vmem>>, vector<16xf32>,
        tpu.vector_store %arg11[%swap3A], %div3A_887 {strides = array<i32>} : memref<512xf32, #tpu.memory_space<vmem>>, vector<16xf32>,
      } else {
      }
      scf.yield %select_n3A_873 : vector<16xf32>
    }
    %scan3A_78 = arith.constant 128 : i32
    %add3A_79 = arith.constant 0 : i32
    %add3A_80 = arith.addi %mul3A_2, %add3A_79 : i32
    %dma_start3A_81 = arith.constant 0 : i32
    %dma_start3A_82 = tpu.memref_slice %arg11[%dma_start3A_81] : memref<512xf32, #tpu.memory_space<vmem>> -> memref<128xf32, #tpu.memory_space<vmem>>
    %dma_start3A_83 = tpu.memref_slice %arg6[%add3A_80] : memref<16384xf32, #tpu.memory_space<hbm>> -> memref<128xf32, #tpu.memory_space<hbm>>
    %dma_start3A_84 = tpu.memref_slice %arg6[%add3A_80] : memref<16384xf32, #tpu.memory_space<hbm>> -> memref<128xf32, #tpu.memory_space<hbm>>
    %dma_start3A_85 = arith.constant 0 : i32
    %dma_start3A_86 = tpu.memref_slice %arg11[%dma_start3A_85] : memref<512xf32, #tpu.memory_space<vmem>> -> memref<128xf32, #tpu.memory_space<vmem>>
    tpu.enqueue_dma source(%dma_start3A_86 : memref<128xf32, #tpu.memory_space<vmem>>) target(%dma_start3A_84 : memref<128xf32, #tpu.memory_space<hbm>>) target_semaphore(%arg14 : memref<!tpu.dma_semaphore, #tpu.memory_space<semaphore_mem>>)
    %dma_wait3A_87 = arith.constant 1 : i32
    %dma_wait3A_88 = arith.constant 0 : i32
    %dma_wait3A_89 = arith.constant 0 : i32
    %dma_wait3A_90 = tpu.memref_slice %arg9[%dma_wait3A_87, %dma_wait3A_88, %dma_wait3A_89] : memref<2x128x128xf32, #tpu.memory_space<vmem>> -> memref<1x128x128xf32, #tpu.memory_space<vmem>>
    %dma_wait3A_91 = tpu.memref_squeeze %dma_wait3A_90 : memref<1x128x128xf32, #tpu.memory_space<vmem>> -> memref<128x128xf32, #tpu.memory_space<vmem>>
    %dma_wait3A_92 = arith.constant 128 : i32
    %dma_wait3A_93 = tpu.memref_slice %arg7[%dma_wait3A_92] : memref<512xi32, #tpu.memory_space<vmem>> -> memref<128xi32, #tpu.memory_space<vmem>>
    %dma_wait3A_94 = arith.constant 0 : i32
    %dma_wait3A_95 = arith.constant 0 : i32
    %dma_wait3A_96 = tpu.memref_slice %arg4[%dma_wait3A_94, %dma_wait3A_95] : memref<1000000x128xf32, #tpu.memory_space<hbm>> -> memref<1000000x128xf32, #tpu.memory_space<hbm>>
    tpu.wait_indirect_dma semaphore(%arg13 : memref<!tpu.dma_semaphore, #tpu.memory_space<semaphore_mem>>) src(%dma_wait3A_96 : memref<1000000x128xf32, #tpu.memory_space<hbm>>) dst(%dma_wait3A_91 : memref<128x128xf32, #tpu.memory_space<vmem>>)
    %dma_wait3A_97 = arith.constant 1 : i32
    %dma_wait3A_98 = arith.constant 0 : i32
    %dma_wait3A_99 = arith.constant 0 : i32
    %dma_wait3A_100 = tpu.memref_slice %arg10[%dma_wait3A_97, %dma_wait3A_98, %dma_wait3A_99] : memref<2x128x128xf32, #tpu.memory_space<vmem>> -> memref<1x128x128xf32, #tpu.memory_space<vmem>>
    %dma_wait3A_101 = tpu.memref_squeeze %dma_wait3A_100 : memref<1x128x128xf32, #tpu.memory_space<vmem>> -> memref<128x128xf32, #tpu.memory_space<vmem>>
    %dma_wait3A_102 = arith.constant 128 : i32
    %dma_wait3A_103 = tpu.memref_slice %arg8[%dma_wait3A_102] : memref<512xi32, #tpu.memory_space<vmem>> -> memref<128xi32, #tpu.memory_space<vmem>>
    %dma_wait3A_104 = arith.constant 0 : i32
    %dma_wait3A_105 = arith.constant 0 : i32
    %dma_wait3A_106 = tpu.memref_slice %arg5[%dma_wait3A_104, %dma_wait3A_105] : memref<1000000x128xf32, #tpu.memory_space<hbm>> -> memref<1000000x128xf32, #tpu.memory_space<hbm>>
    tpu.wait_indirect_dma semaphore(%arg13 : memref<!tpu.dma_semaphore, #tpu.memory_space<semaphore_mem>>) src(%dma_wait3A_106 : memref<1000000x128xf32, #tpu.memory_space<hbm>>) dst(%dma_wait3A_101 : memref<128x128xf32, #tpu.memory_space<vmem>>)
    %dma_start3A_107 = arith.constant 0 : i32
    %dma_start3A_108 = arith.constant 0 : i32
    %dma_start3A_109 = arith.constant 0 : i32
    %dma_start3A_110 = tpu.memref_slice %arg9[%dma_start3A_107, %dma_start3A_108, %dma_start3A_109] : memref<2x128x128xf32, #tpu.memory_space<vmem>> -> memref<1x128x128xf32, #tpu.memory_space<vmem>>
    %dma_start3A_111 = tpu.memref_squeeze %dma_start3A_110 : memref<1x128x128xf32, #tpu.memory_space<vmem>> -> memref<128x128xf32, #tpu.memory_space<vmem>>
    %dma_start3A_112 = arith.constant 256 : i32
    %dma_start3A_113 = tpu.memref_slice %arg7[%dma_start3A_112] : memref<512xi32, #tpu.memory_space<vmem>> -> memref<128xi32, #tpu.memory_space<vmem>>
    %dma_start3A_114 = arith.constant 0 : i32
    %dma_start3A_115 = arith.constant 0 : i32
    %dma_start3A_116 = tpu.memref_slice %arg4[%dma_start3A_114, %dma_start3A_115] : memref<1000000x128xf32, #tpu.memory_space<hbm>> -> memref<1000000x128xf32, #tpu.memory_space<hbm>>
    tpu.enqueue_indirect_dma source(%dma_start3A_116 : memref<1000000x128xf32, #tpu.memory_space<hbm>>) target(%dma_start3A_111 : memref<128x128xf32, #tpu.memory_space<vmem>>) offsets(%dma_start3A_113 : memref<128xi32, #tpu.memory_space<vmem>>) semaphore(%arg12 : memref<!tpu.dma_semaphore, #tpu.memory_space<semaphore_mem>>)
    %dma_start3A_117 = arith.constant 0 : i32
    %dma_start3A_118 = arith.constant 0 : i32
    %dma_start3A_119 = arith.constant 0 : i32
    %dma_start3A_120 = tpu.memref_slice %arg10[%dma_start3A_117, %dma_start3A_118, %dma_start3A_119] : memref<2x128x128xf32, #tpu.memory_space<vmem>> -> memref<1x128x128xf32, #tpu.memory_space<vmem>>
    %dma_start3A_121 = tpu.memref_squeeze %dma_start3A_120 : memref<1x128x128xf32, #tpu.memory_space<vmem>> -> memref<128x128xf32, #tpu.memory_space<vmem>>
    %dma_start3A_122 = arith.constant 256 : i32
    %dma_start3A_123 = tpu.memref_slice %arg8[%dma_start3A_122] : memref<512xi32, #tpu.memory_space<vmem>> -> memref<128xi32, #tpu.memory_space<vmem>>
    %dma_start3A_124 = arith.constant 0 : i32
    %dma_start3A_125 = arith.constant 0 : i32
    %dma_start3A_126 = tpu.memref_slice %arg5[%dma_start3A_124, %dma_start3A_125] : memref<1000000x128xf32, #tpu.memory_space<hbm>> -> memref<1000000x128xf32, #tpu.memory_space<hbm>>
    tpu.enqueue_indirect_dma source(%dma_start3A_126 : memref<1000000x128xf32, #tpu.memory_space<hbm>>) target(%dma_start3A_121 : memref<128x128xf32, #tpu.memory_space<vmem>>) offsets(%dma_start3A_123 : memref<128xi32, #tpu.memory_space<vmem>>) semaphore(%arg12 : memref<!tpu.dma_semaphore, #tpu.memory_space<semaphore_mem>>)
    %iota3A_127 = tpu.iota {dimensions = array<i32: 0>} : vector<16xi32>
    %broadcast_in_dim3A_128 = arith.constant 15 : i32
    %broadcast_in_dim3A_129 = vector.broadcast %broadcast_in_dim3A_128 : i32 to vector<16xi32>
    %broadcast_in_dim3A_130 = arith.constant 0.000000e+00 : f32
    %broadcast_in_dim3A_131 = vector.broadcast %broadcast_in_dim3A_130 : f32 to vector<16xf32>
    %scan3A_132 = arith.constant 1 : i32
    %scan3A_133 = arith.constant 1 : i32
    %scan3A_134 = arith.constant 0 : i32
    %scan3A_135 = arith.constant 128 : i32
    %scan3A_136 = arith.addi %scan3A_134, %scan3A_135 : i32
    %scan3A_137 = arith.constant 4 : i32
    %scan3A_138 = scf.for %scan3A_274 = %scan3A_134 to %scan3A_136 step %scan3A_137 iter_args(%scan3A_275 = %broadcast_in_dim3A_131) -> (vector<16xf32>)  : i32 {
      %get3A = arith.constant 0 : i32
      %get3A_276 = arith.constant 0 : i32
      %get3A_277 = tpu.memref_slice %arg9[%scan3A_132, %get3A, %get3A_276] : memref<2x128x128xf32, #tpu.memory_space<vmem>> -> memref<1x128x128xf32, #tpu.memory_space<vmem>>
      %get3A_278 = tpu.memref_squeeze %get3A_277 : memref<1x128x128xf32, #tpu.memory_space<vmem>> -> memref<128x128xf32, #tpu.memory_space<vmem>>
      %get3A_279 = arith.index_cast %scan3A_274 : i32 to index
      %get3A_280 = arith.constant 0 : index
      %get3A_281 = tpu.vector_load %get3A_278[%get3A_279, %get3A_280] {strides = array<i32>} : memref<128x128xf32, #tpu.memory_space<vmem>>, vector<16xf32>,
      %get3A_282 = arith.constant 0 : i32
      %get3A_283 = arith.constant 0 : i32
      %get3A_284 = tpu.memref_slice %arg10[%scan3A_133, %get3A_282, %get3A_283] : memref<2x128x128xf32, #tpu.memory_space<vmem>> -> memref<1x128x128xf32, #tpu.memory_space<vmem>>
      %get3A_285 = tpu.memref_squeeze %get3A_284 : memref<1x128x128xf32, #tpu.memory_space<vmem>> -> memref<128x128xf32, #tpu.memory_space<vmem>>
      %get3A_286 = arith.index_cast %scan3A_274 : i32 to index
      %get3A_287 = arith.constant 0 : index
      %get3A_288 = tpu.vector_load %get3A_285[%get3A_286, %get3A_287] {strides = array<i32>} : memref<128x128xf32, #tpu.memory_space<vmem>>, vector<16xf32>,
      %mul3A_289 = arith.mulf %get3A_281, %get3A_288 : vector<16xf32>
      %get3A_290 = arith.constant 0 : i32
      %get3A_291 = arith.constant 0 : i32
      %get3A_292 = tpu.memref_slice %arg9[%scan3A_132, %get3A_290, %get3A_291] : memref<2x128x128xf32, #tpu.memory_space<vmem>> -> memref<1x128x128xf32, #tpu.memory_space<vmem>>
      %get3A_293 = tpu.memref_squeeze %get3A_292 : memref<1x128x128xf32, #tpu.memory_space<vmem>> -> memref<128x128xf32, #tpu.memory_space<vmem>>
      %get3A_294 = arith.index_cast %scan3A_274 : i32 to index
      %get3A_295 = arith.constant 16 : index
      %get3A_296 = tpu.vector_load %get3A_293[%get3A_294, %get3A_295] {strides = array<i32>} : memref<128x128xf32, #tpu.memory_space<vmem>>, vector<16xf32>,
      %get3A_297 = arith.constant 0 : i32
      %get3A_298 = arith.constant 0 : i32
      %get3A_299 = tpu.memref_slice %arg10[%scan3A_133, %get3A_297, %get3A_298] : memref<2x128x128xf32, #tpu.memory_space<vmem>> -> memref<1x128x128xf32, #tpu.memory_space<vmem>>
      %get3A_300 = tpu.memref_squeeze %get3A_299 : memref<1x128x128xf32, #tpu.memory_space<vmem>> -> memref<128x128xf32, #tpu.memory_space<vmem>>
      %get3A_301 = arith.index_cast %scan3A_274 : i32 to index
      %get3A_302 = arith.constant 16 : index
      %get3A_303 = tpu.vector_load %get3A_300[%get3A_301, %get3A_302] {strides = array<i32>} : memref<128x128xf32, #tpu.memory_space<vmem>>, vector<16xf32>,
      %mul3A_304 = arith.mulf %get3A_296, %get3A_303 : vector<16xf32>
      %add3A_305 = arith.addf %mul3A_289, %mul3A_304 : vector<16xf32>
      %get3A_306 = arith.constant 0 : i32
      %get3A_307 = arith.constant 0 : i32
      %get3A_308 = tpu.memref_slice %arg9[%scan3A_132, %get3A_306, %get3A_307] : memref<2x128x128xf32, #tpu.memory_space<vmem>> -> memref<1x128x128xf32, #tpu.memory_space<vmem>>
      %get3A_309 = tpu.memref_squeeze %get3A_308 : memref<1x128x128xf32, #tpu.memory_space<vmem>> -> memref<128x128xf32, #tpu.memory_space<vmem>>
      %get3A_310 = arith.index_cast %scan3A_274 : i32 to index
      %get3A_311 = arith.constant 32 : index
      %get3A_312 = tpu.vector_load %get3A_309[%get3A_310, %get3A_311] {strides = array<i32>} : memref<128x128xf32, #tpu.memory_space<vmem>>, vector<16xf32>,
      %get3A_313 = arith.constant 0 : i32
      %get3A_314 = arith.constant 0 : i32
      %get3A_315 = tpu.memref_slice %arg10[%scan3A_133, %get3A_313, %get3A_314] : memref<2x128x128xf32, #tpu.memory_space<vmem>> -> memref<1x128x128xf32, #tpu.memory_space<vmem>>
      %get3A_316 = tpu.memref_squeeze %get3A_315 : memref<1x128x128xf32, #tpu.memory_space<vmem>> -> memref<128x128xf32, #tpu.memory_space<vmem>>
      %get3A_317 = arith.index_cast %scan3A_274 : i32 to index
      %get3A_318 = arith.constant 32 : index
      %get3A_319 = tpu.vector_load %get3A_316[%get3A_317, %get3A_318] {strides = array<i32>} : memref<128x128xf32, #tpu.memory_space<vmem>>, vector<16xf32>,
      %mul3A_320 = arith.mulf %get3A_312, %get3A_319 : vector<16xf32>
      %add3A_321 = arith.addf %add3A_305, %mul3A_320 : vector<16xf32>
      %get3A_322 = arith.constant 0 : i32
      %get3A_323 = arith.constant 0 : i32
      %get3A_324 = tpu.memref_slice %arg9[%scan3A_132, %get3A_322, %get3A_323] : memref<2x128x128xf32, #tpu.memory_space<vmem>> -> memref<1x128x128xf32, #tpu.memory_space<vmem>>
      %get3A_325 = tpu.memref_squeeze %get3A_324 : memref<1x128x128xf32, #tpu.memory_space<vmem>> -> memref<128x128xf32, #tpu.memory_space<vmem>>
      %get3A_326 = arith.index_cast %scan3A_274 : i32 to index
      %get3A_327 = arith.constant 48 : index
      %get3A_328 = tpu.vector_load %get3A_325[%get3A_326, %get3A_327] {strides = array<i32>} : memref<128x128xf32, #tpu.memory_space<vmem>>, vector<16xf32>,
      %get3A_329 = arith.constant 0 : i32
      %get3A_330 = arith.constant 0 : i32
      %get3A_331 = tpu.memref_slice %arg10[%scan3A_133, %get3A_329, %get3A_330] : memref<2x128x128xf32, #tpu.memory_space<vmem>> -> memref<1x128x128xf32, #tpu.memory_space<vmem>>
      %get3A_332 = tpu.memref_squeeze %get3A_331 : memref<1x128x128xf32, #tpu.memory_space<vmem>> -> memref<128x128xf32, #tpu.memory_space<vmem>>
      %get3A_333 = arith.index_cast %scan3A_274 : i32 to index
      %get3A_334 = arith.constant 48 : index
      %get3A_335 = tpu.vector_load %get3A_332[%get3A_333, %get3A_334] {strides = array<i32>} : memref<128x128xf32, #tpu.memory_space<vmem>>, vector<16xf32>,
      %mul3A_336 = arith.mulf %get3A_328, %get3A_335 : vector<16xf32>
      %add3A_337 = arith.addf %add3A_321, %mul3A_336 : vector<16xf32>
      %get3A_338 = arith.constant 0 : i32
      %get3A_339 = arith.constant 0 : i32
      %get3A_340 = tpu.memref_slice %arg9[%scan3A_132, %get3A_338, %get3A_339] : memref<2x128x128xf32, #tpu.memory_space<vmem>> -> memref<1x128x128xf32, #tpu.memory_space<vmem>>
      %get3A_341 = tpu.memref_squeeze %get3A_340 : memref<1x128x128xf32, #tpu.memory_space<vmem>> -> memref<128x128xf32, #tpu.memory_space<vmem>>
      %get3A_342 = arith.index_cast %scan3A_274 : i32 to index
      %get3A_343 = arith.constant 64 : index
      %get3A_344 = tpu.vector_load %get3A_341[%get3A_342, %get3A_343] {strides = array<i32>} : memref<128x128xf32, #tpu.memory_space<vmem>>, vector<16xf32>,
      %get3A_345 = arith.constant 0 : i32
      %get3A_346 = arith.constant 0 : i32
      %get3A_347 = tpu.memref_slice %arg10[%scan3A_133, %get3A_345, %get3A_346] : memref<2x128x128xf32, #tpu.memory_space<vmem>> -> memref<1x128x128xf32, #tpu.memory_space<vmem>>
      %get3A_348 = tpu.memref_squeeze %get3A_347 : memref<1x128x128xf32, #tpu.memory_space<vmem>> -> memref<128x128xf32, #tpu.memory_space<vmem>>
      %get3A_349 = arith.index_cast %scan3A_274 : i32 to index
      %get3A_350 = arith.constant 64 : index
      %get3A_351 = tpu.vector_load %get3A_348[%get3A_349, %get3A_350] {strides = array<i32>} : memref<128x128xf32, #tpu.memory_space<vmem>>, vector<16xf32>,
      %mul3A_352 = arith.mulf %get3A_344, %get3A_351 : vector<16xf32>
      %add3A_353 = arith.addf %add3A_337, %mul3A_352 : vector<16xf32>
      %get3A_354 = arith.constant 0 : i32
      %get3A_355 = arith.constant 0 : i32
      %get3A_356 = tpu.memref_slice %arg9[%scan3A_132, %get3A_354, %get3A_355] : memref<2x128x128xf32, #tpu.memory_space<vmem>> -> memref<1x128x128xf32, #tpu.memory_space<vmem>>
      %get3A_357 = tpu.memref_squeeze %get3A_356 : memref<1x128x128xf32, #tpu.memory_space<vmem>> -> memref<128x128xf32, #tpu.memory_space<vmem>>
      %get3A_358 = arith.index_cast %scan3A_274 : i32 to index
      %get3A_359 = arith.constant 80 : index
      %get3A_360 = tpu.vector_load %get3A_357[%get3A_358, %get3A_359] {strides = array<i32>} : memref<128x128xf32, #tpu.memory_space<vmem>>, vector<16xf32>,
      %get3A_361 = arith.constant 0 : i32
      %get3A_362 = arith.constant 0 : i32
      %get3A_363 = tpu.memref_slice %arg10[%scan3A_133, %get3A_361, %get3A_362] : memref<2x128x128xf32, #tpu.memory_space<vmem>> -> memref<1x128x128xf32, #tpu.memory_space<vmem>>
      %get3A_364 = tpu.memref_squeeze %get3A_363 : memref<1x128x128xf32, #tpu.memory_space<vmem>> -> memref<128x128xf32, #tpu.memory_space<vmem>>
      %get3A_365 = arith.index_cast %scan3A_274 : i32 to index
      %get3A_366 = arith.constant 80 : index
      %get3A_367 = tpu.vector_load %get3A_364[%get3A_365, %get3A_366] {strides = array<i32>} : memref<128x128xf32, #tpu.memory_space<vmem>>, vector<16xf32>,
      %mul3A_368 = arith.mulf %get3A_360, %get3A_367 : vector<16xf32>
      %add3A_369 = arith.addf %add3A_353, %mul3A_368 : vector<16xf32>
      %get3A_370 = arith.constant 0 : i32
      %get3A_371 = arith.constant 0 : i32
      %get3A_372 = tpu.memref_slice %arg9[%scan3A_132, %get3A_370, %get3A_371] : memref<2x128x128xf32, #tpu.memory_space<vmem>> -> memref<1x128x128xf32, #tpu.memory_space<vmem>>
      %get3A_373 = tpu.memref_squeeze %get3A_372 : memref<1x128x128xf32, #tpu.memory_space<vmem>> -> memref<128x128xf32, #tpu.memory_space<vmem>>
      %get3A_374 = arith.index_cast %scan3A_274 : i32 to index
      %get3A_375 = arith.constant 96 : index
      %get3A_376 = tpu.vector_load %get3A_373[%get3A_374, %get3A_375] {strides = array<i32>} : memref<128x128xf32, #tpu.memory_space<vmem>>, vector<16xf32>,
      %get3A_377 = arith.constant 0 : i32
      %get3A_378 = arith.constant 0 : i32
      %get3A_379 = tpu.memref_slice %arg10[%scan3A_133, %get3A_377, %get3A_378] : memref<2x128x128xf32, #tpu.memory_space<vmem>> -> memref<1x128x128xf32, #tpu.memory_space<vmem>>
      %get3A_380 = tpu.memref_squeeze %get3A_379 : memref<1x128x128xf32, #tpu.memory_space<vmem>> -> memref<128x128xf32, #tpu.memory_space<vmem>>
      %get3A_381 = arith.index_cast %scan3A_274 : i32 to index
      %get3A_382 = arith.constant 96 : index
      %get3A_383 = tpu.vector_load %get3A_380[%get3A_381, %get3A_382] {strides = array<i32>} : memref<128x128xf32, #tpu.memory_space<vmem>>, vector<16xf32>,
      %mul3A_384 = arith.mulf %get3A_376, %get3A_383 : vector<16xf32>
      %add3A_385 = arith.addf %add3A_369, %mul3A_384 : vector<16xf32>
      %get3A_386 = arith.constant 0 : i32
      %get3A_387 = arith.constant 0 : i32
      %get3A_388 = tpu.memref_slice %arg9[%scan3A_132, %get3A_386, %get3A_387] : memref<2x128x128xf32, #tpu.memory_space<vmem>> -> memref<1x128x128xf32, #tpu.memory_space<vmem>>
      %get3A_389 = tpu.memref_squeeze %get3A_388 : memref<1x128x128xf32, #tpu.memory_space<vmem>> -> memref<128x128xf32, #tpu.memory_space<vmem>>
      %get3A_390 = arith.index_cast %scan3A_274 : i32 to index
      %get3A_391 = arith.constant 112 : index
      %get3A_392 = tpu.vector_load %get3A_389[%get3A_390, %get3A_391] {strides = array<i32>} : memref<128x128xf32, #tpu.memory_space<vmem>>, vector<16xf32>,
      %get3A_393 = arith.constant 0 : i32
      %get3A_394 = arith.constant 0 : i32
      %get3A_395 = tpu.memref_slice %arg10[%scan3A_133, %get3A_393, %get3A_394] : memref<2x128x128xf32, #tpu.memory_space<vmem>> -> memref<1x128x128xf32, #tpu.memory_space<vmem>>
      %get3A_396 = tpu.memref_squeeze %get3A_395 : memref<1x128x128xf32, #tpu.memory_space<vmem>> -> memref<128x128xf32, #tpu.memory_space<vmem>>
      %get3A_397 = arith.index_cast %scan3A_274 : i32 to index
      %get3A_398 = arith.constant 112 : index
      %get3A_399 = tpu.vector_load %get3A_396[%get3A_397, %get3A_398] {strides = array<i32>} : memref<128x128xf32, #tpu.memory_space<vmem>>, vector<16xf32>,
      %mul3A_400 = arith.mulf %get3A_392, %get3A_399 : vector<16xf32>
      %add3A_401 = arith.addf %add3A_385, %mul3A_400 : vector<16xf32>
      %broadcast_in_dim3A_402 = arith.constant true
      %broadcast_in_dim3A_403 = vector.broadcast %broadcast_in_dim3A_402 : i1 to vector<16xi1>
      %masked_cumsum3A = tpu.scan <sum>, %add3A_401 masked %broadcast_in_dim3A_403 : vector<16xf32>, vector<16xi1> -> vector<16xf32>
      %lt3A = arith.constant 0 : i32
      %lt3A_404 = vector.broadcast %lt3A : i32 to vector<16xi32>
      %lt3A_405 = arith.cmpi slt, %broadcast_in_dim3A_129, %lt3A_404 : vector<16xi32>
      %add3A_406 = arith.constant 16 : i32
      %add3A_407 = vector.broadcast %add3A_406 : i32 to vector<16xi32>
      %add3A_408 = arith.addi %broadcast_in_dim3A_129, %add3A_407 : vector<16xi32>
      %select_n3A = arith.select %lt3A_405, %add3A_408, %broadcast_in_dim3A_129 : vector<16xi1>, vector<16xi32>
      %broadcast_in_dim3A_409 = vector.shape_cast %select_n3A : vector<16xi32> to vector<16x1xi32>
      %gather3A = vector.shape_cast %broadcast_in_dim3A_409 : vector<16x1xi32> to vector<16xi32>
      %gather3A_410 = tpu.dynamic_gather %masked_cumsum3A[%gather3A] in [0] : vector<16xf32>, vector<16xi32> -> vector<16xf32>
      %and3A = arith.constant 15 : i32
      %and3A_411 = arith.andi %scan3A_274, %and3A : i32
      %eq3A = vector.broadcast %and3A_411 : i32 to vector<16xi32>
      %eq3A_412 = arith.cmpi eq, %iota3A_127, %eq3A : vector<16xi32>
      %select_n3A_413 = arith.select %eq3A_412, %gather3A_410, %scan3A_275 : vector<16xi1>, vector<16xf32>
      %and3A_414 = arith.constant 15 : i32
      %and3A_415 = arith.andi %scan3A_274, %and3A_414 : i32
      %eq3A_416 = arith.constant 15 : i32
      %eq3A_417 = arith.cmpi eq, %and3A_415, %eq3A_416 : i32
      %convert_element_type3A = arith.extui %eq3A_417 : i1 to i32
      %cond3A = arith.constant 0 : i32
      %cond3A_418 = arith.cmpi ne, %convert_element_type3A, %cond3A : i32
      scf.if %cond3A_418 {
        %neg3A = arith.constant 0.000000e+00 : f32
        %neg3A_881 = vector.broadcast %neg3A : f32 to vector<16xf32>
        %neg3A_882 = arith.subf %neg3A_881, %select_n3A_413 : vector<16xf32>
        %exp3A = math.exp %neg3A_882 : vector<16xf32>
        %add3A_883 = arith.constant 1.000000e+00 : f32
        %add3A_884 = vector.broadcast %add3A_883 : f32 to vector<16xf32>
        %add3A_885 = arith.addf %add3A_884, %exp3A : vector<16xf32>
        %div3A = arith.constant 1.000000e+00 : f32
        %div3A_886 = vector.broadcast %div3A : f32 to vector<16xf32>
        %div3A_887 = arith.divf %div3A_886, %add3A_885 : vector<16xf32>
        %add3A_888 = arith.constant 128 : i32
        %add3A_889 = arith.addi %add3A_888, %scan3A_274 : i32
        %sub3A = arith.constant 15 : i32
        %sub3A_890 = arith.subi %add3A_889, %sub3A : i32
        %swap3A = arith.index_cast %sub3A_890 : i32 to index
        %swap3A_891 = tpu.vector_load %arg11[%swap3A] {strides = array<i32>} : memref<512xf32, #tpu.memory_space<vmem>>, vector<16xf32>,
        tpu.vector_store %arg11[%swap3A], %div3A_887 {strides = array<i32>} : memref<512xf32, #tpu.memory_space<vmem>>, vector<16xf32>,
      } else {
      }
      %scan3A_419 = arith.constant 1 : i32
      %scan3A_420 = arith.addi %scan3A_274, %scan3A_419 : i32
      %get3A_421 = arith.constant 0 : i32
      %get3A_422 = arith.constant 0 : i32
      %get3A_423 = tpu.memref_slice %arg9[%scan3A_132, %get3A_421, %get3A_422] : memref<2x128x128xf32, #tpu.memory_space<vmem>> -> memref<1x128x128xf32, #tpu.memory_space<vmem>>
      %get3A_424 = tpu.memref_squeeze %get3A_423 : memref<1x128x128xf32, #tpu.memory_space<vmem>> -> memref<128x128xf32, #tpu.memory_space<vmem>>
      %get3A_425 = arith.index_cast %scan3A_420 : i32 to index
      %get3A_426 = arith.constant 0 : index
      %get3A_427 = tpu.vector_load %get3A_424[%get3A_425, %get3A_426] {strides = array<i32>} : memref<128x128xf32, #tpu.memory_space<vmem>>, vector<16xf32>,
      %get3A_428 = arith.constant 0 : i32
      %get3A_429 = arith.constant 0 : i32
      %get3A_430 = tpu.memref_slice %arg10[%scan3A_133, %get3A_428, %get3A_429] : memref<2x128x128xf32, #tpu.memory_space<vmem>> -> memref<1x128x128xf32, #tpu.memory_space<vmem>>
      %get3A_431 = tpu.memref_squeeze %get3A_430 : memref<1x128x128xf32, #tpu.memory_space<vmem>> -> memref<128x128xf32, #tpu.memory_space<vmem>>
      %get3A_432 = arith.index_cast %scan3A_420 : i32 to index
      %get3A_433 = arith.constant 0 : index
      %get3A_434 = tpu.vector_load %get3A_431[%get3A_432, %get3A_433] {strides = array<i32>} : memref<128x128xf32, #tpu.memory_space<vmem>>, vector<16xf32>,
      %mul3A_435 = arith.mulf %get3A_427, %get3A_434 : vector<16xf32>
      %get3A_436 = arith.constant 0 : i32
      %get3A_437 = arith.constant 0 : i32
      %get3A_438 = tpu.memref_slice %arg9[%scan3A_132, %get3A_436, %get3A_437] : memref<2x128x128xf32, #tpu.memory_space<vmem>> -> memref<1x128x128xf32, #tpu.memory_space<vmem>>
      %get3A_439 = tpu.memref_squeeze %get3A_438 : memref<1x128x128xf32, #tpu.memory_space<vmem>> -> memref<128x128xf32, #tpu.memory_space<vmem>>
      %get3A_440 = arith.index_cast %scan3A_420 : i32 to index
      %get3A_441 = arith.constant 16 : index
      %get3A_442 = tpu.vector_load %get3A_439[%get3A_440, %get3A_441] {strides = array<i32>} : memref<128x128xf32, #tpu.memory_space<vmem>>, vector<16xf32>,
      %get3A_443 = arith.constant 0 : i32
      %get3A_444 = arith.constant 0 : i32
      %get3A_445 = tpu.memref_slice %arg10[%scan3A_133, %get3A_443, %get3A_444] : memref<2x128x128xf32, #tpu.memory_space<vmem>> -> memref<1x128x128xf32, #tpu.memory_space<vmem>>
      %get3A_446 = tpu.memref_squeeze %get3A_445 : memref<1x128x128xf32, #tpu.memory_space<vmem>> -> memref<128x128xf32, #tpu.memory_space<vmem>>
      %get3A_447 = arith.index_cast %scan3A_420 : i32 to index
      %get3A_448 = arith.constant 16 : index
      %get3A_449 = tpu.vector_load %get3A_446[%get3A_447, %get3A_448] {strides = array<i32>} : memref<128x128xf32, #tpu.memory_space<vmem>>, vector<16xf32>,
      %mul3A_450 = arith.mulf %get3A_442, %get3A_449 : vector<16xf32>
      %add3A_451 = arith.addf %mul3A_435, %mul3A_450 : vector<16xf32>
      %get3A_452 = arith.constant 0 : i32
      %get3A_453 = arith.constant 0 : i32
      %get3A_454 = tpu.memref_slice %arg9[%scan3A_132, %get3A_452, %get3A_453] : memref<2x128x128xf32, #tpu.memory_space<vmem>> -> memref<1x128x128xf32, #tpu.memory_space<vmem>>
      %get3A_455 = tpu.memref_squeeze %get3A_454 : memref<1x128x128xf32, #tpu.memory_space<vmem>> -> memref<128x128xf32, #tpu.memory_space<vmem>>
      %get3A_456 = arith.index_cast %scan3A_420 : i32 to index
      %get3A_457 = arith.constant 32 : index
      %get3A_458 = tpu.vector_load %get3A_455[%get3A_456, %get3A_457] {strides = array<i32>} : memref<128x128xf32, #tpu.memory_space<vmem>>, vector<16xf32>,
      %get3A_459 = arith.constant 0 : i32
      %get3A_460 = arith.constant 0 : i32
      %get3A_461 = tpu.memref_slice %arg10[%scan3A_133, %get3A_459, %get3A_460] : memref<2x128x128xf32, #tpu.memory_space<vmem>> -> memref<1x128x128xf32, #tpu.memory_space<vmem>>
      %get3A_462 = tpu.memref_squeeze %get3A_461 : memref<1x128x128xf32, #tpu.memory_space<vmem>> -> memref<128x128xf32, #tpu.memory_space<vmem>>
      %get3A_463 = arith.index_cast %scan3A_420 : i32 to index
      %get3A_464 = arith.constant 32 : index
      %get3A_465 = tpu.vector_load %get3A_462[%get3A_463, %get3A_464] {strides = array<i32>} : memref<128x128xf32, #tpu.memory_space<vmem>>, vector<16xf32>,
      %mul3A_466 = arith.mulf %get3A_458, %get3A_465 : vector<16xf32>
      %add3A_467 = arith.addf %add3A_451, %mul3A_466 : vector<16xf32>
      %get3A_468 = arith.constant 0 : i32
      %get3A_469 = arith.constant 0 : i32
      %get3A_470 = tpu.memref_slice %arg9[%scan3A_132, %get3A_468, %get3A_469] : memref<2x128x128xf32, #tpu.memory_space<vmem>> -> memref<1x128x128xf32, #tpu.memory_space<vmem>>
      %get3A_471 = tpu.memref_squeeze %get3A_470 : memref<1x128x128xf32, #tpu.memory_space<vmem>> -> memref<128x128xf32, #tpu.memory_space<vmem>>
      %get3A_472 = arith.index_cast %scan3A_420 : i32 to index
      %get3A_473 = arith.constant 48 : index
      %get3A_474 = tpu.vector_load %get3A_471[%get3A_472, %get3A_473] {strides = array<i32>} : memref<128x128xf32, #tpu.memory_space<vmem>>, vector<16xf32>,
      %get3A_475 = arith.constant 0 : i32
      %get3A_476 = arith.constant 0 : i32
      %get3A_477 = tpu.memref_slice %arg10[%scan3A_133, %get3A_475, %get3A_476] : memref<2x128x128xf32, #tpu.memory_space<vmem>> -> memref<1x128x128xf32, #tpu.memory_space<vmem>>
      %get3A_478 = tpu.memref_squeeze %get3A_477 : memref<1x128x128xf32, #tpu.memory_space<vmem>> -> memref<128x128xf32, #tpu.memory_space<vmem>>
      %get3A_479 = arith.index_cast %scan3A_420 : i32 to index
      %get3A_480 = arith.constant 48 : index
      %get3A_481 = tpu.vector_load %get3A_478[%get3A_479, %get3A_480] {strides = array<i32>} : memref<128x128xf32, #tpu.memory_space<vmem>>, vector<16xf32>,
      %mul3A_482 = arith.mulf %get3A_474, %get3A_481 : vector<16xf32>
      %add3A_483 = arith.addf %add3A_467, %mul3A_482 : vector<16xf32>
      %get3A_484 = arith.constant 0 : i32
      %get3A_485 = arith.constant 0 : i32
      %get3A_486 = tpu.memref_slice %arg9[%scan3A_132, %get3A_484, %get3A_485] : memref<2x128x128xf32, #tpu.memory_space<vmem>> -> memref<1x128x128xf32, #tpu.memory_space<vmem>>
      %get3A_487 = tpu.memref_squeeze %get3A_486 : memref<1x128x128xf32, #tpu.memory_space<vmem>> -> memref<128x128xf32, #tpu.memory_space<vmem>>
      %get3A_488 = arith.index_cast %scan3A_420 : i32 to index
      %get3A_489 = arith.constant 64 : index
      %get3A_490 = tpu.vector_load %get3A_487[%get3A_488, %get3A_489] {strides = array<i32>} : memref<128x128xf32, #tpu.memory_space<vmem>>, vector<16xf32>,
      %get3A_491 = arith.constant 0 : i32
      %get3A_492 = arith.constant 0 : i32
      %get3A_493 = tpu.memref_slice %arg10[%scan3A_133, %get3A_491, %get3A_492] : memref<2x128x128xf32, #tpu.memory_space<vmem>> -> memref<1x128x128xf32, #tpu.memory_space<vmem>>
      %get3A_494 = tpu.memref_squeeze %get3A_493 : memref<1x128x128xf32, #tpu.memory_space<vmem>> -> memref<128x128xf32, #tpu.memory_space<vmem>>
      %get3A_495 = arith.index_cast %scan3A_420 : i32 to index
      %get3A_496 = arith.constant 64 : index
      %get3A_497 = tpu.vector_load %get3A_494[%get3A_495, %get3A_496] {strides = array<i32>} : memref<128x128xf32, #tpu.memory_space<vmem>>, vector<16xf32>,
      %mul3A_498 = arith.mulf %get3A_490, %get3A_497 : vector<16xf32>
      %add3A_499 = arith.addf %add3A_483, %mul3A_498 : vector<16xf32>
      %get3A_500 = arith.constant 0 : i32
      %get3A_501 = arith.constant 0 : i32
      %get3A_502 = tpu.memref_slice %arg9[%scan3A_132, %get3A_500, %get3A_501] : memref<2x128x128xf32, #tpu.memory_space<vmem>> -> memref<1x128x128xf32, #tpu.memory_space<vmem>>
      %get3A_503 = tpu.memref_squeeze %get3A_502 : memref<1x128x128xf32, #tpu.memory_space<vmem>> -> memref<128x128xf32, #tpu.memory_space<vmem>>
      %get3A_504 = arith.index_cast %scan3A_420 : i32 to index
      %get3A_505 = arith.constant 80 : index
      %get3A_506 = tpu.vector_load %get3A_503[%get3A_504, %get3A_505] {strides = array<i32>} : memref<128x128xf32, #tpu.memory_space<vmem>>, vector<16xf32>,
      %get3A_507 = arith.constant 0 : i32
      %get3A_508 = arith.constant 0 : i32
      %get3A_509 = tpu.memref_slice %arg10[%scan3A_133, %get3A_507, %get3A_508] : memref<2x128x128xf32, #tpu.memory_space<vmem>> -> memref<1x128x128xf32, #tpu.memory_space<vmem>>
      %get3A_510 = tpu.memref_squeeze %get3A_509 : memref<1x128x128xf32, #tpu.memory_space<vmem>> -> memref<128x128xf32, #tpu.memory_space<vmem>>
      %get3A_511 = arith.index_cast %scan3A_420 : i32 to index
      %get3A_512 = arith.constant 80 : index
      %get3A_513 = tpu.vector_load %get3A_510[%get3A_511, %get3A_512] {strides = array<i32>} : memref<128x128xf32, #tpu.memory_space<vmem>>, vector<16xf32>,
      %mul3A_514 = arith.mulf %get3A_506, %get3A_513 : vector<16xf32>
      %add3A_515 = arith.addf %add3A_499, %mul3A_514 : vector<16xf32>
      %get3A_516 = arith.constant 0 : i32
      %get3A_517 = arith.constant 0 : i32
      %get3A_518 = tpu.memref_slice %arg9[%scan3A_132, %get3A_516, %get3A_517] : memref<2x128x128xf32, #tpu.memory_space<vmem>> -> memref<1x128x128xf32, #tpu.memory_space<vmem>>
      %get3A_519 = tpu.memref_squeeze %get3A_518 : memref<1x128x128xf32, #tpu.memory_space<vmem>> -> memref<128x128xf32, #tpu.memory_space<vmem>>
      %get3A_520 = arith.index_cast %scan3A_420 : i32 to index
      %get3A_521 = arith.constant 96 : index
      %get3A_522 = tpu.vector_load %get3A_519[%get3A_520, %get3A_521] {strides = array<i32>} : memref<128x128xf32, #tpu.memory_space<vmem>>, vector<16xf32>,
      %get3A_523 = arith.constant 0 : i32
      %get3A_524 = arith.constant 0 : i32
      %get3A_525 = tpu.memref_slice %arg10[%scan3A_133, %get3A_523, %get3A_524] : memref<2x128x128xf32, #tpu.memory_space<vmem>> -> memref<1x128x128xf32, #tpu.memory_space<vmem>>
      %get3A_526 = tpu.memref_squeeze %get3A_525 : memref<1x128x128xf32, #tpu.memory_space<vmem>> -> memref<128x128xf32, #tpu.memory_space<vmem>>
      %get3A_527 = arith.index_cast %scan3A_420 : i32 to index
      %get3A_528 = arith.constant 96 : index
      %get3A_529 = tpu.vector_load %get3A_526[%get3A_527, %get3A_528] {strides = array<i32>} : memref<128x128xf32, #tpu.memory_space<vmem>>, vector<16xf32>,
      %mul3A_530 = arith.mulf %get3A_522, %get3A_529 : vector<16xf32>
      %add3A_531 = arith.addf %add3A_515, %mul3A_530 : vector<16xf32>
      %get3A_532 = arith.constant 0 : i32
      %get3A_533 = arith.constant 0 : i32
      %get3A_534 = tpu.memref_slice %arg9[%scan3A_132, %get3A_532, %get3A_533] : memref<2x128x128xf32, #tpu.memory_space<vmem>> -> memref<1x128x128xf32, #tpu.memory_space<vmem>>
      %get3A_535 = tpu.memref_squeeze %get3A_534 : memref<1x128x128xf32, #tpu.memory_space<vmem>> -> memref<128x128xf32, #tpu.memory_space<vmem>>
      %get3A_536 = arith.index_cast %scan3A_420 : i32 to index
      %get3A_537 = arith.constant 112 : index
      %get3A_538 = tpu.vector_load %get3A_535[%get3A_536, %get3A_537] {strides = array<i32>} : memref<128x128xf32, #tpu.memory_space<vmem>>, vector<16xf32>,
      %get3A_539 = arith.constant 0 : i32
      %get3A_540 = arith.constant 0 : i32
      %get3A_541 = tpu.memref_slice %arg10[%scan3A_133, %get3A_539, %get3A_540] : memref<2x128x128xf32, #tpu.memory_space<vmem>> -> memref<1x128x128xf32, #tpu.memory_space<vmem>>
      %get3A_542 = tpu.memref_squeeze %get3A_541 : memref<1x128x128xf32, #tpu.memory_space<vmem>> -> memref<128x128xf32, #tpu.memory_space<vmem>>
      %get3A_543 = arith.index_cast %scan3A_420 : i32 to index
      %get3A_544 = arith.constant 112 : index
      %get3A_545 = tpu.vector_load %get3A_542[%get3A_543, %get3A_544] {strides = array<i32>} : memref<128x128xf32, #tpu.memory_space<vmem>>, vector<16xf32>,
      %mul3A_546 = arith.mulf %get3A_538, %get3A_545 : vector<16xf32>
      %add3A_547 = arith.addf %add3A_531, %mul3A_546 : vector<16xf32>
      %broadcast_in_dim3A_548 = arith.constant true
      %broadcast_in_dim3A_549 = vector.broadcast %broadcast_in_dim3A_548 : i1 to vector<16xi1>
      %masked_cumsum3A_550 = tpu.scan <sum>, %add3A_547 masked %broadcast_in_dim3A_549 : vector<16xf32>, vector<16xi1> -> vector<16xf32>
      %lt3A_551 = arith.constant 0 : i32
      %lt3A_552 = vector.broadcast %lt3A_551 : i32 to vector<16xi32>
      %lt3A_553 = arith.cmpi slt, %broadcast_in_dim3A_129, %lt3A_552 : vector<16xi32>
      %add3A_554 = arith.constant 16 : i32
      %add3A_555 = vector.broadcast %add3A_554 : i32 to vector<16xi32>
      %add3A_556 = arith.addi %broadcast_in_dim3A_129, %add3A_555 : vector<16xi32>
      %select_n3A_557 = arith.select %lt3A_553, %add3A_556, %broadcast_in_dim3A_129 : vector<16xi1>, vector<16xi32>
      %broadcast_in_dim3A_558 = vector.shape_cast %select_n3A_557 : vector<16xi32> to vector<16x1xi32>
      %gather3A_559 = vector.shape_cast %broadcast_in_dim3A_558 : vector<16x1xi32> to vector<16xi32>
      %gather3A_560 = tpu.dynamic_gather %masked_cumsum3A_550[%gather3A_559] in [0] : vector<16xf32>, vector<16xi32> -> vector<16xf32>
      %and3A_561 = arith.constant 15 : i32
      %and3A_562 = arith.andi %scan3A_420, %and3A_561 : i32
      %eq3A_563 = vector.broadcast %and3A_562 : i32 to vector<16xi32>
      %eq3A_564 = arith.cmpi eq, %iota3A_127, %eq3A_563 : vector<16xi32>
      %select_n3A_565 = arith.select %eq3A_564, %gather3A_560, %select_n3A_413 : vector<16xi1>, vector<16xf32>
      %and3A_566 = arith.constant 15 : i32
      %and3A_567 = arith.andi %scan3A_420, %and3A_566 : i32
      %eq3A_568 = arith.constant 15 : i32
      %eq3A_569 = arith.cmpi eq, %and3A_567, %eq3A_568 : i32
      %convert_element_type3A_570 = arith.extui %eq3A_569 : i1 to i32
      %cond3A_571 = arith.constant 0 : i32
      %cond3A_572 = arith.cmpi ne, %convert_element_type3A_570, %cond3A_571 : i32
      scf.if %cond3A_572 {
        %neg3A = arith.constant 0.000000e+00 : f32
        %neg3A_881 = vector.broadcast %neg3A : f32 to vector<16xf32>
        %neg3A_882 = arith.subf %neg3A_881, %select_n3A_565 : vector<16xf32>
        %exp3A = math.exp %neg3A_882 : vector<16xf32>
        %add3A_883 = arith.constant 1.000000e+00 : f32
        %add3A_884 = vector.broadcast %add3A_883 : f32 to vector<16xf32>
        %add3A_885 = arith.addf %add3A_884, %exp3A : vector<16xf32>
        %div3A = arith.constant 1.000000e+00 : f32
        %div3A_886 = vector.broadcast %div3A : f32 to vector<16xf32>
        %div3A_887 = arith.divf %div3A_886, %add3A_885 : vector<16xf32>
        %add3A_888 = arith.constant 128 : i32
        %add3A_889 = arith.addi %add3A_888, %scan3A_420 : i32
        %sub3A = arith.constant 15 : i32
        %sub3A_890 = arith.subi %add3A_889, %sub3A : i32
        %swap3A = arith.index_cast %sub3A_890 : i32 to index
        %swap3A_891 = tpu.vector_load %arg11[%swap3A] {strides = array<i32>} : memref<512xf32, #tpu.memory_space<vmem>>, vector<16xf32>,
        tpu.vector_store %arg11[%swap3A], %div3A_887 {strides = array<i32>} : memref<512xf32, #tpu.memory_space<vmem>>, vector<16xf32>,
      } else {
      }
      %scan3A_573 = arith.constant 2 : i32
      %scan3A_574 = arith.addi %scan3A_274, %scan3A_573 : i32
      %get3A_575 = arith.constant 0 : i32
      %get3A_576 = arith.constant 0 : i32
      %get3A_577 = tpu.memref_slice %arg9[%scan3A_132, %get3A_575, %get3A_576] : memref<2x128x128xf32, #tpu.memory_space<vmem>> -> memref<1x128x128xf32, #tpu.memory_space<vmem>>
      %get3A_578 = tpu.memref_squeeze %get3A_577 : memref<1x128x128xf32, #tpu.memory_space<vmem>> -> memref<128x128xf32, #tpu.memory_space<vmem>>
      %get3A_579 = arith.index_cast %scan3A_574 : i32 to index
      %get3A_580 = arith.constant 0 : index
      %get3A_581 = tpu.vector_load %get3A_578[%get3A_579, %get3A_580] {strides = array<i32>} : memref<128x128xf32, #tpu.memory_space<vmem>>, vector<16xf32>,
      %get3A_582 = arith.constant 0 : i32
      %get3A_583 = arith.constant 0 : i32
      %get3A_584 = tpu.memref_slice %arg10[%scan3A_133, %get3A_582, %get3A_583] : memref<2x128x128xf32, #tpu.memory_space<vmem>> -> memref<1x128x128xf32, #tpu.memory_space<vmem>>
      %get3A_585 = tpu.memref_squeeze %get3A_584 : memref<1x128x128xf32, #tpu.memory_space<vmem>> -> memref<128x128xf32, #tpu.memory_space<vmem>>
      %get3A_586 = arith.index_cast %scan3A_574 : i32 to index
      %get3A_587 = arith.constant 0 : index
      %get3A_588 = tpu.vector_load %get3A_585[%get3A_586, %get3A_587] {strides = array<i32>} : memref<128x128xf32, #tpu.memory_space<vmem>>, vector<16xf32>,
      %mul3A_589 = arith.mulf %get3A_581, %get3A_588 : vector<16xf32>
      %get3A_590 = arith.constant 0 : i32
      %get3A_591 = arith.constant 0 : i32
      %get3A_592 = tpu.memref_slice %arg9[%scan3A_132, %get3A_590, %get3A_591] : memref<2x128x128xf32, #tpu.memory_space<vmem>> -> memref<1x128x128xf32, #tpu.memory_space<vmem>>
      %get3A_593 = tpu.memref_squeeze %get3A_592 : memref<1x128x128xf32, #tpu.memory_space<vmem>> -> memref<128x128xf32, #tpu.memory_space<vmem>>
      %get3A_594 = arith.index_cast %scan3A_574 : i32 to index
      %get3A_595 = arith.constant 16 : index
      %get3A_596 = tpu.vector_load %get3A_593[%get3A_594, %get3A_595] {strides = array<i32>} : memref<128x128xf32, #tpu.memory_space<vmem>>, vector<16xf32>,
      %get3A_597 = arith.constant 0 : i32
      %get3A_598 = arith.constant 0 : i32
      %get3A_599 = tpu.memref_slice %arg10[%scan3A_133, %get3A_597, %get3A_598] : memref<2x128x128xf32, #tpu.memory_space<vmem>> -> memref<1x128x128xf32, #tpu.memory_space<vmem>>
      %get3A_600 = tpu.memref_squeeze %get3A_599 : memref<1x128x128xf32, #tpu.memory_space<vmem>> -> memref<128x128xf32, #tpu.memory_space<vmem>>
      %get3A_601 = arith.index_cast %scan3A_574 : i32 to index
      %get3A_602 = arith.constant 16 : index
      %get3A_603 = tpu.vector_load %get3A_600[%get3A_601, %get3A_602] {strides = array<i32>} : memref<128x128xf32, #tpu.memory_space<vmem>>, vector<16xf32>,
      %mul3A_604 = arith.mulf %get3A_596, %get3A_603 : vector<16xf32>
      %add3A_605 = arith.addf %mul3A_589, %mul3A_604 : vector<16xf32>
      %get3A_606 = arith.constant 0 : i32
      %get3A_607 = arith.constant 0 : i32
      %get3A_608 = tpu.memref_slice %arg9[%scan3A_132, %get3A_606, %get3A_607] : memref<2x128x128xf32, #tpu.memory_space<vmem>> -> memref<1x128x128xf32, #tpu.memory_space<vmem>>
      %get3A_609 = tpu.memref_squeeze %get3A_608 : memref<1x128x128xf32, #tpu.memory_space<vmem>> -> memref<128x128xf32, #tpu.memory_space<vmem>>
      %get3A_610 = arith.index_cast %scan3A_574 : i32 to index
      %get3A_611 = arith.constant 32 : index
      %get3A_612 = tpu.vector_load %get3A_609[%get3A_610, %get3A_611] {strides = array<i32>} : memref<128x128xf32, #tpu.memory_space<vmem>>, vector<16xf32>,
      %get3A_613 = arith.constant 0 : i32
      %get3A_614 = arith.constant 0 : i32
      %get3A_615 = tpu.memref_slice %arg10[%scan3A_133, %get3A_613, %get3A_614] : memref<2x128x128xf32, #tpu.memory_space<vmem>> -> memref<1x128x128xf32, #tpu.memory_space<vmem>>
      %get3A_616 = tpu.memref_squeeze %get3A_615 : memref<1x128x128xf32, #tpu.memory_space<vmem>> -> memref<128x128xf32, #tpu.memory_space<vmem>>
      %get3A_617 = arith.index_cast %scan3A_574 : i32 to index
      %get3A_618 = arith.constant 32 : index
      %get3A_619 = tpu.vector_load %get3A_616[%get3A_617, %get3A_618] {strides = array<i32>} : memref<128x128xf32, #tpu.memory_space<vmem>>, vector<16xf32>,
      %mul3A_620 = arith.mulf %get3A_612, %get3A_619 : vector<16xf32>
      %add3A_621 = arith.addf %add3A_605, %mul3A_620 : vector<16xf32>
      %get3A_622 = arith.constant 0 : i32
      %get3A_623 = arith.constant 0 : i32
      %get3A_624 = tpu.memref_slice %arg9[%scan3A_132, %get3A_622, %get3A_623] : memref<2x128x128xf32, #tpu.memory_space<vmem>> -> memref<1x128x128xf32, #tpu.memory_space<vmem>>
      %get3A_625 = tpu.memref_squeeze %get3A_624 : memref<1x128x128xf32, #tpu.memory_space<vmem>> -> memref<128x128xf32, #tpu.memory_space<vmem>>
      %get3A_626 = arith.index_cast %scan3A_574 : i32 to index
      %get3A_627 = arith.constant 48 : index
      %get3A_628 = tpu.vector_load %get3A_625[%get3A_626, %get3A_627] {strides = array<i32>} : memref<128x128xf32, #tpu.memory_space<vmem>>, vector<16xf32>,
      %get3A_629 = arith.constant 0 : i32
      %get3A_630 = arith.constant 0 : i32
      %get3A_631 = tpu.memref_slice %arg10[%scan3A_133, %get3A_629, %get3A_630] : memref<2x128x128xf32, #tpu.memory_space<vmem>> -> memref<1x128x128xf32, #tpu.memory_space<vmem>>
      %get3A_632 = tpu.memref_squeeze %get3A_631 : memref<1x128x128xf32, #tpu.memory_space<vmem>> -> memref<128x128xf32, #tpu.memory_space<vmem>>
      %get3A_633 = arith.index_cast %scan3A_574 : i32 to index
      %get3A_634 = arith.constant 48 : index
      %get3A_635 = tpu.vector_load %get3A_632[%get3A_633, %get3A_634] {strides = array<i32>} : memref<128x128xf32, #tpu.memory_space<vmem>>, vector<16xf32>,
      %mul3A_636 = arith.mulf %get3A_628, %get3A_635 : vector<16xf32>
      %add3A_637 = arith.addf %add3A_621, %mul3A_636 : vector<16xf32>
      %get3A_638 = arith.constant 0 : i32
      %get3A_639 = arith.constant 0 : i32
      %get3A_640 = tpu.memref_slice %arg9[%scan3A_132, %get3A_638, %get3A_639] : memref<2x128x128xf32, #tpu.memory_space<vmem>> -> memref<1x128x128xf32, #tpu.memory_space<vmem>>
      %get3A_641 = tpu.memref_squeeze %get3A_640 : memref<1x128x128xf32, #tpu.memory_space<vmem>> -> memref<128x128xf32, #tpu.memory_space<vmem>>
      %get3A_642 = arith.index_cast %scan3A_574 : i32 to index
      %get3A_643 = arith.constant 64 : index
      %get3A_644 = tpu.vector_load %get3A_641[%get3A_642, %get3A_643] {strides = array<i32>} : memref<128x128xf32, #tpu.memory_space<vmem>>, vector<16xf32>,
      %get3A_645 = arith.constant 0 : i32
      %get3A_646 = arith.constant 0 : i32
      %get3A_647 = tpu.memref_slice %arg10[%scan3A_133, %get3A_645, %get3A_646] : memref<2x128x128xf32, #tpu.memory_space<vmem>> -> memref<1x128x128xf32, #tpu.memory_space<vmem>>
      %get3A_648 = tpu.memref_squeeze %get3A_647 : memref<1x128x128xf32, #tpu.memory_space<vmem>> -> memref<128x128xf32, #tpu.memory_space<vmem>>
      %get3A_649 = arith.index_cast %scan3A_574 : i32 to index
      %get3A_650 = arith.constant 64 : index
      %get3A_651 = tpu.vector_load %get3A_648[%get3A_649, %get3A_650] {strides = array<i32>} : memref<128x128xf32, #tpu.memory_space<vmem>>, vector<16xf32>,
      %mul3A_652 = arith.mulf %get3A_644, %get3A_651 : vector<16xf32>
      %add3A_653 = arith.addf %add3A_637, %mul3A_652 : vector<16xf32>
      %get3A_654 = arith.constant 0 : i32
      %get3A_655 = arith.constant 0 : i32
      %get3A_656 = tpu.memref_slice %arg9[%scan3A_132, %get3A_654, %get3A_655] : memref<2x128x128xf32, #tpu.memory_space<vmem>> -> memref<1x128x128xf32, #tpu.memory_space<vmem>>
      %get3A_657 = tpu.memref_squeeze %get3A_656 : memref<1x128x128xf32, #tpu.memory_space<vmem>> -> memref<128x128xf32, #tpu.memory_space<vmem>>
      %get3A_658 = arith.index_cast %scan3A_574 : i32 to index
      %get3A_659 = arith.constant 80 : index
      %get3A_660 = tpu.vector_load %get3A_657[%get3A_658, %get3A_659] {strides = array<i32>} : memref<128x128xf32, #tpu.memory_space<vmem>>, vector<16xf32>,
      %get3A_661 = arith.constant 0 : i32
      %get3A_662 = arith.constant 0 : i32
      %get3A_663 = tpu.memref_slice %arg10[%scan3A_133, %get3A_661, %get3A_662] : memref<2x128x128xf32, #tpu.memory_space<vmem>> -> memref<1x128x128xf32, #tpu.memory_space<vmem>>
      %get3A_664 = tpu.memref_squeeze %get3A_663 : memref<1x128x128xf32, #tpu.memory_space<vmem>> -> memref<128x128xf32, #tpu.memory_space<vmem>>
      %get3A_665 = arith.index_cast %scan3A_574 : i32 to index
      %get3A_666 = arith.constant 80 : index
      %get3A_667 = tpu.vector_load %get3A_664[%get3A_665, %get3A_666] {strides = array<i32>} : memref<128x128xf32, #tpu.memory_space<vmem>>, vector<16xf32>,
      %mul3A_668 = arith.mulf %get3A_660, %get3A_667 : vector<16xf32>
      %add3A_669 = arith.addf %add3A_653, %mul3A_668 : vector<16xf32>
      %get3A_670 = arith.constant 0 : i32
      %get3A_671 = arith.constant 0 : i32
      %get3A_672 = tpu.memref_slice %arg9[%scan3A_132, %get3A_670, %get3A_671] : memref<2x128x128xf32, #tpu.memory_space<vmem>> -> memref<1x128x128xf32, #tpu.memory_space<vmem>>
      %get3A_673 = tpu.memref_squeeze %get3A_672 : memref<1x128x128xf32, #tpu.memory_space<vmem>> -> memref<128x128xf32, #tpu.memory_space<vmem>>
      %get3A_674 = arith.index_cast %scan3A_574 : i32 to index
      %get3A_675 = arith.constant 96 : index
      %get3A_676 = tpu.vector_load %get3A_673[%get3A_674, %get3A_675] {strides = array<i32>} : memref<128x128xf32, #tpu.memory_space<vmem>>, vector<16xf32>,
      %get3A_677 = arith.constant 0 : i32
      %get3A_678 = arith.constant 0 : i32
      %get3A_679 = tpu.memref_slice %arg10[%scan3A_133, %get3A_677, %get3A_678] : memref<2x128x128xf32, #tpu.memory_space<vmem>> -> memref<1x128x128xf32, #tpu.memory_space<vmem>>
      %get3A_680 = tpu.memref_squeeze %get3A_679 : memref<1x128x128xf32, #tpu.memory_space<vmem>> -> memref<128x128xf32, #tpu.memory_space<vmem>>
      %get3A_681 = arith.index_cast %scan3A_574 : i32 to index
      %get3A_682 = arith.constant 96 : index
      %get3A_683 = tpu.vector_load %get3A_680[%get3A_681, %get3A_682] {strides = array<i32>} : memref<128x128xf32, #tpu.memory_space<vmem>>, vector<16xf32>,
      %mul3A_684 = arith.mulf %get3A_676, %get3A_683 : vector<16xf32>
      %add3A_685 = arith.addf %add3A_669, %mul3A_684 : vector<16xf32>
      %get3A_686 = arith.constant 0 : i32
      %get3A_687 = arith.constant 0 : i32
      %get3A_688 = tpu.memref_slice %arg9[%scan3A_132, %get3A_686, %get3A_687] : memref<2x128x128xf32, #tpu.memory_space<vmem>> -> memref<1x128x128xf32, #tpu.memory_space<vmem>>
      %get3A_689 = tpu.memref_squeeze %get3A_688 : memref<1x128x128xf32, #tpu.memory_space<vmem>> -> memref<128x128xf32, #tpu.memory_space<vmem>>
      %get3A_690 = arith.index_cast %scan3A_574 : i32 to index
      %get3A_691 = arith.constant 112 : index
      %get3A_692 = tpu.vector_load %get3A_689[%get3A_690, %get3A_691] {strides = array<i32>} : memref<128x128xf32, #tpu.memory_space<vmem>>, vector<16xf32>,
      %get3A_693 = arith.constant 0 : i32
      %get3A_694 = arith.constant 0 : i32
      %get3A_695 = tpu.memref_slice %arg10[%scan3A_133, %get3A_693, %get3A_694] : memref<2x128x128xf32, #tpu.memory_space<vmem>> -> memref<1x128x128xf32, #tpu.memory_space<vmem>>
      %get3A_696 = tpu.memref_squeeze %get3A_695 : memref<1x128x128xf32, #tpu.memory_space<vmem>> -> memref<128x128xf32, #tpu.memory_space<vmem>>
      %get3A_697 = arith.index_cast %scan3A_574 : i32 to index
      %get3A_698 = arith.constant 112 : index
      %get3A_699 = tpu.vector_load %get3A_696[%get3A_697, %get3A_698] {strides = array<i32>} : memref<128x128xf32, #tpu.memory_space<vmem>>, vector<16xf32>,
      %mul3A_700 = arith.mulf %get3A_692, %get3A_699 : vector<16xf32>
      %add3A_701 = arith.addf %add3A_685, %mul3A_700 : vector<16xf32>
      %broadcast_in_dim3A_702 = arith.constant true
      %broadcast_in_dim3A_703 = vector.broadcast %broadcast_in_dim3A_702 : i1 to vector<16xi1>
      %masked_cumsum3A_704 = tpu.scan <sum>, %add3A_701 masked %broadcast_in_dim3A_703 : vector<16xf32>, vector<16xi1> -> vector<16xf32>
      %lt3A_705 = arith.constant 0 : i32
      %lt3A_706 = vector.broadcast %lt3A_705 : i32 to vector<16xi32>
      %lt3A_707 = arith.cmpi slt, %broadcast_in_dim3A_129, %lt3A_706 : vector<16xi32>
      %add3A_708 = arith.constant 16 : i32
      %add3A_709 = vector.broadcast %add3A_708 : i32 to vector<16xi32>
      %add3A_710 = arith.addi %broadcast_in_dim3A_129, %add3A_709 : vector<16xi32>
      %select_n3A_711 = arith.select %lt3A_707, %add3A_710, %broadcast_in_dim3A_129 : vector<16xi1>, vector<16xi32>
      %broadcast_in_dim3A_712 = vector.shape_cast %select_n3A_711 : vector<16xi32> to vector<16x1xi32>
      %gather3A_713 = vector.shape_cast %broadcast_in_dim3A_712 : vector<16x1xi32> to vector<16xi32>
      %gather3A_714 = tpu.dynamic_gather %masked_cumsum3A_704[%gather3A_713] in [0] : vector<16xf32>, vector<16xi32> -> vector<16xf32>
      %and3A_715 = arith.constant 15 : i32
      %and3A_716 = arith.andi %scan3A_574, %and3A_715 : i32
      %eq3A_717 = vector.broadcast %and3A_716 : i32 to vector<16xi32>
      %eq3A_718 = arith.cmpi eq, %iota3A_127, %eq3A_717 : vector<16xi32>
      %select_n3A_719 = arith.select %eq3A_718, %gather3A_714, %select_n3A_565 : vector<16xi1>, vector<16xf32>
      %and3A_720 = arith.constant 15 : i32
      %and3A_721 = arith.andi %scan3A_574, %and3A_720 : i32
      %eq3A_722 = arith.constant 15 : i32
      %eq3A_723 = arith.cmpi eq, %and3A_721, %eq3A_722 : i32
      %convert_element_type3A_724 = arith.extui %eq3A_723 : i1 to i32
      %cond3A_725 = arith.constant 0 : i32
      %cond3A_726 = arith.cmpi ne, %convert_element_type3A_724, %cond3A_725 : i32
      scf.if %cond3A_726 {
        %neg3A = arith.constant 0.000000e+00 : f32
        %neg3A_881 = vector.broadcast %neg3A : f32 to vector<16xf32>
        %neg3A_882 = arith.subf %neg3A_881, %select_n3A_719 : vector<16xf32>
        %exp3A = math.exp %neg3A_882 : vector<16xf32>
        %add3A_883 = arith.constant 1.000000e+00 : f32
        %add3A_884 = vector.broadcast %add3A_883 : f32 to vector<16xf32>
        %add3A_885 = arith.addf %add3A_884, %exp3A : vector<16xf32>
        %div3A = arith.constant 1.000000e+00 : f32
        %div3A_886 = vector.broadcast %div3A : f32 to vector<16xf32>
        %div3A_887 = arith.divf %div3A_886, %add3A_885 : vector<16xf32>
        %add3A_888 = arith.constant 128 : i32
        %add3A_889 = arith.addi %add3A_888, %scan3A_574 : i32
        %sub3A = arith.constant 15 : i32
        %sub3A_890 = arith.subi %add3A_889, %sub3A : i32
        %swap3A = arith.index_cast %sub3A_890 : i32 to index
        %swap3A_891 = tpu.vector_load %arg11[%swap3A] {strides = array<i32>} : memref<512xf32, #tpu.memory_space<vmem>>, vector<16xf32>,
        tpu.vector_store %arg11[%swap3A], %div3A_887 {strides = array<i32>} : memref<512xf32, #tpu.memory_space<vmem>>, vector<16xf32>,
      } else {
      }
      %scan3A_727 = arith.constant 3 : i32
      %scan3A_728 = arith.addi %scan3A_274, %scan3A_727 : i32
      %get3A_729 = arith.constant 0 : i32
      %get3A_730 = arith.constant 0 : i32
      %get3A_731 = tpu.memref_slice %arg9[%scan3A_132, %get3A_729, %get3A_730] : memref<2x128x128xf32, #tpu.memory_space<vmem>> -> memref<1x128x128xf32, #tpu.memory_space<vmem>>
      %get3A_732 = tpu.memref_squeeze %get3A_731 : memref<1x128x128xf32, #tpu.memory_space<vmem>> -> memref<128x128xf32, #tpu.memory_space<vmem>>
      %get3A_733 = arith.index_cast %scan3A_728 : i32 to index
      %get3A_734 = arith.constant 0 : index
      %get3A_735 = tpu.vector_load %get3A_732[%get3A_733, %get3A_734] {strides = array<i32>} : memref<128x128xf32, #tpu.memory_space<vmem>>, vector<16xf32>,
      %get3A_736 = arith.constant 0 : i32
      %get3A_737 = arith.constant 0 : i32
      %get3A_738 = tpu.memref_slice %arg10[%scan3A_133, %get3A_736, %get3A_737] : memref<2x128x128xf32, #tpu.memory_space<vmem>> -> memref<1x128x128xf32, #tpu.memory_space<vmem>>
      %get3A_739 = tpu.memref_squeeze %get3A_738 : memref<1x128x128xf32, #tpu.memory_space<vmem>> -> memref<128x128xf32, #tpu.memory_space<vmem>>
      %get3A_740 = arith.index_cast %scan3A_728 : i32 to index
      %get3A_741 = arith.constant 0 : index
      %get3A_742 = tpu.vector_load %get3A_739[%get3A_740, %get3A_741] {strides = array<i32>} : memref<128x128xf32, #tpu.memory_space<vmem>>, vector<16xf32>,
      %mul3A_743 = arith.mulf %get3A_735, %get3A_742 : vector<16xf32>
      %get3A_744 = arith.constant 0 : i32
      %get3A_745 = arith.constant 0 : i32
      %get3A_746 = tpu.memref_slice %arg9[%scan3A_132, %get3A_744, %get3A_745] : memref<2x128x128xf32, #tpu.memory_space<vmem>> -> memref<1x128x128xf32, #tpu.memory_space<vmem>>
      %get3A_747 = tpu.memref_squeeze %get3A_746 : memref<1x128x128xf32, #tpu.memory_space<vmem>> -> memref<128x128xf32, #tpu.memory_space<vmem>>
      %get3A_748 = arith.index_cast %scan3A_728 : i32 to index
      %get3A_749 = arith.constant 16 : index
      %get3A_750 = tpu.vector_load %get3A_747[%get3A_748, %get3A_749] {strides = array<i32>} : memref<128x128xf32, #tpu.memory_space<vmem>>, vector<16xf32>,
      %get3A_751 = arith.constant 0 : i32
      %get3A_752 = arith.constant 0 : i32
      %get3A_753 = tpu.memref_slice %arg10[%scan3A_133, %get3A_751, %get3A_752] : memref<2x128x128xf32, #tpu.memory_space<vmem>> -> memref<1x128x128xf32, #tpu.memory_space<vmem>>
      %get3A_754 = tpu.memref_squeeze %get3A_753 : memref<1x128x128xf32, #tpu.memory_space<vmem>> -> memref<128x128xf32, #tpu.memory_space<vmem>>
      %get3A_755 = arith.index_cast %scan3A_728 : i32 to index
      %get3A_756 = arith.constant 16 : index
      %get3A_757 = tpu.vector_load %get3A_754[%get3A_755, %get3A_756] {strides = array<i32>} : memref<128x128xf32, #tpu.memory_space<vmem>>, vector<16xf32>,
      %mul3A_758 = arith.mulf %get3A_750, %get3A_757 : vector<16xf32>
      %add3A_759 = arith.addf %mul3A_743, %mul3A_758 : vector<16xf32>
      %get3A_760 = arith.constant 0 : i32
      %get3A_761 = arith.constant 0 : i32
      %get3A_762 = tpu.memref_slice %arg9[%scan3A_132, %get3A_760, %get3A_761] : memref<2x128x128xf32, #tpu.memory_space<vmem>> -> memref<1x128x128xf32, #tpu.memory_space<vmem>>
      %get3A_763 = tpu.memref_squeeze %get3A_762 : memref<1x128x128xf32, #tpu.memory_space<vmem>> -> memref<128x128xf32, #tpu.memory_space<vmem>>
      %get3A_764 = arith.index_cast %scan3A_728 : i32 to index
      %get3A_765 = arith.constant 32 : index
      %get3A_766 = tpu.vector_load %get3A_763[%get3A_764, %get3A_765] {strides = array<i32>} : memref<128x128xf32, #tpu.memory_space<vmem>>, vector<16xf32>,
      %get3A_767 = arith.constant 0 : i32
      %get3A_768 = arith.constant 0 : i32
      %get3A_769 = tpu.memref_slice %arg10[%scan3A_133, %get3A_767, %get3A_768] : memref<2x128x128xf32, #tpu.memory_space<vmem>> -> memref<1x128x128xf32, #tpu.memory_space<vmem>>
      %get3A_770 = tpu.memref_squeeze %get3A_769 : memref<1x128x128xf32, #tpu.memory_space<vmem>> -> memref<128x128xf32, #tpu.memory_space<vmem>>
      %get3A_771 = arith.index_cast %scan3A_728 : i32 to index
      %get3A_772 = arith.constant 32 : index
      %get3A_773 = tpu.vector_load %get3A_770[%get3A_771, %get3A_772] {strides = array<i32>} : memref<128x128xf32, #tpu.memory_space<vmem>>, vector<16xf32>,
      %mul3A_774 = arith.mulf %get3A_766, %get3A_773 : vector<16xf32>
      %add3A_775 = arith.addf %add3A_759, %mul3A_774 : vector<16xf32>
      %get3A_776 = arith.constant 0 : i32
      %get3A_777 = arith.constant 0 : i32
      %get3A_778 = tpu.memref_slice %arg9[%scan3A_132, %get3A_776, %get3A_777] : memref<2x128x128xf32, #tpu.memory_space<vmem>> -> memref<1x128x128xf32, #tpu.memory_space<vmem>>
      %get3A_779 = tpu.memref_squeeze %get3A_778 : memref<1x128x128xf32, #tpu.memory_space<vmem>> -> memref<128x128xf32, #tpu.memory_space<vmem>>
      %get3A_780 = arith.index_cast %scan3A_728 : i32 to index
      %get3A_781 = arith.constant 48 : index
      %get3A_782 = tpu.vector_load %get3A_779[%get3A_780, %get3A_781] {strides = array<i32>} : memref<128x128xf32, #tpu.memory_space<vmem>>, vector<16xf32>,
      %get3A_783 = arith.constant 0 : i32
      %get3A_784 = arith.constant 0 : i32
      %get3A_785 = tpu.memref_slice %arg10[%scan3A_133, %get3A_783, %get3A_784] : memref<2x128x128xf32, #tpu.memory_space<vmem>> -> memref<1x128x128xf32, #tpu.memory_space<vmem>>
      %get3A_786 = tpu.memref_squeeze %get3A_785 : memref<1x128x128xf32, #tpu.memory_space<vmem>> -> memref<128x128xf32, #tpu.memory_space<vmem>>
      %get3A_787 = arith.index_cast %scan3A_728 : i32 to index
      %get3A_788 = arith.constant 48 : index
      %get3A_789 = tpu.vector_load %get3A_786[%get3A_787, %get3A_788] {strides = array<i32>} : memref<128x128xf32, #tpu.memory_space<vmem>>, vector<16xf32>,
      %mul3A_790 = arith.mulf %get3A_782, %get3A_789 : vector<16xf32>
      %add3A_791 = arith.addf %add3A_775, %mul3A_790 : vector<16xf32>
      %get3A_792 = arith.constant 0 : i32
      %get3A_793 = arith.constant 0 : i32
      %get3A_794 = tpu.memref_slice %arg9[%scan3A_132, %get3A_792, %get3A_793] : memref<2x128x128xf32, #tpu.memory_space<vmem>> -> memref<1x128x128xf32, #tpu.memory_space<vmem>>
      %get3A_795 = tpu.memref_squeeze %get3A_794 : memref<1x128x128xf32, #tpu.memory_space<vmem>> -> memref<128x128xf32, #tpu.memory_space<vmem>>
      %get3A_796 = arith.index_cast %scan3A_728 : i32 to index
      %get3A_797 = arith.constant 64 : index
      %get3A_798 = tpu.vector_load %get3A_795[%get3A_796, %get3A_797] {strides = array<i32>} : memref<128x128xf32, #tpu.memory_space<vmem>>, vector<16xf32>,
      %get3A_799 = arith.constant 0 : i32
      %get3A_800 = arith.constant 0 : i32
      %get3A_801 = tpu.memref_slice %arg10[%scan3A_133, %get3A_799, %get3A_800] : memref<2x128x128xf32, #tpu.memory_space<vmem>> -> memref<1x128x128xf32, #tpu.memory_space<vmem>>
      %get3A_802 = tpu.memref_squeeze %get3A_801 : memref<1x128x128xf32, #tpu.memory_space<vmem>> -> memref<128x128xf32, #tpu.memory_space<vmem>>
      %get3A_803 = arith.index_cast %scan3A_728 : i32 to index
      %get3A_804 = arith.constant 64 : index
      %get3A_805 = tpu.vector_load %get3A_802[%get3A_803, %get3A_804] {strides = array<i32>} : memref<128x128xf32, #tpu.memory_space<vmem>>, vector<16xf32>,
      %mul3A_806 = arith.mulf %get3A_798, %get3A_805 : vector<16xf32>
      %add3A_807 = arith.addf %add3A_791, %mul3A_806 : vector<16xf32>
      %get3A_808 = arith.constant 0 : i32
      %get3A_809 = arith.constant 0 : i32
      %get3A_810 = tpu.memref_slice %arg9[%scan3A_132, %get3A_808, %get3A_809] : memref<2x128x128xf32, #tpu.memory_space<vmem>> -> memref<1x128x128xf32, #tpu.memory_space<vmem>>
      %get3A_811 = tpu.memref_squeeze %get3A_810 : memref<1x128x128xf32, #tpu.memory_space<vmem>> -> memref<128x128xf32, #tpu.memory_space<vmem>>
      %get3A_812 = arith.index_cast %scan3A_728 : i32 to index
      %get3A_813 = arith.constant 80 : index
      %get3A_814 = tpu.vector_load %get3A_811[%get3A_812, %get3A_813] {strides = array<i32>} : memref<128x128xf32, #tpu.memory_space<vmem>>, vector<16xf32>,
      %get3A_815 = arith.constant 0 : i32
      %get3A_816 = arith.constant 0 : i32
      %get3A_817 = tpu.memref_slice %arg10[%scan3A_133, %get3A_815, %get3A_816] : memref<2x128x128xf32, #tpu.memory_space<vmem>> -> memref<1x128x128xf32, #tpu.memory_space<vmem>>
      %get3A_818 = tpu.memref_squeeze %get3A_817 : memref<1x128x128xf32, #tpu.memory_space<vmem>> -> memref<128x128xf32, #tpu.memory_space<vmem>>
      %get3A_819 = arith.index_cast %scan3A_728 : i32 to index
      %get3A_820 = arith.constant 80 : index
      %get3A_821 = tpu.vector_load %get3A_818[%get3A_819, %get3A_820] {strides = array<i32>} : memref<128x128xf32, #tpu.memory_space<vmem>>, vector<16xf32>,
      %mul3A_822 = arith.mulf %get3A_814, %get3A_821 : vector<16xf32>
      %add3A_823 = arith.addf %add3A_807, %mul3A_822 : vector<16xf32>
      %get3A_824 = arith.constant 0 : i32
      %get3A_825 = arith.constant 0 : i32
      %get3A_826 = tpu.memref_slice %arg9[%scan3A_132, %get3A_824, %get3A_825] : memref<2x128x128xf32, #tpu.memory_space<vmem>> -> memref<1x128x128xf32, #tpu.memory_space<vmem>>
      %get3A_827 = tpu.memref_squeeze %get3A_826 : memref<1x128x128xf32, #tpu.memory_space<vmem>> -> memref<128x128xf32, #tpu.memory_space<vmem>>
      %get3A_828 = arith.index_cast %scan3A_728 : i32 to index
      %get3A_829 = arith.constant 96 : index
      %get3A_830 = tpu.vector_load %get3A_827[%get3A_828, %get3A_829] {strides = array<i32>} : memref<128x128xf32, #tpu.memory_space<vmem>>, vector<16xf32>,
      %get3A_831 = arith.constant 0 : i32
      %get3A_832 = arith.constant 0 : i32
      %get3A_833 = tpu.memref_slice %arg10[%scan3A_133, %get3A_831, %get3A_832] : memref<2x128x128xf32, #tpu.memory_space<vmem>> -> memref<1x128x128xf32, #tpu.memory_space<vmem>>
      %get3A_834 = tpu.memref_squeeze %get3A_833 : memref<1x128x128xf32, #tpu.memory_space<vmem>> -> memref<128x128xf32, #tpu.memory_space<vmem>>
      %get3A_835 = arith.index_cast %scan3A_728 : i32 to index
      %get3A_836 = arith.constant 96 : index
      %get3A_837 = tpu.vector_load %get3A_834[%get3A_835, %get3A_836] {strides = array<i32>} : memref<128x128xf32, #tpu.memory_space<vmem>>, vector<16xf32>,
      %mul3A_838 = arith.mulf %get3A_830, %get3A_837 : vector<16xf32>
      %add3A_839 = arith.addf %add3A_823, %mul3A_838 : vector<16xf32>
      %get3A_840 = arith.constant 0 : i32
      %get3A_841 = arith.constant 0 : i32
      %get3A_842 = tpu.memref_slice %arg9[%scan3A_132, %get3A_840, %get3A_841] : memref<2x128x128xf32, #tpu.memory_space<vmem>> -> memref<1x128x128xf32, #tpu.memory_space<vmem>>
      %get3A_843 = tpu.memref_squeeze %get3A_842 : memref<1x128x128xf32, #tpu.memory_space<vmem>> -> memref<128x128xf32, #tpu.memory_space<vmem>>
      %get3A_844 = arith.index_cast %scan3A_728 : i32 to index
      %get3A_845 = arith.constant 112 : index
      %get3A_846 = tpu.vector_load %get3A_843[%get3A_844, %get3A_845] {strides = array<i32>} : memref<128x128xf32, #tpu.memory_space<vmem>>, vector<16xf32>,
      %get3A_847 = arith.constant 0 : i32
      %get3A_848 = arith.constant 0 : i32
      %get3A_849 = tpu.memref_slice %arg10[%scan3A_133, %get3A_847, %get3A_848] : memref<2x128x128xf32, #tpu.memory_space<vmem>> -> memref<1x128x128xf32, #tpu.memory_space<vmem>>
      %get3A_850 = tpu.memref_squeeze %get3A_849 : memref<1x128x128xf32, #tpu.memory_space<vmem>> -> memref<128x128xf32, #tpu.memory_space<vmem>>
      %get3A_851 = arith.index_cast %scan3A_728 : i32 to index
      %get3A_852 = arith.constant 112 : index
      %get3A_853 = tpu.vector_load %get3A_850[%get3A_851, %get3A_852] {strides = array<i32>} : memref<128x128xf32, #tpu.memory_space<vmem>>, vector<16xf32>,
      %mul3A_854 = arith.mulf %get3A_846, %get3A_853 : vector<16xf32>
      %add3A_855 = arith.addf %add3A_839, %mul3A_854 : vector<16xf32>
      %broadcast_in_dim3A_856 = arith.constant true
      %broadcast_in_dim3A_857 = vector.broadcast %broadcast_in_dim3A_856 : i1 to vector<16xi1>
      %masked_cumsum3A_858 = tpu.scan <sum>, %add3A_855 masked %broadcast_in_dim3A_857 : vector<16xf32>, vector<16xi1> -> vector<16xf32>
      %lt3A_859 = arith.constant 0 : i32
      %lt3A_860 = vector.broadcast %lt3A_859 : i32 to vector<16xi32>
      %lt3A_861 = arith.cmpi slt, %broadcast_in_dim3A_129, %lt3A_860 : vector<16xi32>
      %add3A_862 = arith.constant 16 : i32
      %add3A_863 = vector.broadcast %add3A_862 : i32 to vector<16xi32>
      %add3A_864 = arith.addi %broadcast_in_dim3A_129, %add3A_863 : vector<16xi32>
      %select_n3A_865 = arith.select %lt3A_861, %add3A_864, %broadcast_in_dim3A_129 : vector<16xi1>, vector<16xi32>
      %broadcast_in_dim3A_866 = vector.shape_cast %select_n3A_865 : vector<16xi32> to vector<16x1xi32>
      %gather3A_867 = vector.shape_cast %broadcast_in_dim3A_866 : vector<16x1xi32> to vector<16xi32>
      %gather3A_868 = tpu.dynamic_gather %masked_cumsum3A_858[%gather3A_867] in [0] : vector<16xf32>, vector<16xi32> -> vector<16xf32>
      %and3A_869 = arith.constant 15 : i32
      %and3A_870 = arith.andi %scan3A_728, %and3A_869 : i32
      %eq3A_871 = vector.broadcast %and3A_870 : i32 to vector<16xi32>
      %eq3A_872 = arith.cmpi eq, %iota3A_127, %eq3A_871 : vector<16xi32>
      %select_n3A_873 = arith.select %eq3A_872, %gather3A_868, %select_n3A_719 : vector<16xi1>, vector<16xf32>
      %and3A_874 = arith.constant 15 : i32
      %and3A_875 = arith.andi %scan3A_728, %and3A_874 : i32
      %eq3A_876 = arith.constant 15 : i32
      %eq3A_877 = arith.cmpi eq, %and3A_875, %eq3A_876 : i32
      %convert_element_type3A_878 = arith.extui %eq3A_877 : i1 to i32
      %cond3A_879 = arith.constant 0 : i32
      %cond3A_880 = arith.cmpi ne, %convert_element_type3A_878, %cond3A_879 : i32
      scf.if %cond3A_880 {
        %neg3A = arith.constant 0.000000e+00 : f32
        %neg3A_881 = vector.broadcast %neg3A : f32 to vector<16xf32>
        %neg3A_882 = arith.subf %neg3A_881, %select_n3A_873 : vector<16xf32>
        %exp3A = math.exp %neg3A_882 : vector<16xf32>
        %add3A_883 = arith.constant 1.000000e+00 : f32
        %add3A_884 = vector.broadcast %add3A_883 : f32 to vector<16xf32>
        %add3A_885 = arith.addf %add3A_884, %exp3A : vector<16xf32>
        %div3A = arith.constant 1.000000e+00 : f32
        %div3A_886 = vector.broadcast %div3A : f32 to vector<16xf32>
        %div3A_887 = arith.divf %div3A_886, %add3A_885 : vector<16xf32>
        %add3A_888 = arith.constant 128 : i32
        %add3A_889 = arith.addi %add3A_888, %scan3A_728 : i32
        %sub3A = arith.constant 15 : i32
        %sub3A_890 = arith.subi %add3A_889, %sub3A : i32
        %swap3A = arith.index_cast %sub3A_890 : i32 to index
        %swap3A_891 = tpu.vector_load %arg11[%swap3A] {strides = array<i32>} : memref<512xf32, #tpu.memory_space<vmem>>, vector<16xf32>,
        tpu.vector_store %arg11[%swap3A], %div3A_887 {strides = array<i32>} : memref<512xf32, #tpu.memory_space<vmem>>, vector<16xf32>,
      } else {
      }
      scf.yield %select_n3A_873 : vector<16xf32>
    }
    %scan3A_139 = arith.constant 128 : i32
    %add3A_140 = arith.constant 128 : i32
    %add3A_141 = arith.addi %mul3A_2, %add3A_140 : i32
    %dma_start3A_142 = arith.constant 128 : i32
    %dma_start3A_143 = tpu.memref_slice %arg11[%dma_start3A_142] : memref<512xf32, #tpu.memory_space<vmem>> -> memref<128xf32, #tpu.memory_space<vmem>>
    %dma_start3A_144 = tpu.memref_slice %arg6[%add3A_141] : memref<16384xf32, #tpu.memory_space<hbm>> -> memref<128xf32, #tpu.memory_space<hbm>>
    %dma_start3A_145 = tpu.memref_slice %arg6[%add3A_141] : memref<16384xf32, #tpu.memory_space<hbm>> -> memref<128xf32, #tpu.memory_space<hbm>>
    %dma_start3A_146 = arith.constant 128 : i32
    %dma_start3A_147 = tpu.memref_slice %arg11[%dma_start3A_146] : memref<512xf32, #tpu.memory_space<vmem>> -> memref<128xf32, #tpu.memory_space<vmem>>
    tpu.enqueue_dma source(%dma_start3A_147 : memref<128xf32, #tpu.memory_space<vmem>>) target(%dma_start3A_145 : memref<128xf32, #tpu.memory_space<hbm>>) target_semaphore(%arg14 : memref<!tpu.dma_semaphore, #tpu.memory_space<semaphore_mem>>)
    %dma_wait3A_148 = arith.constant 0 : i32
    %dma_wait3A_149 = arith.constant 0 : i32
    %dma_wait3A_150 = arith.constant 0 : i32
    %dma_wait3A_151 = tpu.memref_slice %arg9[%dma_wait3A_148, %dma_wait3A_149, %dma_wait3A_150] : memref<2x128x128xf32, #tpu.memory_space<vmem>> -> memref<1x128x128xf32, #tpu.memory_space<vmem>>
    %dma_wait3A_152 = tpu.memref_squeeze %dma_wait3A_151 : memref<1x128x128xf32, #tpu.memory_space<vmem>> -> memref<128x128xf32, #tpu.memory_space<vmem>>
    %dma_wait3A_153 = arith.constant 256 : i32
    %dma_wait3A_154 = tpu.memref_slice %arg7[%dma_wait3A_153] : memref<512xi32, #tpu.memory_space<vmem>> -> memref<128xi32, #tpu.memory_space<vmem>>
    %dma_wait3A_155 = arith.constant 0 : i32
    %dma_wait3A_156 = arith.constant 0 : i32
    %dma_wait3A_157 = tpu.memref_slice %arg4[%dma_wait3A_155, %dma_wait3A_156] : memref<1000000x128xf32, #tpu.memory_space<hbm>> -> memref<1000000x128xf32, #tpu.memory_space<hbm>>
    tpu.wait_indirect_dma semaphore(%arg12 : memref<!tpu.dma_semaphore, #tpu.memory_space<semaphore_mem>>) src(%dma_wait3A_157 : memref<1000000x128xf32, #tpu.memory_space<hbm>>) dst(%dma_wait3A_152 : memref<128x128xf32, #tpu.memory_space<vmem>>)
    %dma_wait3A_158 = arith.constant 0 : i32
    %dma_wait3A_159 = arith.constant 0 : i32
    %dma_wait3A_160 = arith.constant 0 : i32
    %dma_wait3A_161 = tpu.memref_slice %arg10[%dma_wait3A_158, %dma_wait3A_159, %dma_wait3A_160] : memref<2x128x128xf32, #tpu.memory_space<vmem>> -> memref<1x128x128xf32, #tpu.memory_space<vmem>>
    %dma_wait3A_162 = tpu.memref_squeeze %dma_wait3A_161 : memref<1x128x128xf32, #tpu.memory_space<vmem>> -> memref<128x128xf32, #tpu.memory_space<vmem>>
    %dma_wait3A_163 = arith.constant 256 : i32
    %dma_wait3A_164 = tpu.memref_slice %arg8[%dma_wait3A_163] : memref<512xi32, #tpu.memory_space<vmem>> -> memref<128xi32, #tpu.memory_space<vmem>>
    %dma_wait3A_165 = arith.constant 0 : i32
    %dma_wait3A_166 = arith.constant 0 : i32
    %dma_wait3A_167 = tpu.memref_slice %arg5[%dma_wait3A_165, %dma_wait3A_166] : memref<1000000x128xf32, #tpu.memory_space<hbm>> -> memref<1000000x128xf32, #tpu.memory_space<hbm>>
    tpu.wait_indirect_dma semaphore(%arg12 : memref<!tpu.dma_semaphore, #tpu.memory_space<semaphore_mem>>) src(%dma_wait3A_167 : memref<1000000x128xf32, #tpu.memory_space<hbm>>) dst(%dma_wait3A_162 : memref<128x128xf32, #tpu.memory_space<vmem>>)
    %dma_start3A_168 = arith.constant 1 : i32
    %dma_start3A_169 = arith.constant 0 : i32
    %dma_start3A_170 = arith.constant 0 : i32
    %dma_start3A_171 = tpu.memref_slice %arg9[%dma_start3A_168, %dma_start3A_169, %dma_start3A_170] : memref<2x128x128xf32, #tpu.memory_space<vmem>> -> memref<1x128x128xf32, #tpu.memory_space<vmem>>
    %dma_start3A_172 = tpu.memref_squeeze %dma_start3A_171 : memref<1x128x128xf32, #tpu.memory_space<vmem>> -> memref<128x128xf32, #tpu.memory_space<vmem>>
    %dma_start3A_173 = arith.constant 384 : i32
    %dma_start3A_174 = tpu.memref_slice %arg7[%dma_start3A_173] : memref<512xi32, #tpu.memory_space<vmem>> -> memref<128xi32, #tpu.memory_space<vmem>>
    %dma_start3A_175 = arith.constant 0 : i32
    %dma_start3A_176 = arith.constant 0 : i32
    %dma_start3A_177 = tpu.memref_slice %arg4[%dma_start3A_175, %dma_start3A_176] : memref<1000000x128xf32, #tpu.memory_space<hbm>> -> memref<1000000x128xf32, #tpu.memory_space<hbm>>
    tpu.enqueue_indirect_dma source(%dma_start3A_177 : memref<1000000x128xf32, #tpu.memory_space<hbm>>) target(%dma_start3A_172 : memref<128x128xf32, #tpu.memory_space<vmem>>) offsets(%dma_start3A_174 : memref<128xi32, #tpu.memory_space<vmem>>) semaphore(%arg13 : memref<!tpu.dma_semaphore, #tpu.memory_space<semaphore_mem>>)
    %dma_start3A_178 = arith.constant 1 : i32
    %dma_start3A_179 = arith.constant 0 : i32
    %dma_start3A_180 = arith.constant 0 : i32
    %dma_start3A_181 = tpu.memref_slice %arg10[%dma_start3A_178, %dma_start3A_179, %dma_start3A_180] : memref<2x128x128xf32, #tpu.memory_space<vmem>> -> memref<1x128x128xf32, #tpu.memory_space<vmem>>
    %dma_start3A_182 = tpu.memref_squeeze %dma_start3A_181 : memref<1x128x128xf32, #tpu.memory_space<vmem>> -> memref<128x128xf32, #tpu.memory_space<vmem>>
    %dma_start3A_183 = arith.constant 384 : i32
    %dma_start3A_184 = tpu.memref_slice %arg8[%dma_start3A_183] : memref<512xi32, #tpu.memory_space<vmem>> -> memref<128xi32, #tpu.memory_space<vmem>>
    %dma_start3A_185 = arith.constant 0 : i32
    %dma_start3A_186 = arith.constant 0 : i32
    %dma_start3A_187 = tpu.memref_slice %arg5[%dma_start3A_185, %dma_start3A_186] : memref<1000000x128xf32, #tpu.memory_space<hbm>> -> memref<1000000x128xf32, #tpu.memory_space<hbm>>
    tpu.enqueue_indirect_dma source(%dma_start3A_187 : memref<1000000x128xf32, #tpu.memory_space<hbm>>) target(%dma_start3A_182 : memref<128x128xf32, #tpu.memory_space<vmem>>) offsets(%dma_start3A_184 : memref<128xi32, #tpu.memory_space<vmem>>) semaphore(%arg13 : memref<!tpu.dma_semaphore, #tpu.memory_space<semaphore_mem>>)
    %iota3A_188 = tpu.iota {dimensions = array<i32: 0>} : vector<16xi32>
    %broadcast_in_dim3A_189 = arith.constant 15 : i32
    %broadcast_in_dim3A_190 = vector.broadcast %broadcast_in_dim3A_189 : i32 to vector<16xi32>
    %broadcast_in_dim3A_191 = arith.constant 0.000000e+00 : f32
    %broadcast_in_dim3A_192 = vector.broadcast %broadcast_in_dim3A_191 : f32 to vector<16xf32>
    %scan3A_193 = arith.constant 0 : i32
    %scan3A_194 = arith.constant 0 : i32
    %scan3A_195 = arith.constant 0 : i32
    %scan3A_196 = arith.constant 128 : i32
    %scan3A_197 = arith.addi %scan3A_195, %scan3A_196 : i32
    %scan3A_198 = arith.constant 4 : i32
    %scan3A_199 = scf.for %scan3A_274 = %scan3A_195 to %scan3A_197 step %scan3A_198 iter_args(%scan3A_275 = %broadcast_in_dim3A_192) -> (vector<16xf32>)  : i32 {
      %get3A = arith.constant 0 : i32
      %get3A_276 = arith.constant 0 : i32
      %get3A_277 = tpu.memref_slice %arg9[%scan3A_193, %get3A, %get3A_276] : memref<2x128x128xf32, #tpu.memory_space<vmem>> -> memref<1x128x128xf32, #tpu.memory_space<vmem>>
      %get3A_278 = tpu.memref_squeeze %get3A_277 : memref<1x128x128xf32, #tpu.memory_space<vmem>> -> memref<128x128xf32, #tpu.memory_space<vmem>>
      %get3A_279 = arith.index_cast %scan3A_274 : i32 to index
      %get3A_280 = arith.constant 0 : index
      %get3A_281 = tpu.vector_load %get3A_278[%get3A_279, %get3A_280] {strides = array<i32>} : memref<128x128xf32, #tpu.memory_space<vmem>>, vector<16xf32>,
      %get3A_282 = arith.constant 0 : i32
      %get3A_283 = arith.constant 0 : i32
      %get3A_284 = tpu.memref_slice %arg10[%scan3A_194, %get3A_282, %get3A_283] : memref<2x128x128xf32, #tpu.memory_space<vmem>> -> memref<1x128x128xf32, #tpu.memory_space<vmem>>
      %get3A_285 = tpu.memref_squeeze %get3A_284 : memref<1x128x128xf32, #tpu.memory_space<vmem>> -> memref<128x128xf32, #tpu.memory_space<vmem>>
      %get3A_286 = arith.index_cast %scan3A_274 : i32 to index
      %get3A_287 = arith.constant 0 : index
      %get3A_288 = tpu.vector_load %get3A_285[%get3A_286, %get3A_287] {strides = array<i32>} : memref<128x128xf32, #tpu.memory_space<vmem>>, vector<16xf32>,
      %mul3A_289 = arith.mulf %get3A_281, %get3A_288 : vector<16xf32>
      %get3A_290 = arith.constant 0 : i32
      %get3A_291 = arith.constant 0 : i32
      %get3A_292 = tpu.memref_slice %arg9[%scan3A_193, %get3A_290, %get3A_291] : memref<2x128x128xf32, #tpu.memory_space<vmem>> -> memref<1x128x128xf32, #tpu.memory_space<vmem>>
      %get3A_293 = tpu.memref_squeeze %get3A_292 : memref<1x128x128xf32, #tpu.memory_space<vmem>> -> memref<128x128xf32, #tpu.memory_space<vmem>>
      %get3A_294 = arith.index_cast %scan3A_274 : i32 to index
      %get3A_295 = arith.constant 16 : index
      %get3A_296 = tpu.vector_load %get3A_293[%get3A_294, %get3A_295] {strides = array<i32>} : memref<128x128xf32, #tpu.memory_space<vmem>>, vector<16xf32>,
      %get3A_297 = arith.constant 0 : i32
      %get3A_298 = arith.constant 0 : i32
      %get3A_299 = tpu.memref_slice %arg10[%scan3A_194, %get3A_297, %get3A_298] : memref<2x128x128xf32, #tpu.memory_space<vmem>> -> memref<1x128x128xf32, #tpu.memory_space<vmem>>
      %get3A_300 = tpu.memref_squeeze %get3A_299 : memref<1x128x128xf32, #tpu.memory_space<vmem>> -> memref<128x128xf32, #tpu.memory_space<vmem>>
      %get3A_301 = arith.index_cast %scan3A_274 : i32 to index
      %get3A_302 = arith.constant 16 : index
      %get3A_303 = tpu.vector_load %get3A_300[%get3A_301, %get3A_302] {strides = array<i32>} : memref<128x128xf32, #tpu.memory_space<vmem>>, vector<16xf32>,
      %mul3A_304 = arith.mulf %get3A_296, %get3A_303 : vector<16xf32>
      %add3A_305 = arith.addf %mul3A_289, %mul3A_304 : vector<16xf32>
      %get3A_306 = arith.constant 0 : i32
      %get3A_307 = arith.constant 0 : i32
      %get3A_308 = tpu.memref_slice %arg9[%scan3A_193, %get3A_306, %get3A_307] : memref<2x128x128xf32, #tpu.memory_space<vmem>> -> memref<1x128x128xf32, #tpu.memory_space<vmem>>
      %get3A_309 = tpu.memref_squeeze %get3A_308 : memref<1x128x128xf32, #tpu.memory_space<vmem>> -> memref<128x128xf32, #tpu.memory_space<vmem>>
      %get3A_310 = arith.index_cast %scan3A_274 : i32 to index
      %get3A_311 = arith.constant 32 : index
      %get3A_312 = tpu.vector_load %get3A_309[%get3A_310, %get3A_311] {strides = array<i32>} : memref<128x128xf32, #tpu.memory_space<vmem>>, vector<16xf32>,
      %get3A_313 = arith.constant 0 : i32
      %get3A_314 = arith.constant 0 : i32
      %get3A_315 = tpu.memref_slice %arg10[%scan3A_194, %get3A_313, %get3A_314] : memref<2x128x128xf32, #tpu.memory_space<vmem>> -> memref<1x128x128xf32, #tpu.memory_space<vmem>>
      %get3A_316 = tpu.memref_squeeze %get3A_315 : memref<1x128x128xf32, #tpu.memory_space<vmem>> -> memref<128x128xf32, #tpu.memory_space<vmem>>
      %get3A_317 = arith.index_cast %scan3A_274 : i32 to index
      %get3A_318 = arith.constant 32 : index
      %get3A_319 = tpu.vector_load %get3A_316[%get3A_317, %get3A_318] {strides = array<i32>} : memref<128x128xf32, #tpu.memory_space<vmem>>, vector<16xf32>,
      %mul3A_320 = arith.mulf %get3A_312, %get3A_319 : vector<16xf32>
      %add3A_321 = arith.addf %add3A_305, %mul3A_320 : vector<16xf32>
      %get3A_322 = arith.constant 0 : i32
      %get3A_323 = arith.constant 0 : i32
      %get3A_324 = tpu.memref_slice %arg9[%scan3A_193, %get3A_322, %get3A_323] : memref<2x128x128xf32, #tpu.memory_space<vmem>> -> memref<1x128x128xf32, #tpu.memory_space<vmem>>
      %get3A_325 = tpu.memref_squeeze %get3A_324 : memref<1x128x128xf32, #tpu.memory_space<vmem>> -> memref<128x128xf32, #tpu.memory_space<vmem>>
      %get3A_326 = arith.index_cast %scan3A_274 : i32 to index
      %get3A_327 = arith.constant 48 : index
      %get3A_328 = tpu.vector_load %get3A_325[%get3A_326, %get3A_327] {strides = array<i32>} : memref<128x128xf32, #tpu.memory_space<vmem>>, vector<16xf32>,
      %get3A_329 = arith.constant 0 : i32
      %get3A_330 = arith.constant 0 : i32
      %get3A_331 = tpu.memref_slice %arg10[%scan3A_194, %get3A_329, %get3A_330] : memref<2x128x128xf32, #tpu.memory_space<vmem>> -> memref<1x128x128xf32, #tpu.memory_space<vmem>>
      %get3A_332 = tpu.memref_squeeze %get3A_331 : memref<1x128x128xf32, #tpu.memory_space<vmem>> -> memref<128x128xf32, #tpu.memory_space<vmem>>
      %get3A_333 = arith.index_cast %scan3A_274 : i32 to index
      %get3A_334 = arith.constant 48 : index
      %get3A_335 = tpu.vector_load %get3A_332[%get3A_333, %get3A_334] {strides = array<i32>} : memref<128x128xf32, #tpu.memory_space<vmem>>, vector<16xf32>,
      %mul3A_336 = arith.mulf %get3A_328, %get3A_335 : vector<16xf32>
      %add3A_337 = arith.addf %add3A_321, %mul3A_336 : vector<16xf32>
      %get3A_338 = arith.constant 0 : i32
      %get3A_339 = arith.constant 0 : i32
      %get3A_340 = tpu.memref_slice %arg9[%scan3A_193, %get3A_338, %get3A_339] : memref<2x128x128xf32, #tpu.memory_space<vmem>> -> memref<1x128x128xf32, #tpu.memory_space<vmem>>
      %get3A_341 = tpu.memref_squeeze %get3A_340 : memref<1x128x128xf32, #tpu.memory_space<vmem>> -> memref<128x128xf32, #tpu.memory_space<vmem>>
      %get3A_342 = arith.index_cast %scan3A_274 : i32 to index
      %get3A_343 = arith.constant 64 : index
      %get3A_344 = tpu.vector_load %get3A_341[%get3A_342, %get3A_343] {strides = array<i32>} : memref<128x128xf32, #tpu.memory_space<vmem>>, vector<16xf32>,
      %get3A_345 = arith.constant 0 : i32
      %get3A_346 = arith.constant 0 : i32
      %get3A_347 = tpu.memref_slice %arg10[%scan3A_194, %get3A_345, %get3A_346] : memref<2x128x128xf32, #tpu.memory_space<vmem>> -> memref<1x128x128xf32, #tpu.memory_space<vmem>>
      %get3A_348 = tpu.memref_squeeze %get3A_347 : memref<1x128x128xf32, #tpu.memory_space<vmem>> -> memref<128x128xf32, #tpu.memory_space<vmem>>
      %get3A_349 = arith.index_cast %scan3A_274 : i32 to index
      %get3A_350 = arith.constant 64 : index
      %get3A_351 = tpu.vector_load %get3A_348[%get3A_349, %get3A_350] {strides = array<i32>} : memref<128x128xf32, #tpu.memory_space<vmem>>, vector<16xf32>,
      %mul3A_352 = arith.mulf %get3A_344, %get3A_351 : vector<16xf32>
      %add3A_353 = arith.addf %add3A_337, %mul3A_352 : vector<16xf32>
      %get3A_354 = arith.constant 0 : i32
      %get3A_355 = arith.constant 0 : i32
      %get3A_356 = tpu.memref_slice %arg9[%scan3A_193, %get3A_354, %get3A_355] : memref<2x128x128xf32, #tpu.memory_space<vmem>> -> memref<1x128x128xf32, #tpu.memory_space<vmem>>
      %get3A_357 = tpu.memref_squeeze %get3A_356 : memref<1x128x128xf32, #tpu.memory_space<vmem>> -> memref<128x128xf32, #tpu.memory_space<vmem>>
      %get3A_358 = arith.index_cast %scan3A_274 : i32 to index
      %get3A_359 = arith.constant 80 : index
      %get3A_360 = tpu.vector_load %get3A_357[%get3A_358, %get3A_359] {strides = array<i32>} : memref<128x128xf32, #tpu.memory_space<vmem>>, vector<16xf32>,
      %get3A_361 = arith.constant 0 : i32
      %get3A_362 = arith.constant 0 : i32
      %get3A_363 = tpu.memref_slice %arg10[%scan3A_194, %get3A_361, %get3A_362] : memref<2x128x128xf32, #tpu.memory_space<vmem>> -> memref<1x128x128xf32, #tpu.memory_space<vmem>>
      %get3A_364 = tpu.memref_squeeze %get3A_363 : memref<1x128x128xf32, #tpu.memory_space<vmem>> -> memref<128x128xf32, #tpu.memory_space<vmem>>
      %get3A_365 = arith.index_cast %scan3A_274 : i32 to index
      %get3A_366 = arith.constant 80 : index
      %get3A_367 = tpu.vector_load %get3A_364[%get3A_365, %get3A_366] {strides = array<i32>} : memref<128x128xf32, #tpu.memory_space<vmem>>, vector<16xf32>,
      %mul3A_368 = arith.mulf %get3A_360, %get3A_367 : vector<16xf32>
      %add3A_369 = arith.addf %add3A_353, %mul3A_368 : vector<16xf32>
      %get3A_370 = arith.constant 0 : i32
      %get3A_371 = arith.constant 0 : i32
      %get3A_372 = tpu.memref_slice %arg9[%scan3A_193, %get3A_370, %get3A_371] : memref<2x128x128xf32, #tpu.memory_space<vmem>> -> memref<1x128x128xf32, #tpu.memory_space<vmem>>
      %get3A_373 = tpu.memref_squeeze %get3A_372 : memref<1x128x128xf32, #tpu.memory_space<vmem>> -> memref<128x128xf32, #tpu.memory_space<vmem>>
      %get3A_374 = arith.index_cast %scan3A_274 : i32 to index
      %get3A_375 = arith.constant 96 : index
      %get3A_376 = tpu.vector_load %get3A_373[%get3A_374, %get3A_375] {strides = array<i32>} : memref<128x128xf32, #tpu.memory_space<vmem>>, vector<16xf32>,
      %get3A_377 = arith.constant 0 : i32
      %get3A_378 = arith.constant 0 : i32
      %get3A_379 = tpu.memref_slice %arg10[%scan3A_194, %get3A_377, %get3A_378] : memref<2x128x128xf32, #tpu.memory_space<vmem>> -> memref<1x128x128xf32, #tpu.memory_space<vmem>>
      %get3A_380 = tpu.memref_squeeze %get3A_379 : memref<1x128x128xf32, #tpu.memory_space<vmem>> -> memref<128x128xf32, #tpu.memory_space<vmem>>
      %get3A_381 = arith.index_cast %scan3A_274 : i32 to index
      %get3A_382 = arith.constant 96 : index
      %get3A_383 = tpu.vector_load %get3A_380[%get3A_381, %get3A_382] {strides = array<i32>} : memref<128x128xf32, #tpu.memory_space<vmem>>, vector<16xf32>,
      %mul3A_384 = arith.mulf %get3A_376, %get3A_383 : vector<16xf32>
      %add3A_385 = arith.addf %add3A_369, %mul3A_384 : vector<16xf32>
      %get3A_386 = arith.constant 0 : i32
      %get3A_387 = arith.constant 0 : i32
      %get3A_388 = tpu.memref_slice %arg9[%scan3A_193, %get3A_386, %get3A_387] : memref<2x128x128xf32, #tpu.memory_space<vmem>> -> memref<1x128x128xf32, #tpu.memory_space<vmem>>
      %get3A_389 = tpu.memref_squeeze %get3A_388 : memref<1x128x128xf32, #tpu.memory_space<vmem>> -> memref<128x128xf32, #tpu.memory_space<vmem>>
      %get3A_390 = arith.index_cast %scan3A_274 : i32 to index
      %get3A_391 = arith.constant 112 : index
      %get3A_392 = tpu.vector_load %get3A_389[%get3A_390, %get3A_391] {strides = array<i32>} : memref<128x128xf32, #tpu.memory_space<vmem>>, vector<16xf32>,
      %get3A_393 = arith.constant 0 : i32
      %get3A_394 = arith.constant 0 : i32
      %get3A_395 = tpu.memref_slice %arg10[%scan3A_194, %get3A_393, %get3A_394] : memref<2x128x128xf32, #tpu.memory_space<vmem>> -> memref<1x128x128xf32, #tpu.memory_space<vmem>>
      %get3A_396 = tpu.memref_squeeze %get3A_395 : memref<1x128x128xf32, #tpu.memory_space<vmem>> -> memref<128x128xf32, #tpu.memory_space<vmem>>
      %get3A_397 = arith.index_cast %scan3A_274 : i32 to index
      %get3A_398 = arith.constant 112 : index
      %get3A_399 = tpu.vector_load %get3A_396[%get3A_397, %get3A_398] {strides = array<i32>} : memref<128x128xf32, #tpu.memory_space<vmem>>, vector<16xf32>,
      %mul3A_400 = arith.mulf %get3A_392, %get3A_399 : vector<16xf32>
      %add3A_401 = arith.addf %add3A_385, %mul3A_400 : vector<16xf32>
      %broadcast_in_dim3A_402 = arith.constant true
      %broadcast_in_dim3A_403 = vector.broadcast %broadcast_in_dim3A_402 : i1 to vector<16xi1>
      %masked_cumsum3A = tpu.scan <sum>, %add3A_401 masked %broadcast_in_dim3A_403 : vector<16xf32>, vector<16xi1> -> vector<16xf32>
      %lt3A = arith.constant 0 : i32
      %lt3A_404 = vector.broadcast %lt3A : i32 to vector<16xi32>
      %lt3A_405 = arith.cmpi slt, %broadcast_in_dim3A_190, %lt3A_404 : vector<16xi32>
      %add3A_406 = arith.constant 16 : i32
      %add3A_407 = vector.broadcast %add3A_406 : i32 to vector<16xi32>
      %add3A_408 = arith.addi %broadcast_in_dim3A_190, %add3A_407 : vector<16xi32>
      %select_n3A = arith.select %lt3A_405, %add3A_408, %broadcast_in_dim3A_190 : vector<16xi1>, vector<16xi32>
      %broadcast_in_dim3A_409 = vector.shape_cast %select_n3A : vector<16xi32> to vector<16x1xi32>
      %gather3A = vector.shape_cast %broadcast_in_dim3A_409 : vector<16x1xi32> to vector<16xi32>
      %gather3A_410 = tpu.dynamic_gather %masked_cumsum3A[%gather3A] in [0] : vector<16xf32>, vector<16xi32> -> vector<16xf32>
      %and3A = arith.constant 15 : i32
      %and3A_411 = arith.andi %scan3A_274, %and3A : i32
      %eq3A = vector.broadcast %and3A_411 : i32 to vector<16xi32>
      %eq3A_412 = arith.cmpi eq, %iota3A_188, %eq3A : vector<16xi32>
      %select_n3A_413 = arith.select %eq3A_412, %gather3A_410, %scan3A_275 : vector<16xi1>, vector<16xf32>
      %and3A_414 = arith.constant 15 : i32
      %and3A_415 = arith.andi %scan3A_274, %and3A_414 : i32
      %eq3A_416 = arith.constant 15 : i32
      %eq3A_417 = arith.cmpi eq, %and3A_415, %eq3A_416 : i32
      %convert_element_type3A = arith.extui %eq3A_417 : i1 to i32
      %cond3A = arith.constant 0 : i32
      %cond3A_418 = arith.cmpi ne, %convert_element_type3A, %cond3A : i32
      scf.if %cond3A_418 {
        %neg3A = arith.constant 0.000000e+00 : f32
        %neg3A_881 = vector.broadcast %neg3A : f32 to vector<16xf32>
        %neg3A_882 = arith.subf %neg3A_881, %select_n3A_413 : vector<16xf32>
        %exp3A = math.exp %neg3A_882 : vector<16xf32>
        %add3A_883 = arith.constant 1.000000e+00 : f32
        %add3A_884 = vector.broadcast %add3A_883 : f32 to vector<16xf32>
        %add3A_885 = arith.addf %add3A_884, %exp3A : vector<16xf32>
        %div3A = arith.constant 1.000000e+00 : f32
        %div3A_886 = vector.broadcast %div3A : f32 to vector<16xf32>
        %div3A_887 = arith.divf %div3A_886, %add3A_885 : vector<16xf32>
        %add3A_888 = arith.constant 256 : i32
        %add3A_889 = arith.addi %add3A_888, %scan3A_274 : i32
        %sub3A = arith.constant 15 : i32
        %sub3A_890 = arith.subi %add3A_889, %sub3A : i32
        %swap3A = arith.index_cast %sub3A_890 : i32 to index
        %swap3A_891 = tpu.vector_load %arg11[%swap3A] {strides = array<i32>} : memref<512xf32, #tpu.memory_space<vmem>>, vector<16xf32>,
        tpu.vector_store %arg11[%swap3A], %div3A_887 {strides = array<i32>} : memref<512xf32, #tpu.memory_space<vmem>>, vector<16xf32>,
      } else {
      }
      %scan3A_419 = arith.constant 1 : i32
      %scan3A_420 = arith.addi %scan3A_274, %scan3A_419 : i32
      %get3A_421 = arith.constant 0 : i32
      %get3A_422 = arith.constant 0 : i32
      %get3A_423 = tpu.memref_slice %arg9[%scan3A_193, %get3A_421, %get3A_422] : memref<2x128x128xf32, #tpu.memory_space<vmem>> -> memref<1x128x128xf32, #tpu.memory_space<vmem>>
      %get3A_424 = tpu.memref_squeeze %get3A_423 : memref<1x128x128xf32, #tpu.memory_space<vmem>> -> memref<128x128xf32, #tpu.memory_space<vmem>>
      %get3A_425 = arith.index_cast %scan3A_420 : i32 to index
      %get3A_426 = arith.constant 0 : index
      %get3A_427 = tpu.vector_load %get3A_424[%get3A_425, %get3A_426] {strides = array<i32>} : memref<128x128xf32, #tpu.memory_space<vmem>>, vector<16xf32>,
      %get3A_428 = arith.constant 0 : i32
      %get3A_429 = arith.constant 0 : i32
      %get3A_430 = tpu.memref_slice %arg10[%scan3A_194, %get3A_428, %get3A_429] : memref<2x128x128xf32, #tpu.memory_space<vmem>> -> memref<1x128x128xf32, #tpu.memory_space<vmem>>
      %get3A_431 = tpu.memref_squeeze %get3A_430 : memref<1x128x128xf32, #tpu.memory_space<vmem>> -> memref<128x128xf32, #tpu.memory_space<vmem>>
      %get3A_432 = arith.index_cast %scan3A_420 : i32 to index
      %get3A_433 = arith.constant 0 : index
      %get3A_434 = tpu.vector_load %get3A_431[%get3A_432, %get3A_433] {strides = array<i32>} : memref<128x128xf32, #tpu.memory_space<vmem>>, vector<16xf32>,
      %mul3A_435 = arith.mulf %get3A_427, %get3A_434 : vector<16xf32>
      %get3A_436 = arith.constant 0 : i32
      %get3A_437 = arith.constant 0 : i32
      %get3A_438 = tpu.memref_slice %arg9[%scan3A_193, %get3A_436, %get3A_437] : memref<2x128x128xf32, #tpu.memory_space<vmem>> -> memref<1x128x128xf32, #tpu.memory_space<vmem>>
      %get3A_439 = tpu.memref_squeeze %get3A_438 : memref<1x128x128xf32, #tpu.memory_space<vmem>> -> memref<128x128xf32, #tpu.memory_space<vmem>>
      %get3A_440 = arith.index_cast %scan3A_420 : i32 to index
      %get3A_441 = arith.constant 16 : index
      %get3A_442 = tpu.vector_load %get3A_439[%get3A_440, %get3A_441] {strides = array<i32>} : memref<128x128xf32, #tpu.memory_space<vmem>>, vector<16xf32>,
      %get3A_443 = arith.constant 0 : i32
      %get3A_444 = arith.constant 0 : i32
      %get3A_445 = tpu.memref_slice %arg10[%scan3A_194, %get3A_443, %get3A_444] : memref<2x128x128xf32, #tpu.memory_space<vmem>> -> memref<1x128x128xf32, #tpu.memory_space<vmem>>
      %get3A_446 = tpu.memref_squeeze %get3A_445 : memref<1x128x128xf32, #tpu.memory_space<vmem>> -> memref<128x128xf32, #tpu.memory_space<vmem>>
      %get3A_447 = arith.index_cast %scan3A_420 : i32 to index
      %get3A_448 = arith.constant 16 : index
      %get3A_449 = tpu.vector_load %get3A_446[%get3A_447, %get3A_448] {strides = array<i32>} : memref<128x128xf32, #tpu.memory_space<vmem>>, vector<16xf32>,
      %mul3A_450 = arith.mulf %get3A_442, %get3A_449 : vector<16xf32>
      %add3A_451 = arith.addf %mul3A_435, %mul3A_450 : vector<16xf32>
      %get3A_452 = arith.constant 0 : i32
      %get3A_453 = arith.constant 0 : i32
      %get3A_454 = tpu.memref_slice %arg9[%scan3A_193, %get3A_452, %get3A_453] : memref<2x128x128xf32, #tpu.memory_space<vmem>> -> memref<1x128x128xf32, #tpu.memory_space<vmem>>
      %get3A_455 = tpu.memref_squeeze %get3A_454 : memref<1x128x128xf32, #tpu.memory_space<vmem>> -> memref<128x128xf32, #tpu.memory_space<vmem>>
      %get3A_456 = arith.index_cast %scan3A_420 : i32 to index
      %get3A_457 = arith.constant 32 : index
      %get3A_458 = tpu.vector_load %get3A_455[%get3A_456, %get3A_457] {strides = array<i32>} : memref<128x128xf32, #tpu.memory_space<vmem>>, vector<16xf32>,
      %get3A_459 = arith.constant 0 : i32
      %get3A_460 = arith.constant 0 : i32
      %get3A_461 = tpu.memref_slice %arg10[%scan3A_194, %get3A_459, %get3A_460] : memref<2x128x128xf32, #tpu.memory_space<vmem>> -> memref<1x128x128xf32, #tpu.memory_space<vmem>>
      %get3A_462 = tpu.memref_squeeze %get3A_461 : memref<1x128x128xf32, #tpu.memory_space<vmem>> -> memref<128x128xf32, #tpu.memory_space<vmem>>
      %get3A_463 = arith.index_cast %scan3A_420 : i32 to index
      %get3A_464 = arith.constant 32 : index
      %get3A_465 = tpu.vector_load %get3A_462[%get3A_463, %get3A_464] {strides = array<i32>} : memref<128x128xf32, #tpu.memory_space<vmem>>, vector<16xf32>,
      %mul3A_466 = arith.mulf %get3A_458, %get3A_465 : vector<16xf32>
      %add3A_467 = arith.addf %add3A_451, %mul3A_466 : vector<16xf32>
      %get3A_468 = arith.constant 0 : i32
      %get3A_469 = arith.constant 0 : i32
      %get3A_470 = tpu.memref_slice %arg9[%scan3A_193, %get3A_468, %get3A_469] : memref<2x128x128xf32, #tpu.memory_space<vmem>> -> memref<1x128x128xf32, #tpu.memory_space<vmem>>
      %get3A_471 = tpu.memref_squeeze %get3A_470 : memref<1x128x128xf32, #tpu.memory_space<vmem>> -> memref<128x128xf32, #tpu.memory_space<vmem>>
      %get3A_472 = arith.index_cast %scan3A_420 : i32 to index
      %get3A_473 = arith.constant 48 : index
      %get3A_474 = tpu.vector_load %get3A_471[%get3A_472, %get3A_473] {strides = array<i32>} : memref<128x128xf32, #tpu.memory_space<vmem>>, vector<16xf32>,
      %get3A_475 = arith.constant 0 : i32
      %get3A_476 = arith.constant 0 : i32
      %get3A_477 = tpu.memref_slice %arg10[%scan3A_194, %get3A_475, %get3A_476] : memref<2x128x128xf32, #tpu.memory_space<vmem>> -> memref<1x128x128xf32, #tpu.memory_space<vmem>>
      %get3A_478 = tpu.memref_squeeze %get3A_477 : memref<1x128x128xf32, #tpu.memory_space<vmem>> -> memref<128x128xf32, #tpu.memory_space<vmem>>
      %get3A_479 = arith.index_cast %scan3A_420 : i32 to index
      %get3A_480 = arith.constant 48 : index
      %get3A_481 = tpu.vector_load %get3A_478[%get3A_479, %get3A_480] {strides = array<i32>} : memref<128x128xf32, #tpu.memory_space<vmem>>, vector<16xf32>,
      %mul3A_482 = arith.mulf %get3A_474, %get3A_481 : vector<16xf32>
      %add3A_483 = arith.addf %add3A_467, %mul3A_482 : vector<16xf32>
      %get3A_484 = arith.constant 0 : i32
      %get3A_485 = arith.constant 0 : i32
      %get3A_486 = tpu.memref_slice %arg9[%scan3A_193, %get3A_484, %get3A_485] : memref<2x128x128xf32, #tpu.memory_space<vmem>> -> memref<1x128x128xf32, #tpu.memory_space<vmem>>
      %get3A_487 = tpu.memref_squeeze %get3A_486 : memref<1x128x128xf32, #tpu.memory_space<vmem>> -> memref<128x128xf32, #tpu.memory_space<vmem>>
      %get3A_488 = arith.index_cast %scan3A_420 : i32 to index
      %get3A_489 = arith.constant 64 : index
      %get3A_490 = tpu.vector_load %get3A_487[%get3A_488, %get3A_489] {strides = array<i32>} : memref<128x128xf32, #tpu.memory_space<vmem>>, vector<16xf32>,
      %get3A_491 = arith.constant 0 : i32
      %get3A_492 = arith.constant 0 : i32
      %get3A_493 = tpu.memref_slice %arg10[%scan3A_194, %get3A_491, %get3A_492] : memref<2x128x128xf32, #tpu.memory_space<vmem>> -> memref<1x128x128xf32, #tpu.memory_space<vmem>>
      %get3A_494 = tpu.memref_squeeze %get3A_493 : memref<1x128x128xf32, #tpu.memory_space<vmem>> -> memref<128x128xf32, #tpu.memory_space<vmem>>
      %get3A_495 = arith.index_cast %scan3A_420 : i32 to index
      %get3A_496 = arith.constant 64 : index
      %get3A_497 = tpu.vector_load %get3A_494[%get3A_495, %get3A_496] {strides = array<i32>} : memref<128x128xf32, #tpu.memory_space<vmem>>, vector<16xf32>,
      %mul3A_498 = arith.mulf %get3A_490, %get3A_497 : vector<16xf32>
      %add3A_499 = arith.addf %add3A_483, %mul3A_498 : vector<16xf32>
      %get3A_500 = arith.constant 0 : i32
      %get3A_501 = arith.constant 0 : i32
      %get3A_502 = tpu.memref_slice %arg9[%scan3A_193, %get3A_500, %get3A_501] : memref<2x128x128xf32, #tpu.memory_space<vmem>> -> memref<1x128x128xf32, #tpu.memory_space<vmem>>
      %get3A_503 = tpu.memref_squeeze %get3A_502 : memref<1x128x128xf32, #tpu.memory_space<vmem>> -> memref<128x128xf32, #tpu.memory_space<vmem>>
      %get3A_504 = arith.index_cast %scan3A_420 : i32 to index
      %get3A_505 = arith.constant 80 : index
      %get3A_506 = tpu.vector_load %get3A_503[%get3A_504, %get3A_505] {strides = array<i32>} : memref<128x128xf32, #tpu.memory_space<vmem>>, vector<16xf32>,
      %get3A_507 = arith.constant 0 : i32
      %get3A_508 = arith.constant 0 : i32
      %get3A_509 = tpu.memref_slice %arg10[%scan3A_194, %get3A_507, %get3A_508] : memref<2x128x128xf32, #tpu.memory_space<vmem>> -> memref<1x128x128xf32, #tpu.memory_space<vmem>>
      %get3A_510 = tpu.memref_squeeze %get3A_509 : memref<1x128x128xf32, #tpu.memory_space<vmem>> -> memref<128x128xf32, #tpu.memory_space<vmem>>
      %get3A_511 = arith.index_cast %scan3A_420 : i32 to index
      %get3A_512 = arith.constant 80 : index
      %get3A_513 = tpu.vector_load %get3A_510[%get3A_511, %get3A_512] {strides = array<i32>} : memref<128x128xf32, #tpu.memory_space<vmem>>, vector<16xf32>,
      %mul3A_514 = arith.mulf %get3A_506, %get3A_513 : vector<16xf32>
      %add3A_515 = arith.addf %add3A_499, %mul3A_514 : vector<16xf32>
      %get3A_516 = arith.constant 0 : i32
      %get3A_517 = arith.constant 0 : i32
      %get3A_518 = tpu.memref_slice %arg9[%scan3A_193, %get3A_516, %get3A_517] : memref<2x128x128xf32, #tpu.memory_space<vmem>> -> memref<1x128x128xf32, #tpu.memory_space<vmem>>
      %get3A_519 = tpu.memref_squeeze %get3A_518 : memref<1x128x128xf32, #tpu.memory_space<vmem>> -> memref<128x128xf32, #tpu.memory_space<vmem>>
      %get3A_520 = arith.index_cast %scan3A_420 : i32 to index
      %get3A_521 = arith.constant 96 : index
      %get3A_522 = tpu.vector_load %get3A_519[%get3A_520, %get3A_521] {strides = array<i32>} : memref<128x128xf32, #tpu.memory_space<vmem>>, vector<16xf32>,
      %get3A_523 = arith.constant 0 : i32
      %get3A_524 = arith.constant 0 : i32
      %get3A_525 = tpu.memref_slice %arg10[%scan3A_194, %get3A_523, %get3A_524] : memref<2x128x128xf32, #tpu.memory_space<vmem>> -> memref<1x128x128xf32, #tpu.memory_space<vmem>>
      %get3A_526 = tpu.memref_squeeze %get3A_525 : memref<1x128x128xf32, #tpu.memory_space<vmem>> -> memref<128x128xf32, #tpu.memory_space<vmem>>
      %get3A_527 = arith.index_cast %scan3A_420 : i32 to index
      %get3A_528 = arith.constant 96 : index
      %get3A_529 = tpu.vector_load %get3A_526[%get3A_527, %get3A_528] {strides = array<i32>} : memref<128x128xf32, #tpu.memory_space<vmem>>, vector<16xf32>,
      %mul3A_530 = arith.mulf %get3A_522, %get3A_529 : vector<16xf32>
      %add3A_531 = arith.addf %add3A_515, %mul3A_530 : vector<16xf32>
      %get3A_532 = arith.constant 0 : i32
      %get3A_533 = arith.constant 0 : i32
      %get3A_534 = tpu.memref_slice %arg9[%scan3A_193, %get3A_532, %get3A_533] : memref<2x128x128xf32, #tpu.memory_space<vmem>> -> memref<1x128x128xf32, #tpu.memory_space<vmem>>
      %get3A_535 = tpu.memref_squeeze %get3A_534 : memref<1x128x128xf32, #tpu.memory_space<vmem>> -> memref<128x128xf32, #tpu.memory_space<vmem>>
      %get3A_536 = arith.index_cast %scan3A_420 : i32 to index
      %get3A_537 = arith.constant 112 : index
      %get3A_538 = tpu.vector_load %get3A_535[%get3A_536, %get3A_537] {strides = array<i32>} : memref<128x128xf32, #tpu.memory_space<vmem>>, vector<16xf32>,
      %get3A_539 = arith.constant 0 : i32
      %get3A_540 = arith.constant 0 : i32
      %get3A_541 = tpu.memref_slice %arg10[%scan3A_194, %get3A_539, %get3A_540] : memref<2x128x128xf32, #tpu.memory_space<vmem>> -> memref<1x128x128xf32, #tpu.memory_space<vmem>>
      %get3A_542 = tpu.memref_squeeze %get3A_541 : memref<1x128x128xf32, #tpu.memory_space<vmem>> -> memref<128x128xf32, #tpu.memory_space<vmem>>
      %get3A_543 = arith.index_cast %scan3A_420 : i32 to index
      %get3A_544 = arith.constant 112 : index
      %get3A_545 = tpu.vector_load %get3A_542[%get3A_543, %get3A_544] {strides = array<i32>} : memref<128x128xf32, #tpu.memory_space<vmem>>, vector<16xf32>,
      %mul3A_546 = arith.mulf %get3A_538, %get3A_545 : vector<16xf32>
      %add3A_547 = arith.addf %add3A_531, %mul3A_546 : vector<16xf32>
      %broadcast_in_dim3A_548 = arith.constant true
      %broadcast_in_dim3A_549 = vector.broadcast %broadcast_in_dim3A_548 : i1 to vector<16xi1>
      %masked_cumsum3A_550 = tpu.scan <sum>, %add3A_547 masked %broadcast_in_dim3A_549 : vector<16xf32>, vector<16xi1> -> vector<16xf32>
      %lt3A_551 = arith.constant 0 : i32
      %lt3A_552 = vector.broadcast %lt3A_551 : i32 to vector<16xi32>
      %lt3A_553 = arith.cmpi slt, %broadcast_in_dim3A_190, %lt3A_552 : vector<16xi32>
      %add3A_554 = arith.constant 16 : i32
      %add3A_555 = vector.broadcast %add3A_554 : i32 to vector<16xi32>
      %add3A_556 = arith.addi %broadcast_in_dim3A_190, %add3A_555 : vector<16xi32>
      %select_n3A_557 = arith.select %lt3A_553, %add3A_556, %broadcast_in_dim3A_190 : vector<16xi1>, vector<16xi32>
      %broadcast_in_dim3A_558 = vector.shape_cast %select_n3A_557 : vector<16xi32> to vector<16x1xi32>
      %gather3A_559 = vector.shape_cast %broadcast_in_dim3A_558 : vector<16x1xi32> to vector<16xi32>
      %gather3A_560 = tpu.dynamic_gather %masked_cumsum3A_550[%gather3A_559] in [0] : vector<16xf32>, vector<16xi32> -> vector<16xf32>
      %and3A_561 = arith.constant 15 : i32
      %and3A_562 = arith.andi %scan3A_420, %and3A_561 : i32
      %eq3A_563 = vector.broadcast %and3A_562 : i32 to vector<16xi32>
      %eq3A_564 = arith.cmpi eq, %iota3A_188, %eq3A_563 : vector<16xi32>
      %select_n3A_565 = arith.select %eq3A_564, %gather3A_560, %select_n3A_413 : vector<16xi1>, vector<16xf32>
      %and3A_566 = arith.constant 15 : i32
      %and3A_567 = arith.andi %scan3A_420, %and3A_566 : i32
      %eq3A_568 = arith.constant 15 : i32
      %eq3A_569 = arith.cmpi eq, %and3A_567, %eq3A_568 : i32
      %convert_element_type3A_570 = arith.extui %eq3A_569 : i1 to i32
      %cond3A_571 = arith.constant 0 : i32
      %cond3A_572 = arith.cmpi ne, %convert_element_type3A_570, %cond3A_571 : i32
      scf.if %cond3A_572 {
        %neg3A = arith.constant 0.000000e+00 : f32
        %neg3A_881 = vector.broadcast %neg3A : f32 to vector<16xf32>
        %neg3A_882 = arith.subf %neg3A_881, %select_n3A_565 : vector<16xf32>
        %exp3A = math.exp %neg3A_882 : vector<16xf32>
        %add3A_883 = arith.constant 1.000000e+00 : f32
        %add3A_884 = vector.broadcast %add3A_883 : f32 to vector<16xf32>
        %add3A_885 = arith.addf %add3A_884, %exp3A : vector<16xf32>
        %div3A = arith.constant 1.000000e+00 : f32
        %div3A_886 = vector.broadcast %div3A : f32 to vector<16xf32>
        %div3A_887 = arith.divf %div3A_886, %add3A_885 : vector<16xf32>
        %add3A_888 = arith.constant 256 : i32
        %add3A_889 = arith.addi %add3A_888, %scan3A_420 : i32
        %sub3A = arith.constant 15 : i32
        %sub3A_890 = arith.subi %add3A_889, %sub3A : i32
        %swap3A = arith.index_cast %sub3A_890 : i32 to index
        %swap3A_891 = tpu.vector_load %arg11[%swap3A] {strides = array<i32>} : memref<512xf32, #tpu.memory_space<vmem>>, vector<16xf32>,
        tpu.vector_store %arg11[%swap3A], %div3A_887 {strides = array<i32>} : memref<512xf32, #tpu.memory_space<vmem>>, vector<16xf32>,
      } else {
      }
      %scan3A_573 = arith.constant 2 : i32
      %scan3A_574 = arith.addi %scan3A_274, %scan3A_573 : i32
      %get3A_575 = arith.constant 0 : i32
      %get3A_576 = arith.constant 0 : i32
      %get3A_577 = tpu.memref_slice %arg9[%scan3A_193, %get3A_575, %get3A_576] : memref<2x128x128xf32, #tpu.memory_space<vmem>> -> memref<1x128x128xf32, #tpu.memory_space<vmem>>
      %get3A_578 = tpu.memref_squeeze %get3A_577 : memref<1x128x128xf32, #tpu.memory_space<vmem>> -> memref<128x128xf32, #tpu.memory_space<vmem>>
      %get3A_579 = arith.index_cast %scan3A_574 : i32 to index
      %get3A_580 = arith.constant 0 : index
      %get3A_581 = tpu.vector_load %get3A_578[%get3A_579, %get3A_580] {strides = array<i32>} : memref<128x128xf32, #tpu.memory_space<vmem>>, vector<16xf32>,
      %get3A_582 = arith.constant 0 : i32
      %get3A_583 = arith.constant 0 : i32
      %get3A_584 = tpu.memref_slice %arg10[%scan3A_194, %get3A_582, %get3A_583] : memref<2x128x128xf32, #tpu.memory_space<vmem>> -> memref<1x128x128xf32, #tpu.memory_space<vmem>>
      %get3A_585 = tpu.memref_squeeze %get3A_584 : memref<1x128x128xf32, #tpu.memory_space<vmem>> -> memref<128x128xf32, #tpu.memory_space<vmem>>
      %get3A_586 = arith.index_cast %scan3A_574 : i32 to index
      %get3A_587 = arith.constant 0 : index
      %get3A_588 = tpu.vector_load %get3A_585[%get3A_586, %get3A_587] {strides = array<i32>} : memref<128x128xf32, #tpu.memory_space<vmem>>, vector<16xf32>,
      %mul3A_589 = arith.mulf %get3A_581, %get3A_588 : vector<16xf32>
      %get3A_590 = arith.constant 0 : i32
      %get3A_591 = arith.constant 0 : i32
      %get3A_592 = tpu.memref_slice %arg9[%scan3A_193, %get3A_590, %get3A_591] : memref<2x128x128xf32, #tpu.memory_space<vmem>> -> memref<1x128x128xf32, #tpu.memory_space<vmem>>
      %get3A_593 = tpu.memref_squeeze %get3A_592 : memref<1x128x128xf32, #tpu.memory_space<vmem>> -> memref<128x128xf32, #tpu.memory_space<vmem>>
      %get3A_594 = arith.index_cast %scan3A_574 : i32 to index
      %get3A_595 = arith.constant 16 : index
      %get3A_596 = tpu.vector_load %get3A_593[%get3A_594, %get3A_595] {strides = array<i32>} : memref<128x128xf32, #tpu.memory_space<vmem>>, vector<16xf32>,
      %get3A_597 = arith.constant 0 : i32
      %get3A_598 = arith.constant 0 : i32
      %get3A_599 = tpu.memref_slice %arg10[%scan3A_194, %get3A_597, %get3A_598] : memref<2x128x128xf32, #tpu.memory_space<vmem>> -> memref<1x128x128xf32, #tpu.memory_space<vmem>>
      %get3A_600 = tpu.memref_squeeze %get3A_599 : memref<1x128x128xf32, #tpu.memory_space<vmem>> -> memref<128x128xf32, #tpu.memory_space<vmem>>
      %get3A_601 = arith.index_cast %scan3A_574 : i32 to index
      %get3A_602 = arith.constant 16 : index
      %get3A_603 = tpu.vector_load %get3A_600[%get3A_601, %get3A_602] {strides = array<i32>} : memref<128x128xf32, #tpu.memory_space<vmem>>, vector<16xf32>,
      %mul3A_604 = arith.mulf %get3A_596, %get3A_603 : vector<16xf32>
      %add3A_605 = arith.addf %mul3A_589, %mul3A_604 : vector<16xf32>
      %get3A_606 = arith.constant 0 : i32
      %get3A_607 = arith.constant 0 : i32
      %get3A_608 = tpu.memref_slice %arg9[%scan3A_193, %get3A_606, %get3A_607] : memref<2x128x128xf32, #tpu.memory_space<vmem>> -> memref<1x128x128xf32, #tpu.memory_space<vmem>>
      %get3A_609 = tpu.memref_squeeze %get3A_608 : memref<1x128x128xf32, #tpu.memory_space<vmem>> -> memref<128x128xf32, #tpu.memory_space<vmem>>
      %get3A_610 = arith.index_cast %scan3A_574 : i32 to index
      %get3A_611 = arith.constant 32 : index
      %get3A_612 = tpu.vector_load %get3A_609[%get3A_610, %get3A_611] {strides = array<i32>} : memref<128x128xf32, #tpu.memory_space<vmem>>, vector<16xf32>,
      %get3A_613 = arith.constant 0 : i32
      %get3A_614 = arith.constant 0 : i32
      %get3A_615 = tpu.memref_slice %arg10[%scan3A_194, %get3A_613, %get3A_614] : memref<2x128x128xf32, #tpu.memory_space<vmem>> -> memref<1x128x128xf32, #tpu.memory_space<vmem>>
      %get3A_616 = tpu.memref_squeeze %get3A_615 : memref<1x128x128xf32, #tpu.memory_space<vmem>> -> memref<128x128xf32, #tpu.memory_space<vmem>>
      %get3A_617 = arith.index_cast %scan3A_574 : i32 to index
      %get3A_618 = arith.constant 32 : index
      %get3A_619 = tpu.vector_load %get3A_616[%get3A_617, %get3A_618] {strides = array<i32>} : memref<128x128xf32, #tpu.memory_space<vmem>>, vector<16xf32>,
      %mul3A_620 = arith.mulf %get3A_612, %get3A_619 : vector<16xf32>
      %add3A_621 = arith.addf %add3A_605, %mul3A_620 : vector<16xf32>
      %get3A_622 = arith.constant 0 : i32
      %get3A_623 = arith.constant 0 : i32
      %get3A_624 = tpu.memref_slice %arg9[%scan3A_193, %get3A_622, %get3A_623] : memref<2x128x128xf32, #tpu.memory_space<vmem>> -> memref<1x128x128xf32, #tpu.memory_space<vmem>>
      %get3A_625 = tpu.memref_squeeze %get3A_624 : memref<1x128x128xf32, #tpu.memory_space<vmem>> -> memref<128x128xf32, #tpu.memory_space<vmem>>
      %get3A_626 = arith.index_cast %scan3A_574 : i32 to index
      %get3A_627 = arith.constant 48 : index
      %get3A_628 = tpu.vector_load %get3A_625[%get3A_626, %get3A_627] {strides = array<i32>} : memref<128x128xf32, #tpu.memory_space<vmem>>, vector<16xf32>,
      %get3A_629 = arith.constant 0 : i32
      %get3A_630 = arith.constant 0 : i32
      %get3A_631 = tpu.memref_slice %arg10[%scan3A_194, %get3A_629, %get3A_630] : memref<2x128x128xf32, #tpu.memory_space<vmem>> -> memref<1x128x128xf32, #tpu.memory_space<vmem>>
      %get3A_632 = tpu.memref_squeeze %get3A_631 : memref<1x128x128xf32, #tpu.memory_space<vmem>> -> memref<128x128xf32, #tpu.memory_space<vmem>>
      %get3A_633 = arith.index_cast %scan3A_574 : i32 to index
      %get3A_634 = arith.constant 48 : index
      %get3A_635 = tpu.vector_load %get3A_632[%get3A_633, %get3A_634] {strides = array<i32>} : memref<128x128xf32, #tpu.memory_space<vmem>>, vector<16xf32>,
      %mul3A_636 = arith.mulf %get3A_628, %get3A_635 : vector<16xf32>
      %add3A_637 = arith.addf %add3A_621, %mul3A_636 : vector<16xf32>
      %get3A_638 = arith.constant 0 : i32
      %get3A_639 = arith.constant 0 : i32
      %get3A_640 = tpu.memref_slice %arg9[%scan3A_193, %get3A_638, %get3A_639] : memref<2x128x128xf32, #tpu.memory_space<vmem>> -> memref<1x128x128xf32, #tpu.memory_space<vmem>>
      %get3A_641 = tpu.memref_squeeze %get3A_640 : memref<1x128x128xf32, #tpu.memory_space<vmem>> -> memref<128x128xf32, #tpu.memory_space<vmem>>
      %get3A_642 = arith.index_cast %scan3A_574 : i32 to index
      %get3A_643 = arith.constant 64 : index
      %get3A_644 = tpu.vector_load %get3A_641[%get3A_642, %get3A_643] {strides = array<i32>} : memref<128x128xf32, #tpu.memory_space<vmem>>, vector<16xf32>,
      %get3A_645 = arith.constant 0 : i32
      %get3A_646 = arith.constant 0 : i32
      %get3A_647 = tpu.memref_slice %arg10[%scan3A_194, %get3A_645, %get3A_646] : memref<2x128x128xf32, #tpu.memory_space<vmem>> -> memref<1x128x128xf32, #tpu.memory_space<vmem>>
      %get3A_648 = tpu.memref_squeeze %get3A_647 : memref<1x128x128xf32, #tpu.memory_space<vmem>> -> memref<128x128xf32, #tpu.memory_space<vmem>>
      %get3A_649 = arith.index_cast %scan3A_574 : i32 to index
      %get3A_650 = arith.constant 64 : index
      %get3A_651 = tpu.vector_load %get3A_648[%get3A_649, %get3A_650] {strides = array<i32>} : memref<128x128xf32, #tpu.memory_space<vmem>>, vector<16xf32>,
      %mul3A_652 = arith.mulf %get3A_644, %get3A_651 : vector<16xf32>
      %add3A_653 = arith.addf %add3A_637, %mul3A_652 : vector<16xf32>
      %get3A_654 = arith.constant 0 : i32
      %get3A_655 = arith.constant 0 : i32
      %get3A_656 = tpu.memref_slice %arg9[%scan3A_193, %get3A_654, %get3A_655] : memref<2x128x128xf32, #tpu.memory_space<vmem>> -> memref<1x128x128xf32, #tpu.memory_space<vmem>>
      %get3A_657 = tpu.memref_squeeze %get3A_656 : memref<1x128x128xf32, #tpu.memory_space<vmem>> -> memref<128x128xf32, #tpu.memory_space<vmem>>
      %get3A_658 = arith.index_cast %scan3A_574 : i32 to index
      %get3A_659 = arith.constant 80 : index
      %get3A_660 = tpu.vector_load %get3A_657[%get3A_658, %get3A_659] {strides = array<i32>} : memref<128x128xf32, #tpu.memory_space<vmem>>, vector<16xf32>,
      %get3A_661 = arith.constant 0 : i32
      %get3A_662 = arith.constant 0 : i32
      %get3A_663 = tpu.memref_slice %arg10[%scan3A_194, %get3A_661, %get3A_662] : memref<2x128x128xf32, #tpu.memory_space<vmem>> -> memref<1x128x128xf32, #tpu.memory_space<vmem>>
      %get3A_664 = tpu.memref_squeeze %get3A_663 : memref<1x128x128xf32, #tpu.memory_space<vmem>> -> memref<128x128xf32, #tpu.memory_space<vmem>>
      %get3A_665 = arith.index_cast %scan3A_574 : i32 to index
      %get3A_666 = arith.constant 80 : index
      %get3A_667 = tpu.vector_load %get3A_664[%get3A_665, %get3A_666] {strides = array<i32>} : memref<128x128xf32, #tpu.memory_space<vmem>>, vector<16xf32>,
      %mul3A_668 = arith.mulf %get3A_660, %get3A_667 : vector<16xf32>
      %add3A_669 = arith.addf %add3A_653, %mul3A_668 : vector<16xf32>
      %get3A_670 = arith.constant 0 : i32
      %get3A_671 = arith.constant 0 : i32
      %get3A_672 = tpu.memref_slice %arg9[%scan3A_193, %get3A_670, %get3A_671] : memref<2x128x128xf32, #tpu.memory_space<vmem>> -> memref<1x128x128xf32, #tpu.memory_space<vmem>>
      %get3A_673 = tpu.memref_squeeze %get3A_672 : memref<1x128x128xf32, #tpu.memory_space<vmem>> -> memref<128x128xf32, #tpu.memory_space<vmem>>
      %get3A_674 = arith.index_cast %scan3A_574 : i32 to index
      %get3A_675 = arith.constant 96 : index
      %get3A_676 = tpu.vector_load %get3A_673[%get3A_674, %get3A_675] {strides = array<i32>} : memref<128x128xf32, #tpu.memory_space<vmem>>, vector<16xf32>,
      %get3A_677 = arith.constant 0 : i32
      %get3A_678 = arith.constant 0 : i32
      %get3A_679 = tpu.memref_slice %arg10[%scan3A_194, %get3A_677, %get3A_678] : memref<2x128x128xf32, #tpu.memory_space<vmem>> -> memref<1x128x128xf32, #tpu.memory_space<vmem>>
      %get3A_680 = tpu.memref_squeeze %get3A_679 : memref<1x128x128xf32, #tpu.memory_space<vmem>> -> memref<128x128xf32, #tpu.memory_space<vmem>>
      %get3A_681 = arith.index_cast %scan3A_574 : i32 to index
      %get3A_682 = arith.constant 96 : index
      %get3A_683 = tpu.vector_load %get3A_680[%get3A_681, %get3A_682] {strides = array<i32>} : memref<128x128xf32, #tpu.memory_space<vmem>>, vector<16xf32>,
      %mul3A_684 = arith.mulf %get3A_676, %get3A_683 : vector<16xf32>
      %add3A_685 = arith.addf %add3A_669, %mul3A_684 : vector<16xf32>
      %get3A_686 = arith.constant 0 : i32
      %get3A_687 = arith.constant 0 : i32
      %get3A_688 = tpu.memref_slice %arg9[%scan3A_193, %get3A_686, %get3A_687] : memref<2x128x128xf32, #tpu.memory_space<vmem>> -> memref<1x128x128xf32, #tpu.memory_space<vmem>>
      %get3A_689 = tpu.memref_squeeze %get3A_688 : memref<1x128x128xf32, #tpu.memory_space<vmem>> -> memref<128x128xf32, #tpu.memory_space<vmem>>
      %get3A_690 = arith.index_cast %scan3A_574 : i32 to index
      %get3A_691 = arith.constant 112 : index
      %get3A_692 = tpu.vector_load %get3A_689[%get3A_690, %get3A_691] {strides = array<i32>} : memref<128x128xf32, #tpu.memory_space<vmem>>, vector<16xf32>,
      %get3A_693 = arith.constant 0 : i32
      %get3A_694 = arith.constant 0 : i32
      %get3A_695 = tpu.memref_slice %arg10[%scan3A_194, %get3A_693, %get3A_694] : memref<2x128x128xf32, #tpu.memory_space<vmem>> -> memref<1x128x128xf32, #tpu.memory_space<vmem>>
      %get3A_696 = tpu.memref_squeeze %get3A_695 : memref<1x128x128xf32, #tpu.memory_space<vmem>> -> memref<128x128xf32, #tpu.memory_space<vmem>>
      %get3A_697 = arith.index_cast %scan3A_574 : i32 to index
      %get3A_698 = arith.constant 112 : index
      %get3A_699 = tpu.vector_load %get3A_696[%get3A_697, %get3A_698] {strides = array<i32>} : memref<128x128xf32, #tpu.memory_space<vmem>>, vector<16xf32>,
      %mul3A_700 = arith.mulf %get3A_692, %get3A_699 : vector<16xf32>
      %add3A_701 = arith.addf %add3A_685, %mul3A_700 : vector<16xf32>
      %broadcast_in_dim3A_702 = arith.constant true
      %broadcast_in_dim3A_703 = vector.broadcast %broadcast_in_dim3A_702 : i1 to vector<16xi1>
      %masked_cumsum3A_704 = tpu.scan <sum>, %add3A_701 masked %broadcast_in_dim3A_703 : vector<16xf32>, vector<16xi1> -> vector<16xf32>
      %lt3A_705 = arith.constant 0 : i32
      %lt3A_706 = vector.broadcast %lt3A_705 : i32 to vector<16xi32>
      %lt3A_707 = arith.cmpi slt, %broadcast_in_dim3A_190, %lt3A_706 : vector<16xi32>
      %add3A_708 = arith.constant 16 : i32
      %add3A_709 = vector.broadcast %add3A_708 : i32 to vector<16xi32>
      %add3A_710 = arith.addi %broadcast_in_dim3A_190, %add3A_709 : vector<16xi32>
      %select_n3A_711 = arith.select %lt3A_707, %add3A_710, %broadcast_in_dim3A_190 : vector<16xi1>, vector<16xi32>
      %broadcast_in_dim3A_712 = vector.shape_cast %select_n3A_711 : vector<16xi32> to vector<16x1xi32>
      %gather3A_713 = vector.shape_cast %broadcast_in_dim3A_712 : vector<16x1xi32> to vector<16xi32>
      %gather3A_714 = tpu.dynamic_gather %masked_cumsum3A_704[%gather3A_713] in [0] : vector<16xf32>, vector<16xi32> -> vector<16xf32>
      %and3A_715 = arith.constant 15 : i32
      %and3A_716 = arith.andi %scan3A_574, %and3A_715 : i32
      %eq3A_717 = vector.broadcast %and3A_716 : i32 to vector<16xi32>
      %eq3A_718 = arith.cmpi eq, %iota3A_188, %eq3A_717 : vector<16xi32>
      %select_n3A_719 = arith.select %eq3A_718, %gather3A_714, %select_n3A_565 : vector<16xi1>, vector<16xf32>
      %and3A_720 = arith.constant 15 : i32
      %and3A_721 = arith.andi %scan3A_574, %and3A_720 : i32
      %eq3A_722 = arith.constant 15 : i32
      %eq3A_723 = arith.cmpi eq, %and3A_721, %eq3A_722 : i32
      %convert_element_type3A_724 = arith.extui %eq3A_723 : i1 to i32
      %cond3A_725 = arith.constant 0 : i32
      %cond3A_726 = arith.cmpi ne, %convert_element_type3A_724, %cond3A_725 : i32
      scf.if %cond3A_726 {
        %neg3A = arith.constant 0.000000e+00 : f32
        %neg3A_881 = vector.broadcast %neg3A : f32 to vector<16xf32>
        %neg3A_882 = arith.subf %neg3A_881, %select_n3A_719 : vector<16xf32>
        %exp3A = math.exp %neg3A_882 : vector<16xf32>
        %add3A_883 = arith.constant 1.000000e+00 : f32
        %add3A_884 = vector.broadcast %add3A_883 : f32 to vector<16xf32>
        %add3A_885 = arith.addf %add3A_884, %exp3A : vector<16xf32>
        %div3A = arith.constant 1.000000e+00 : f32
        %div3A_886 = vector.broadcast %div3A : f32 to vector<16xf32>
        %div3A_887 = arith.divf %div3A_886, %add3A_885 : vector<16xf32>
        %add3A_888 = arith.constant 256 : i32
        %add3A_889 = arith.addi %add3A_888, %scan3A_574 : i32
        %sub3A = arith.constant 15 : i32
        %sub3A_890 = arith.subi %add3A_889, %sub3A : i32
        %swap3A = arith.index_cast %sub3A_890 : i32 to index
        %swap3A_891 = tpu.vector_load %arg11[%swap3A] {strides = array<i32>} : memref<512xf32, #tpu.memory_space<vmem>>, vector<16xf32>,
        tpu.vector_store %arg11[%swap3A], %div3A_887 {strides = array<i32>} : memref<512xf32, #tpu.memory_space<vmem>>, vector<16xf32>,
      } else {
      }
      %scan3A_727 = arith.constant 3 : i32
      %scan3A_728 = arith.addi %scan3A_274, %scan3A_727 : i32
      %get3A_729 = arith.constant 0 : i32
      %get3A_730 = arith.constant 0 : i32
      %get3A_731 = tpu.memref_slice %arg9[%scan3A_193, %get3A_729, %get3A_730] : memref<2x128x128xf32, #tpu.memory_space<vmem>> -> memref<1x128x128xf32, #tpu.memory_space<vmem>>
      %get3A_732 = tpu.memref_squeeze %get3A_731 : memref<1x128x128xf32, #tpu.memory_space<vmem>> -> memref<128x128xf32, #tpu.memory_space<vmem>>
      %get3A_733 = arith.index_cast %scan3A_728 : i32 to index
      %get3A_734 = arith.constant 0 : index
      %get3A_735 = tpu.vector_load %get3A_732[%get3A_733, %get3A_734] {strides = array<i32>} : memref<128x128xf32, #tpu.memory_space<vmem>>, vector<16xf32>,
      %get3A_736 = arith.constant 0 : i32
      %get3A_737 = arith.constant 0 : i32
      %get3A_738 = tpu.memref_slice %arg10[%scan3A_194, %get3A_736, %get3A_737] : memref<2x128x128xf32, #tpu.memory_space<vmem>> -> memref<1x128x128xf32, #tpu.memory_space<vmem>>
      %get3A_739 = tpu.memref_squeeze %get3A_738 : memref<1x128x128xf32, #tpu.memory_space<vmem>> -> memref<128x128xf32, #tpu.memory_space<vmem>>
      %get3A_740 = arith.index_cast %scan3A_728 : i32 to index
      %get3A_741 = arith.constant 0 : index
      %get3A_742 = tpu.vector_load %get3A_739[%get3A_740, %get3A_741] {strides = array<i32>} : memref<128x128xf32, #tpu.memory_space<vmem>>, vector<16xf32>,
      %mul3A_743 = arith.mulf %get3A_735, %get3A_742 : vector<16xf32>
      %get3A_744 = arith.constant 0 : i32
      %get3A_745 = arith.constant 0 : i32
      %get3A_746 = tpu.memref_slice %arg9[%scan3A_193, %get3A_744, %get3A_745] : memref<2x128x128xf32, #tpu.memory_space<vmem>> -> memref<1x128x128xf32, #tpu.memory_space<vmem>>
      %get3A_747 = tpu.memref_squeeze %get3A_746 : memref<1x128x128xf32, #tpu.memory_space<vmem>> -> memref<128x128xf32, #tpu.memory_space<vmem>>
      %get3A_748 = arith.index_cast %scan3A_728 : i32 to index
      %get3A_749 = arith.constant 16 : index
      %get3A_750 = tpu.vector_load %get3A_747[%get3A_748, %get3A_749] {strides = array<i32>} : memref<128x128xf32, #tpu.memory_space<vmem>>, vector<16xf32>,
      %get3A_751 = arith.constant 0 : i32
      %get3A_752 = arith.constant 0 : i32
      %get3A_753 = tpu.memref_slice %arg10[%scan3A_194, %get3A_751, %get3A_752] : memref<2x128x128xf32, #tpu.memory_space<vmem>> -> memref<1x128x128xf32, #tpu.memory_space<vmem>>
      %get3A_754 = tpu.memref_squeeze %get3A_753 : memref<1x128x128xf32, #tpu.memory_space<vmem>> -> memref<128x128xf32, #tpu.memory_space<vmem>>
      %get3A_755 = arith.index_cast %scan3A_728 : i32 to index
      %get3A_756 = arith.constant 16 : index
      %get3A_757 = tpu.vector_load %get3A_754[%get3A_755, %get3A_756] {strides = array<i32>} : memref<128x128xf32, #tpu.memory_space<vmem>>, vector<16xf32>,
      %mul3A_758 = arith.mulf %get3A_750, %get3A_757 : vector<16xf32>
      %add3A_759 = arith.addf %mul3A_743, %mul3A_758 : vector<16xf32>
      %get3A_760 = arith.constant 0 : i32
      %get3A_761 = arith.constant 0 : i32
      %get3A_762 = tpu.memref_slice %arg9[%scan3A_193, %get3A_760, %get3A_761] : memref<2x128x128xf32, #tpu.memory_space<vmem>> -> memref<1x128x128xf32, #tpu.memory_space<vmem>>
      %get3A_763 = tpu.memref_squeeze %get3A_762 : memref<1x128x128xf32, #tpu.memory_space<vmem>> -> memref<128x128xf32, #tpu.memory_space<vmem>>
      %get3A_764 = arith.index_cast %scan3A_728 : i32 to index
      %get3A_765 = arith.constant 32 : index
      %get3A_766 = tpu.vector_load %get3A_763[%get3A_764, %get3A_765] {strides = array<i32>} : memref<128x128xf32, #tpu.memory_space<vmem>>, vector<16xf32>,
      %get3A_767 = arith.constant 0 : i32
      %get3A_768 = arith.constant 0 : i32
      %get3A_769 = tpu.memref_slice %arg10[%scan3A_194, %get3A_767, %get3A_768] : memref<2x128x128xf32, #tpu.memory_space<vmem>> -> memref<1x128x128xf32, #tpu.memory_space<vmem>>
      %get3A_770 = tpu.memref_squeeze %get3A_769 : memref<1x128x128xf32, #tpu.memory_space<vmem>> -> memref<128x128xf32, #tpu.memory_space<vmem>>
      %get3A_771 = arith.index_cast %scan3A_728 : i32 to index
      %get3A_772 = arith.constant 32 : index
      %get3A_773 = tpu.vector_load %get3A_770[%get3A_771, %get3A_772] {strides = array<i32>} : memref<128x128xf32, #tpu.memory_space<vmem>>, vector<16xf32>,
      %mul3A_774 = arith.mulf %get3A_766, %get3A_773 : vector<16xf32>
      %add3A_775 = arith.addf %add3A_759, %mul3A_774 : vector<16xf32>
      %get3A_776 = arith.constant 0 : i32
      %get3A_777 = arith.constant 0 : i32
      %get3A_778 = tpu.memref_slice %arg9[%scan3A_193, %get3A_776, %get3A_777] : memref<2x128x128xf32, #tpu.memory_space<vmem>> -> memref<1x128x128xf32, #tpu.memory_space<vmem>>
      %get3A_779 = tpu.memref_squeeze %get3A_778 : memref<1x128x128xf32, #tpu.memory_space<vmem>> -> memref<128x128xf32, #tpu.memory_space<vmem>>
      %get3A_780 = arith.index_cast %scan3A_728 : i32 to index
      %get3A_781 = arith.constant 48 : index
      %get3A_782 = tpu.vector_load %get3A_779[%get3A_780, %get3A_781] {strides = array<i32>} : memref<128x128xf32, #tpu.memory_space<vmem>>, vector<16xf32>,
      %get3A_783 = arith.constant 0 : i32
      %get3A_784 = arith.constant 0 : i32
      %get3A_785 = tpu.memref_slice %arg10[%scan3A_194, %get3A_783, %get3A_784] : memref<2x128x128xf32, #tpu.memory_space<vmem>> -> memref<1x128x128xf32, #tpu.memory_space<vmem>>
      %get3A_786 = tpu.memref_squeeze %get3A_785 : memref<1x128x128xf32, #tpu.memory_space<vmem>> -> memref<128x128xf32, #tpu.memory_space<vmem>>
      %get3A_787 = arith.index_cast %scan3A_728 : i32 to index
      %get3A_788 = arith.constant 48 : index
      %get3A_789 = tpu.vector_load %get3A_786[%get3A_787, %get3A_788] {strides = array<i32>} : memref<128x128xf32, #tpu.memory_space<vmem>>, vector<16xf32>,
      %mul3A_790 = arith.mulf %get3A_782, %get3A_789 : vector<16xf32>
      %add3A_791 = arith.addf %add3A_775, %mul3A_790 : vector<16xf32>
      %get3A_792 = arith.constant 0 : i32
      %get3A_793 = arith.constant 0 : i32
      %get3A_794 = tpu.memref_slice %arg9[%scan3A_193, %get3A_792, %get3A_793] : memref<2x128x128xf32, #tpu.memory_space<vmem>> -> memref<1x128x128xf32, #tpu.memory_space<vmem>>
      %get3A_795 = tpu.memref_squeeze %get3A_794 : memref<1x128x128xf32, #tpu.memory_space<vmem>> -> memref<128x128xf32, #tpu.memory_space<vmem>>
      %get3A_796 = arith.index_cast %scan3A_728 : i32 to index
      %get3A_797 = arith.constant 64 : index
      %get3A_798 = tpu.vector_load %get3A_795[%get3A_796, %get3A_797] {strides = array<i32>} : memref<128x128xf32, #tpu.memory_space<vmem>>, vector<16xf32>,
      %get3A_799 = arith.constant 0 : i32
      %get3A_800 = arith.constant 0 : i32
      %get3A_801 = tpu.memref_slice %arg10[%scan3A_194, %get3A_799, %get3A_800] : memref<2x128x128xf32, #tpu.memory_space<vmem>> -> memref<1x128x128xf32, #tpu.memory_space<vmem>>
      %get3A_802 = tpu.memref_squeeze %get3A_801 : memref<1x128x128xf32, #tpu.memory_space<vmem>> -> memref<128x128xf32, #tpu.memory_space<vmem>>
      %get3A_803 = arith.index_cast %scan3A_728 : i32 to index
      %get3A_804 = arith.constant 64 : index
      %get3A_805 = tpu.vector_load %get3A_802[%get3A_803, %get3A_804] {strides = array<i32>} : memref<128x128xf32, #tpu.memory_space<vmem>>, vector<16xf32>,
      %mul3A_806 = arith.mulf %get3A_798, %get3A_805 : vector<16xf32>
      %add3A_807 = arith.addf %add3A_791, %mul3A_806 : vector<16xf32>
      %get3A_808 = arith.constant 0 : i32
      %get3A_809 = arith.constant 0 : i32
      %get3A_810 = tpu.memref_slice %arg9[%scan3A_193, %get3A_808, %get3A_809] : memref<2x128x128xf32, #tpu.memory_space<vmem>> -> memref<1x128x128xf32, #tpu.memory_space<vmem>>
      %get3A_811 = tpu.memref_squeeze %get3A_810 : memref<1x128x128xf32, #tpu.memory_space<vmem>> -> memref<128x128xf32, #tpu.memory_space<vmem>>
      %get3A_812 = arith.index_cast %scan3A_728 : i32 to index
      %get3A_813 = arith.constant 80 : index
      %get3A_814 = tpu.vector_load %get3A_811[%get3A_812, %get3A_813] {strides = array<i32>} : memref<128x128xf32, #tpu.memory_space<vmem>>, vector<16xf32>,
      %get3A_815 = arith.constant 0 : i32
      %get3A_816 = arith.constant 0 : i32
      %get3A_817 = tpu.memref_slice %arg10[%scan3A_194, %get3A_815, %get3A_816] : memref<2x128x128xf32, #tpu.memory_space<vmem>> -> memref<1x128x128xf32, #tpu.memory_space<vmem>>
      %get3A_818 = tpu.memref_squeeze %get3A_817 : memref<1x128x128xf32, #tpu.memory_space<vmem>> -> memref<128x128xf32, #tpu.memory_space<vmem>>
      %get3A_819 = arith.index_cast %scan3A_728 : i32 to index
      %get3A_820 = arith.constant 80 : index
      %get3A_821 = tpu.vector_load %get3A_818[%get3A_819, %get3A_820] {strides = array<i32>} : memref<128x128xf32, #tpu.memory_space<vmem>>, vector<16xf32>,
      %mul3A_822 = arith.mulf %get3A_814, %get3A_821 : vector<16xf32>
      %add3A_823 = arith.addf %add3A_807, %mul3A_822 : vector<16xf32>
      %get3A_824 = arith.constant 0 : i32
      %get3A_825 = arith.constant 0 : i32
      %get3A_826 = tpu.memref_slice %arg9[%scan3A_193, %get3A_824, %get3A_825] : memref<2x128x128xf32, #tpu.memory_space<vmem>> -> memref<1x128x128xf32, #tpu.memory_space<vmem>>
      %get3A_827 = tpu.memref_squeeze %get3A_826 : memref<1x128x128xf32, #tpu.memory_space<vmem>> -> memref<128x128xf32, #tpu.memory_space<vmem>>
      %get3A_828 = arith.index_cast %scan3A_728 : i32 to index
      %get3A_829 = arith.constant 96 : index
      %get3A_830 = tpu.vector_load %get3A_827[%get3A_828, %get3A_829] {strides = array<i32>} : memref<128x128xf32, #tpu.memory_space<vmem>>, vector<16xf32>,
      %get3A_831 = arith.constant 0 : i32
      %get3A_832 = arith.constant 0 : i32
      %get3A_833 = tpu.memref_slice %arg10[%scan3A_194, %get3A_831, %get3A_832] : memref<2x128x128xf32, #tpu.memory_space<vmem>> -> memref<1x128x128xf32, #tpu.memory_space<vmem>>
      %get3A_834 = tpu.memref_squeeze %get3A_833 : memref<1x128x128xf32, #tpu.memory_space<vmem>> -> memref<128x128xf32, #tpu.memory_space<vmem>>
      %get3A_835 = arith.index_cast %scan3A_728 : i32 to index
      %get3A_836 = arith.constant 96 : index
      %get3A_837 = tpu.vector_load %get3A_834[%get3A_835, %get3A_836] {strides = array<i32>} : memref<128x128xf32, #tpu.memory_space<vmem>>, vector<16xf32>,
      %mul3A_838 = arith.mulf %get3A_830, %get3A_837 : vector<16xf32>
      %add3A_839 = arith.addf %add3A_823, %mul3A_838 : vector<16xf32>
      %get3A_840 = arith.constant 0 : i32
      %get3A_841 = arith.constant 0 : i32
      %get3A_842 = tpu.memref_slice %arg9[%scan3A_193, %get3A_840, %get3A_841] : memref<2x128x128xf32, #tpu.memory_space<vmem>> -> memref<1x128x128xf32, #tpu.memory_space<vmem>>
      %get3A_843 = tpu.memref_squeeze %get3A_842 : memref<1x128x128xf32, #tpu.memory_space<vmem>> -> memref<128x128xf32, #tpu.memory_space<vmem>>
      %get3A_844 = arith.index_cast %scan3A_728 : i32 to index
      %get3A_845 = arith.constant 112 : index
      %get3A_846 = tpu.vector_load %get3A_843[%get3A_844, %get3A_845] {strides = array<i32>} : memref<128x128xf32, #tpu.memory_space<vmem>>, vector<16xf32>,
      %get3A_847 = arith.constant 0 : i32
      %get3A_848 = arith.constant 0 : i32
      %get3A_849 = tpu.memref_slice %arg10[%scan3A_194, %get3A_847, %get3A_848] : memref<2x128x128xf32, #tpu.memory_space<vmem>> -> memref<1x128x128xf32, #tpu.memory_space<vmem>>
      %get3A_850 = tpu.memref_squeeze %get3A_849 : memref<1x128x128xf32, #tpu.memory_space<vmem>> -> memref<128x128xf32, #tpu.memory_space<vmem>>
      %get3A_851 = arith.index_cast %scan3A_728 : i32 to index
      %get3A_852 = arith.constant 112 : index
      %get3A_853 = tpu.vector_load %get3A_850[%get3A_851, %get3A_852] {strides = array<i32>} : memref<128x128xf32, #tpu.memory_space<vmem>>, vector<16xf32>,
      %mul3A_854 = arith.mulf %get3A_846, %get3A_853 : vector<16xf32>
      %add3A_855 = arith.addf %add3A_839, %mul3A_854 : vector<16xf32>
      %broadcast_in_dim3A_856 = arith.constant true
      %broadcast_in_dim3A_857 = vector.broadcast %broadcast_in_dim3A_856 : i1 to vector<16xi1>
      %masked_cumsum3A_858 = tpu.scan <sum>, %add3A_855 masked %broadcast_in_dim3A_857 : vector<16xf32>, vector<16xi1> -> vector<16xf32>
      %lt3A_859 = arith.constant 0 : i32
      %lt3A_860 = vector.broadcast %lt3A_859 : i32 to vector<16xi32>
      %lt3A_861 = arith.cmpi slt, %broadcast_in_dim3A_190, %lt3A_860 : vector<16xi32>
      %add3A_862 = arith.constant 16 : i32
      %add3A_863 = vector.broadcast %add3A_862 : i32 to vector<16xi32>
      %add3A_864 = arith.addi %broadcast_in_dim3A_190, %add3A_863 : vector<16xi32>
      %select_n3A_865 = arith.select %lt3A_861, %add3A_864, %broadcast_in_dim3A_190 : vector<16xi1>, vector<16xi32>
      %broadcast_in_dim3A_866 = vector.shape_cast %select_n3A_865 : vector<16xi32> to vector<16x1xi32>
      %gather3A_867 = vector.shape_cast %broadcast_in_dim3A_866 : vector<16x1xi32> to vector<16xi32>
      %gather3A_868 = tpu.dynamic_gather %masked_cumsum3A_858[%gather3A_867] in [0] : vector<16xf32>, vector<16xi32> -> vector<16xf32>
      %and3A_869 = arith.constant 15 : i32
      %and3A_870 = arith.andi %scan3A_728, %and3A_869 : i32
      %eq3A_871 = vector.broadcast %and3A_870 : i32 to vector<16xi32>
      %eq3A_872 = arith.cmpi eq, %iota3A_188, %eq3A_871 : vector<16xi32>
      %select_n3A_873 = arith.select %eq3A_872, %gather3A_868, %select_n3A_719 : vector<16xi1>, vector<16xf32>
      %and3A_874 = arith.constant 15 : i32
      %and3A_875 = arith.andi %scan3A_728, %and3A_874 : i32
      %eq3A_876 = arith.constant 15 : i32
      %eq3A_877 = arith.cmpi eq, %and3A_875, %eq3A_876 : i32
      %convert_element_type3A_878 = arith.extui %eq3A_877 : i1 to i32
      %cond3A_879 = arith.constant 0 : i32
      %cond3A_880 = arith.cmpi ne, %convert_element_type3A_878, %cond3A_879 : i32
      scf.if %cond3A_880 {
        %neg3A = arith.constant 0.000000e+00 : f32
        %neg3A_881 = vector.broadcast %neg3A : f32 to vector<16xf32>
        %neg3A_882 = arith.subf %neg3A_881, %select_n3A_873 : vector<16xf32>
        %exp3A = math.exp %neg3A_882 : vector<16xf32>
        %add3A_883 = arith.constant 1.000000e+00 : f32
        %add3A_884 = vector.broadcast %add3A_883 : f32 to vector<16xf32>
        %add3A_885 = arith.addf %add3A_884, %exp3A : vector<16xf32>
        %div3A = arith.constant 1.000000e+00 : f32
        %div3A_886 = vector.broadcast %div3A : f32 to vector<16xf32>
        %div3A_887 = arith.divf %div3A_886, %add3A_885 : vector<16xf32>
        %add3A_888 = arith.constant 256 : i32
        %add3A_889 = arith.addi %add3A_888, %scan3A_728 : i32
        %sub3A = arith.constant 15 : i32
        %sub3A_890 = arith.subi %add3A_889, %sub3A : i32
        %swap3A = arith.index_cast %sub3A_890 : i32 to index
        %swap3A_891 = tpu.vector_load %arg11[%swap3A] {strides = array<i32>} : memref<512xf32, #tpu.memory_space<vmem>>, vector<16xf32>,
        tpu.vector_store %arg11[%swap3A], %div3A_887 {strides = array<i32>} : memref<512xf32, #tpu.memory_space<vmem>>, vector<16xf32>,
      } else {
      }
      scf.yield %select_n3A_873 : vector<16xf32>
    }
    %scan3A_200 = arith.constant 128 : i32
    %add3A_201 = arith.constant 256 : i32
    %add3A_202 = arith.addi %mul3A_2, %add3A_201 : i32
    %dma_start3A_203 = arith.constant 256 : i32
    %dma_start3A_204 = tpu.memref_slice %arg11[%dma_start3A_203] : memref<512xf32, #tpu.memory_space<vmem>> -> memref<128xf32, #tpu.memory_space<vmem>>
    %dma_start3A_205 = tpu.memref_slice %arg6[%add3A_202] : memref<16384xf32, #tpu.memory_space<hbm>> -> memref<128xf32, #tpu.memory_space<hbm>>
    %dma_start3A_206 = tpu.memref_slice %arg6[%add3A_202] : memref<16384xf32, #tpu.memory_space<hbm>> -> memref<128xf32, #tpu.memory_space<hbm>>
    %dma_start3A_207 = arith.constant 256 : i32
    %dma_start3A_208 = tpu.memref_slice %arg11[%dma_start3A_207] : memref<512xf32, #tpu.memory_space<vmem>> -> memref<128xf32, #tpu.memory_space<vmem>>
    tpu.enqueue_dma source(%dma_start3A_208 : memref<128xf32, #tpu.memory_space<vmem>>) target(%dma_start3A_206 : memref<128xf32, #tpu.memory_space<hbm>>) target_semaphore(%arg14 : memref<!tpu.dma_semaphore, #tpu.memory_space<semaphore_mem>>)
    %dma_wait3A_209 = arith.constant 1 : i32
    %dma_wait3A_210 = arith.constant 0 : i32
    %dma_wait3A_211 = arith.constant 0 : i32
    %dma_wait3A_212 = tpu.memref_slice %arg9[%dma_wait3A_209, %dma_wait3A_210, %dma_wait3A_211] : memref<2x128x128xf32, #tpu.memory_space<vmem>> -> memref<1x128x128xf32, #tpu.memory_space<vmem>>
    %dma_wait3A_213 = tpu.memref_squeeze %dma_wait3A_212 : memref<1x128x128xf32, #tpu.memory_space<vmem>> -> memref<128x128xf32, #tpu.memory_space<vmem>>
    %dma_wait3A_214 = arith.constant 384 : i32
    %dma_wait3A_215 = tpu.memref_slice %arg7[%dma_wait3A_214] : memref<512xi32, #tpu.memory_space<vmem>> -> memref<128xi32, #tpu.memory_space<vmem>>
    %dma_wait3A_216 = arith.constant 0 : i32
    %dma_wait3A_217 = arith.constant 0 : i32
    %dma_wait3A_218 = tpu.memref_slice %arg4[%dma_wait3A_216, %dma_wait3A_217] : memref<1000000x128xf32, #tpu.memory_space<hbm>> -> memref<1000000x128xf32, #tpu.memory_space<hbm>>
    tpu.wait_indirect_dma semaphore(%arg13 : memref<!tpu.dma_semaphore, #tpu.memory_space<semaphore_mem>>) src(%dma_wait3A_218 : memref<1000000x128xf32, #tpu.memory_space<hbm>>) dst(%dma_wait3A_213 : memref<128x128xf32, #tpu.memory_space<vmem>>)
    %dma_wait3A_219 = arith.constant 1 : i32
    %dma_wait3A_220 = arith.constant 0 : i32
    %dma_wait3A_221 = arith.constant 0 : i32
    %dma_wait3A_222 = tpu.memref_slice %arg10[%dma_wait3A_219, %dma_wait3A_220, %dma_wait3A_221] : memref<2x128x128xf32, #tpu.memory_space<vmem>> -> memref<1x128x128xf32, #tpu.memory_space<vmem>>
    %dma_wait3A_223 = tpu.memref_squeeze %dma_wait3A_222 : memref<1x128x128xf32, #tpu.memory_space<vmem>> -> memref<128x128xf32, #tpu.memory_space<vmem>>
    %dma_wait3A_224 = arith.constant 384 : i32
    %dma_wait3A_225 = tpu.memref_slice %arg8[%dma_wait3A_224] : memref<512xi32, #tpu.memory_space<vmem>> -> memref<128xi32, #tpu.memory_space<vmem>>
    %dma_wait3A_226 = arith.constant 0 : i32
    %dma_wait3A_227 = arith.constant 0 : i32
    %dma_wait3A_228 = tpu.memref_slice %arg5[%dma_wait3A_226, %dma_wait3A_227] : memref<1000000x128xf32, #tpu.memory_space<hbm>> -> memref<1000000x128xf32, #tpu.memory_space<hbm>>
    tpu.wait_indirect_dma semaphore(%arg13 : memref<!tpu.dma_semaphore, #tpu.memory_space<semaphore_mem>>) src(%dma_wait3A_228 : memref<1000000x128xf32, #tpu.memory_space<hbm>>) dst(%dma_wait3A_223 : memref<128x128xf32, #tpu.memory_space<vmem>>)
    %iota3A_229 = tpu.iota {dimensions = array<i32: 0>} : vector<16xi32>
    %broadcast_in_dim3A_230 = arith.constant 15 : i32
    %broadcast_in_dim3A_231 = vector.broadcast %broadcast_in_dim3A_230 : i32 to vector<16xi32>
    %broadcast_in_dim3A_232 = arith.constant 0.000000e+00 : f32
    %broadcast_in_dim3A_233 = vector.broadcast %broadcast_in_dim3A_232 : f32 to vector<16xf32>
    %scan3A_234 = arith.constant 1 : i32
    %scan3A_235 = arith.constant 1 : i32
    %scan3A_236 = arith.constant 0 : i32
    %scan3A_237 = arith.constant 128 : i32
    %scan3A_238 = arith.addi %scan3A_236, %scan3A_237 : i32
    %scan3A_239 = arith.constant 4 : i32
    %scan3A_240 = scf.for %scan3A_274 = %scan3A_236 to %scan3A_238 step %scan3A_239 iter_args(%scan3A_275 = %broadcast_in_dim3A_233) -> (vector<16xf32>)  : i32 {
      %get3A = arith.constant 0 : i32
      %get3A_276 = arith.constant 0 : i32
      %get3A_277 = tpu.memref_slice %arg9[%scan3A_234, %get3A, %get3A_276] : memref<2x128x128xf32, #tpu.memory_space<vmem>> -> memref<1x128x128xf32, #tpu.memory_space<vmem>>
      %get3A_278 = tpu.memref_squeeze %get3A_277 : memref<1x128x128xf32, #tpu.memory_space<vmem>> -> memref<128x128xf32, #tpu.memory_space<vmem>>
      %get3A_279 = arith.index_cast %scan3A_274 : i32 to index
      %get3A_280 = arith.constant 0 : index
      %get3A_281 = tpu.vector_load %get3A_278[%get3A_279, %get3A_280] {strides = array<i32>} : memref<128x128xf32, #tpu.memory_space<vmem>>, vector<16xf32>,
      %get3A_282 = arith.constant 0 : i32
      %get3A_283 = arith.constant 0 : i32
      %get3A_284 = tpu.memref_slice %arg10[%scan3A_235, %get3A_282, %get3A_283] : memref<2x128x128xf32, #tpu.memory_space<vmem>> -> memref<1x128x128xf32, #tpu.memory_space<vmem>>
      %get3A_285 = tpu.memref_squeeze %get3A_284 : memref<1x128x128xf32, #tpu.memory_space<vmem>> -> memref<128x128xf32, #tpu.memory_space<vmem>>
      %get3A_286 = arith.index_cast %scan3A_274 : i32 to index
      %get3A_287 = arith.constant 0 : index
      %get3A_288 = tpu.vector_load %get3A_285[%get3A_286, %get3A_287] {strides = array<i32>} : memref<128x128xf32, #tpu.memory_space<vmem>>, vector<16xf32>,
      %mul3A_289 = arith.mulf %get3A_281, %get3A_288 : vector<16xf32>
      %get3A_290 = arith.constant 0 : i32
      %get3A_291 = arith.constant 0 : i32
      %get3A_292 = tpu.memref_slice %arg9[%scan3A_234, %get3A_290, %get3A_291] : memref<2x128x128xf32, #tpu.memory_space<vmem>> -> memref<1x128x128xf32, #tpu.memory_space<vmem>>
      %get3A_293 = tpu.memref_squeeze %get3A_292 : memref<1x128x128xf32, #tpu.memory_space<vmem>> -> memref<128x128xf32, #tpu.memory_space<vmem>>
      %get3A_294 = arith.index_cast %scan3A_274 : i32 to index
      %get3A_295 = arith.constant 16 : index
      %get3A_296 = tpu.vector_load %get3A_293[%get3A_294, %get3A_295] {strides = array<i32>} : memref<128x128xf32, #tpu.memory_space<vmem>>, vector<16xf32>,
      %get3A_297 = arith.constant 0 : i32
      %get3A_298 = arith.constant 0 : i32
      %get3A_299 = tpu.memref_slice %arg10[%scan3A_235, %get3A_297, %get3A_298] : memref<2x128x128xf32, #tpu.memory_space<vmem>> -> memref<1x128x128xf32, #tpu.memory_space<vmem>>
      %get3A_300 = tpu.memref_squeeze %get3A_299 : memref<1x128x128xf32, #tpu.memory_space<vmem>> -> memref<128x128xf32, #tpu.memory_space<vmem>>
      %get3A_301 = arith.index_cast %scan3A_274 : i32 to index
      %get3A_302 = arith.constant 16 : index
      %get3A_303 = tpu.vector_load %get3A_300[%get3A_301, %get3A_302] {strides = array<i32>} : memref<128x128xf32, #tpu.memory_space<vmem>>, vector<16xf32>,
      %mul3A_304 = arith.mulf %get3A_296, %get3A_303 : vector<16xf32>
      %add3A_305 = arith.addf %mul3A_289, %mul3A_304 : vector<16xf32>
      %get3A_306 = arith.constant 0 : i32
      %get3A_307 = arith.constant 0 : i32
      %get3A_308 = tpu.memref_slice %arg9[%scan3A_234, %get3A_306, %get3A_307] : memref<2x128x128xf32, #tpu.memory_space<vmem>> -> memref<1x128x128xf32, #tpu.memory_space<vmem>>
      %get3A_309 = tpu.memref_squeeze %get3A_308 : memref<1x128x128xf32, #tpu.memory_space<vmem>> -> memref<128x128xf32, #tpu.memory_space<vmem>>
      %get3A_310 = arith.index_cast %scan3A_274 : i32 to index
      %get3A_311 = arith.constant 32 : index
      %get3A_312 = tpu.vector_load %get3A_309[%get3A_310, %get3A_311] {strides = array<i32>} : memref<128x128xf32, #tpu.memory_space<vmem>>, vector<16xf32>,
      %get3A_313 = arith.constant 0 : i32
      %get3A_314 = arith.constant 0 : i32
      %get3A_315 = tpu.memref_slice %arg10[%scan3A_235, %get3A_313, %get3A_314] : memref<2x128x128xf32, #tpu.memory_space<vmem>> -> memref<1x128x128xf32, #tpu.memory_space<vmem>>
      %get3A_316 = tpu.memref_squeeze %get3A_315 : memref<1x128x128xf32, #tpu.memory_space<vmem>> -> memref<128x128xf32, #tpu.memory_space<vmem>>
      %get3A_317 = arith.index_cast %scan3A_274 : i32 to index
      %get3A_318 = arith.constant 32 : index
      %get3A_319 = tpu.vector_load %get3A_316[%get3A_317, %get3A_318] {strides = array<i32>} : memref<128x128xf32, #tpu.memory_space<vmem>>, vector<16xf32>,
      %mul3A_320 = arith.mulf %get3A_312, %get3A_319 : vector<16xf32>
      %add3A_321 = arith.addf %add3A_305, %mul3A_320 : vector<16xf32>
      %get3A_322 = arith.constant 0 : i32
      %get3A_323 = arith.constant 0 : i32
      %get3A_324 = tpu.memref_slice %arg9[%scan3A_234, %get3A_322, %get3A_323] : memref<2x128x128xf32, #tpu.memory_space<vmem>> -> memref<1x128x128xf32, #tpu.memory_space<vmem>>
      %get3A_325 = tpu.memref_squeeze %get3A_324 : memref<1x128x128xf32, #tpu.memory_space<vmem>> -> memref<128x128xf32, #tpu.memory_space<vmem>>
      %get3A_326 = arith.index_cast %scan3A_274 : i32 to index
      %get3A_327 = arith.constant 48 : index
      %get3A_328 = tpu.vector_load %get3A_325[%get3A_326, %get3A_327] {strides = array<i32>} : memref<128x128xf32, #tpu.memory_space<vmem>>, vector<16xf32>,
      %get3A_329 = arith.constant 0 : i32
      %get3A_330 = arith.constant 0 : i32
      %get3A_331 = tpu.memref_slice %arg10[%scan3A_235, %get3A_329, %get3A_330] : memref<2x128x128xf32, #tpu.memory_space<vmem>> -> memref<1x128x128xf32, #tpu.memory_space<vmem>>
      %get3A_332 = tpu.memref_squeeze %get3A_331 : memref<1x128x128xf32, #tpu.memory_space<vmem>> -> memref<128x128xf32, #tpu.memory_space<vmem>>
      %get3A_333 = arith.index_cast %scan3A_274 : i32 to index
      %get3A_334 = arith.constant 48 : index
      %get3A_335 = tpu.vector_load %get3A_332[%get3A_333, %get3A_334] {strides = array<i32>} : memref<128x128xf32, #tpu.memory_space<vmem>>, vector<16xf32>,
      %mul3A_336 = arith.mulf %get3A_328, %get3A_335 : vector<16xf32>
      %add3A_337 = arith.addf %add3A_321, %mul3A_336 : vector<16xf32>
      %get3A_338 = arith.constant 0 : i32
      %get3A_339 = arith.constant 0 : i32
      %get3A_340 = tpu.memref_slice %arg9[%scan3A_234, %get3A_338, %get3A_339] : memref<2x128x128xf32, #tpu.memory_space<vmem>> -> memref<1x128x128xf32, #tpu.memory_space<vmem>>
      %get3A_341 = tpu.memref_squeeze %get3A_340 : memref<1x128x128xf32, #tpu.memory_space<vmem>> -> memref<128x128xf32, #tpu.memory_space<vmem>>
      %get3A_342 = arith.index_cast %scan3A_274 : i32 to index
      %get3A_343 = arith.constant 64 : index
      %get3A_344 = tpu.vector_load %get3A_341[%get3A_342, %get3A_343] {strides = array<i32>} : memref<128x128xf32, #tpu.memory_space<vmem>>, vector<16xf32>,
      %get3A_345 = arith.constant 0 : i32
      %get3A_346 = arith.constant 0 : i32
      %get3A_347 = tpu.memref_slice %arg10[%scan3A_235, %get3A_345, %get3A_346] : memref<2x128x128xf32, #tpu.memory_space<vmem>> -> memref<1x128x128xf32, #tpu.memory_space<vmem>>
      %get3A_348 = tpu.memref_squeeze %get3A_347 : memref<1x128x128xf32, #tpu.memory_space<vmem>> -> memref<128x128xf32, #tpu.memory_space<vmem>>
      %get3A_349 = arith.index_cast %scan3A_274 : i32 to index
      %get3A_350 = arith.constant 64 : index
      %get3A_351 = tpu.vector_load %get3A_348[%get3A_349, %get3A_350] {strides = array<i32>} : memref<128x128xf32, #tpu.memory_space<vmem>>, vector<16xf32>,
      %mul3A_352 = arith.mulf %get3A_344, %get3A_351 : vector<16xf32>
      %add3A_353 = arith.addf %add3A_337, %mul3A_352 : vector<16xf32>
      %get3A_354 = arith.constant 0 : i32
      %get3A_355 = arith.constant 0 : i32
      %get3A_356 = tpu.memref_slice %arg9[%scan3A_234, %get3A_354, %get3A_355] : memref<2x128x128xf32, #tpu.memory_space<vmem>> -> memref<1x128x128xf32, #tpu.memory_space<vmem>>
      %get3A_357 = tpu.memref_squeeze %get3A_356 : memref<1x128x128xf32, #tpu.memory_space<vmem>> -> memref<128x128xf32, #tpu.memory_space<vmem>>
      %get3A_358 = arith.index_cast %scan3A_274 : i32 to index
      %get3A_359 = arith.constant 80 : index
      %get3A_360 = tpu.vector_load %get3A_357[%get3A_358, %get3A_359] {strides = array<i32>} : memref<128x128xf32, #tpu.memory_space<vmem>>, vector<16xf32>,
      %get3A_361 = arith.constant 0 : i32
      %get3A_362 = arith.constant 0 : i32
      %get3A_363 = tpu.memref_slice %arg10[%scan3A_235, %get3A_361, %get3A_362] : memref<2x128x128xf32, #tpu.memory_space<vmem>> -> memref<1x128x128xf32, #tpu.memory_space<vmem>>
      %get3A_364 = tpu.memref_squeeze %get3A_363 : memref<1x128x128xf32, #tpu.memory_space<vmem>> -> memref<128x128xf32, #tpu.memory_space<vmem>>
      %get3A_365 = arith.index_cast %scan3A_274 : i32 to index
      %get3A_366 = arith.constant 80 : index
      %get3A_367 = tpu.vector_load %get3A_364[%get3A_365, %get3A_366] {strides = array<i32>} : memref<128x128xf32, #tpu.memory_space<vmem>>, vector<16xf32>,
      %mul3A_368 = arith.mulf %get3A_360, %get3A_367 : vector<16xf32>
      %add3A_369 = arith.addf %add3A_353, %mul3A_368 : vector<16xf32>
      %get3A_370 = arith.constant 0 : i32
      %get3A_371 = arith.constant 0 : i32
      %get3A_372 = tpu.memref_slice %arg9[%scan3A_234, %get3A_370, %get3A_371] : memref<2x128x128xf32, #tpu.memory_space<vmem>> -> memref<1x128x128xf32, #tpu.memory_space<vmem>>
      %get3A_373 = tpu.memref_squeeze %get3A_372 : memref<1x128x128xf32, #tpu.memory_space<vmem>> -> memref<128x128xf32, #tpu.memory_space<vmem>>
      %get3A_374 = arith.index_cast %scan3A_274 : i32 to index
      %get3A_375 = arith.constant 96 : index
      %get3A_376 = tpu.vector_load %get3A_373[%get3A_374, %get3A_375] {strides = array<i32>} : memref<128x128xf32, #tpu.memory_space<vmem>>, vector<16xf32>,
      %get3A_377 = arith.constant 0 : i32
      %get3A_378 = arith.constant 0 : i32
      %get3A_379 = tpu.memref_slice %arg10[%scan3A_235, %get3A_377, %get3A_378] : memref<2x128x128xf32, #tpu.memory_space<vmem>> -> memref<1x128x128xf32, #tpu.memory_space<vmem>>
      %get3A_380 = tpu.memref_squeeze %get3A_379 : memref<1x128x128xf32, #tpu.memory_space<vmem>> -> memref<128x128xf32, #tpu.memory_space<vmem>>
      %get3A_381 = arith.index_cast %scan3A_274 : i32 to index
      %get3A_382 = arith.constant 96 : index
      %get3A_383 = tpu.vector_load %get3A_380[%get3A_381, %get3A_382] {strides = array<i32>} : memref<128x128xf32, #tpu.memory_space<vmem>>, vector<16xf32>,
      %mul3A_384 = arith.mulf %get3A_376, %get3A_383 : vector<16xf32>
      %add3A_385 = arith.addf %add3A_369, %mul3A_384 : vector<16xf32>
      %get3A_386 = arith.constant 0 : i32
      %get3A_387 = arith.constant 0 : i32
      %get3A_388 = tpu.memref_slice %arg9[%scan3A_234, %get3A_386, %get3A_387] : memref<2x128x128xf32, #tpu.memory_space<vmem>> -> memref<1x128x128xf32, #tpu.memory_space<vmem>>
      %get3A_389 = tpu.memref_squeeze %get3A_388 : memref<1x128x128xf32, #tpu.memory_space<vmem>> -> memref<128x128xf32, #tpu.memory_space<vmem>>
      %get3A_390 = arith.index_cast %scan3A_274 : i32 to index
      %get3A_391 = arith.constant 112 : index
      %get3A_392 = tpu.vector_load %get3A_389[%get3A_390, %get3A_391] {strides = array<i32>} : memref<128x128xf32, #tpu.memory_space<vmem>>, vector<16xf32>,
      %get3A_393 = arith.constant 0 : i32
      %get3A_394 = arith.constant 0 : i32
      %get3A_395 = tpu.memref_slice %arg10[%scan3A_235, %get3A_393, %get3A_394] : memref<2x128x128xf32, #tpu.memory_space<vmem>> -> memref<1x128x128xf32, #tpu.memory_space<vmem>>
      %get3A_396 = tpu.memref_squeeze %get3A_395 : memref<1x128x128xf32, #tpu.memory_space<vmem>> -> memref<128x128xf32, #tpu.memory_space<vmem>>
      %get3A_397 = arith.index_cast %scan3A_274 : i32 to index
      %get3A_398 = arith.constant 112 : index
      %get3A_399 = tpu.vector_load %get3A_396[%get3A_397, %get3A_398] {strides = array<i32>} : memref<128x128xf32, #tpu.memory_space<vmem>>, vector<16xf32>,
      %mul3A_400 = arith.mulf %get3A_392, %get3A_399 : vector<16xf32>
      %add3A_401 = arith.addf %add3A_385, %mul3A_400 : vector<16xf32>
      %broadcast_in_dim3A_402 = arith.constant true
      %broadcast_in_dim3A_403 = vector.broadcast %broadcast_in_dim3A_402 : i1 to vector<16xi1>
      %masked_cumsum3A = tpu.scan <sum>, %add3A_401 masked %broadcast_in_dim3A_403 : vector<16xf32>, vector<16xi1> -> vector<16xf32>
      %lt3A = arith.constant 0 : i32
      %lt3A_404 = vector.broadcast %lt3A : i32 to vector<16xi32>
      %lt3A_405 = arith.cmpi slt, %broadcast_in_dim3A_231, %lt3A_404 : vector<16xi32>
      %add3A_406 = arith.constant 16 : i32
      %add3A_407 = vector.broadcast %add3A_406 : i32 to vector<16xi32>
      %add3A_408 = arith.addi %broadcast_in_dim3A_231, %add3A_407 : vector<16xi32>
      %select_n3A = arith.select %lt3A_405, %add3A_408, %broadcast_in_dim3A_231 : vector<16xi1>, vector<16xi32>
      %broadcast_in_dim3A_409 = vector.shape_cast %select_n3A : vector<16xi32> to vector<16x1xi32>
      %gather3A = vector.shape_cast %broadcast_in_dim3A_409 : vector<16x1xi32> to vector<16xi32>
      %gather3A_410 = tpu.dynamic_gather %masked_cumsum3A[%gather3A] in [0] : vector<16xf32>, vector<16xi32> -> vector<16xf32>
      %and3A = arith.constant 15 : i32
      %and3A_411 = arith.andi %scan3A_274, %and3A : i32
      %eq3A = vector.broadcast %and3A_411 : i32 to vector<16xi32>
      %eq3A_412 = arith.cmpi eq, %iota3A_229, %eq3A : vector<16xi32>
      %select_n3A_413 = arith.select %eq3A_412, %gather3A_410, %scan3A_275 : vector<16xi1>, vector<16xf32>
      %and3A_414 = arith.constant 15 : i32
      %and3A_415 = arith.andi %scan3A_274, %and3A_414 : i32
      %eq3A_416 = arith.constant 15 : i32
      %eq3A_417 = arith.cmpi eq, %and3A_415, %eq3A_416 : i32
      %convert_element_type3A = arith.extui %eq3A_417 : i1 to i32
      %cond3A = arith.constant 0 : i32
      %cond3A_418 = arith.cmpi ne, %convert_element_type3A, %cond3A : i32
      scf.if %cond3A_418 {
        %neg3A = arith.constant 0.000000e+00 : f32
        %neg3A_881 = vector.broadcast %neg3A : f32 to vector<16xf32>
        %neg3A_882 = arith.subf %neg3A_881, %select_n3A_413 : vector<16xf32>
        %exp3A = math.exp %neg3A_882 : vector<16xf32>
        %add3A_883 = arith.constant 1.000000e+00 : f32
        %add3A_884 = vector.broadcast %add3A_883 : f32 to vector<16xf32>
        %add3A_885 = arith.addf %add3A_884, %exp3A : vector<16xf32>
        %div3A = arith.constant 1.000000e+00 : f32
        %div3A_886 = vector.broadcast %div3A : f32 to vector<16xf32>
        %div3A_887 = arith.divf %div3A_886, %add3A_885 : vector<16xf32>
        %add3A_888 = arith.constant 384 : i32
        %add3A_889 = arith.addi %add3A_888, %scan3A_274 : i32
        %sub3A = arith.constant 15 : i32
        %sub3A_890 = arith.subi %add3A_889, %sub3A : i32
        %swap3A = arith.index_cast %sub3A_890 : i32 to index
        %swap3A_891 = tpu.vector_load %arg11[%swap3A] {strides = array<i32>} : memref<512xf32, #tpu.memory_space<vmem>>, vector<16xf32>,
        tpu.vector_store %arg11[%swap3A], %div3A_887 {strides = array<i32>} : memref<512xf32, #tpu.memory_space<vmem>>, vector<16xf32>,
      } else {
      }
      %scan3A_419 = arith.constant 1 : i32
      %scan3A_420 = arith.addi %scan3A_274, %scan3A_419 : i32
      %get3A_421 = arith.constant 0 : i32
      %get3A_422 = arith.constant 0 : i32
      %get3A_423 = tpu.memref_slice %arg9[%scan3A_234, %get3A_421, %get3A_422] : memref<2x128x128xf32, #tpu.memory_space<vmem>> -> memref<1x128x128xf32, #tpu.memory_space<vmem>>
      %get3A_424 = tpu.memref_squeeze %get3A_423 : memref<1x128x128xf32, #tpu.memory_space<vmem>> -> memref<128x128xf32, #tpu.memory_space<vmem>>
      %get3A_425 = arith.index_cast %scan3A_420 : i32 to index
      %get3A_426 = arith.constant 0 : index
      %get3A_427 = tpu.vector_load %get3A_424[%get3A_425, %get3A_426] {strides = array<i32>} : memref<128x128xf32, #tpu.memory_space<vmem>>, vector<16xf32>,
      %get3A_428 = arith.constant 0 : i32
      %get3A_429 = arith.constant 0 : i32
      %get3A_430 = tpu.memref_slice %arg10[%scan3A_235, %get3A_428, %get3A_429] : memref<2x128x128xf32, #tpu.memory_space<vmem>> -> memref<1x128x128xf32, #tpu.memory_space<vmem>>
      %get3A_431 = tpu.memref_squeeze %get3A_430 : memref<1x128x128xf32, #tpu.memory_space<vmem>> -> memref<128x128xf32, #tpu.memory_space<vmem>>
      %get3A_432 = arith.index_cast %scan3A_420 : i32 to index
      %get3A_433 = arith.constant 0 : index
      %get3A_434 = tpu.vector_load %get3A_431[%get3A_432, %get3A_433] {strides = array<i32>} : memref<128x128xf32, #tpu.memory_space<vmem>>, vector<16xf32>,
      %mul3A_435 = arith.mulf %get3A_427, %get3A_434 : vector<16xf32>
      %get3A_436 = arith.constant 0 : i32
      %get3A_437 = arith.constant 0 : i32
      %get3A_438 = tpu.memref_slice %arg9[%scan3A_234, %get3A_436, %get3A_437] : memref<2x128x128xf32, #tpu.memory_space<vmem>> -> memref<1x128x128xf32, #tpu.memory_space<vmem>>
      %get3A_439 = tpu.memref_squeeze %get3A_438 : memref<1x128x128xf32, #tpu.memory_space<vmem>> -> memref<128x128xf32, #tpu.memory_space<vmem>>
      %get3A_440 = arith.index_cast %scan3A_420 : i32 to index
      %get3A_441 = arith.constant 16 : index
      %get3A_442 = tpu.vector_load %get3A_439[%get3A_440, %get3A_441] {strides = array<i32>} : memref<128x128xf32, #tpu.memory_space<vmem>>, vector<16xf32>,
      %get3A_443 = arith.constant 0 : i32
      %get3A_444 = arith.constant 0 : i32
      %get3A_445 = tpu.memref_slice %arg10[%scan3A_235, %get3A_443, %get3A_444] : memref<2x128x128xf32, #tpu.memory_space<vmem>> -> memref<1x128x128xf32, #tpu.memory_space<vmem>>
      %get3A_446 = tpu.memref_squeeze %get3A_445 : memref<1x128x128xf32, #tpu.memory_space<vmem>> -> memref<128x128xf32, #tpu.memory_space<vmem>>
      %get3A_447 = arith.index_cast %scan3A_420 : i32 to index
      %get3A_448 = arith.constant 16 : index
      %get3A_449 = tpu.vector_load %get3A_446[%get3A_447, %get3A_448] {strides = array<i32>} : memref<128x128xf32, #tpu.memory_space<vmem>>, vector<16xf32>,
      %mul3A_450 = arith.mulf %get3A_442, %get3A_449 : vector<16xf32>
      %add3A_451 = arith.addf %mul3A_435, %mul3A_450 : vector<16xf32>
      %get3A_452 = arith.constant 0 : i32
      %get3A_453 = arith.constant 0 : i32
      %get3A_454 = tpu.memref_slice %arg9[%scan3A_234, %get3A_452, %get3A_453] : memref<2x128x128xf32, #tpu.memory_space<vmem>> -> memref<1x128x128xf32, #tpu.memory_space<vmem>>
      %get3A_455 = tpu.memref_squeeze %get3A_454 : memref<1x128x128xf32, #tpu.memory_space<vmem>> -> memref<128x128xf32, #tpu.memory_space<vmem>>
      %get3A_456 = arith.index_cast %scan3A_420 : i32 to index
      %get3A_457 = arith.constant 32 : index
      %get3A_458 = tpu.vector_load %get3A_455[%get3A_456, %get3A_457] {strides = array<i32>} : memref<128x128xf32, #tpu.memory_space<vmem>>, vector<16xf32>,
      %get3A_459 = arith.constant 0 : i32
      %get3A_460 = arith.constant 0 : i32
      %get3A_461 = tpu.memref_slice %arg10[%scan3A_235, %get3A_459, %get3A_460] : memref<2x128x128xf32, #tpu.memory_space<vmem>> -> memref<1x128x128xf32, #tpu.memory_space<vmem>>
      %get3A_462 = tpu.memref_squeeze %get3A_461 : memref<1x128x128xf32, #tpu.memory_space<vmem>> -> memref<128x128xf32, #tpu.memory_space<vmem>>
      %get3A_463 = arith.index_cast %scan3A_420 : i32 to index
      %get3A_464 = arith.constant 32 : index
      %get3A_465 = tpu.vector_load %get3A_462[%get3A_463, %get3A_464] {strides = array<i32>} : memref<128x128xf32, #tpu.memory_space<vmem>>, vector<16xf32>,
      %mul3A_466 = arith.mulf %get3A_458, %get3A_465 : vector<16xf32>
      %add3A_467 = arith.addf %add3A_451, %mul3A_466 : vector<16xf32>
      %get3A_468 = arith.constant 0 : i32
      %get3A_469 = arith.constant 0 : i32
      %get3A_470 = tpu.memref_slice %arg9[%scan3A_234, %get3A_468, %get3A_469] : memref<2x128x128xf32, #tpu.memory_space<vmem>> -> memref<1x128x128xf32, #tpu.memory_space<vmem>>
      %get3A_471 = tpu.memref_squeeze %get3A_470 : memref<1x128x128xf32, #tpu.memory_space<vmem>> -> memref<128x128xf32, #tpu.memory_space<vmem>>
      %get3A_472 = arith.index_cast %scan3A_420 : i32 to index
      %get3A_473 = arith.constant 48 : index
      %get3A_474 = tpu.vector_load %get3A_471[%get3A_472, %get3A_473] {strides = array<i32>} : memref<128x128xf32, #tpu.memory_space<vmem>>, vector<16xf32>,
      %get3A_475 = arith.constant 0 : i32
      %get3A_476 = arith.constant 0 : i32
      %get3A_477 = tpu.memref_slice %arg10[%scan3A_235, %get3A_475, %get3A_476] : memref<2x128x128xf32, #tpu.memory_space<vmem>> -> memref<1x128x128xf32, #tpu.memory_space<vmem>>
      %get3A_478 = tpu.memref_squeeze %get3A_477 : memref<1x128x128xf32, #tpu.memory_space<vmem>> -> memref<128x128xf32, #tpu.memory_space<vmem>>
      %get3A_479 = arith.index_cast %scan3A_420 : i32 to index
      %get3A_480 = arith.constant 48 : index
      %get3A_481 = tpu.vector_load %get3A_478[%get3A_479, %get3A_480] {strides = array<i32>} : memref<128x128xf32, #tpu.memory_space<vmem>>, vector<16xf32>,
      %mul3A_482 = arith.mulf %get3A_474, %get3A_481 : vector<16xf32>
      %add3A_483 = arith.addf %add3A_467, %mul3A_482 : vector<16xf32>
      %get3A_484 = arith.constant 0 : i32
      %get3A_485 = arith.constant 0 : i32
      %get3A_486 = tpu.memref_slice %arg9[%scan3A_234, %get3A_484, %get3A_485] : memref<2x128x128xf32, #tpu.memory_space<vmem>> -> memref<1x128x128xf32, #tpu.memory_space<vmem>>
      %get3A_487 = tpu.memref_squeeze %get3A_486 : memref<1x128x128xf32, #tpu.memory_space<vmem>> -> memref<128x128xf32, #tpu.memory_space<vmem>>
      %get3A_488 = arith.index_cast %scan3A_420 : i32 to index
      %get3A_489 = arith.constant 64 : index
      %get3A_490 = tpu.vector_load %get3A_487[%get3A_488, %get3A_489] {strides = array<i32>} : memref<128x128xf32, #tpu.memory_space<vmem>>, vector<16xf32>,
      %get3A_491 = arith.constant 0 : i32
      %get3A_492 = arith.constant 0 : i32
      %get3A_493 = tpu.memref_slice %arg10[%scan3A_235, %get3A_491, %get3A_492] : memref<2x128x128xf32, #tpu.memory_space<vmem>> -> memref<1x128x128xf32, #tpu.memory_space<vmem>>
      %get3A_494 = tpu.memref_squeeze %get3A_493 : memref<1x128x128xf32, #tpu.memory_space<vmem>> -> memref<128x128xf32, #tpu.memory_space<vmem>>
      %get3A_495 = arith.index_cast %scan3A_420 : i32 to index
      %get3A_496 = arith.constant 64 : index
      %get3A_497 = tpu.vector_load %get3A_494[%get3A_495, %get3A_496] {strides = array<i32>} : memref<128x128xf32, #tpu.memory_space<vmem>>, vector<16xf32>,
      %mul3A_498 = arith.mulf %get3A_490, %get3A_497 : vector<16xf32>
      %add3A_499 = arith.addf %add3A_483, %mul3A_498 : vector<16xf32>
      %get3A_500 = arith.constant 0 : i32
      %get3A_501 = arith.constant 0 : i32
      %get3A_502 = tpu.memref_slice %arg9[%scan3A_234, %get3A_500, %get3A_501] : memref<2x128x128xf32, #tpu.memory_space<vmem>> -> memref<1x128x128xf32, #tpu.memory_space<vmem>>
      %get3A_503 = tpu.memref_squeeze %get3A_502 : memref<1x128x128xf32, #tpu.memory_space<vmem>> -> memref<128x128xf32, #tpu.memory_space<vmem>>
      %get3A_504 = arith.index_cast %scan3A_420 : i32 to index
      %get3A_505 = arith.constant 80 : index
      %get3A_506 = tpu.vector_load %get3A_503[%get3A_504, %get3A_505] {strides = array<i32>} : memref<128x128xf32, #tpu.memory_space<vmem>>, vector<16xf32>,
      %get3A_507 = arith.constant 0 : i32
      %get3A_508 = arith.constant 0 : i32
      %get3A_509 = tpu.memref_slice %arg10[%scan3A_235, %get3A_507, %get3A_508] : memref<2x128x128xf32, #tpu.memory_space<vmem>> -> memref<1x128x128xf32, #tpu.memory_space<vmem>>
      %get3A_510 = tpu.memref_squeeze %get3A_509 : memref<1x128x128xf32, #tpu.memory_space<vmem>> -> memref<128x128xf32, #tpu.memory_space<vmem>>
      %get3A_511 = arith.index_cast %scan3A_420 : i32 to index
      %get3A_512 = arith.constant 80 : index
      %get3A_513 = tpu.vector_load %get3A_510[%get3A_511, %get3A_512] {strides = array<i32>} : memref<128x128xf32, #tpu.memory_space<vmem>>, vector<16xf32>,
      %mul3A_514 = arith.mulf %get3A_506, %get3A_513 : vector<16xf32>
      %add3A_515 = arith.addf %add3A_499, %mul3A_514 : vector<16xf32>
      %get3A_516 = arith.constant 0 : i32
      %get3A_517 = arith.constant 0 : i32
      %get3A_518 = tpu.memref_slice %arg9[%scan3A_234, %get3A_516, %get3A_517] : memref<2x128x128xf32, #tpu.memory_space<vmem>> -> memref<1x128x128xf32, #tpu.memory_space<vmem>>
      %get3A_519 = tpu.memref_squeeze %get3A_518 : memref<1x128x128xf32, #tpu.memory_space<vmem>> -> memref<128x128xf32, #tpu.memory_space<vmem>>
      %get3A_520 = arith.index_cast %scan3A_420 : i32 to index
      %get3A_521 = arith.constant 96 : index
      %get3A_522 = tpu.vector_load %get3A_519[%get3A_520, %get3A_521] {strides = array<i32>} : memref<128x128xf32, #tpu.memory_space<vmem>>, vector<16xf32>,
      %get3A_523 = arith.constant 0 : i32
      %get3A_524 = arith.constant 0 : i32
      %get3A_525 = tpu.memref_slice %arg10[%scan3A_235, %get3A_523, %get3A_524] : memref<2x128x128xf32, #tpu.memory_space<vmem>> -> memref<1x128x128xf32, #tpu.memory_space<vmem>>
      %get3A_526 = tpu.memref_squeeze %get3A_525 : memref<1x128x128xf32, #tpu.memory_space<vmem>> -> memref<128x128xf32, #tpu.memory_space<vmem>>
      %get3A_527 = arith.index_cast %scan3A_420 : i32 to index
      %get3A_528 = arith.constant 96 : index
      %get3A_529 = tpu.vector_load %get3A_526[%get3A_527, %get3A_528] {strides = array<i32>} : memref<128x128xf32, #tpu.memory_space<vmem>>, vector<16xf32>,
      %mul3A_530 = arith.mulf %get3A_522, %get3A_529 : vector<16xf32>
      %add3A_531 = arith.addf %add3A_515, %mul3A_530 : vector<16xf32>
      %get3A_532 = arith.constant 0 : i32
      %get3A_533 = arith.constant 0 : i32
      %get3A_534 = tpu.memref_slice %arg9[%scan3A_234, %get3A_532, %get3A_533] : memref<2x128x128xf32, #tpu.memory_space<vmem>> -> memref<1x128x128xf32, #tpu.memory_space<vmem>>
      %get3A_535 = tpu.memref_squeeze %get3A_534 : memref<1x128x128xf32, #tpu.memory_space<vmem>> -> memref<128x128xf32, #tpu.memory_space<vmem>>
      %get3A_536 = arith.index_cast %scan3A_420 : i32 to index
      %get3A_537 = arith.constant 112 : index
      %get3A_538 = tpu.vector_load %get3A_535[%get3A_536, %get3A_537] {strides = array<i32>} : memref<128x128xf32, #tpu.memory_space<vmem>>, vector<16xf32>,
      %get3A_539 = arith.constant 0 : i32
      %get3A_540 = arith.constant 0 : i32
      %get3A_541 = tpu.memref_slice %arg10[%scan3A_235, %get3A_539, %get3A_540] : memref<2x128x128xf32, #tpu.memory_space<vmem>> -> memref<1x128x128xf32, #tpu.memory_space<vmem>>
      %get3A_542 = tpu.memref_squeeze %get3A_541 : memref<1x128x128xf32, #tpu.memory_space<vmem>> -> memref<128x128xf32, #tpu.memory_space<vmem>>
      %get3A_543 = arith.index_cast %scan3A_420 : i32 to index
      %get3A_544 = arith.constant 112 : index
      %get3A_545 = tpu.vector_load %get3A_542[%get3A_543, %get3A_544] {strides = array<i32>} : memref<128x128xf32, #tpu.memory_space<vmem>>, vector<16xf32>,
      %mul3A_546 = arith.mulf %get3A_538, %get3A_545 : vector<16xf32>
      %add3A_547 = arith.addf %add3A_531, %mul3A_546 : vector<16xf32>
      %broadcast_in_dim3A_548 = arith.constant true
      %broadcast_in_dim3A_549 = vector.broadcast %broadcast_in_dim3A_548 : i1 to vector<16xi1>
      %masked_cumsum3A_550 = tpu.scan <sum>, %add3A_547 masked %broadcast_in_dim3A_549 : vector<16xf32>, vector<16xi1> -> vector<16xf32>
      %lt3A_551 = arith.constant 0 : i32
      %lt3A_552 = vector.broadcast %lt3A_551 : i32 to vector<16xi32>
      %lt3A_553 = arith.cmpi slt, %broadcast_in_dim3A_231, %lt3A_552 : vector<16xi32>
      %add3A_554 = arith.constant 16 : i32
      %add3A_555 = vector.broadcast %add3A_554 : i32 to vector<16xi32>
      %add3A_556 = arith.addi %broadcast_in_dim3A_231, %add3A_555 : vector<16xi32>
      %select_n3A_557 = arith.select %lt3A_553, %add3A_556, %broadcast_in_dim3A_231 : vector<16xi1>, vector<16xi32>
      %broadcast_in_dim3A_558 = vector.shape_cast %select_n3A_557 : vector<16xi32> to vector<16x1xi32>
      %gather3A_559 = vector.shape_cast %broadcast_in_dim3A_558 : vector<16x1xi32> to vector<16xi32>
      %gather3A_560 = tpu.dynamic_gather %masked_cumsum3A_550[%gather3A_559] in [0] : vector<16xf32>, vector<16xi32> -> vector<16xf32>
      %and3A_561 = arith.constant 15 : i32
      %and3A_562 = arith.andi %scan3A_420, %and3A_561 : i32
      %eq3A_563 = vector.broadcast %and3A_562 : i32 to vector<16xi32>
      %eq3A_564 = arith.cmpi eq, %iota3A_229, %eq3A_563 : vector<16xi32>
      %select_n3A_565 = arith.select %eq3A_564, %gather3A_560, %select_n3A_413 : vector<16xi1>, vector<16xf32>
      %and3A_566 = arith.constant 15 : i32
      %and3A_567 = arith.andi %scan3A_420, %and3A_566 : i32
      %eq3A_568 = arith.constant 15 : i32
      %eq3A_569 = arith.cmpi eq, %and3A_567, %eq3A_568 : i32
      %convert_element_type3A_570 = arith.extui %eq3A_569 : i1 to i32
      %cond3A_571 = arith.constant 0 : i32
      %cond3A_572 = arith.cmpi ne, %convert_element_type3A_570, %cond3A_571 : i32
      scf.if %cond3A_572 {
        %neg3A = arith.constant 0.000000e+00 : f32
        %neg3A_881 = vector.broadcast %neg3A : f32 to vector<16xf32>
        %neg3A_882 = arith.subf %neg3A_881, %select_n3A_565 : vector<16xf32>
        %exp3A = math.exp %neg3A_882 : vector<16xf32>
        %add3A_883 = arith.constant 1.000000e+00 : f32
        %add3A_884 = vector.broadcast %add3A_883 : f32 to vector<16xf32>
        %add3A_885 = arith.addf %add3A_884, %exp3A : vector<16xf32>
        %div3A = arith.constant 1.000000e+00 : f32
        %div3A_886 = vector.broadcast %div3A : f32 to vector<16xf32>
        %div3A_887 = arith.divf %div3A_886, %add3A_885 : vector<16xf32>
        %add3A_888 = arith.constant 384 : i32
        %add3A_889 = arith.addi %add3A_888, %scan3A_420 : i32
        %sub3A = arith.constant 15 : i32
        %sub3A_890 = arith.subi %add3A_889, %sub3A : i32
        %swap3A = arith.index_cast %sub3A_890 : i32 to index
        %swap3A_891 = tpu.vector_load %arg11[%swap3A] {strides = array<i32>} : memref<512xf32, #tpu.memory_space<vmem>>, vector<16xf32>,
        tpu.vector_store %arg11[%swap3A], %div3A_887 {strides = array<i32>} : memref<512xf32, #tpu.memory_space<vmem>>, vector<16xf32>,
      } else {
      }
      %scan3A_573 = arith.constant 2 : i32
      %scan3A_574 = arith.addi %scan3A_274, %scan3A_573 : i32
      %get3A_575 = arith.constant 0 : i32
      %get3A_576 = arith.constant 0 : i32
      %get3A_577 = tpu.memref_slice %arg9[%scan3A_234, %get3A_575, %get3A_576] : memref<2x128x128xf32, #tpu.memory_space<vmem>> -> memref<1x128x128xf32, #tpu.memory_space<vmem>>
      %get3A_578 = tpu.memref_squeeze %get3A_577 : memref<1x128x128xf32, #tpu.memory_space<vmem>> -> memref<128x128xf32, #tpu.memory_space<vmem>>
      %get3A_579 = arith.index_cast %scan3A_574 : i32 to index
      %get3A_580 = arith.constant 0 : index
      %get3A_581 = tpu.vector_load %get3A_578[%get3A_579, %get3A_580] {strides = array<i32>} : memref<128x128xf32, #tpu.memory_space<vmem>>, vector<16xf32>,
      %get3A_582 = arith.constant 0 : i32
      %get3A_583 = arith.constant 0 : i32
      %get3A_584 = tpu.memref_slice %arg10[%scan3A_235, %get3A_582, %get3A_583] : memref<2x128x128xf32, #tpu.memory_space<vmem>> -> memref<1x128x128xf32, #tpu.memory_space<vmem>>
      %get3A_585 = tpu.memref_squeeze %get3A_584 : memref<1x128x128xf32, #tpu.memory_space<vmem>> -> memref<128x128xf32, #tpu.memory_space<vmem>>
      %get3A_586 = arith.index_cast %scan3A_574 : i32 to index
      %get3A_587 = arith.constant 0 : index
      %get3A_588 = tpu.vector_load %get3A_585[%get3A_586, %get3A_587] {strides = array<i32>} : memref<128x128xf32, #tpu.memory_space<vmem>>, vector<16xf32>,
      %mul3A_589 = arith.mulf %get3A_581, %get3A_588 : vector<16xf32>
      %get3A_590 = arith.constant 0 : i32
      %get3A_591 = arith.constant 0 : i32
      %get3A_592 = tpu.memref_slice %arg9[%scan3A_234, %get3A_590, %get3A_591] : memref<2x128x128xf32, #tpu.memory_space<vmem>> -> memref<1x128x128xf32, #tpu.memory_space<vmem>>
      %get3A_593 = tpu.memref_squeeze %get3A_592 : memref<1x128x128xf32, #tpu.memory_space<vmem>> -> memref<128x128xf32, #tpu.memory_space<vmem>>
      %get3A_594 = arith.index_cast %scan3A_574 : i32 to index
      %get3A_595 = arith.constant 16 : index
      %get3A_596 = tpu.vector_load %get3A_593[%get3A_594, %get3A_595] {strides = array<i32>} : memref<128x128xf32, #tpu.memory_space<vmem>>, vector<16xf32>,
      %get3A_597 = arith.constant 0 : i32
      %get3A_598 = arith.constant 0 : i32
      %get3A_599 = tpu.memref_slice %arg10[%scan3A_235, %get3A_597, %get3A_598] : memref<2x128x128xf32, #tpu.memory_space<vmem>> -> memref<1x128x128xf32, #tpu.memory_space<vmem>>
      %get3A_600 = tpu.memref_squeeze %get3A_599 : memref<1x128x128xf32, #tpu.memory_space<vmem>> -> memref<128x128xf32, #tpu.memory_space<vmem>>
      %get3A_601 = arith.index_cast %scan3A_574 : i32 to index
      %get3A_602 = arith.constant 16 : index
      %get3A_603 = tpu.vector_load %get3A_600[%get3A_601, %get3A_602] {strides = array<i32>} : memref<128x128xf32, #tpu.memory_space<vmem>>, vector<16xf32>,
      %mul3A_604 = arith.mulf %get3A_596, %get3A_603 : vector<16xf32>
      %add3A_605 = arith.addf %mul3A_589, %mul3A_604 : vector<16xf32>
      %get3A_606 = arith.constant 0 : i32
      %get3A_607 = arith.constant 0 : i32
      %get3A_608 = tpu.memref_slice %arg9[%scan3A_234, %get3A_606, %get3A_607] : memref<2x128x128xf32, #tpu.memory_space<vmem>> -> memref<1x128x128xf32, #tpu.memory_space<vmem>>
      %get3A_609 = tpu.memref_squeeze %get3A_608 : memref<1x128x128xf32, #tpu.memory_space<vmem>> -> memref<128x128xf32, #tpu.memory_space<vmem>>
      %get3A_610 = arith.index_cast %scan3A_574 : i32 to index
      %get3A_611 = arith.constant 32 : index
      %get3A_612 = tpu.vector_load %get3A_609[%get3A_610, %get3A_611] {strides = array<i32>} : memref<128x128xf32, #tpu.memory_space<vmem>>, vector<16xf32>,
      %get3A_613 = arith.constant 0 : i32
      %get3A_614 = arith.constant 0 : i32
      %get3A_615 = tpu.memref_slice %arg10[%scan3A_235, %get3A_613, %get3A_614] : memref<2x128x128xf32, #tpu.memory_space<vmem>> -> memref<1x128x128xf32, #tpu.memory_space<vmem>>
      %get3A_616 = tpu.memref_squeeze %get3A_615 : memref<1x128x128xf32, #tpu.memory_space<vmem>> -> memref<128x128xf32, #tpu.memory_space<vmem>>
      %get3A_617 = arith.index_cast %scan3A_574 : i32 to index
      %get3A_618 = arith.constant 32 : index
      %get3A_619 = tpu.vector_load %get3A_616[%get3A_617, %get3A_618] {strides = array<i32>} : memref<128x128xf32, #tpu.memory_space<vmem>>, vector<16xf32>,
      %mul3A_620 = arith.mulf %get3A_612, %get3A_619 : vector<16xf32>
      %add3A_621 = arith.addf %add3A_605, %mul3A_620 : vector<16xf32>
      %get3A_622 = arith.constant 0 : i32
      %get3A_623 = arith.constant 0 : i32
      %get3A_624 = tpu.memref_slice %arg9[%scan3A_234, %get3A_622, %get3A_623] : memref<2x128x128xf32, #tpu.memory_space<vmem>> -> memref<1x128x128xf32, #tpu.memory_space<vmem>>
      %get3A_625 = tpu.memref_squeeze %get3A_624 : memref<1x128x128xf32, #tpu.memory_space<vmem>> -> memref<128x128xf32, #tpu.memory_space<vmem>>
      %get3A_626 = arith.index_cast %scan3A_574 : i32 to index
      %get3A_627 = arith.constant 48 : index
      %get3A_628 = tpu.vector_load %get3A_625[%get3A_626, %get3A_627] {strides = array<i32>} : memref<128x128xf32, #tpu.memory_space<vmem>>, vector<16xf32>,
      %get3A_629 = arith.constant 0 : i32
      %get3A_630 = arith.constant 0 : i32
      %get3A_631 = tpu.memref_slice %arg10[%scan3A_235, %get3A_629, %get3A_630] : memref<2x128x128xf32, #tpu.memory_space<vmem>> -> memref<1x128x128xf32, #tpu.memory_space<vmem>>
      %get3A_632 = tpu.memref_squeeze %get3A_631 : memref<1x128x128xf32, #tpu.memory_space<vmem>> -> memref<128x128xf32, #tpu.memory_space<vmem>>
      %get3A_633 = arith.index_cast %scan3A_574 : i32 to index
      %get3A_634 = arith.constant 48 : index
      %get3A_635 = tpu.vector_load %get3A_632[%get3A_633, %get3A_634] {strides = array<i32>} : memref<128x128xf32, #tpu.memory_space<vmem>>, vector<16xf32>,
      %mul3A_636 = arith.mulf %get3A_628, %get3A_635 : vector<16xf32>
      %add3A_637 = arith.addf %add3A_621, %mul3A_636 : vector<16xf32>
      %get3A_638 = arith.constant 0 : i32
      %get3A_639 = arith.constant 0 : i32
      %get3A_640 = tpu.memref_slice %arg9[%scan3A_234, %get3A_638, %get3A_639] : memref<2x128x128xf32, #tpu.memory_space<vmem>> -> memref<1x128x128xf32, #tpu.memory_space<vmem>>
      %get3A_641 = tpu.memref_squeeze %get3A_640 : memref<1x128x128xf32, #tpu.memory_space<vmem>> -> memref<128x128xf32, #tpu.memory_space<vmem>>
      %get3A_642 = arith.index_cast %scan3A_574 : i32 to index
      %get3A_643 = arith.constant 64 : index
      %get3A_644 = tpu.vector_load %get3A_641[%get3A_642, %get3A_643] {strides = array<i32>} : memref<128x128xf32, #tpu.memory_space<vmem>>, vector<16xf32>,
      %get3A_645 = arith.constant 0 : i32
      %get3A_646 = arith.constant 0 : i32
      %get3A_647 = tpu.memref_slice %arg10[%scan3A_235, %get3A_645, %get3A_646] : memref<2x128x128xf32, #tpu.memory_space<vmem>> -> memref<1x128x128xf32, #tpu.memory_space<vmem>>
      %get3A_648 = tpu.memref_squeeze %get3A_647 : memref<1x128x128xf32, #tpu.memory_space<vmem>> -> memref<128x128xf32, #tpu.memory_space<vmem>>
      %get3A_649 = arith.index_cast %scan3A_574 : i32 to index
      %get3A_650 = arith.constant 64 : index
      %get3A_651 = tpu.vector_load %get3A_648[%get3A_649, %get3A_650] {strides = array<i32>} : memref<128x128xf32, #tpu.memory_space<vmem>>, vector<16xf32>,
      %mul3A_652 = arith.mulf %get3A_644, %get3A_651 : vector<16xf32>
      %add3A_653 = arith.addf %add3A_637, %mul3A_652 : vector<16xf32>
      %get3A_654 = arith.constant 0 : i32
      %get3A_655 = arith.constant 0 : i32
      %get3A_656 = tpu.memref_slice %arg9[%scan3A_234, %get3A_654, %get3A_655] : memref<2x128x128xf32, #tpu.memory_space<vmem>> -> memref<1x128x128xf32, #tpu.memory_space<vmem>>
      %get3A_657 = tpu.memref_squeeze %get3A_656 : memref<1x128x128xf32, #tpu.memory_space<vmem>> -> memref<128x128xf32, #tpu.memory_space<vmem>>
      %get3A_658 = arith.index_cast %scan3A_574 : i32 to index
      %get3A_659 = arith.constant 80 : index
      %get3A_660 = tpu.vector_load %get3A_657[%get3A_658, %get3A_659] {strides = array<i32>} : memref<128x128xf32, #tpu.memory_space<vmem>>, vector<16xf32>,
      %get3A_661 = arith.constant 0 : i32
      %get3A_662 = arith.constant 0 : i32
      %get3A_663 = tpu.memref_slice %arg10[%scan3A_235, %get3A_661, %get3A_662] : memref<2x128x128xf32, #tpu.memory_space<vmem>> -> memref<1x128x128xf32, #tpu.memory_space<vmem>>
      %get3A_664 = tpu.memref_squeeze %get3A_663 : memref<1x128x128xf32, #tpu.memory_space<vmem>> -> memref<128x128xf32, #tpu.memory_space<vmem>>
      %get3A_665 = arith.index_cast %scan3A_574 : i32 to index
      %get3A_666 = arith.constant 80 : index
      %get3A_667 = tpu.vector_load %get3A_664[%get3A_665, %get3A_666] {strides = array<i32>} : memref<128x128xf32, #tpu.memory_space<vmem>>, vector<16xf32>,
      %mul3A_668 = arith.mulf %get3A_660, %get3A_667 : vector<16xf32>
      %add3A_669 = arith.addf %add3A_653, %mul3A_668 : vector<16xf32>
      %get3A_670 = arith.constant 0 : i32
      %get3A_671 = arith.constant 0 : i32
      %get3A_672 = tpu.memref_slice %arg9[%scan3A_234, %get3A_670, %get3A_671] : memref<2x128x128xf32, #tpu.memory_space<vmem>> -> memref<1x128x128xf32, #tpu.memory_space<vmem>>
      %get3A_673 = tpu.memref_squeeze %get3A_672 : memref<1x128x128xf32, #tpu.memory_space<vmem>> -> memref<128x128xf32, #tpu.memory_space<vmem>>
      %get3A_674 = arith.index_cast %scan3A_574 : i32 to index
      %get3A_675 = arith.constant 96 : index
      %get3A_676 = tpu.vector_load %get3A_673[%get3A_674, %get3A_675] {strides = array<i32>} : memref<128x128xf32, #tpu.memory_space<vmem>>, vector<16xf32>,
      %get3A_677 = arith.constant 0 : i32
      %get3A_678 = arith.constant 0 : i32
      %get3A_679 = tpu.memref_slice %arg10[%scan3A_235, %get3A_677, %get3A_678] : memref<2x128x128xf32, #tpu.memory_space<vmem>> -> memref<1x128x128xf32, #tpu.memory_space<vmem>>
      %get3A_680 = tpu.memref_squeeze %get3A_679 : memref<1x128x128xf32, #tpu.memory_space<vmem>> -> memref<128x128xf32, #tpu.memory_space<vmem>>
      %get3A_681 = arith.index_cast %scan3A_574 : i32 to index
      %get3A_682 = arith.constant 96 : index
      %get3A_683 = tpu.vector_load %get3A_680[%get3A_681, %get3A_682] {strides = array<i32>} : memref<128x128xf32, #tpu.memory_space<vmem>>, vector<16xf32>,
      %mul3A_684 = arith.mulf %get3A_676, %get3A_683 : vector<16xf32>
      %add3A_685 = arith.addf %add3A_669, %mul3A_684 : vector<16xf32>
      %get3A_686 = arith.constant 0 : i32
      %get3A_687 = arith.constant 0 : i32
      %get3A_688 = tpu.memref_slice %arg9[%scan3A_234, %get3A_686, %get3A_687] : memref<2x128x128xf32, #tpu.memory_space<vmem>> -> memref<1x128x128xf32, #tpu.memory_space<vmem>>
      %get3A_689 = tpu.memref_squeeze %get3A_688 : memref<1x128x128xf32, #tpu.memory_space<vmem>> -> memref<128x128xf32, #tpu.memory_space<vmem>>
      %get3A_690 = arith.index_cast %scan3A_574 : i32 to index
      %get3A_691 = arith.constant 112 : index
      %get3A_692 = tpu.vector_load %get3A_689[%get3A_690, %get3A_691] {strides = array<i32>} : memref<128x128xf32, #tpu.memory_space<vmem>>, vector<16xf32>,
      %get3A_693 = arith.constant 0 : i32
      %get3A_694 = arith.constant 0 : i32
      %get3A_695 = tpu.memref_slice %arg10[%scan3A_235, %get3A_693, %get3A_694] : memref<2x128x128xf32, #tpu.memory_space<vmem>> -> memref<1x128x128xf32, #tpu.memory_space<vmem>>
      %get3A_696 = tpu.memref_squeeze %get3A_695 : memref<1x128x128xf32, #tpu.memory_space<vmem>> -> memref<128x128xf32, #tpu.memory_space<vmem>>
      %get3A_697 = arith.index_cast %scan3A_574 : i32 to index
      %get3A_698 = arith.constant 112 : index
      %get3A_699 = tpu.vector_load %get3A_696[%get3A_697, %get3A_698] {strides = array<i32>} : memref<128x128xf32, #tpu.memory_space<vmem>>, vector<16xf32>,
      %mul3A_700 = arith.mulf %get3A_692, %get3A_699 : vector<16xf32>
      %add3A_701 = arith.addf %add3A_685, %mul3A_700 : vector<16xf32>
      %broadcast_in_dim3A_702 = arith.constant true
      %broadcast_in_dim3A_703 = vector.broadcast %broadcast_in_dim3A_702 : i1 to vector<16xi1>
      %masked_cumsum3A_704 = tpu.scan <sum>, %add3A_701 masked %broadcast_in_dim3A_703 : vector<16xf32>, vector<16xi1> -> vector<16xf32>
      %lt3A_705 = arith.constant 0 : i32
      %lt3A_706 = vector.broadcast %lt3A_705 : i32 to vector<16xi32>
      %lt3A_707 = arith.cmpi slt, %broadcast_in_dim3A_231, %lt3A_706 : vector<16xi32>
      %add3A_708 = arith.constant 16 : i32
      %add3A_709 = vector.broadcast %add3A_708 : i32 to vector<16xi32>
      %add3A_710 = arith.addi %broadcast_in_dim3A_231, %add3A_709 : vector<16xi32>
      %select_n3A_711 = arith.select %lt3A_707, %add3A_710, %broadcast_in_dim3A_231 : vector<16xi1>, vector<16xi32>
      %broadcast_in_dim3A_712 = vector.shape_cast %select_n3A_711 : vector<16xi32> to vector<16x1xi32>
      %gather3A_713 = vector.shape_cast %broadcast_in_dim3A_712 : vector<16x1xi32> to vector<16xi32>
      %gather3A_714 = tpu.dynamic_gather %masked_cumsum3A_704[%gather3A_713] in [0] : vector<16xf32>, vector<16xi32> -> vector<16xf32>
      %and3A_715 = arith.constant 15 : i32
      %and3A_716 = arith.andi %scan3A_574, %and3A_715 : i32
      %eq3A_717 = vector.broadcast %and3A_716 : i32 to vector<16xi32>
      %eq3A_718 = arith.cmpi eq, %iota3A_229, %eq3A_717 : vector<16xi32>
      %select_n3A_719 = arith.select %eq3A_718, %gather3A_714, %select_n3A_565 : vector<16xi1>, vector<16xf32>
      %and3A_720 = arith.constant 15 : i32
      %and3A_721 = arith.andi %scan3A_574, %and3A_720 : i32
      %eq3A_722 = arith.constant 15 : i32
      %eq3A_723 = arith.cmpi eq, %and3A_721, %eq3A_722 : i32
      %convert_element_type3A_724 = arith.extui %eq3A_723 : i1 to i32
      %cond3A_725 = arith.constant 0 : i32
      %cond3A_726 = arith.cmpi ne, %convert_element_type3A_724, %cond3A_725 : i32
      scf.if %cond3A_726 {
        %neg3A = arith.constant 0.000000e+00 : f32
        %neg3A_881 = vector.broadcast %neg3A : f32 to vector<16xf32>
        %neg3A_882 = arith.subf %neg3A_881, %select_n3A_719 : vector<16xf32>
        %exp3A = math.exp %neg3A_882 : vector<16xf32>
        %add3A_883 = arith.constant 1.000000e+00 : f32
        %add3A_884 = vector.broadcast %add3A_883 : f32 to vector<16xf32>
        %add3A_885 = arith.addf %add3A_884, %exp3A : vector<16xf32>
        %div3A = arith.constant 1.000000e+00 : f32
        %div3A_886 = vector.broadcast %div3A : f32 to vector<16xf32>
        %div3A_887 = arith.divf %div3A_886, %add3A_885 : vector<16xf32>
        %add3A_888 = arith.constant 384 : i32
        %add3A_889 = arith.addi %add3A_888, %scan3A_574 : i32
        %sub3A = arith.constant 15 : i32
        %sub3A_890 = arith.subi %add3A_889, %sub3A : i32
        %swap3A = arith.index_cast %sub3A_890 : i32 to index
        %swap3A_891 = tpu.vector_load %arg11[%swap3A] {strides = array<i32>} : memref<512xf32, #tpu.memory_space<vmem>>, vector<16xf32>,
        tpu.vector_store %arg11[%swap3A], %div3A_887 {strides = array<i32>} : memref<512xf32, #tpu.memory_space<vmem>>, vector<16xf32>,
      } else {
      }
      %scan3A_727 = arith.constant 3 : i32
      %scan3A_728 = arith.addi %scan3A_274, %scan3A_727 : i32
      %get3A_729 = arith.constant 0 : i32
      %get3A_730 = arith.constant 0 : i32
      %get3A_731 = tpu.memref_slice %arg9[%scan3A_234, %get3A_729, %get3A_730] : memref<2x128x128xf32, #tpu.memory_space<vmem>> -> memref<1x128x128xf32, #tpu.memory_space<vmem>>
      %get3A_732 = tpu.memref_squeeze %get3A_731 : memref<1x128x128xf32, #tpu.memory_space<vmem>> -> memref<128x128xf32, #tpu.memory_space<vmem>>
      %get3A_733 = arith.index_cast %scan3A_728 : i32 to index
      %get3A_734 = arith.constant 0 : index
      %get3A_735 = tpu.vector_load %get3A_732[%get3A_733, %get3A_734] {strides = array<i32>} : memref<128x128xf32, #tpu.memory_space<vmem>>, vector<16xf32>,
      %get3A_736 = arith.constant 0 : i32
      %get3A_737 = arith.constant 0 : i32
      %get3A_738 = tpu.memref_slice %arg10[%scan3A_235, %get3A_736, %get3A_737] : memref<2x128x128xf32, #tpu.memory_space<vmem>> -> memref<1x128x128xf32, #tpu.memory_space<vmem>>
      %get3A_739 = tpu.memref_squeeze %get3A_738 : memref<1x128x128xf32, #tpu.memory_space<vmem>> -> memref<128x128xf32, #tpu.memory_space<vmem>>
      %get3A_740 = arith.index_cast %scan3A_728 : i32 to index
      %get3A_741 = arith.constant 0 : index
      %get3A_742 = tpu.vector_load %get3A_739[%get3A_740, %get3A_741] {strides = array<i32>} : memref<128x128xf32, #tpu.memory_space<vmem>>, vector<16xf32>,
      %mul3A_743 = arith.mulf %get3A_735, %get3A_742 : vector<16xf32>
      %get3A_744 = arith.constant 0 : i32
      %get3A_745 = arith.constant 0 : i32
      %get3A_746 = tpu.memref_slice %arg9[%scan3A_234, %get3A_744, %get3A_745] : memref<2x128x128xf32, #tpu.memory_space<vmem>> -> memref<1x128x128xf32, #tpu.memory_space<vmem>>
      %get3A_747 = tpu.memref_squeeze %get3A_746 : memref<1x128x128xf32, #tpu.memory_space<vmem>> -> memref<128x128xf32, #tpu.memory_space<vmem>>
      %get3A_748 = arith.index_cast %scan3A_728 : i32 to index
      %get3A_749 = arith.constant 16 : index
      %get3A_750 = tpu.vector_load %get3A_747[%get3A_748, %get3A_749] {strides = array<i32>} : memref<128x128xf32, #tpu.memory_space<vmem>>, vector<16xf32>,
      %get3A_751 = arith.constant 0 : i32
      %get3A_752 = arith.constant 0 : i32
      %get3A_753 = tpu.memref_slice %arg10[%scan3A_235, %get3A_751, %get3A_752] : memref<2x128x128xf32, #tpu.memory_space<vmem>> -> memref<1x128x128xf32, #tpu.memory_space<vmem>>
      %get3A_754 = tpu.memref_squeeze %get3A_753 : memref<1x128x128xf32, #tpu.memory_space<vmem>> -> memref<128x128xf32, #tpu.memory_space<vmem>>
      %get3A_755 = arith.index_cast %scan3A_728 : i32 to index
      %get3A_756 = arith.constant 16 : index
      %get3A_757 = tpu.vector_load %get3A_754[%get3A_755, %get3A_756] {strides = array<i32>} : memref<128x128xf32, #tpu.memory_space<vmem>>, vector<16xf32>,
      %mul3A_758 = arith.mulf %get3A_750, %get3A_757 : vector<16xf32>
      %add3A_759 = arith.addf %mul3A_743, %mul3A_758 : vector<16xf32>
      %get3A_760 = arith.constant 0 : i32
      %get3A_761 = arith.constant 0 : i32
      %get3A_762 = tpu.memref_slice %arg9[%scan3A_234, %get3A_760, %get3A_761] : memref<2x128x128xf32, #tpu.memory_space<vmem>> -> memref<1x128x128xf32, #tpu.memory_space<vmem>>
      %get3A_763 = tpu.memref_squeeze %get3A_762 : memref<1x128x128xf32, #tpu.memory_space<vmem>> -> memref<128x128xf32, #tpu.memory_space<vmem>>
      %get3A_764 = arith.index_cast %scan3A_728 : i32 to index
      %get3A_765 = arith.constant 32 : index
      %get3A_766 = tpu.vector_load %get3A_763[%get3A_764, %get3A_765] {strides = array<i32>} : memref<128x128xf32, #tpu.memory_space<vmem>>, vector<16xf32>,
      %get3A_767 = arith.constant 0 : i32
      %get3A_768 = arith.constant 0 : i32
      %get3A_769 = tpu.memref_slice %arg10[%scan3A_235, %get3A_767, %get3A_768] : memref<2x128x128xf32, #tpu.memory_space<vmem>> -> memref<1x128x128xf32, #tpu.memory_space<vmem>>
      %get3A_770 = tpu.memref_squeeze %get3A_769 : memref<1x128x128xf32, #tpu.memory_space<vmem>> -> memref<128x128xf32, #tpu.memory_space<vmem>>
      %get3A_771 = arith.index_cast %scan3A_728 : i32 to index
      %get3A_772 = arith.constant 32 : index
      %get3A_773 = tpu.vector_load %get3A_770[%get3A_771, %get3A_772] {strides = array<i32>} : memref<128x128xf32, #tpu.memory_space<vmem>>, vector<16xf32>,
      %mul3A_774 = arith.mulf %get3A_766, %get3A_773 : vector<16xf32>
      %add3A_775 = arith.addf %add3A_759, %mul3A_774 : vector<16xf32>
      %get3A_776 = arith.constant 0 : i32
      %get3A_777 = arith.constant 0 : i32
      %get3A_778 = tpu.memref_slice %arg9[%scan3A_234, %get3A_776, %get3A_777] : memref<2x128x128xf32, #tpu.memory_space<vmem>> -> memref<1x128x128xf32, #tpu.memory_space<vmem>>
      %get3A_779 = tpu.memref_squeeze %get3A_778 : memref<1x128x128xf32, #tpu.memory_space<vmem>> -> memref<128x128xf32, #tpu.memory_space<vmem>>
      %get3A_780 = arith.index_cast %scan3A_728 : i32 to index
      %get3A_781 = arith.constant 48 : index
      %get3A_782 = tpu.vector_load %get3A_779[%get3A_780, %get3A_781] {strides = array<i32>} : memref<128x128xf32, #tpu.memory_space<vmem>>, vector<16xf32>,
      %get3A_783 = arith.constant 0 : i32
      %get3A_784 = arith.constant 0 : i32
      %get3A_785 = tpu.memref_slice %arg10[%scan3A_235, %get3A_783, %get3A_784] : memref<2x128x128xf32, #tpu.memory_space<vmem>> -> memref<1x128x128xf32, #tpu.memory_space<vmem>>
      %get3A_786 = tpu.memref_squeeze %get3A_785 : memref<1x128x128xf32, #tpu.memory_space<vmem>> -> memref<128x128xf32, #tpu.memory_space<vmem>>
      %get3A_787 = arith.index_cast %scan3A_728 : i32 to index
      %get3A_788 = arith.constant 48 : index
      %get3A_789 = tpu.vector_load %get3A_786[%get3A_787, %get3A_788] {strides = array<i32>} : memref<128x128xf32, #tpu.memory_space<vmem>>, vector<16xf32>,
      %mul3A_790 = arith.mulf %get3A_782, %get3A_789 : vector<16xf32>
      %add3A_791 = arith.addf %add3A_775, %mul3A_790 : vector<16xf32>
      %get3A_792 = arith.constant 0 : i32
      %get3A_793 = arith.constant 0 : i32
      %get3A_794 = tpu.memref_slice %arg9[%scan3A_234, %get3A_792, %get3A_793] : memref<2x128x128xf32, #tpu.memory_space<vmem>> -> memref<1x128x128xf32, #tpu.memory_space<vmem>>
      %get3A_795 = tpu.memref_squeeze %get3A_794 : memref<1x128x128xf32, #tpu.memory_space<vmem>> -> memref<128x128xf32, #tpu.memory_space<vmem>>
      %get3A_796 = arith.index_cast %scan3A_728 : i32 to index
      %get3A_797 = arith.constant 64 : index
      %get3A_798 = tpu.vector_load %get3A_795[%get3A_796, %get3A_797] {strides = array<i32>} : memref<128x128xf32, #tpu.memory_space<vmem>>, vector<16xf32>,
      %get3A_799 = arith.constant 0 : i32
      %get3A_800 = arith.constant 0 : i32
      %get3A_801 = tpu.memref_slice %arg10[%scan3A_235, %get3A_799, %get3A_800] : memref<2x128x128xf32, #tpu.memory_space<vmem>> -> memref<1x128x128xf32, #tpu.memory_space<vmem>>
      %get3A_802 = tpu.memref_squeeze %get3A_801 : memref<1x128x128xf32, #tpu.memory_space<vmem>> -> memref<128x128xf32, #tpu.memory_space<vmem>>
      %get3A_803 = arith.index_cast %scan3A_728 : i32 to index
      %get3A_804 = arith.constant 64 : index
      %get3A_805 = tpu.vector_load %get3A_802[%get3A_803, %get3A_804] {strides = array<i32>} : memref<128x128xf32, #tpu.memory_space<vmem>>, vector<16xf32>,
      %mul3A_806 = arith.mulf %get3A_798, %get3A_805 : vector<16xf32>
      %add3A_807 = arith.addf %add3A_791, %mul3A_806 : vector<16xf32>
      %get3A_808 = arith.constant 0 : i32
      %get3A_809 = arith.constant 0 : i32
      %get3A_810 = tpu.memref_slice %arg9[%scan3A_234, %get3A_808, %get3A_809] : memref<2x128x128xf32, #tpu.memory_space<vmem>> -> memref<1x128x128xf32, #tpu.memory_space<vmem>>
      %get3A_811 = tpu.memref_squeeze %get3A_810 : memref<1x128x128xf32, #tpu.memory_space<vmem>> -> memref<128x128xf32, #tpu.memory_space<vmem>>
      %get3A_812 = arith.index_cast %scan3A_728 : i32 to index
      %get3A_813 = arith.constant 80 : index
      %get3A_814 = tpu.vector_load %get3A_811[%get3A_812, %get3A_813] {strides = array<i32>} : memref<128x128xf32, #tpu.memory_space<vmem>>, vector<16xf32>,
      %get3A_815 = arith.constant 0 : i32
      %get3A_816 = arith.constant 0 : i32
      %get3A_817 = tpu.memref_slice %arg10[%scan3A_235, %get3A_815, %get3A_816] : memref<2x128x128xf32, #tpu.memory_space<vmem>> -> memref<1x128x128xf32, #tpu.memory_space<vmem>>
      %get3A_818 = tpu.memref_squeeze %get3A_817 : memref<1x128x128xf32, #tpu.memory_space<vmem>> -> memref<128x128xf32, #tpu.memory_space<vmem>>
      %get3A_819 = arith.index_cast %scan3A_728 : i32 to index
      %get3A_820 = arith.constant 80 : index
      %get3A_821 = tpu.vector_load %get3A_818[%get3A_819, %get3A_820] {strides = array<i32>} : memref<128x128xf32, #tpu.memory_space<vmem>>, vector<16xf32>,
      %mul3A_822 = arith.mulf %get3A_814, %get3A_821 : vector<16xf32>
      %add3A_823 = arith.addf %add3A_807, %mul3A_822 : vector<16xf32>
      %get3A_824 = arith.constant 0 : i32
      %get3A_825 = arith.constant 0 : i32
      %get3A_826 = tpu.memref_slice %arg9[%scan3A_234, %get3A_824, %get3A_825] : memref<2x128x128xf32, #tpu.memory_space<vmem>> -> memref<1x128x128xf32, #tpu.memory_space<vmem>>
      %get3A_827 = tpu.memref_squeeze %get3A_826 : memref<1x128x128xf32, #tpu.memory_space<vmem>> -> memref<128x128xf32, #tpu.memory_space<vmem>>
      %get3A_828 = arith.index_cast %scan3A_728 : i32 to index
      %get3A_829 = arith.constant 96 : index
      %get3A_830 = tpu.vector_load %get3A_827[%get3A_828, %get3A_829] {strides = array<i32>} : memref<128x128xf32, #tpu.memory_space<vmem>>, vector<16xf32>,
      %get3A_831 = arith.constant 0 : i32
      %get3A_832 = arith.constant 0 : i32
      %get3A_833 = tpu.memref_slice %arg10[%scan3A_235, %get3A_831, %get3A_832] : memref<2x128x128xf32, #tpu.memory_space<vmem>> -> memref<1x128x128xf32, #tpu.memory_space<vmem>>
      %get3A_834 = tpu.memref_squeeze %get3A_833 : memref<1x128x128xf32, #tpu.memory_space<vmem>> -> memref<128x128xf32, #tpu.memory_space<vmem>>
      %get3A_835 = arith.index_cast %scan3A_728 : i32 to index
      %get3A_836 = arith.constant 96 : index
      %get3A_837 = tpu.vector_load %get3A_834[%get3A_835, %get3A_836] {strides = array<i32>} : memref<128x128xf32, #tpu.memory_space<vmem>>, vector<16xf32>,
      %mul3A_838 = arith.mulf %get3A_830, %get3A_837 : vector<16xf32>
      %add3A_839 = arith.addf %add3A_823, %mul3A_838 : vector<16xf32>
      %get3A_840 = arith.constant 0 : i32
      %get3A_841 = arith.constant 0 : i32
      %get3A_842 = tpu.memref_slice %arg9[%scan3A_234, %get3A_840, %get3A_841] : memref<2x128x128xf32, #tpu.memory_space<vmem>> -> memref<1x128x128xf32, #tpu.memory_space<vmem>>
      %get3A_843 = tpu.memref_squeeze %get3A_842 : memref<1x128x128xf32, #tpu.memory_space<vmem>> -> memref<128x128xf32, #tpu.memory_space<vmem>>
      %get3A_844 = arith.index_cast %scan3A_728 : i32 to index
      %get3A_845 = arith.constant 112 : index
      %get3A_846 = tpu.vector_load %get3A_843[%get3A_844, %get3A_845] {strides = array<i32>} : memref<128x128xf32, #tpu.memory_space<vmem>>, vector<16xf32>,
      %get3A_847 = arith.constant 0 : i32
      %get3A_848 = arith.constant 0 : i32
      %get3A_849 = tpu.memref_slice %arg10[%scan3A_235, %get3A_847, %get3A_848] : memref<2x128x128xf32, #tpu.memory_space<vmem>> -> memref<1x128x128xf32, #tpu.memory_space<vmem>>
      %get3A_850 = tpu.memref_squeeze %get3A_849 : memref<1x128x128xf32, #tpu.memory_space<vmem>> -> memref<128x128xf32, #tpu.memory_space<vmem>>
      %get3A_851 = arith.index_cast %scan3A_728 : i32 to index
      %get3A_852 = arith.constant 112 : index
      %get3A_853 = tpu.vector_load %get3A_850[%get3A_851, %get3A_852] {strides = array<i32>} : memref<128x128xf32, #tpu.memory_space<vmem>>, vector<16xf32>,
      %mul3A_854 = arith.mulf %get3A_846, %get3A_853 : vector<16xf32>
      %add3A_855 = arith.addf %add3A_839, %mul3A_854 : vector<16xf32>
      %broadcast_in_dim3A_856 = arith.constant true
      %broadcast_in_dim3A_857 = vector.broadcast %broadcast_in_dim3A_856 : i1 to vector<16xi1>
      %masked_cumsum3A_858 = tpu.scan <sum>, %add3A_855 masked %broadcast_in_dim3A_857 : vector<16xf32>, vector<16xi1> -> vector<16xf32>
      %lt3A_859 = arith.constant 0 : i32
      %lt3A_860 = vector.broadcast %lt3A_859 : i32 to vector<16xi32>
      %lt3A_861 = arith.cmpi slt, %broadcast_in_dim3A_231, %lt3A_860 : vector<16xi32>
      %add3A_862 = arith.constant 16 : i32
      %add3A_863 = vector.broadcast %add3A_862 : i32 to vector<16xi32>
      %add3A_864 = arith.addi %broadcast_in_dim3A_231, %add3A_863 : vector<16xi32>
      %select_n3A_865 = arith.select %lt3A_861, %add3A_864, %broadcast_in_dim3A_231 : vector<16xi1>, vector<16xi32>
      %broadcast_in_dim3A_866 = vector.shape_cast %select_n3A_865 : vector<16xi32> to vector<16x1xi32>
      %gather3A_867 = vector.shape_cast %broadcast_in_dim3A_866 : vector<16x1xi32> to vector<16xi32>
      %gather3A_868 = tpu.dynamic_gather %masked_cumsum3A_858[%gather3A_867] in [0] : vector<16xf32>, vector<16xi32> -> vector<16xf32>
      %and3A_869 = arith.constant 15 : i32
      %and3A_870 = arith.andi %scan3A_728, %and3A_869 : i32
      %eq3A_871 = vector.broadcast %and3A_870 : i32 to vector<16xi32>
      %eq3A_872 = arith.cmpi eq, %iota3A_229, %eq3A_871 : vector<16xi32>
      %select_n3A_873 = arith.select %eq3A_872, %gather3A_868, %select_n3A_719 : vector<16xi1>, vector<16xf32>
      %and3A_874 = arith.constant 15 : i32
      %and3A_875 = arith.andi %scan3A_728, %and3A_874 : i32
      %eq3A_876 = arith.constant 15 : i32
      %eq3A_877 = arith.cmpi eq, %and3A_875, %eq3A_876 : i32
      %convert_element_type3A_878 = arith.extui %eq3A_877 : i1 to i32
      %cond3A_879 = arith.constant 0 : i32
      %cond3A_880 = arith.cmpi ne, %convert_element_type3A_878, %cond3A_879 : i32
      scf.if %cond3A_880 {
        %neg3A = arith.constant 0.000000e+00 : f32
        %neg3A_881 = vector.broadcast %neg3A : f32 to vector<16xf32>
        %neg3A_882 = arith.subf %neg3A_881, %select_n3A_873 : vector<16xf32>
        %exp3A = math.exp %neg3A_882 : vector<16xf32>
        %add3A_883 = arith.constant 1.000000e+00 : f32
        %add3A_884 = vector.broadcast %add3A_883 : f32 to vector<16xf32>
        %add3A_885 = arith.addf %add3A_884, %exp3A : vector<16xf32>
        %div3A = arith.constant 1.000000e+00 : f32
        %div3A_886 = vector.broadcast %div3A : f32 to vector<16xf32>
        %div3A_887 = arith.divf %div3A_886, %add3A_885 : vector<16xf32>
        %add3A_888 = arith.constant 384 : i32
        %add3A_889 = arith.addi %add3A_888, %scan3A_728 : i32
        %sub3A = arith.constant 15 : i32
        %sub3A_890 = arith.subi %add3A_889, %sub3A : i32
        %swap3A = arith.index_cast %sub3A_890 : i32 to index
        %swap3A_891 = tpu.vector_load %arg11[%swap3A] {strides = array<i32>} : memref<512xf32, #tpu.memory_space<vmem>>, vector<16xf32>,
        tpu.vector_store %arg11[%swap3A], %div3A_887 {strides = array<i32>} : memref<512xf32, #tpu.memory_space<vmem>>, vector<16xf32>,
      } else {
      }
      scf.yield %select_n3A_873 : vector<16xf32>
    }
    %scan3A_241 = arith.constant 128 : i32
    %add3A_242 = arith.constant 384 : i32
    %add3A_243 = arith.addi %mul3A_2, %add3A_242 : i32
    %dma_start3A_244 = arith.constant 384 : i32
    %dma_start3A_245 = tpu.memref_slice %arg11[%dma_start3A_244] : memref<512xf32, #tpu.memory_space<vmem>> -> memref<128xf32, #tpu.memory_space<vmem>>
    %dma_start3A_246 = tpu.memref_slice %arg6[%add3A_243] : memref<16384xf32, #tpu.memory_space<hbm>> -> memref<128xf32, #tpu.memory_space<hbm>>
    %dma_start3A_247 = tpu.memref_slice %arg6[%add3A_243] : memref<16384xf32, #tpu.memory_space<hbm>> -> memref<128xf32, #tpu.memory_space<hbm>>
    %dma_start3A_248 = arith.constant 384 : i32
    %dma_start3A_249 = tpu.memref_slice %arg11[%dma_start3A_248] : memref<512xf32, #tpu.memory_space<vmem>> -> memref<128xf32, #tpu.memory_space<vmem>>
    tpu.enqueue_dma source(%dma_start3A_249 : memref<128xf32, #tpu.memory_space<vmem>>) target(%dma_start3A_247 : memref<128xf32, #tpu.memory_space<hbm>>) target_semaphore(%arg14 : memref<!tpu.dma_semaphore, #tpu.memory_space<semaphore_mem>>)
    %dma_wait3A_250 = arith.constant 0 : i32
    %dma_wait3A_251 = tpu.memref_slice %arg11[%dma_wait3A_250] : memref<512xf32, #tpu.memory_space<vmem>> -> memref<128xf32, #tpu.memory_space<vmem>>
    %dma_wait3A_252 = tpu.memref_slice %arg6[%add3A_80] : memref<16384xf32, #tpu.memory_space<hbm>> -> memref<128xf32, #tpu.memory_space<hbm>>
    %dma_wait3A_253 = tpu.memref_slice %arg6[%add3A_80] : memref<16384xf32, #tpu.memory_space<hbm>> -> memref<128xf32, #tpu.memory_space<hbm>>
    %dma_wait3A_254 = arith.constant 0 : i32
    %dma_wait3A_255 = tpu.memref_slice %arg11[%dma_wait3A_254] : memref<512xf32, #tpu.memory_space<vmem>> -> memref<128xf32, #tpu.memory_space<vmem>>
    tpu.wait_dma2 semaphore(%arg14 : memref<!tpu.dma_semaphore, #tpu.memory_space<semaphore_mem>>) src(%dma_wait3A_255 : memref<128xf32, #tpu.memory_space<vmem>>) dst(%dma_wait3A_253 : memref<128xf32, #tpu.memory_space<hbm>>)
    %dma_wait3A_256 = arith.constant 128 : i32
    %dma_wait3A_257 = tpu.memref_slice %arg11[%dma_wait3A_256] : memref<512xf32, #tpu.memory_space<vmem>> -> memref<128xf32, #tpu.memory_space<vmem>>
    %dma_wait3A_258 = tpu.memref_slice %arg6[%add3A_141] : memref<16384xf32, #tpu.memory_space<hbm>> -> memref<128xf32, #tpu.memory_space<hbm>>
    %dma_wait3A_259 = tpu.memref_slice %arg6[%add3A_141] : memref<16384xf32, #tpu.memory_space<hbm>> -> memref<128xf32, #tpu.memory_space<hbm>>
    %dma_wait3A_260 = arith.constant 128 : i32
    %dma_wait3A_261 = tpu.memref_slice %arg11[%dma_wait3A_260] : memref<512xf32, #tpu.memory_space<vmem>> -> memref<128xf32, #tpu.memory_space<vmem>>
    tpu.wait_dma2 semaphore(%arg14 : memref<!tpu.dma_semaphore, #tpu.memory_space<semaphore_mem>>) src(%dma_wait3A_261 : memref<128xf32, #tpu.memory_space<vmem>>) dst(%dma_wait3A_259 : memref<128xf32, #tpu.memory_space<hbm>>)
    %dma_wait3A_262 = arith.constant 256 : i32
    %dma_wait3A_263 = tpu.memref_slice %arg11[%dma_wait3A_262] : memref<512xf32, #tpu.memory_space<vmem>> -> memref<128xf32, #tpu.memory_space<vmem>>
    %dma_wait3A_264 = tpu.memref_slice %arg6[%add3A_202] : memref<16384xf32, #tpu.memory_space<hbm>> -> memref<128xf32, #tpu.memory_space<hbm>>
    %dma_wait3A_265 = tpu.memref_slice %arg6[%add3A_202] : memref<16384xf32, #tpu.memory_space<hbm>> -> memref<128xf32, #tpu.memory_space<hbm>>
    %dma_wait3A_266 = arith.constant 256 : i32
    %dma_wait3A_267 = tpu.memref_slice %arg11[%dma_wait3A_266] : memref<512xf32, #tpu.memory_space<vmem>> -> memref<128xf32, #tpu.memory_space<vmem>>
    tpu.wait_dma2 semaphore(%arg14 : memref<!tpu.dma_semaphore, #tpu.memory_space<semaphore_mem>>) src(%dma_wait3A_267 : memref<128xf32, #tpu.memory_space<vmem>>) dst(%dma_wait3A_265 : memref<128xf32, #tpu.memory_space<hbm>>)
    %dma_wait3A_268 = arith.constant 384 : i32
    %dma_wait3A_269 = tpu.memref_slice %arg11[%dma_wait3A_268] : memref<512xf32, #tpu.memory_space<vmem>> -> memref<128xf32, #tpu.memory_space<vmem>>
    %dma_wait3A_270 = tpu.memref_slice %arg6[%add3A_243] : memref<16384xf32, #tpu.memory_space<hbm>> -> memref<128xf32, #tpu.memory_space<hbm>>
    %dma_wait3A_271 = tpu.memref_slice %arg6[%add3A_243] : memref<16384xf32, #tpu.memory_space<hbm>> -> memref<128xf32, #tpu.memory_space<hbm>>
    %dma_wait3A_272 = arith.constant 384 : i32
    %dma_wait3A_273 = tpu.memref_slice %arg11[%dma_wait3A_272] : memref<512xf32, #tpu.memory_space<vmem>> -> memref<128xf32, #tpu.memory_space<vmem>>
    tpu.wait_dma2 semaphore(%arg14 : memref<!tpu.dma_semaphore, #tpu.memory_space<semaphore_mem>>) src(%dma_wait3A_273 : memref<128xf32, #tpu.memory_space<vmem>>) dst(%dma_wait3A_271 : memref<128xf32, #tpu.memory_space<hbm>>)
    return
  }
}

</mosaic_0001>

<sc_bundles>
// kernel: kernel.3.cloned.1.call-start
scs
__scs_entry_jumppad:
0x0: {  	(pc) =	sbr.rel $0x88, $3  }
0x1: {  	(tag) =	ssettag $0x0;
	lr =	simm.s32 $0x1  }
0x2: {  	[smem:$0x3F9D] =	sst lr;
	_ =	strace $0xD0000000  }
0x3: {  	_ = 	snop  }
0x4: {  	_ = 	snop  }
0x5: {  	_ = 	snop  }
0x6: {  	_ = 	snop  }
0x7: {  	_ = 	snop  }
__scs_overlays_trampoline_lowered:
0x8: {  	[smem:$0x3FAC] =	sst s0  }
0x9: {  	[smem:$0x3FAD] =	sst s1  }
0xa: {  	[smem:$0x3FAE] =	sst s2  }
0xb: {  	[smem:$0x3FAF] =	sst s3  }
0xc: {  	[smem:$0x3FB0] =	sst s4  }
0xd: {  	[smem:$0x3FB1] =	sst s5  }
0xe: {  	[smem:$0x3FB2] =	sst s6  }
0xf: {  	[smem:$0x3FB3] =	sst s7  }
0x10: {  	[smem:$0x3FB4] =	sst s8  }
0x11: {  	[smem:$0x3FB5] =	sst s9;
	s0 =	simm.s32 @!p0 $0x0  }
0x12: {  	s1 =	sld [smem:$0x3F9B];
	s0 =	simm.s32 @p0 $0x1  }
0x13: {  	[smem:$0x3FB6] =	sst s0;
	s0 =	simm.s32 @!p1 $0x0  }
0x14: {  	s2 =	sld [smem:$0x3F9A];
	s0 =	simm.s32 @p1 $0x1  }
0x15: {  	[smem:$0x3FB7] =	sst s0;
	s0 =	simm.s32 @!p2 $0x0  }
0x16: {  	s3 =	sld [smem:$0x3FDB];
	s0 =	simm.s32 @p2 $0x1  }
0x17: {  	s4 =	simm.s32 $0x1BF5;
	[smem:$0x3FB9] =	sst s0  }
0x18: {  	s0 =	sld [smem:$0x3F9C];
	_ =	swait.ge [sflag:s4], $0x0  }
0x19: {  	s7 =	sld [smem:$0x3F9D]  }
0x1a: {  	s8 =	sadd.s32 $0xFFFFE003, lr  }
0x1b: {  	s9 =	sadd.s32 $0xFFFFFEF7, lr;
	s5 =	simm.s32 $0xFFFFFFFF;
	p2 =	slt.u32 s8, $0xFFFFF086  }
0x1c: {  	p1 =	slt.u32 s9, $0xF7A;
	s5 =	simm.s32 @!p2 $0x0  }
0x1d: {  	s5 =	simm.s32 @p1 $0x1;
	p0 =	seq.s32 s7, s2  }
0x1e: {  	s7 =	smul.u32 @!p0 $0xF7A, s2;
	p2 =	seq.s32 @!p0 s5, $0x0  }
0x1f: {  	s9 =	smul.u32 $0xF7A, s1;
	s8 =	simm.s32 @!p0 $0x1BF5;
	p2 =	por !p2, p0  }
0x20: {  	[sflag:s8] =	ssyncset.s32 @!p0 $0xFFFFF086;
	s6 =	sadd.s32 @!p0 s3, s7;
	s7 =	simm.s32 @!p0 $0x108  }
0x21: {  	s3 =	sadd.s32 s3, s9;
	s6 =	sadd.s32 @!p0 $0x88, s6;
	s7 =	simm.s32 @p2 $0x1082  }
0x22: {  	[simem:s7], [sflag:s8] =	dma.local @!p0 [hbm:s6], $0xF7A  }
0x23: {  	s9 =	sor.u32 $0xD0000000, s2;
	s6 =	simm.s32 $0x108;
	_ =	swait.ge @!p0 [sflag:s8], $0x0  }
0x24: {  	s3 =	sadd.s32 $0x88, s3;
	s6 =	simm.s32 @!p1 $0x1082;
	[sflag:s4] =	ssyncset.s32 $0xFFFFF086  }
0x25: {  	[simem:s6], [sflag:s4] =	dma.local [hbm:s3], $0xF7A  }
0x26: {  	[smem:$0x3F9D] =	sst s1;
	(tag) =	ssettag s2;
	_ =	strace s9  }
0x27: {  	s1 =	sld [smem:$0x3FAD]  }
0x28: {  	s2 =	sld [smem:$0x3FAE]  }
0x29: {  	s4 =	sld [smem:$0x3FB0]  }
0x2a: {  	p0 =	seq.s32 s5, $0x0;
	s5 =	sld [smem:$0x3FB1]  }
0x2b: {  	s6 =	sld [smem:$0x3FB2]  }
0x2c: {  	s7 =	sld [smem:$0x3FB3]  }
0x2d: {  	s3 =	simm.s32 $0x108;
	s8 =	sld [smem:$0x3FB4]  }
0x2e: {  	s3 =	simm.s32 @!p0 $0x1082;
	s9 =	sld [smem:$0x3FB5]  }
0x2f: {  	lr =	sadd.s32 s0, s3;
	s0 =	sld [smem:$0x3FAC]  }
0x30: {  	s3 =	sld [smem:$0x3FAF]  }
0x31: {  	[smem:$0x3FB8] =	sst s10  }
0x32: {  	s10 =	sld [smem:$0x3FB6];
	_ =	sdelay $0x3  }
0x33: {  	p0 =	seq.s32 s10, $0x1;
	s10 =	sld [smem:$0x3FB8];
	_ =	sdelay $0x3  }
0x34: {  	[smem:$0x3FB8] =	sst s10  }
0x35: {  	s10 =	sld [smem:$0x3FB7];
	_ =	sdelay $0x3  }
0x36: {  	p1 =	seq.s32 s10, $0x1;
	s10 =	sld [smem:$0x3FB8];
	_ =	sdelay $0x3  }
0x37: {  	[smem:$0x3FB8] =	sst s10  }
0x38: {  	s10 =	sld [smem:$0x3FB9]  }
0x39: {  	_ = 	snop;
	(pc) =	sbr.ind lr, $3  }
0x3a: {  	_ = 	snop  }
0x3b: {  	_ = 	snop  }
0x3c: {  	p2 =	seq.s32 s10, $0x1;
	s10 =	sld [smem:$0x3FB8]  }
0x3d: {  	_ =	shalt  }
0x3e: {  	_ =	shalt  }
0x3f: {  	_ =	shalt  }
0x40: {  	_ =	shalt  }
0x41: {  	_ =	shalt  }
0x42: {  	_ =	shalt  }
0x43: {  	_ =	shalt  }
0x44: {  	_ =	shalt  }
0x45: {  	_ =	shalt  }
0x46: {  	_ =	shalt  }
0x47: {  	_ =	shalt  }
0x48: {  	_ =	shalt  }
0x49: {  	_ =	shalt  }
0x4a: {  	_ =	shalt  }
0x4b: {  	_ =	shalt  }
0x4c: {  	_ =	shalt  }
0x4d: {  	_ =	shalt  }
0x4e: {  	_ =	shalt  }
0x4f: {  	_ =	shalt  }
0x50: {  	_ =	shalt  }
0x51: {  	_ =	shalt  }
0x52: {  	_ =	shalt  }
0x53: {  	_ =	shalt  }
0x54: {  	_ =	shalt  }
0x55: {  	_ =	shalt  }
0x56: {  	_ =	shalt  }
0x57: {  	_ =	shalt  }
0x58: {  	_ =	shalt  }
0x59: {  	_ =	shalt  }
0x5a: {  	_ =	shalt  }
0x5b: {  	_ =	shalt  }
0x5c: {  	_ =	shalt  }
0x5d: {  	_ =	shalt  }
0x5e: {  	_ =	shalt  }
0x5f: {  	_ =	shalt  }
0x60: {  	_ =	shalt  }
0x61: {  	_ =	shalt  }
0x62: {  	_ =	shalt  }
0x63: {  	_ =	shalt  }
0x64: {  	_ =	shalt  }
0x65: {  	_ =	shalt  }
0x66: {  	_ =	shalt  }
0x67: {  	_ =	shalt  }
0x68: {  	_ =	shalt  }
0x69: {  	_ =	shalt  }
0x6a: {  	_ =	shalt  }
0x6b: {  	_ =	shalt  }
0x6c: {  	_ =	shalt  }
0x6d: {  	_ =	shalt  }
0x6e: {  	_ =	shalt  }
0x6f: {  	_ =	shalt  }
0x70: {  	_ =	shalt  }
0x71: {  	_ =	shalt  }
0x72: {  	_ =	shalt  }
0x73: {  	_ =	shalt  }
0x74: {  	_ =	shalt  }
0x75: {  	_ =	shalt  }
0x76: {  	_ =	shalt  }
0x77: {  	_ =	shalt  }
0x78: {  	_ =	shalt  }
0x79: {  	_ =	shalt  }
0x7a: {  	_ =	shalt  }
0x7b: {  	_ =	shalt  }
0x7c: {  	_ =	shalt  }
0x7d: {  	_ =	shalt  }
0x7e: {  	_ =	shalt  }
0x7f: {  	_ =	shalt  }
0x80: {  	_ =	shalt  }
0x81: {  	_ =	shalt  }
0x82: {  	_ =	shalt  }
0x83: {  	_ =	shalt  }
0x84: {  	_ =	shalt  }
0x85: {  	_ =	shalt  }
0x86: {  	_ =	shalt  }
0x87: {  	_ =	shalt  }
.Lfunc_end0:
.L_simem_size_0:
called_computation_lowered:
.L_overlay_start_0:
0x88: {  	s2 =	sld [smem:$0x3FD9]  }
0x89: {  	s3 =	sld [smem:$0x3FFE];
	_ =	sdelay $0x1  }
0x8a: {  	s1 =	srdreg.scid  }
0x8b: {  	s0 =	sand.u32 $0x1, s1  }
0x8c: {  	s18 =	sshll.u32 s0, $0xA;
	s2 =	sadd.s32 s3, s2  }
0x8d: {  	s2 =	sadd.s32 s2, s18  }
0x8e: {  	[smem:$0x3FC4] =	sst s2  }
0x8f: {  	_ = 	snop  }
0x90: {  	s2 =	sld [smem:$0x3FC9]  }
0x91: {  	s19 =	sld [smem:$0x3FC8]  }
0x92: {  	s4 =	sld [smem:$0x3FC7]  }
0x93: {  	s5 =	sld [smem:$0x3FC6]  }
0x94: {  	s6 =	sld [smem:$0x3FD0];
	(tm) =	ssettm $0x1  }
0x95: {  	s7 =	sld [smem:$0x3FFB];
	_ =	sdelay $0x3  }
0x96: {  	_ =	strace s7  }
0x97: {  	s7 =	sld [smem:$0x3FFC];
	_ =	sdelay $0x3  }
0x98: {  	_ =	strace s7  }
0x99: {  	s7 =	sld [smem:$0x3FFD];
	_ =	sdelay $0x3  }
0x9a: {  	_ =	strace s7  }
0x9b: {  	_ =	strace $0x8FFFFFFF  }
0x9c: {  	s20 =	sld [smem:$0x3FDB];
	_ =	sdelay $0x1  }
0x9d: {  	s8 =	simm.s32 $_scs_section_size  }
0x9e: {  	s9 =	simm.s32 $_size__tile_overlayer_lowered;
	s10 =	simm.s32 $_tile_overlayer_lowered  }
0x9f: {  	s23 =	simm.s32 $0x1BFF;
	s22 =	sshll.u32 s10, $0x1;
	s7 =	sadd.s32 s8, s20  }
0xa0: {  	s11 =	simm.s32 $0x0;
	s21 =	sshll.u32 s9, $0x1;
	s9 =	sadd.s32 s22, s7  }
0xa1: {  	[timem:s11], [sflag:s23] =	dma.local [hbm:s9], s21  }
0xa2: {  	_ =	swait.ge [sflag:s23], s21  }
0xa3: {  	s8 =	ssub.s32 $0x0, s21;
	[sflag:s23] =	ssyncset.done $0x0  }
0xa4: {  	[sflag:s23] =	ssyncadd.s32 s8;
	_ =	sdelay $0x1  }
0xa5: {  	s24 =	simm.s32 $0x1B8B  }
0xa6: {  	_ =	swait.ge [sflag:s24], $0x1  }
0xa7: {  	[sflag:s24] =	ssyncset.done $0x0  }
0xa8: {  	s25 =	simm.s32 $0x1B8E;
	[sflag:s24] =	ssyncadd.s32 $0xFFFFFFFF  }
0xa9: {  	s26 =	simm.s32 $execute0_lowered;
	[smem:$0x3FD2] =	sst s25  }
0xaa: {  	s8 =	sshll.u32 s26, $0x1;
	_ =	strace $0x80000046;
	[dreg:$0x1] =	wrdreg $0xFFFFFFFF  }
0xab: {  	s28 =	simm.s32 $_size_execute0_lowered;
	s7 =	sadd.s32 s7, s8;
	[dreg:$0x0] =	wrdreg $0x0  }
0xac: {  	s8 =	sshll.u32 s28, $0x1;
	[dreg:$0x2] =	wrdreg s7  }
0xad: {  	[dreg:$0x3] =	wrdreg s8  }
0xae: {  	[dreg:$0x4] =	wrdreg $0xC0  }
0xaf: {  	_ =	task [dreg:s11], $0x5FFFF  }
0xb0: {  	[dreg:$0x1] =	wrdreg $0xFFFFFFFF  }
0xb1: {  	[dreg:$0x0] =	wrdreg $0x60  }
0xb2: {  	[dreg:$0x2] =	wrdreg s2  }
0xb3: {  	[dreg:$0x3] =	wrdreg s19  }
0xb4: {  	[dreg:$0x4] =	wrdreg s4  }
0xb5: {  	[dreg:$0x5] =	wrdreg s5  }
0xb6: {  	[dreg:$0x6] =	wrdreg s6  }
0xb7: {  	[dreg:$0x7] =	wrdreg $0x9  }
0xb8: {  	_ =	task.clear_ibuf [dreg:s11], $0x8FFFF;
	_ =	strace $0x90000046  }
0xb9: {  	s29 =	simm.s32 $0x9;
	_ =	strace $0x80000048  }
0xba: {  	_ =	swait.ge [sflag:s29], $0x1  }
0xbb: {  	[sflag:s29] =	ssyncadd.s32 $0xFFFFFFFF  }
0xbc: {  	_ =	strace $0x90000048  }
0xbd: {  	_ =	sfence  }
0xbe: {  	s30 =	sld [smem:$0x0];
	_ =	sdelay $0x2  }
0xbf: {  	s31 =	sshll.u32 s1, $0xD;
	s1 =	sshrl.u32 s1, $0x2  }
0xc0: {  	s3 =	sand.u32 $0x4000, s31;
	s1 =	sadd.s32 s1, s30  }
0xc1: {  	s0 =	sor.u32 s3, s0;
	s1 =	sshll.u32 s1, $0x11  }
0xc2: {  	s0 =	sor.u32 s1, s0  }
0xc3: {  	s0 =	sadd.s32 $0x8F2B, s0  }
0xc4: {  	[sflag:s0] =	ssyncadd.remote.s32 $0x1  }
0xc5: {  	_ =	sfence.sel $0xFFFF  }
0xc6: {  	[dreg:$0x0] =	wrdreg $0xFFFFFFFF;
	(pc) =	sbr.abs _section_cstart, $3  }
0xc7: {  	[dreg:$0x1] =	wrdreg $0xFFFFFFFF  }
0xc8: {  	_ =	task.clear_ibuf [dreg:s11], $0x2FFFF;
	_ =	strace $0x9FFFFFFF  }
0xc9: {  	(tm) =	ssettm $0x7FFFFFFF  }
tec
execute0_lowered:
.L_overlay_start_1:
0x0: {  	(tag) =	ssettag $0x1  }
0x1: {  	s0 =	rddreg [dreg:$0x0]  }
0x2: {  	s3 =	rddreg [dreg:$0x1]  }
0x3: {  	s1 =	rddreg [dreg:$0x2]  }
0x4: {  	s2 =	rddreg [dreg:$0x3]  }
0x5: {  	s6 =	rddreg [dreg:$0x4];
	s4 =	simm.s32 $0x0;
	s5 =	srdreg.scid  }
0x6: {  	s8 =	stileid.u32;
	s12 =	simm.s32 $0x200;
	s13 =	simm.s32 $0x1  }
0x7: {  	s14 =	simm.s32 $0x2;
	s15 =	simm.s32 $0x80;
	s16 =	simm.s32 $0x400  }
0x8: {  	s17 =	simm.s32 $0x8400;
	s18 =	simm.s32 $0x4400;
	s20 =	simm.s32 $0xC400  }
0x9: {  	s26 =	simm.s32 $0x380;
	s28 =	simm.s32 $0x10500;
	s29 =	simm.s32 $0x10580  }
0xa: {  	s30 =	simm.s32 $0x3;
	s31 =	simm.s32 $0x0;
	s5 =	sand.u32 $0x1, s5  }
0xb: {  	s8 =	sshll.u32 s8, $0x7;
	s7 =	ssub.s32 $0x2, s5;
	s5 =	sshll.u32 s5, $0x6  }
0xc: {  	[smem:$0x7FF] =	sst s4;
	s9 =	sshrl.u32 s7, $0x1;
	s8 =	sor.u32 s5, s8  }
0xd: {  	_ =	strace $0x80000047;
	s11 =	ssub.s32 s7, s9;
	s6 =	sadd.s32 s6, s8  }
0xe: {  	s5 =	sadd.s32 s0, s8;
	s7 =	sadd.s32 s3, s8;
	s8 =	sadd.s32 $0x10, s6  }
0xf: {  	v0 =	vimm.s32 $0xF;
	v1 =	vlaneseq.u32;
	s9 =	sadd.s32 $0x20, s6;
	s10 =	sadd.s32 $0x30, s6;
	s11 =	smax.u32 s11, $0x1  }
.LBB2_1:
0x10: {  	[tilespmem:s4], [sflag:$0x1] =	stream.linear.gather [hbm4b:s5+s4], $0x200, $0x38;
	[tilespmem:$0x10600] =	vst v63  }
0x11: {  	_ = 	snop  }
0x12: {  	[tilespmem:s12], [sflag:$0x2] =	stream.linear.gather [hbm4b:s7+s4], $0x200, $0x38;
	[tilespmem:$0x10600] =	vst v63  }
0x13: {  	_ =	swait.ge [sflag:s13], $0x200  }
0x14: {  	[sflag:s13] =	ssyncset.done $0x0  }
0x15: {  	[sflag:s13] =	ssyncadd.s32 $0xFFFFFE00  }
0x16: {  	_ =	swait.ge [sflag:s14], $0x200  }
0x17: {  	[sflag:s14] =	ssyncset.done $0x0  }
0x18: {  	[sflag:s14] =	ssyncadd.s32 $0xFFFFFE00  }
0x19: {  	[tilespmem:s16], [sflag:$0x1] =	stream.indirect.gather [hbm4b:s1+s15], $0x80, s4, s15, $0xb8;
	[tilespmem:$0x10600] =	vst v63  }
0x1a: {  	_ = 	snop  }
0x1b: {  	[tilespmem:s17], [sflag:$0x1] =	stream.indirect.gather [hbm4b:s2+s15], $0x80, s12, s15, $0xb8;
	[tilespmem:$0x10600] =	vst v63  }
0x1c: {  	_ =	swait.ge [sflag:s13], $0x4000  }
0x1d: {  	[sflag:s13] =	ssyncset.done $0x0  }
0x1e: {  	[sflag:s13] =	ssyncadd.s32 $0xFFFFC000  }
0x1f: {  	_ =	swait.ge [sflag:s13], $0x4000  }
0x20: {  	[sflag:s13] =	ssyncset.done $0x0  }
0x21: {  	[sflag:s13] =	ssyncadd.s32 $0xFFFFC000  }
0x22: {  	[tilespmem:s18], [sflag:$0x2] =	stream.indirect.gather [hbm4b:s1+s15], $0x80, s15, s15, $0xb8;
	[tilespmem:$0x10600] =	vst v63  }
0x23: {  	s0 =	simm.s32 $0x280;
	s3 =	simm.s32 $0x500  }
0x24: {  	[tilespmem:s20], [sflag:$0x2] =	stream.indirect.gather [hbm4b:s2+s15], $0x80, s0, s15, $0xb8;
	[tilespmem:$0x10600] =	vst v63  }
0x25: {  	s0 =	simm.s32 $0x8500;
	v2 =	vld [tilespmem:s3+$0x70]  }
0x26: {  	v3 =	vld [tilespmem:s0+$0x70]  }
0x27: {  	v4 =	vld [tilespmem:s3+$0xE0]  }
0x28: {  	v5 =	vld [tilespmem:s3+$0x60]  }
0x29: {  	v6 =	vld [tilespmem:s0+$0x60]  }
0x2a: {  	v7 =	vld [tilespmem:s3+$0xFFFFFFF0]  }
0x2b: {  	v8 =	vld [tilespmem:s0+$0xFFFFFFF0]  }
0x2c: {  	v9 =	vld [tilespmem:s3+$0xD0]  }
0x2d: {  	v10 =	vld [tilespmem:s0+$0xD0]  }
0x2e: {  	v11 =	vld [tilespmem:s3+$0x50]  }
0x2f: {  	v12 =	vld [tilespmem:s0+$0x50]  }
0x30: {  	v13 =	vld [tilespmem:s3+$0xFFFFFFE0]  }
0x31: {  	v14 =	vld [tilespmem:s0+$0xFFFFFFE0]  }
0x32: {  	v15 =	vld [tilespmem:s3+$0xC0]  }
0x33: {  	v16 =	vld [tilespmem:s0+$0xC0]  }
0x34: {  	v17 =	vld [tilespmem:s3+$0x40]  }
0x35: {  	v18 =	vld [tilespmem:s0+$0x40]  }
0x36: {  	v19 =	vld [tilespmem:s3+$0xFFFFFFD0]  }
0x37: {  	v20 =	vld [tilespmem:s0+$0xFFFFFFD0]  }
0x38: {  	v21 =	vld [tilespmem:s3+$0xB0]  }
0x39: {  	v22 =	vld [tilespmem:s0+$0xB0]  }
0x3a: {  	v23 =	vld [tilespmem:s3+$0x30]  }
0x3b: {  	v24 =	vld [tilespmem:s0+$0x30]  }
0x3c: {  	v25 =	vld [tilespmem:s3+$0xFFFFFFC0]  }
0x3d: {  	v26 =	vld [tilespmem:s0+$0xFFFFFFC0]  }
0x3e: {  	v27 =	vld [tilespmem:s3+$0xA0]  }
0x3f: {  	v28 =	vld [tilespmem:s0+$0xA0]  }
0x40: {  	v29 =	vld [tilespmem:s3+$0x20]  }
0x41: {  	v30 =	vld [tilespmem:s0+$0x20]  }
0x42: {  	v31 =	vld [tilespmem:s3+$0xFFFFFFB0]  }
0x43: {  	v32 =	vld [tilespmem:s0+$0xFFFFFFB0]  }
0x44: {  	v33 =	vld [tilespmem:s3+$0x80]  }
0x45: {  	v34 =	vld [tilespmem:s0+$0x80]  }
0x46: {  	v35 =	vld [tilespmem:s3+$0x90]  }
0x47: {  	v36 =	vld [tilespmem:s0+$0x90]  }
0x48: {  	v37 =	vld [tilespmem:s3+$0x0]  }
0x49: {  	v38 =	vld [tilespmem:s0+$0x0]  }
0x4a: {  	v39 =	vld [tilespmem:s3+$0x10]  }
0x4b: {  	v40 =	vld [tilespmem:s0+$0x10]  }
0x4c: {  	v41 =	vld [tilespmem:s3+$0xFFFFFFA0]  }
0x4d: {  	v42 =	vld [tilespmem:s0+$0xFFFFFFA0]  }
0x4e: {  	v43 =	vld [tilespmem:s3+$0xFFFFFF80]  }
0x4f: {  	v44 =	vld [tilespmem:s0+$0xFFFFFF80]  }
0x50: {  	v45 =	vld [tilespmem:s3+$0xFFFFFF90]  }
0x51: {  	v46 =	vld [tilespmem:s0+$0xFFFFFF90]  }
0x52: {  	v47 =	vld [tilespmem:s0+$0xFFFFFF00]  }
0x53: {  	v48 =	vld [tilespmem:s3+$0xFFFFFF00];
	v5 =	vmul.f32 v6, v5;
	v2 =	vmul.f32 v3, v2  }
0x54: {  	v63 =	vld [tilespmem:s0+$0xFFFFFF10];
	v61 =	vmul.f32 v38, v37;
	v62 =	vmul.f32 v40, v39  }
0x55: {  	v3 =	vld [tilespmem:s3+$0xFFFFFF10];
	v7 =	vmul.f32 v8, v7;
	v8 =	vmul.f32 v12, v11  }
0x56: {  	v50 =	vld [tilespmem:s0+$0xFFFFFF20];
	v12 =	vmul.f32 v14, v13;
	v49 =	vmul.f32 v30, v29  }
0x57: {  	v40 =	vld [tilespmem:s3+$0xFFFFFF20];
	v51 =	vmul.f32 v44, v43;
	v52 =	vmul.f32 v46, v45  }
0x58: {  	v53 =	vld [tilespmem:s3+$0xFFFFFF30];
	v54 =	vmul.f32 v24, v23;
	v17 =	vmul.f32 v18, v17  }
0x59: {  	v55 =	vld [tilespmem:s0+$0xFFFFFF30];
	v57 =	vmul.f32 v47, v48;
	v59 =	vmul.f32 v42, v41  }
0x5a: {  	v58 =	vld [tilespmem:s3+$0xFFFFFF40];
	v19 =	vmul.f32 v20, v19;
	v6 =	vadd.f32 v62, v61;
	v3 =	vmul.f32 v63, v3  }
0x5b: {  	v60 =	vld [tilespmem:s0+$0xFFFFFF40];
	v33 =	vmul.f32 v34, v33;
	v34 =	vmul.f32 v36, v35;
	v56 =	vadd.f32 v52, v51  }
0x5c: {  	v62 =	vld [tilespmem:s3+$0xFFFFFF50];
	v6 =	vadd.f32 v49, v6;
	v11 =	vmul.f32 v50, v40;
	v3 =	vadd.f32 v3, v57  }
0x5d: {  	v25 =	vmul.f32 v26, v25;
	v61 =	vmul.f32 v32, v31;
	v23 =	vadd.f32 v59, v56;
	v63 =	vld [tilespmem:s0+$0xFFFFFF50]  }
0x5e: {  	v35 =	vmul.f32 v55, v53;
	v36 =	vld [tilespmem:s3+$0xFFFFFF60];
	v6 =	vadd.f32 v54, v6;
	v3 =	vadd.f32 v11, v3  }
0x5f: {  	v37 =	vld [tilespmem:s0+$0xFFFFFF60];
	v27 =	vmul.f32 v28, v27;
	v38 =	vadd.f32 v34, v33;
	v20 =	vadd.f32 v61, v23  }
0x60: {  	v39 =	vmul.f32 v60, v58;
	v42 =	vld [tilespmem:s0+$0xFFFFFF70];
	v6 =	vadd.f32 v17, v6;
	v3 =	vadd.f32 v35, v3  }
0x61: {  	v21 =	vmul.f32 v22, v21;
	v43 =	vadd.f32 v27, v38;
	v40 =	vld [tilespmem:s3+$0xFFFFFF70];
	v41 =	vadd.f32 v25, v20  }
0x62: {  	v45 =	vld [tilespmem:s0+$0xE0];
	v6 =	vadd.f32 v8, v6;
	v44 =	vmul.f32 v63, v62;
	v3 =	vadd.f32 v39, v3  }
0x63: {  	v15 =	vmul.f32 v16, v15;
	v48 =	vld [tilespmem:s3+$0xF0];
	v47 =	vadd.f32 v21, v43;
	v46 =	vadd.f32 v19, v41  }
0x64: {  	v49 =	vmul.f32 v37, v36;
	v50 =	vld [tilespmem:s0+$0xF0];
	v5 =	vadd.f32 v5, v6;
	v3 =	vadd.f32 v44, v3  }
0x65: {  	v9 =	vmul.f32 v10, v9;
	v51 =	vadd.f32 v15, v47;
	v12 =	vadd.f32 v12, v46  }
0x66: {  	v52 =	vmul.f32 v42, v40;
	v2 =	vadd.f32 v2, v5;
	v3 =	vadd.f32 v49, v3  }
0x67: {  	v4 =	vmul.f32 v45, v4;
	v54 =	vadd.f32 v9, v51;
	v53 =	vadd.f32 v7, v12  }
0x68: {  	(xrf2) =	vadd.scan.msk.f32 $0xffff, v2;
	v2 =	vadd.f32 v52, v3  }
0x69: {  	v55 =	vmul.f32 v50, v48;
	(xrf2) =	vadd.scan.msk.f32 $0xffff, v53;
	v3 =	vadd.f32 v4, v54  }
0x6a: {  	(xrf2) =	vadd.scan.msk.f32 $0xffff, v2  }
0x6b: {  	v2 =	vadd.f32 v55, v3;
	_ =	sdelay $0x1  }
0x6c: {  	(xrf2) =	vadd.scan.msk.f32 $0xffff, v2;
	_ =	sdelay $0x4  }
0x6d: {  	s21 =	simm.s32 $0x2;
	v2, _, _ =	vpop (xrf2)  }
0x6e: {  	s21 =	sand.u32 $0xE, s21;
	s3 =	simm.s32 $0x0;
	v3, _, _ =	vpop (xrf2)  }
0x6f: {  	s22 =	simm.s32 $0x1;
	v56 =	vimm.f32 $0.0e+00;
	v59 =	vmov s21;
	s23 =	sand.u32 $0xC, s3;
	v58, _, _ =	vpop (xrf2)  }
0x70: {  	s25 =	sand.u32 $0xD, s22;
	vm14 =	veq.s32 v59, v1;
	v60 =	vmov s23;
	v6 =	vperm.xlane v58, v0  }
0x71: {  	s19 =	simm.s32 $0x3;
	v61 =	vmov s25;
	vm0 =	veq.s32 v60, v1;
	v3 =	vperm.xlane v3, v0  }
0x72: {  	s19 =	sand.u32 $0xF, s19;
	vm1 =	veq.s32 v61, v1;
	v2 =	vperm.xlane v2, v0;
	v62, _, _ =	vpop (xrf2);
	v4 =	vsel vm0, v6, v56  }
0x73: {  	v57 =	vmov s19;
	v63 =	vperm.xlane v62, v0;
	v3 =	vsel vm1, v3, v4  }
0x74: {  	vm15 =	veq.s32 v57, v1;
	v2 =	vsel vm14, v2, v3  }
0x75: {  	p0 =	sne.s32 s19, $0xF;
	v2 =	vsel vm15, v63, v2  }
0x76: {  	v3 =	vsub.f32 @!p0 $0.0e+00, v2;
	_ =	sdelay $0x1  }
0x77: {  	v3 =	vmul.f32 @!p0 $1.442695020e+00, v3;
	_ =	sdelay $0x1  }
0x78: {  	(erf) = vpow2.f32 @!p0 v3;
	_ =	sdelay $0x8  }
0x79: {  	v3 =	vpop @!p0 (erf)  }
0x7a: {  	v3 =	vadd.f32 @!p0 $1.000000000e+00, v3;
	_ =	sdelay $0x1  }
0x7b: {  	(erf) = vrcp.f32 @!p0 v3;
	_ =	sdelay $0x8  }
0x7c: {  	s19 =	simm.s32 $0x103F4;
	v3 =	vpop @!p0 (erf)  }
0x7d: {  	s21 =	simm.s32 $0x700;
	[tilespmem:s19+$0x0] =	vst @!p0 v3  }
.LBB2_2:
0x7e: {  	v8 =	vld [tilespmem:s21+$0x70];
	s0 =	sadd.s32 $0x200, s0;
	s22 =	smov.u32 s3  }
0x7f: {  	v9 =	vld [tilespmem:s0+$0x70]  }
0x80: {  	v3 =	vld [tilespmem:s21+$0xE0]  }
0x81: {  	v10 =	vld [tilespmem:s21+$0x60]  }
0x82: {  	v11 =	vld [tilespmem:s0+$0x60]  }
0x83: {  	v12 =	vld [tilespmem:s21+$0xFFFFFFF0]  }
0x84: {  	v13 =	vld [tilespmem:s0+$0xFFFFFFF0]  }
0x85: {  	v4 =	vld [tilespmem:s21+$0xD0]  }
0x86: {  	v5 =	vld [tilespmem:s0+$0xD0]  }
0x87: {  	v14 =	vld [tilespmem:s21+$0x50]  }
0x88: {  	v15 =	vld [tilespmem:s0+$0x50]  }
0x89: {  	v16 =	vld [tilespmem:s21+$0xFFFFFFE0]  }
0x8a: {  	v17 =	vld [tilespmem:s0+$0xFFFFFFE0]  }
0x8b: {  	v6 =	vld [tilespmem:s21+$0xC0]  }
0x8c: {  	v7 =	vld [tilespmem:s0+$0xC0]  }
0x8d: {  	v18 =	vld [tilespmem:s21+$0x40]  }
0x8e: {  	v19 =	vld [tilespmem:s0+$0x40]  }
0x8f: {  	v20 =	vld [tilespmem:s21+$0xFFFFFFD0]  }
0x90: {  	v21 =	vld [tilespmem:s0+$0xFFFFFFD0]  }
0x91: {  	v22 =	vld [tilespmem:s21+$0xB0]  }
0x92: {  	v23 =	vld [tilespmem:s0+$0xB0]  }
0x93: {  	v24 =	vld [tilespmem:s21+$0x30]  }
0x94: {  	v25 =	vld [tilespmem:s0+$0x30]  }
0x95: {  	v26 =	vld [tilespmem:s21+$0xFFFFFFC0]  }
0x96: {  	v27 =	vld [tilespmem:s0+$0xFFFFFFC0]  }
0x97: {  	v28 =	vld [tilespmem:s21+$0xA0]  }
0x98: {  	v29 =	vld [tilespmem:s0+$0xA0]  }
0x99: {  	v30 =	vld [tilespmem:s21+$0x20]  }
0x9a: {  	v31 =	vld [tilespmem:s0+$0x20]  }
0x9b: {  	v32 =	vld [tilespmem:s21+$0xFFFFFFB0]  }
0x9c: {  	v33 =	vld [tilespmem:s0+$0xFFFFFFB0]  }
0x9d: {  	v34 =	vld [tilespmem:s21+$0x80]  }
0x9e: {  	v35 =	vld [tilespmem:s0+$0x80]  }
0x9f: {  	v36 =	vld [tilespmem:s21+$0x90]  }
0xa0: {  	v37 =	vld [tilespmem:s0+$0x90]  }
0xa1: {  	v38 =	vld [tilespmem:s21+$0x0]  }
0xa2: {  	v39 =	vld [tilespmem:s0+$0x0]  }
0xa3: {  	v40 =	vld [tilespmem:s21+$0x10]  }
0xa4: {  	v41 =	vld [tilespmem:s0+$0x10]  }
0xa5: {  	v42 =	vld [tilespmem:s21+$0xFFFFFFA0]  }
0xa6: {  	v43 =	vld [tilespmem:s0+$0xFFFFFFA0]  }
0xa7: {  	v44 =	vld [tilespmem:s21+$0xFFFFFF80]  }
0xa8: {  	v45 =	vld [tilespmem:s0+$0xFFFFFF80]  }
0xa9: {  	v46 =	vld [tilespmem:s21+$0xFFFFFF90]  }
0xaa: {  	v47 =	vld [tilespmem:s0+$0xFFFFFF90]  }
0xab: {  	v48 =	vld [tilespmem:s0+$0xFFFFFF00]  }
0xac: {  	v8 =	vmul.f32 v9, v8;
	v10 =	vmul.f32 v11, v10;
	v49 =	vld [tilespmem:s21+$0xFFFFFF00]  }
0xad: {  	v11 =	vmul.f32 v39, v38;
	v38 =	vmul.f32 v41, v40;
	v9 =	vld [tilespmem:s21+$0xFFFFFF10]  }
0xae: {  	v12 =	vmul.f32 v13, v12;
	v13 =	vmul.f32 v15, v14;
	v39 =	vld [tilespmem:s0+$0xFFFFFF10]  }
0xaf: {  	v15 =	vmul.f32 v17, v16;
	v16 =	vmul.f32 v31, v30;
	v11 =	vadd.f32 v38, v11;
	v14 =	vld [tilespmem:s21+$0xFFFFFF20]  }
0xb0: {  	v30 =	vmul.f32 v45, v44;
	v31 =	vmul.f32 v47, v46;
	v17 =	vld [tilespmem:s0+$0xFFFFFF20]  }
0xb1: {  	v18 =	vmul.f32 v19, v18;
	v11 =	vadd.f32 v16, v11;
	v16 =	vmul.f32 v25, v24;
	v38 =	vld [tilespmem:s21+$0xFFFFFF30]  }
0xb2: {  	v20 =	vmul.f32 v21, v20;
	v25 =	vmul.f32 v43, v42;
	v24 =	vadd.f32 v31, v30;
	v19 =	vld [tilespmem:s0+$0xFFFFFF30]  }
0xb3: {  	v11 =	vadd.f32 v16, v11;
	v21 =	vmul.f32 v48, v49;
	v9 =	vmul.f32 v39, v9;
	v30 =	vld [tilespmem:s21+$0xFFFFFF40]  }
0xb4: {  	v26 =	vmul.f32 v27, v26;
	v24 =	vadd.f32 v25, v24;
	v25 =	vmul.f32 v33, v32;
	v16 =	vld [tilespmem:s0+$0xFFFFFF40]  }
0xb5: {  	v11 =	vadd.f32 v18, v11;
	v9 =	vadd.f32 v9, v21;
	v14 =	vmul.f32 v17, v14;
	v17 =	vld [tilespmem:s21+$0xFFFFFF50]  }
0xb6: {  	v21 =	vadd.f32 v25, v24;
	v24 =	vmul.f32 v35, v34;
	v25 =	vmul.f32 v37, v36;
	v18 =	vld [tilespmem:s0+$0xFFFFFF50]  }
0xb7: {  	v11 =	vadd.f32 v13, v11;
	v9 =	vadd.f32 v14, v9;
	v14 =	vmul.f32 v19, v38;
	v19 =	vld [tilespmem:s21+$0xFFFFFF60]  }
0xb8: {  	v21 =	vadd.f32 v26, v21;
	v24 =	vadd.f32 v25, v24;
	v25 =	vmul.f32 v29, v28;
	v13 =	vld [tilespmem:s0+$0xFFFFFF60]  }
0xb9: {  	v10 =	vadd.f32 v10, v11;
	v9 =	vadd.f32 v14, v9;
	v14 =	vmul.f32 v16, v30;
	v16 =	vld [tilespmem:s21+$0xFFFFFF70]  }
0xba: {  	v22 =	vmul.f32 v23, v22;
	v20 =	vadd.f32 v20, v21;
	v21 =	vadd.f32 v25, v24;
	v11 =	vld [tilespmem:s0+$0xFFFFFF70]  }
0xbb: {  	v8 =	vadd.f32 v8, v10;
	v9 =	vadd.f32 v14, v9;
	v14 =	vmul.f32 v18, v17;
	v10 =	vld [tilespmem:s0+$0xE0]  }
0xbc: {  	v6 =	vmul.f32 v7, v6;
	v15 =	vadd.f32 v15, v20;
	v17 =	vadd.f32 v22, v21;
	v7 =	vld [tilespmem:s21+$0xF0]  }
0xbd: {  	v9 =	vadd.f32 v14, v9;
	v13 =	vmul.f32 v13, v19;
	v14 =	vld [tilespmem:s0+$0xF0];
	(xrf2) =	vadd.scan.msk.f32 $0xffff, v8  }
0xbe: {  	v4 =	vmul.f32 v5, v4;
	v8 =	vadd.f32 v12, v15;
	v6 =	vadd.f32 v6, v17  }
0xbf: {  	v5 =	vadd.f32 v13, v9;
	v9 =	vmul.f32 v11, v16  }
0xc0: {  	v4 =	vadd.f32 v4, v6;
	v3 =	vmul.f32 v10, v3;
	(xrf2) =	vadd.scan.msk.f32 $0xffff, v8  }
0xc1: {  	v5 =	vadd.f32 v9, v5  }
0xc2: {  	v3 =	vadd.f32 v3, v4;
	v4 =	vmul.f32 v14, v7  }
0xc3: {  	(xrf2) =	vadd.scan.msk.f32 $0xffff, v5  }
0xc4: {  	v4 =	vadd.f32 v4, v3;
	_ =	sdelay $0x1  }
0xc5: {  	(xrf2) =	vadd.scan.msk.f32 $0xffff, v4  }
0xc6: {  	v3, _, _ =	vpop (xrf2);
	_ =	sdelay $0x2  }
0xc7: {  	v4, _, _ =	vpop (xrf2)  }
0xc8: {  	s23 =	sadd.s32 $0x7, s3  }
0xc9: {  	s3 =	sadd.s32 $0x4, s3;
	s24 =	sadd.s32 $0x6, s22;
	s23 =	sand.u32 $0xF, s23  }
0xca: {  	s22 =	sadd.s32 $0x5, s22;
	s25 =	sand.u32 $0xC, s3;
	s24 =	sand.u32 $0xE, s24;
	v5 =	vmov s23;
	v6, _, _ =	vpop (xrf2)  }
0xcb: {  	p0 =	slt.u32 s3, $0x7C;
	s22 =	sand.u32 $0xD, s22;
	v8 =	vmov s25;
	v7 =	vmov s24;
	v10 =	vperm.xlane v6, v0  }
0xcc: {  	v9 =	vmov s22;
	vm0 =	veq.s32 v8, v1;
	v4 =	vperm.xlane v4, v0  }
0xcd: {  	vm1 =	veq.s32 v9, v1;
	v3 =	vperm.xlane v3, v0;
	v2 =	vsel vm0, v10, v2;
	v6, _, _ =	vpop (xrf2)  }
0xce: {  	vm0 =	veq.s32 v7, v1;
	v2 =	vsel vm1, v4, v2;
	v4 =	vperm.xlane v6, v0  }
0xcf: {  	v2 =	vsel vm0, v3, v2;
	vm0 =	veq.s32 v5, v1  }
0xd0: {  	p1 =	sne.s32 s23, $0xF;
	v2 =	vsel vm0, v4, v2  }
0xd1: {  	v3 =	vsub.f32 @!p1 $0.0e+00, v2;
	_ =	sdelay $0x1  }
0xd2: {  	v3 =	vmul.f32 @!p1 $1.442695020e+00, v3;
	_ =	sdelay $0x1  }
0xd3: {  	(erf) = vpow2.f32 @!p1 v3;
	_ =	sdelay $0x8  }
0xd4: {  	v3 =	vpop @!p1 (erf)  }
0xd5: {  	v3 =	vadd.f32 @!p1 $1.000000000e+00, v3;
	_ =	sdelay $0x1  }
0xd6: {  	(erf) = vrcp.f32 @!p1 v3;
	_ =	sdelay $0x5  }
.Ltmp0:
0xd7: {  	(pc) =	sbr.rel @p0 .LBB2_2-.Ltmp0, $3  }
0xd8: {  	_ =	sdelay $0x1  }
0xd9: {  	s19 =	sadd.s32 $0x4, s19;
	v3 =	vpop @!p1 (erf)  }
0xda: {  	s21 =	sadd.s32 $0x200, s21;
	[tilespmem:s19+$0x0] =	vst @!p1 v3  }
0xdb: {  	s0 =	simm.s32 $0x0;
	s3 =	simm.s32 $0x10400  }
0xdc: {  	[hbm4b:s6+s0] =	stream.linear.scatter [tilespmem:s3], [sflag:$0x3], $0x80, $0x38;
	[tilespmem:$0x10600] =	vst v63  }
0xdd: {  	_ =	swait.ge [sflag:s14], $0x4000  }
0xde: {  	[sflag:s14] =	ssyncset.done $0x0  }
0xdf: {  	[sflag:s14] =	ssyncadd.s32 $0xFFFFC000  }
0xe0: {  	_ =	swait.ge [sflag:s14], $0x4000  }
0xe1: {  	[sflag:s14] =	ssyncset.done $0x0  }
0xe2: {  	s21 =	simm.s32 $0x100;
	[sflag:s14] =	ssyncadd.s32 $0xFFFFC000  }
0xe3: {  	[tilespmem:s16], [sflag:$0x1] =	stream.indirect.gather [hbm4b:s1+s15], $0x80, s21, s15, $0xb8;
	[tilespmem:$0x10600] =	vst v63  }
0xe4: {  	s22 =	simm.s32 $0x300;
	s23 =	simm.s32 $0x0  }
0xe5: {  	[tilespmem:s17], [sflag:$0x1] =	stream.indirect.gather [hbm4b:s2+s15], $0x80, s22, s15, $0xb8;
	[tilespmem:$0x10600] =	vst v63  }
0xe6: {  	v2 =	vld [tilespmem:s23+$0x4570]  }
0xe7: {  	v3 =	vld [tilespmem:s23+$0xC570]  }
0xe8: {  	v4 =	vld [tilespmem:s23+$0x45E0]  }
0xe9: {  	v5 =	vld [tilespmem:s23+$0x4560]  }
0xea: {  	v6 =	vld [tilespmem:s23+$0xC560]  }
0xeb: {  	v7 =	vld [tilespmem:s23+$0x44F0]  }
0xec: {  	v8 =	vld [tilespmem:s23+$0xC4F0]  }
0xed: {  	v9 =	vld [tilespmem:s23+$0x45D0]  }
0xee: {  	v10 =	vld [tilespmem:s23+$0xC5D0]  }
0xef: {  	v11 =	vld [tilespmem:s23+$0x4550]  }
0xf0: {  	v12 =	vld [tilespmem:s23+$0xC550]  }
0xf1: {  	v13 =	vld [tilespmem:s23+$0x44E0]  }
0xf2: {  	v14 =	vld [tilespmem:s23+$0xC4E0]  }
0xf3: {  	v15 =	vld [tilespmem:s23+$0x45C0]  }
0xf4: {  	v16 =	vld [tilespmem:s23+$0xC5C0]  }
0xf5: {  	v17 =	vld [tilespmem:s23+$0x4540]  }
0xf6: {  	v18 =	vld [tilespmem:s23+$0xC540]  }
0xf7: {  	v19 =	vld [tilespmem:s23+$0x44D0]  }
0xf8: {  	v20 =	vld [tilespmem:s23+$0xC4D0]  }
0xf9: {  	v21 =	vld [tilespmem:s23+$0x45B0]  }
0xfa: {  	v22 =	vld [tilespmem:s23+$0xC5B0]  }
0xfb: {  	v23 =	vld [tilespmem:s23+$0x4530]  }
0xfc: {  	v24 =	vld [tilespmem:s23+$0xC530]  }
0xfd: {  	v25 =	vld [tilespmem:s23+$0x44C0]  }
0xfe: {  	v26 =	vld [tilespmem:s23+$0xC4C0]  }
0xff: {  	v27 =	vld [tilespmem:s23+$0x45A0]  }
0x100: {  	v28 =	vld [tilespmem:s23+$0xC5A0]  }
0x101: {  	v29 =	vld [tilespmem:s23+$0x4520]  }
0x102: {  	v30 =	vld [tilespmem:s23+$0xC520]  }
0x103: {  	v31 =	vld [tilespmem:s23+$0x44B0]  }
0x104: {  	v32 =	vld [tilespmem:s23+$0xC4B0]  }
0x105: {  	v33 =	vld [tilespmem:s23+$0x4580]  }
0x106: {  	v34 =	vld [tilespmem:s23+$0xC580]  }
0x107: {  	v35 =	vld [tilespmem:s23+$0x4590]  }
0x108: {  	v36 =	vld [tilespmem:s23+$0xC590]  }
0x109: {  	v37 =	vld [tilespmem:s23+$0x4500]  }
0x10a: {  	v38 =	vld [tilespmem:s23+$0xC500]  }
0x10b: {  	v39 =	vld [tilespmem:s23+$0x4510]  }
0x10c: {  	v40 =	vld [tilespmem:s23+$0xC510]  }
0x10d: {  	v41 =	vld [tilespmem:s23+$0x44A0]  }
0x10e: {  	v42 =	vld [tilespmem:s23+$0xC4A0]  }
0x10f: {  	v43 =	vld [tilespmem:s23+$0x4480]  }
0x110: {  	v44 =	vld [tilespmem:s23+$0xC480]  }
0x111: {  	v45 =	vld [tilespmem:s23+$0x4490]  }
0x112: {  	v46 =	vld [tilespmem:s23+$0xC490]  }
0x113: {  	v47 =	vld [tilespmem:s23+$0xC400]  }
0x114: {  	v48 =	vld [tilespmem:s23+$0x4400];
	v5 =	vmul.f32 v6, v5;
	v2 =	vmul.f32 v3, v2  }
0x115: {  	v63 =	vld [tilespmem:s23+$0xC410];
	v61 =	vmul.f32 v38, v37;
	v62 =	vmul.f32 v40, v39  }
0x116: {  	v3 =	vld [tilespmem:s23+$0x4410];
	v7 =	vmul.f32 v8, v7;
	v8 =	vmul.f32 v12, v11  }
0x117: {  	v50 =	vld [tilespmem:s23+$0xC420];
	v12 =	vmul.f32 v14, v13;
	v49 =	vmul.f32 v30, v29  }
0x118: {  	v40 =	vld [tilespmem:s23+$0x4420];
	v51 =	vmul.f32 v44, v43;
	v52 =	vmul.f32 v46, v45  }
0x119: {  	v53 =	vld [tilespmem:s23+$0x4430];
	v54 =	vmul.f32 v24, v23;
	v17 =	vmul.f32 v18, v17  }
0x11a: {  	v55 =	vld [tilespmem:s23+$0xC430];
	v57 =	vmul.f32 v47, v48;
	v59 =	vmul.f32 v42, v41  }
0x11b: {  	v58 =	vld [tilespmem:s23+$0x4440];
	v19 =	vmul.f32 v20, v19;
	v6 =	vadd.f32 v62, v61;
	v3 =	vmul.f32 v63, v3  }
0x11c: {  	v60 =	vld [tilespmem:s23+$0xC440];
	v38 =	vmul.f32 v34, v33;
	v39 =	vmul.f32 v36, v35;
	v56 =	vadd.f32 v52, v51  }
0x11d: {  	v62 =	vld [tilespmem:s23+$0x4450];
	v6 =	vadd.f32 v49, v6;
	v11 =	vmul.f32 v50, v40;
	v3 =	vadd.f32 v3, v57  }
0x11e: {  	v25 =	vmul.f32 v26, v25;
	v61 =	vmul.f32 v32, v31;
	v23 =	vadd.f32 v59, v56;
	v63 =	vld [tilespmem:s23+$0xC450]  }
0x11f: {  	v41 =	vld [tilespmem:s23+$0x4460];
	v40 =	vmul.f32 v55, v53;
	v6 =	vadd.f32 v54, v6;
	v3 =	vadd.f32 v11, v3  }
0x120: {  	v42 =	vld [tilespmem:s23+$0xC460];
	v27 =	vmul.f32 v28, v27;
	v43 =	vadd.f32 v39, v38;
	v20 =	vadd.f32 v61, v23  }
0x121: {  	v44 =	vmul.f32 v60, v58;
	v45 =	vld [tilespmem:s23+$0x4470];
	v6 =	vadd.f32 v17, v6;
	v3 =	vadd.f32 v40, v3  }
0x122: {  	v47 =	vld [tilespmem:s23+$0xC470];
	v21 =	vmul.f32 v22, v21;
	v48 =	vadd.f32 v27, v43;
	v46 =	vadd.f32 v25, v20  }
0x123: {  	v50 =	vld [tilespmem:s23+$0xC5E0];
	v6 =	vadd.f32 v8, v6;
	v49 =	vmul.f32 v63, v62;
	v3 =	vadd.f32 v44, v3  }
0x124: {  	v15 =	vmul.f32 v16, v15;
	v53 =	vld [tilespmem:s23+$0x45F0];
	v52 =	vadd.f32 v21, v48;
	v51 =	vadd.f32 v19, v46  }
0x125: {  	v55 =	vld [tilespmem:s23+$0xC5F0];
	v54 =	vmul.f32 v42, v41;
	v5 =	vadd.f32 v5, v6;
	v3 =	vadd.f32 v49, v3  }
0x126: {  	v9 =	vmul.f32 v10, v9;
	v56 =	vadd.f32 v15, v52;
	v12 =	vadd.f32 v12, v51  }
0x127: {  	v2 =	vadd.f32 v2, v5;
	v5 =	vmul.f32 v47, v45;
	v3 =	vadd.f32 v54, v3  }
0x128: {  	v58 =	vadd.f32 v9, v56;
	v4 =	vmul.f32 v50, v4;
	v57 =	vadd.f32 v7, v12  }
0x129: {  	(xrf2) =	vadd.scan.msk.f32 $0xffff, v2;
	v2 =	vadd.f32 v5, v3  }
0x12a: {  	(xrf2) =	vadd.scan.msk.f32 $0xffff, v57;
	v3 =	vadd.f32 v4, v58;
	v4 =	vmul.f32 v55, v53  }
0x12b: {  	(xrf2) =	vadd.scan.msk.f32 $0xffff, v2  }
0x12c: {  	v2 =	vadd.f32 v4, v3;
	_ =	sdelay $0x1  }
0x12d: {  	(xrf2) =	vadd.scan.msk.f32 $0xffff, v2;
	_ =	sdelay $0x4  }
0x12e: {  	s19 =	simm.s32 $0x2;
	s0 =	simm.s32 $0x0;
	v2, _, _ =	vpop (xrf2)  }
0x12f: {  	s19 =	sand.u32 $0xE, s19;
	s22 =	sand.u32 $0xC, s0;
	v3, _, _ =	vpop (xrf2)  }
0x130: {  	s21 =	simm.s32 $0x1;
	v60 =	vmov s19;
	v61 =	vmov s22;
	v59, _, _ =	vpop (xrf2)  }
0x131: {  	s25 =	sand.u32 $0xD, s21;
	vm14 =	veq.s32 v60, v1;
	vm0 =	veq.s32 v61, v1;
	v6 =	vperm.xlane v59, v0  }
0x132: {  	s24 =	simm.s32 $0x3;
	v62 =	vmov s25;
	v4 =	vimm.f32 $0.0e+00;
	v3 =	vperm.xlane v3, v0  }
0x133: {  	s3 =	sand.u32 $0xF, s24;
	vm1 =	veq.s32 v62, v1;
	v2 =	vperm.xlane v2, v0;
	v63, _, _ =	vpop (xrf2);
	v4 =	vsel vm0, v6, v4  }
0x134: {  	v5 =	vmov s3;
	v3 =	vsel vm1, v3, v4;
	v4 =	vperm.xlane v63, v0  }
0x135: {  	vm15 =	veq.s32 v5, v1;
	v2 =	vsel vm14, v2, v3  }
0x136: {  	p1 =	sne.s32 s3, $0xF;
	v2 =	vsel vm15, v4, v2  }
0x137: {  	v3 =	vsub.f32 @!p1 $0.0e+00, v2;
	_ =	sdelay $0x1  }
0x138: {  	v3 =	vmul.f32 @!p1 $1.442695020e+00, v3;
	_ =	sdelay $0x1  }
0x139: {  	(erf) = vpow2.f32 @!p1 v3;
	_ =	sdelay $0x8  }
0x13a: {  	v3 =	vpop @!p1 (erf)  }
0x13b: {  	v3 =	vadd.f32 @!p1 $1.000000000e+00, v3;
	_ =	sdelay $0x1  }
0x13c: {  	(erf) = vrcp.f32 @!p1 v3;
	_ =	sdelay $0x8  }
0x13d: {  	s19 =	simm.s32 $0x800;
	s3 =	simm.s32 $0x10474;
	v3 =	vpop @!p1 (erf)  }
.LBB2_4:
0x13e: {  	s22 =	sshra.s32 s19, $0x2;
	[tilespmem:s3+$0x0] =	vst @!p1 v3;
	s21 =	smov.u32 s0  }
0x13f: {  	v8 =	vld [tilespmem:s22+$0x4570]  }
0x140: {  	v9 =	vld [tilespmem:s22+$0xC570]  }
0x141: {  	v3 =	vld [tilespmem:s22+$0x45E0]  }
0x142: {  	v10 =	vld [tilespmem:s22+$0x4560]  }
0x143: {  	v11 =	vld [tilespmem:s22+$0xC560]  }
0x144: {  	v12 =	vld [tilespmem:s22+$0x44F0]  }
0x145: {  	v13 =	vld [tilespmem:s22+$0xC4F0]  }
0x146: {  	v4 =	vld [tilespmem:s22+$0x45D0]  }
0x147: {  	v5 =	vld [tilespmem:s22+$0xC5D0]  }
0x148: {  	v14 =	vld [tilespmem:s22+$0x4550]  }
0x149: {  	v15 =	vld [tilespmem:s22+$0xC550]  }
0x14a: {  	v16 =	vld [tilespmem:s22+$0x44E0]  }
0x14b: {  	v17 =	vld [tilespmem:s22+$0xC4E0]  }
0x14c: {  	v6 =	vld [tilespmem:s22+$0x45C0]  }
0x14d: {  	v7 =	vld [tilespmem:s22+$0xC5C0]  }
0x14e: {  	v18 =	vld [tilespmem:s22+$0x4540]  }
0x14f: {  	v19 =	vld [tilespmem:s22+$0xC540]  }
0x150: {  	v20 =	vld [tilespmem:s22+$0x44D0]  }
0x151: {  	v21 =	vld [tilespmem:s22+$0xC4D0]  }
0x152: {  	v22 =	vld [tilespmem:s22+$0x45B0]  }
0x153: {  	v23 =	vld [tilespmem:s22+$0xC5B0]  }
0x154: {  	v24 =	vld [tilespmem:s22+$0x4530]  }
0x155: {  	v25 =	vld [tilespmem:s22+$0xC530]  }
0x156: {  	v26 =	vld [tilespmem:s22+$0x44C0]  }
0x157: {  	v27 =	vld [tilespmem:s22+$0xC4C0]  }
0x158: {  	v28 =	vld [tilespmem:s22+$0x45A0]  }
0x159: {  	v29 =	vld [tilespmem:s22+$0xC5A0]  }
0x15a: {  	v30 =	vld [tilespmem:s22+$0x4520]  }
0x15b: {  	v31 =	vld [tilespmem:s22+$0xC520]  }
0x15c: {  	v32 =	vld [tilespmem:s22+$0x44B0]  }
0x15d: {  	v33 =	vld [tilespmem:s22+$0xC4B0]  }
0x15e: {  	v34 =	vld [tilespmem:s22+$0x4580]  }
0x15f: {  	v35 =	vld [tilespmem:s22+$0xC580]  }
0x160: {  	v36 =	vld [tilespmem:s22+$0x4590]  }
0x161: {  	v37 =	vld [tilespmem:s22+$0xC590]  }
0x162: {  	v38 =	vld [tilespmem:s22+$0x4500]  }
0x163: {  	v39 =	vld [tilespmem:s22+$0xC500]  }
0x164: {  	v40 =	vld [tilespmem:s22+$0x4510]  }
0x165: {  	v41 =	vld [tilespmem:s22+$0xC510]  }
0x166: {  	v42 =	vld [tilespmem:s22+$0x44A0]  }
0x167: {  	v43 =	vld [tilespmem:s22+$0xC4A0]  }
0x168: {  	v44 =	vld [tilespmem:s22+$0x4480]  }
0x169: {  	v45 =	vld [tilespmem:s22+$0xC480]  }
0x16a: {  	v46 =	vld [tilespmem:s22+$0x4490]  }
0x16b: {  	v47 =	vld [tilespmem:s22+$0xC490]  }
0x16c: {  	v48 =	vld [tilespmem:s22+$0xC400]  }
0x16d: {  	v8 =	vmul.f32 v9, v8;
	v10 =	vmul.f32 v11, v10;
	v49 =	vld [tilespmem:s22+$0x4400]  }
0x16e: {  	v11 =	vmul.f32 v39, v38;
	v38 =	vmul.f32 v41, v40;
	v9 =	vld [tilespmem:s22+$0x4410]  }
0x16f: {  	v12 =	vmul.f32 v13, v12;
	v13 =	vmul.f32 v15, v14;
	v39 =	vld [tilespmem:s22+$0xC410]  }
0x170: {  	v15 =	vmul.f32 v17, v16;
	v16 =	vmul.f32 v31, v30;
	v11 =	vadd.f32 v38, v11;
	v14 =	vld [tilespmem:s22+$0x4420]  }
0x171: {  	v30 =	vmul.f32 v45, v44;
	v31 =	vmul.f32 v47, v46;
	v17 =	vld [tilespmem:s22+$0xC420]  }
0x172: {  	v18 =	vmul.f32 v19, v18;
	v11 =	vadd.f32 v16, v11;
	v16 =	vmul.f32 v25, v24;
	v38 =	vld [tilespmem:s22+$0x4430]  }
0x173: {  	v20 =	vmul.f32 v21, v20;
	v25 =	vmul.f32 v43, v42;
	v24 =	vadd.f32 v31, v30;
	v19 =	vld [tilespmem:s22+$0xC430]  }
0x174: {  	v11 =	vadd.f32 v16, v11;
	v21 =	vmul.f32 v48, v49;
	v9 =	vmul.f32 v39, v9;
	v30 =	vld [tilespmem:s22+$0x4440]  }
0x175: {  	v26 =	vmul.f32 v27, v26;
	v24 =	vadd.f32 v25, v24;
	v25 =	vmul.f32 v33, v32;
	v16 =	vld [tilespmem:s22+$0xC440]  }
0x176: {  	v11 =	vadd.f32 v18, v11;
	v9 =	vadd.f32 v9, v21;
	v14 =	vmul.f32 v17, v14;
	v17 =	vld [tilespmem:s22+$0x4450]  }
0x177: {  	v21 =	vadd.f32 v25, v24;
	v24 =	vmul.f32 v35, v34;
	v25 =	vmul.f32 v37, v36;
	v18 =	vld [tilespmem:s22+$0xC450]  }
0x178: {  	v11 =	vadd.f32 v13, v11;
	v9 =	vadd.f32 v14, v9;
	v14 =	vmul.f32 v19, v38;
	v19 =	vld [tilespmem:s22+$0x4460]  }
0x179: {  	v21 =	vadd.f32 v26, v21;
	v24 =	vadd.f32 v25, v24;
	v25 =	vmul.f32 v29, v28;
	v13 =	vld [tilespmem:s22+$0xC460]  }
0x17a: {  	v10 =	vadd.f32 v10, v11;
	v9 =	vadd.f32 v14, v9;
	v14 =	vmul.f32 v16, v30;
	v16 =	vld [tilespmem:s22+$0x4470]  }
0x17b: {  	v22 =	vmul.f32 v23, v22;
	v20 =	vadd.f32 v20, v21;
	v21 =	vadd.f32 v25, v24;
	v11 =	vld [tilespmem:s22+$0xC470]  }
0x17c: {  	v8 =	vadd.f32 v8, v10;
	v9 =	vadd.f32 v14, v9;
	v14 =	vmul.f32 v18, v17;
	v10 =	vld [tilespmem:s22+$0xC5E0]  }
0x17d: {  	v6 =	vmul.f32 v7, v6;
	v15 =	vadd.f32 v15, v20;
	v17 =	vadd.f32 v22, v21;
	v7 =	vld [tilespmem:s22+$0x45F0]  }
0x17e: {  	v9 =	vadd.f32 v14, v9;
	v13 =	vmul.f32 v13, v19;
	v14 =	vld [tilespmem:s22+$0xC5F0];
	(xrf2) =	vadd.scan.msk.f32 $0xffff, v8  }
0x17f: {  	v4 =	vmul.f32 v5, v4;
	v8 =	vadd.f32 v12, v15;
	v6 =	vadd.f32 v6, v17  }
0x180: {  	v5 =	vadd.f32 v13, v9;
	v9 =	vmul.f32 v11, v16  }
0x181: {  	v4 =	vadd.f32 v4, v6;
	v3 =	vmul.f32 v10, v3;
	(xrf2) =	vadd.scan.msk.f32 $0xffff, v8  }
0x182: {  	v5 =	vadd.f32 v9, v5  }
0x183: {  	v3 =	vadd.f32 v3, v4;
	v4 =	vmul.f32 v14, v7  }
0x184: {  	(xrf2) =	vadd.scan.msk.f32 $0xffff, v5  }
0x185: {  	v4 =	vadd.f32 v4, v3;
	_ =	sdelay $0x1  }
0x186: {  	(xrf2) =	vadd.scan.msk.f32 $0xffff, v4  }
0x187: {  	v3, _, _ =	vpop (xrf2);
	_ =	sdelay $0x2  }
0x188: {  	v4, _, _ =	vpop (xrf2)  }
0x189: {  	s22 =	sadd.s32 $0x7, s0  }
0x18a: {  	s23 =	sadd.s32 $0x6, s21;
	s0 =	sadd.s32 $0x4, s0;
	s22 =	sand.u32 $0xF, s22  }
0x18b: {  	s21 =	sadd.s32 $0x5, s21;
	s23 =	sand.u32 $0xE, s23;
	s24 =	sand.u32 $0xC, s0;
	v5 =	vmov s22;
	v6, _, _ =	vpop (xrf2)  }
0x18c: {  	s21 =	sand.u32 $0xD, s21;
	p0 =	slt.u32 s0, $0x7C;
	v8 =	vmov s24;
	v7 =	vmov s23;
	v10 =	vperm.xlane v6, v0  }
0x18d: {  	v9 =	vmov s21;
	vm0 =	veq.s32 v8, v1;
	v4 =	vperm.xlane v4, v0  }
0x18e: {  	vm1 =	veq.s32 v9, v1;
	v3 =	vperm.xlane v3, v0;
	v2 =	vsel vm0, v10, v2;
	v6, _, _ =	vpop (xrf2)  }
0x18f: {  	vm0 =	veq.s32 v7, v1;
	v2 =	vsel vm1, v4, v2;
	v4 =	vperm.xlane v6, v0  }
0x190: {  	v2 =	vsel vm0, v3, v2;
	vm0 =	veq.s32 v5, v1  }
0x191: {  	p1 =	sne.s32 s22, $0xF;
	v2 =	vsel vm0, v4, v2  }
0x192: {  	v3 =	vsub.f32 @!p1 $0.0e+00, v2;
	_ =	sdelay $0x1  }
0x193: {  	v3 =	vmul.f32 @!p1 $1.442695020e+00, v3;
	_ =	sdelay $0x1  }
0x194: {  	(erf) = vpow2.f32 @!p1 v3;
	_ =	sdelay $0x8  }
0x195: {  	v3 =	vpop @!p1 (erf)  }
0x196: {  	v3 =	vadd.f32 @!p1 $1.000000000e+00, v3;
	_ =	sdelay $0x1  }
0x197: {  	(erf) = vrcp.f32 @!p1 v3;
	_ =	sdelay $0x4  }
.Ltmp1:
0x198: {  	(pc) =	sbr.rel @p0 .LBB2_4-.Ltmp1, $2  }
0x199: {  	_ =	sdelay $0x2  }
0x19a: {  	s19 =	sadd.s32 $0x800, s19;
	s3 =	sadd.s32 $0x4, s3;
	v3 =	vpop @!p1 (erf)  }
0x19b: {  	[tilespmem:s3+$0x0] =	vst @!p1 v3;
	s0 =	simm.s32 $0x10480  }
0x19c: {  	[hbm4b:s8+s4] =	stream.linear.scatter [tilespmem:s0], [sflag:$0x3], $0x80, $0x38;
	[tilespmem:$0x10600] =	vst v63  }
0x19d: {  	_ =	swait.ge [sflag:s13], $0x4000  }
0x19e: {  	[sflag:s13] =	ssyncset.done $0x0  }
0x19f: {  	[sflag:s13] =	ssyncadd.s32 $0xFFFFC000  }
0x1a0: {  	_ =	swait.ge [sflag:s13], $0x4000  }
0x1a1: {  	[sflag:s13] =	ssyncset.done $0x0  }
0x1a2: {  	s23 =	simm.s32 $0x180;
	[sflag:s13] =	ssyncadd.s32 $0xFFFFC000  }
0x1a3: {  	[tilespmem:s18], [sflag:$0x2] =	stream.indirect.gather [hbm4b:s1+s15], $0x80, s23, s15, $0xb8;
	[tilespmem:$0x10600] =	vst v63  }
0x1a4: {  	s24 =	simm.s32 $0x500  }
0x1a5: {  	[tilespmem:s20], [sflag:$0x2] =	stream.indirect.gather [hbm4b:s2+s15], $0x80, s26, s15, $0xb8;
	[tilespmem:$0x10600] =	vst v63  }
0x1a6: {  	s0 =	simm.s32 $0x8500;
	v2 =	vld [tilespmem:s24+$0x70]  }
0x1a7: {  	v3 =	vld [tilespmem:s0+$0x70]  }
0x1a8: {  	v4 =	vld [tilespmem:s24+$0xE0]  }
0x1a9: {  	v5 =	vld [tilespmem:s24+$0x60]  }
0x1aa: {  	v6 =	vld [tilespmem:s0+$0x60]  }
0x1ab: {  	v7 =	vld [tilespmem:s24+$0xFFFFFFF0]  }
0x1ac: {  	v8 =	vld [tilespmem:s0+$0xFFFFFFF0]  }
0x1ad: {  	v9 =	vld [tilespmem:s24+$0xD0]  }
0x1ae: {  	v10 =	vld [tilespmem:s0+$0xD0]  }
0x1af: {  	v11 =	vld [tilespmem:s24+$0x50]  }
0x1b0: {  	v12 =	vld [tilespmem:s0+$0x50]  }
0x1b1: {  	v13 =	vld [tilespmem:s24+$0xFFFFFFE0]  }
0x1b2: {  	v14 =	vld [tilespmem:s0+$0xFFFFFFE0]  }
0x1b3: {  	v15 =	vld [tilespmem:s24+$0xC0]  }
0x1b4: {  	v16 =	vld [tilespmem:s0+$0xC0]  }
0x1b5: {  	v17 =	vld [tilespmem:s24+$0x40]  }
0x1b6: {  	v18 =	vld [tilespmem:s0+$0x40]  }
0x1b7: {  	v19 =	vld [tilespmem:s24+$0xFFFFFFD0]  }
0x1b8: {  	v20 =	vld [tilespmem:s0+$0xFFFFFFD0]  }
0x1b9: {  	v21 =	vld [tilespmem:s24+$0xB0]  }
0x1ba: {  	v22 =	vld [tilespmem:s0+$0xB0]  }
0x1bb: {  	v23 =	vld [tilespmem:s24+$0x30]  }
0x1bc: {  	v24 =	vld [tilespmem:s0+$0x30]  }
0x1bd: {  	v25 =	vld [tilespmem:s24+$0xFFFFFFC0]  }
0x1be: {  	v26 =	vld [tilespmem:s0+$0xFFFFFFC0]  }
0x1bf: {  	v27 =	vld [tilespmem:s24+$0xA0]  }
0x1c0: {  	v28 =	vld [tilespmem:s0+$0xA0]  }
0x1c1: {  	v29 =	vld [tilespmem:s24+$0x20]  }
0x1c2: {  	v30 =	vld [tilespmem:s0+$0x20]  }
0x1c3: {  	v31 =	vld [tilespmem:s24+$0xFFFFFFB0]  }
0x1c4: {  	v32 =	vld [tilespmem:s0+$0xFFFFFFB0]  }
0x1c5: {  	v33 =	vld [tilespmem:s24+$0x80]  }
0x1c6: {  	v34 =	vld [tilespmem:s0+$0x80]  }
0x1c7: {  	v35 =	vld [tilespmem:s24+$0x90]  }
0x1c8: {  	v36 =	vld [tilespmem:s0+$0x90]  }
0x1c9: {  	v37 =	vld [tilespmem:s24+$0x0]  }
0x1ca: {  	v38 =	vld [tilespmem:s0+$0x0]  }
0x1cb: {  	v39 =	vld [tilespmem:s24+$0x10]  }
0x1cc: {  	v40 =	vld [tilespmem:s0+$0x10]  }
0x1cd: {  	v41 =	vld [tilespmem:s24+$0xFFFFFFA0]  }
0x1ce: {  	v42 =	vld [tilespmem:s0+$0xFFFFFFA0]  }
0x1cf: {  	v43 =	vld [tilespmem:s24+$0xFFFFFF80]  }
0x1d0: {  	v44 =	vld [tilespmem:s0+$0xFFFFFF80]  }
0x1d1: {  	v45 =	vld [tilespmem:s24+$0xFFFFFF90]  }
0x1d2: {  	v46 =	vld [tilespmem:s0+$0xFFFFFF90]  }
0x1d3: {  	v47 =	vld [tilespmem:s0+$0xFFFFFF00]  }
0x1d4: {  	v48 =	vld [tilespmem:s24+$0xFFFFFF00];
	v5 =	vmul.f32 v6, v5;
	v2 =	vmul.f32 v3, v2  }
0x1d5: {  	v63 =	vld [tilespmem:s0+$0xFFFFFF10];
	v61 =	vmul.f32 v38, v37;
	v62 =	vmul.f32 v40, v39  }
0x1d6: {  	v3 =	vld [tilespmem:s24+$0xFFFFFF10];
	v7 =	vmul.f32 v8, v7;
	v8 =	vmul.f32 v12, v11  }
0x1d7: {  	v50 =	vld [tilespmem:s0+$0xFFFFFF20];
	v12 =	vmul.f32 v14, v13;
	v49 =	vmul.f32 v30, v29  }
0x1d8: {  	v40 =	vld [tilespmem:s24+$0xFFFFFF20];
	v51 =	vmul.f32 v44, v43;
	v52 =	vmul.f32 v46, v45  }
0x1d9: {  	v53 =	vld [tilespmem:s24+$0xFFFFFF30];
	v54 =	vmul.f32 v24, v23;
	v17 =	vmul.f32 v18, v17  }
0x1da: {  	v55 =	vld [tilespmem:s0+$0xFFFFFF30];
	v57 =	vmul.f32 v47, v48;
	v59 =	vmul.f32 v42, v41  }
0x1db: {  	v58 =	vld [tilespmem:s24+$0xFFFFFF40];
	v19 =	vmul.f32 v20, v19;
	v6 =	vadd.f32 v62, v61;
	v3 =	vmul.f32 v63, v3  }
0x1dc: {  	v60 =	vld [tilespmem:s0+$0xFFFFFF40];
	v33 =	vmul.f32 v34, v33;
	v34 =	vmul.f32 v36, v35;
	v56 =	vadd.f32 v52, v51  }
0x1dd: {  	v62 =	vld [tilespmem:s24+$0xFFFFFF50];
	v6 =	vadd.f32 v49, v6;
	v11 =	vmul.f32 v50, v40;
	v3 =	vadd.f32 v3, v57  }
0x1de: {  	v25 =	vmul.f32 v26, v25;
	v61 =	vmul.f32 v32, v31;
	v23 =	vadd.f32 v59, v56;
	v63 =	vld [tilespmem:s0+$0xFFFFFF50]  }
0x1df: {  	v35 =	vmul.f32 v55, v53;
	v36 =	vld [tilespmem:s24+$0xFFFFFF60];
	v6 =	vadd.f32 v54, v6;
	v3 =	vadd.f32 v11, v3  }
0x1e0: {  	v37 =	vld [tilespmem:s0+$0xFFFFFF60];
	v27 =	vmul.f32 v28, v27;
	v38 =	vadd.f32 v34, v33;
	v20 =	vadd.f32 v61, v23  }
0x1e1: {  	v39 =	vmul.f32 v60, v58;
	v42 =	vld [tilespmem:s0+$0xFFFFFF70];
	v6 =	vadd.f32 v17, v6;
	v3 =	vadd.f32 v35, v3  }
0x1e2: {  	v21 =	vmul.f32 v22, v21;
	v43 =	vadd.f32 v27, v38;
	v40 =	vld [tilespmem:s24+$0xFFFFFF70];
	v41 =	vadd.f32 v25, v20  }
0x1e3: {  	v45 =	vld [tilespmem:s0+$0xE0];
	v6 =	vadd.f32 v8, v6;
	v44 =	vmul.f32 v63, v62;
	v3 =	vadd.f32 v39, v3  }
0x1e4: {  	v15 =	vmul.f32 v16, v15;
	v48 =	vld [tilespmem:s24+$0xF0];
	v47 =	vadd.f32 v21, v43;
	v46 =	vadd.f32 v19, v41  }
0x1e5: {  	v49 =	vmul.f32 v37, v36;
	v50 =	vld [tilespmem:s0+$0xF0];
	v5 =	vadd.f32 v5, v6;
	v3 =	vadd.f32 v44, v3  }
0x1e6: {  	v9 =	vmul.f32 v10, v9;
	v51 =	vadd.f32 v15, v47;
	v12 =	vadd.f32 v12, v46  }
0x1e7: {  	v52 =	vmul.f32 v42, v40;
	v2 =	vadd.f32 v2, v5;
	v3 =	vadd.f32 v49, v3  }
0x1e8: {  	v4 =	vmul.f32 v45, v4;
	v54 =	vadd.f32 v9, v51;
	v53 =	vadd.f32 v7, v12  }
0x1e9: {  	(xrf2) =	vadd.scan.msk.f32 $0xffff, v2;
	v2 =	vadd.f32 v52, v3  }
0x1ea: {  	v55 =	vmul.f32 v50, v48;
	(xrf2) =	vadd.scan.msk.f32 $0xffff, v53;
	v3 =	vadd.f32 v4, v54  }
0x1eb: {  	(xrf2) =	vadd.scan.msk.f32 $0xffff, v2  }
0x1ec: {  	v2 =	vadd.f32 v55, v3;
	_ =	sdelay $0x1  }
0x1ed: {  	(xrf2) =	vadd.scan.msk.f32 $0xffff, v2;
	_ =	sdelay $0x3  }
0x1ee: {  	s3 =	simm.s32 $0x0  }
0x1ef: {  	s23 =	sand.u32 $0xC, s3;
	v2, _, _ =	vpop (xrf2)  }
0x1f0: {  	s21 =	simm.s32 $0x2;
	v60 =	vmov s23;
	v3, _, _ =	vpop (xrf2)  }
0x1f1: {  	s22 =	simm.s32 $0x1;
	s21 =	sand.u32 $0xE, s21;
	vm0 =	veq.s32 v60, v1;
	v58, _, _ =	vpop (xrf2)  }
0x1f2: {  	s25 =	sand.u32 $0xD, s22;
	v56 =	vimm.f32 $0.0e+00;
	v59 =	vmov s21;
	v6 =	vperm.xlane v58, v0  }
0x1f3: {  	s19 =	simm.s32 $0x3;
	vm14 =	veq.s32 v59, v1;
	v61 =	vmov s25;
	v3 =	vperm.xlane v3, v0  }
0x1f4: {  	s19 =	sand.u32 $0xF, s19;
	vm1 =	veq.s32 v61, v1;
	v2 =	vperm.xlane v2, v0;
	v62, _, _ =	vpop (xrf2);
	v4 =	vsel vm0, v6, v56  }
0x1f5: {  	v57 =	vmov s19;
	v63 =	vperm.xlane v62, v0;
	v3 =	vsel vm1, v3, v4  }
0x1f6: {  	vm15 =	veq.s32 v57, v1;
	v2 =	vsel vm14, v2, v3  }
0x1f7: {  	p0 =	sne.s32 s19, $0xF;
	v2 =	vsel vm15, v63, v2  }
0x1f8: {  	v3 =	vsub.f32 @!p0 $0.0e+00, v2;
	_ =	sdelay $0x1  }
0x1f9: {  	v3 =	vmul.f32 @!p0 $1.442695020e+00, v3;
	_ =	sdelay $0x1  }
0x1fa: {  	(erf) = vpow2.f32 @!p0 v3;
	_ =	sdelay $0x8  }
0x1fb: {  	v3 =	vpop @!p0 (erf)  }
0x1fc: {  	v3 =	vadd.f32 @!p0 $1.000000000e+00, v3;
	_ =	sdelay $0x1  }
0x1fd: {  	(erf) = vrcp.f32 @!p0 v3;
	_ =	sdelay $0x8  }
0x1fe: {  	s19 =	simm.s32 $0x104F4;
	v3 =	vpop @!p0 (erf)  }
0x1ff: {  	s21 =	simm.s32 $0x700;
	[tilespmem:s19+$0x0] =	vst @!p0 v3  }
.LBB2_6:
0x200: {  	v8 =	vld [tilespmem:s21+$0x70];
	s0 =	sadd.s32 $0x200, s0;
	s22 =	smov.u32 s3  }
0x201: {  	v9 =	vld [tilespmem:s0+$0x70]  }
0x202: {  	v3 =	vld [tilespmem:s21+$0xE0]  }
0x203: {  	v10 =	vld [tilespmem:s21+$0x60]  }
0x204: {  	v11 =	vld [tilespmem:s0+$0x60]  }
0x205: {  	v12 =	vld [tilespmem:s21+$0xFFFFFFF0]  }
0x206: {  	v13 =	vld [tilespmem:s0+$0xFFFFFFF0]  }
0x207: {  	v4 =	vld [tilespmem:s21+$0xD0]  }
0x208: {  	v5 =	vld [tilespmem:s0+$0xD0]  }
0x209: {  	v14 =	vld [tilespmem:s21+$0x50]  }
0x20a: {  	v15 =	vld [tilespmem:s0+$0x50]  }
0x20b: {  	v16 =	vld [tilespmem:s21+$0xFFFFFFE0]  }
0x20c: {  	v17 =	vld [tilespmem:s0+$0xFFFFFFE0]  }
0x20d: {  	v6 =	vld [tilespmem:s21+$0xC0]  }
0x20e: {  	v7 =	vld [tilespmem:s0+$0xC0]  }
0x20f: {  	v18 =	vld [tilespmem:s21+$0x40]  }
0x210: {  	v19 =	vld [tilespmem:s0+$0x40]  }
0x211: {  	v20 =	vld [tilespmem:s21+$0xFFFFFFD0]  }
0x212: {  	v21 =	vld [tilespmem:s0+$0xFFFFFFD0]  }
0x213: {  	v22 =	vld [tilespmem:s21+$0xB0]  }
0x214: {  	v23 =	vld [tilespmem:s0+$0xB0]  }
0x215: {  	v24 =	vld [tilespmem:s21+$0x30]  }
0x216: {  	v25 =	vld [tilespmem:s0+$0x30]  }
0x217: {  	v26 =	vld [tilespmem:s21+$0xFFFFFFC0]  }
0x218: {  	v27 =	vld [tilespmem:s0+$0xFFFFFFC0]  }
0x219: {  	v28 =	vld [tilespmem:s21+$0xA0]  }
0x21a: {  	v29 =	vld [tilespmem:s0+$0xA0]  }
0x21b: {  	v30 =	vld [tilespmem:s21+$0x20]  }
0x21c: {  	v31 =	vld [tilespmem:s0+$0x20]  }
0x21d: {  	v32 =	vld [tilespmem:s21+$0xFFFFFFB0]  }
0x21e: {  	v33 =	vld [tilespmem:s0+$0xFFFFFFB0]  }
0x21f: {  	v34 =	vld [tilespmem:s21+$0x80]  }
0x220: {  	v35 =	vld [tilespmem:s0+$0x80]  }
0x221: {  	v36 =	vld [tilespmem:s21+$0x90]  }
0x222: {  	v37 =	vld [tilespmem:s0+$0x90]  }
0x223: {  	v38 =	vld [tilespmem:s21+$0x0]  }
0x224: {  	v39 =	vld [tilespmem:s0+$0x0]  }
0x225: {  	v40 =	vld [tilespmem:s21+$0x10]  }
0x226: {  	v41 =	vld [tilespmem:s0+$0x10]  }
0x227: {  	v42 =	vld [tilespmem:s21+$0xFFFFFFA0]  }
0x228: {  	v43 =	vld [tilespmem:s0+$0xFFFFFFA0]  }
0x229: {  	v44 =	vld [tilespmem:s21+$0xFFFFFF80]  }
0x22a: {  	v45 =	vld [tilespmem:s0+$0xFFFFFF80]  }
0x22b: {  	v46 =	vld [tilespmem:s21+$0xFFFFFF90]  }
0x22c: {  	v47 =	vld [tilespmem:s0+$0xFFFFFF90]  }
0x22d: {  	v48 =	vld [tilespmem:s0+$0xFFFFFF00]  }
0x22e: {  	v8 =	vmul.f32 v9, v8;
	v10 =	vmul.f32 v11, v10;
	v49 =	vld [tilespmem:s21+$0xFFFFFF00]  }
0x22f: {  	v11 =	vmul.f32 v39, v38;
	v38 =	vmul.f32 v41, v40;
	v9 =	vld [tilespmem:s21+$0xFFFFFF10]  }
0x230: {  	v12 =	vmul.f32 v13, v12;
	v13 =	vmul.f32 v15, v14;
	v39 =	vld [tilespmem:s0+$0xFFFFFF10]  }
0x231: {  	v15 =	vmul.f32 v17, v16;
	v16 =	vmul.f32 v31, v30;
	v11 =	vadd.f32 v38, v11;
	v14 =	vld [tilespmem:s21+$0xFFFFFF20]  }
0x232: {  	v30 =	vmul.f32 v45, v44;
	v31 =	vmul.f32 v47, v46;
	v17 =	vld [tilespmem:s0+$0xFFFFFF20]  }
0x233: {  	v18 =	vmul.f32 v19, v18;
	v11 =	vadd.f32 v16, v11;
	v16 =	vmul.f32 v25, v24;
	v38 =	vld [tilespmem:s21+$0xFFFFFF30]  }
0x234: {  	v20 =	vmul.f32 v21, v20;
	v25 =	vmul.f32 v43, v42;
	v24 =	vadd.f32 v31, v30;
	v19 =	vld [tilespmem:s0+$0xFFFFFF30]  }
0x235: {  	v11 =	vadd.f32 v16, v11;
	v21 =	vmul.f32 v48, v49;
	v9 =	vmul.f32 v39, v9;
	v30 =	vld [tilespmem:s21+$0xFFFFFF40]  }
0x236: {  	v26 =	vmul.f32 v27, v26;
	v24 =	vadd.f32 v25, v24;
	v25 =	vmul.f32 v33, v32;
	v16 =	vld [tilespmem:s0+$0xFFFFFF40]  }
0x237: {  	v11 =	vadd.f32 v18, v11;
	v9 =	vadd.f32 v9, v21;
	v14 =	vmul.f32 v17, v14;
	v17 =	vld [tilespmem:s21+$0xFFFFFF50]  }
0x238: {  	v21 =	vadd.f32 v25, v24;
	v24 =	vmul.f32 v35, v34;
	v25 =	vmul.f32 v37, v36;
	v18 =	vld [tilespmem:s0+$0xFFFFFF50]  }
0x239: {  	v11 =	vadd.f32 v13, v11;
	v9 =	vadd.f32 v14, v9;
	v14 =	vmul.f32 v19, v38;
	v19 =	vld [tilespmem:s21+$0xFFFFFF60]  }
0x23a: {  	v21 =	vadd.f32 v26, v21;
	v24 =	vadd.f32 v25, v24;
	v25 =	vmul.f32 v29, v28;
	v13 =	vld [tilespmem:s0+$0xFFFFFF60]  }
0x23b: {  	v10 =	vadd.f32 v10, v11;
	v9 =	vadd.f32 v14, v9;
	v14 =	vmul.f32 v16, v30;
	v16 =	vld [tilespmem:s21+$0xFFFFFF70]  }
0x23c: {  	v22 =	vmul.f32 v23, v22;
	v20 =	vadd.f32 v20, v21;
	v21 =	vadd.f32 v25, v24;
	v11 =	vld [tilespmem:s0+$0xFFFFFF70]  }
0x23d: {  	v8 =	vadd.f32 v8, v10;
	v9 =	vadd.f32 v14, v9;
	v14 =	vmul.f32 v18, v17;
	v10 =	vld [tilespmem:s0+$0xE0]  }
0x23e: {  	v6 =	vmul.f32 v7, v6;
	v15 =	vadd.f32 v15, v20;
	v17 =	vadd.f32 v22, v21;
	v7 =	vld [tilespmem:s21+$0xF0]  }
0x23f: {  	v9 =	vadd.f32 v14, v9;
	v13 =	vmul.f32 v13, v19;
	v14 =	vld [tilespmem:s0+$0xF0];
	(xrf2) =	vadd.scan.msk.f32 $0xffff, v8  }
0x240: {  	v4 =	vmul.f32 v5, v4;
	v8 =	vadd.f32 v12, v15;
	v6 =	vadd.f32 v6, v17  }
0x241: {  	v5 =	vadd.f32 v13, v9;
	v9 =	vmul.f32 v11, v16  }
0x242: {  	v4 =	vadd.f32 v4, v6;
	v3 =	vmul.f32 v10, v3;
	(xrf2) =	vadd.scan.msk.f32 $0xffff, v8  }
0x243: {  	v5 =	vadd.f32 v9, v5  }
0x244: {  	v3 =	vadd.f32 v3, v4;
	v4 =	vmul.f32 v14, v7  }
0x245: {  	(xrf2) =	vadd.scan.msk.f32 $0xffff, v5  }
0x246: {  	v4 =	vadd.f32 v4, v3;
	_ =	sdelay $0x1  }
0x247: {  	(xrf2) =	vadd.scan.msk.f32 $0xffff, v4  }
0x248: {  	v3, _, _ =	vpop (xrf2);
	_ =	sdelay $0x2  }
0x249: {  	v4, _, _ =	vpop (xrf2)  }
0x24a: {  	s23 =	sadd.s32 $0x7, s3  }
0x24b: {  	s3 =	sadd.s32 $0x4, s3;
	s24 =	sadd.s32 $0x6, s22;
	s23 =	sand.u32 $0xF, s23  }
0x24c: {  	s22 =	sadd.s32 $0x5, s22;
	s25 =	sand.u32 $0xC, s3;
	s24 =	sand.u32 $0xE, s24;
	v5 =	vmov s23;
	v6, _, _ =	vpop (xrf2)  }
0x24d: {  	p0 =	slt.u32 s3, $0x7C;
	s22 =	sand.u32 $0xD, s22;
	v8 =	vmov s25;
	v7 =	vmov s24;
	v10 =	vperm.xlane v6, v0  }
0x24e: {  	v9 =	vmov s22;
	vm0 =	veq.s32 v8, v1;
	v4 =	vperm.xlane v4, v0  }
0x24f: {  	vm1 =	veq.s32 v9, v1;
	v3 =	vperm.xlane v3, v0;
	v2 =	vsel vm0, v10, v2;
	v6, _, _ =	vpop (xrf2)  }
0x250: {  	vm0 =	veq.s32 v7, v1;
	v2 =	vsel vm1, v4, v2;
	v4 =	vperm.xlane v6, v0  }
0x251: {  	v2 =	vsel vm0, v3, v2;
	vm0 =	veq.s32 v5, v1  }
0x252: {  	p1 =	sne.s32 s23, $0xF;
	v2 =	vsel vm0, v4, v2  }
0x253: {  	v3 =	vsub.f32 @!p1 $0.0e+00, v2;
	_ =	sdelay $0x1  }
0x254: {  	v3 =	vmul.f32 @!p1 $1.442695020e+00, v3;
	_ =	sdelay $0x1  }
0x255: {  	(erf) = vpow2.f32 @!p1 v3;
	_ =	sdelay $0x8  }
0x256: {  	v3 =	vpop @!p1 (erf)  }
0x257: {  	v3 =	vadd.f32 @!p1 $1.000000000e+00, v3;
	_ =	sdelay $0x1  }
0x258: {  	(erf) = vrcp.f32 @!p1 v3;
	_ =	sdelay $0x5  }
.Ltmp2:
0x259: {  	(pc) =	sbr.rel @p0 .LBB2_6-.Ltmp2, $3  }
0x25a: {  	_ =	sdelay $0x1  }
0x25b: {  	s19 =	sadd.s32 $0x4, s19;
	v3 =	vpop @!p1 (erf)  }
0x25c: {  	s21 =	sadd.s32 $0x200, s21;
	[tilespmem:s19+$0x0] =	vst @!p1 v3  }
0x25d: {  	s0 =	simm.s32 $0x0  }
0x25e: {  	[hbm4b:s9+s0] =	stream.linear.scatter [tilespmem:s28], [sflag:$0x3], $0x80, $0x38;
	[tilespmem:$0x10600] =	vst v63  }
0x25f: {  	_ =	swait.ge [sflag:s14], $0x4000  }
0x260: {  	[sflag:s14] =	ssyncset.done $0x0  }
0x261: {  	[sflag:s14] =	ssyncadd.s32 $0xFFFFC000  }
0x262: {  	_ =	swait.ge [sflag:s14], $0x4000  }
0x263: {  	[sflag:s14] =	ssyncset.done $0x0  }
0x264: {  	s24 =	simm.s32 $0x0;
	[sflag:s14] =	ssyncadd.s32 $0xFFFFC000  }
0x265: {  	v2 =	vld [tilespmem:s24+$0x4570]  }
0x266: {  	v3 =	vld [tilespmem:s24+$0xC570]  }
0x267: {  	v4 =	vld [tilespmem:s24+$0x45E0]  }
0x268: {  	v5 =	vld [tilespmem:s24+$0x4560]  }
0x269: {  	v6 =	vld [tilespmem:s24+$0xC560]  }
0x26a: {  	v7 =	vld [tilespmem:s24+$0x44F0]  }
0x26b: {  	v8 =	vld [tilespmem:s24+$0xC4F0]  }
0x26c: {  	v9 =	vld [tilespmem:s24+$0x45D0]  }
0x26d: {  	v10 =	vld [tilespmem:s24+$0xC5D0]  }
0x26e: {  	v11 =	vld [tilespmem:s24+$0x4550]  }
0x26f: {  	v12 =	vld [tilespmem:s24+$0xC550]  }
0x270: {  	v13 =	vld [tilespmem:s24+$0x44E0]  }
0x271: {  	v14 =	vld [tilespmem:s24+$0xC4E0]  }
0x272: {  	v15 =	vld [tilespmem:s24+$0x45C0]  }
0x273: {  	v16 =	vld [tilespmem:s24+$0xC5C0]  }
0x274: {  	v17 =	vld [tilespmem:s24+$0x4540]  }
0x275: {  	v18 =	vld [tilespmem:s24+$0xC540]  }
0x276: {  	v19 =	vld [tilespmem:s24+$0x44D0]  }
0x277: {  	v20 =	vld [tilespmem:s24+$0xC4D0]  }
0x278: {  	v21 =	vld [tilespmem:s24+$0x45B0]  }
0x279: {  	v22 =	vld [tilespmem:s24+$0xC5B0]  }
0x27a: {  	v23 =	vld [tilespmem:s24+$0x4530]  }
0x27b: {  	v24 =	vld [tilespmem:s24+$0xC530]  }
0x27c: {  	v25 =	vld [tilespmem:s24+$0x44C0]  }
0x27d: {  	v26 =	vld [tilespmem:s24+$0xC4C0]  }
0x27e: {  	v27 =	vld [tilespmem:s24+$0x45A0]  }
0x27f: {  	v28 =	vld [tilespmem:s24+$0xC5A0]  }
0x280: {  	v29 =	vld [tilespmem:s24+$0x4520]  }
0x281: {  	v30 =	vld [tilespmem:s24+$0xC520]  }
0x282: {  	v31 =	vld [tilespmem:s24+$0x44B0]  }
0x283: {  	v32 =	vld [tilespmem:s24+$0xC4B0]  }
0x284: {  	v33 =	vld [tilespmem:s24+$0x4580]  }
0x285: {  	v34 =	vld [tilespmem:s24+$0xC580]  }
0x286: {  	v35 =	vld [tilespmem:s24+$0x4590]  }
0x287: {  	v36 =	vld [tilespmem:s24+$0xC590]  }
0x288: {  	v37 =	vld [tilespmem:s24+$0x4500]  }
0x289: {  	v38 =	vld [tilespmem:s24+$0xC500]  }
0x28a: {  	v39 =	vld [tilespmem:s24+$0x4510]  }
0x28b: {  	v40 =	vld [tilespmem:s24+$0xC510]  }
0x28c: {  	v41 =	vld [tilespmem:s24+$0x44A0]  }
0x28d: {  	v42 =	vld [tilespmem:s24+$0xC4A0]  }
0x28e: {  	v43 =	vld [tilespmem:s24+$0x4480]  }
0x28f: {  	v44 =	vld [tilespmem:s24+$0xC480]  }
0x290: {  	v45 =	vld [tilespmem:s24+$0x4490]  }
0x291: {  	v46 =	vld [tilespmem:s24+$0xC490]  }
0x292: {  	v47 =	vld [tilespmem:s24+$0xC400]  }
0x293: {  	v48 =	vld [tilespmem:s24+$0x4400];
	v5 =	vmul.f32 v6, v5;
	v2 =	vmul.f32 v3, v2  }
0x294: {  	v63 =	vld [tilespmem:s24+$0xC410];
	v61 =	vmul.f32 v38, v37;
	v62 =	vmul.f32 v40, v39  }
0x295: {  	v3 =	vld [tilespmem:s24+$0x4410];
	v7 =	vmul.f32 v8, v7;
	v8 =	vmul.f32 v12, v11  }
0x296: {  	v50 =	vld [tilespmem:s24+$0xC420];
	v12 =	vmul.f32 v14, v13;
	v49 =	vmul.f32 v30, v29  }
0x297: {  	v40 =	vld [tilespmem:s24+$0x4420];
	v51 =	vmul.f32 v44, v43;
	v52 =	vmul.f32 v46, v45  }
0x298: {  	v53 =	vld [tilespmem:s24+$0x4430];
	v54 =	vmul.f32 v24, v23;
	v17 =	vmul.f32 v18, v17  }
0x299: {  	v55 =	vld [tilespmem:s24+$0xC430];
	v57 =	vmul.f32 v47, v48;
	v59 =	vmul.f32 v42, v41  }
0x29a: {  	v58 =	vld [tilespmem:s24+$0x4440];
	v19 =	vmul.f32 v20, v19;
	v6 =	vadd.f32 v62, v61;
	v3 =	vmul.f32 v63, v3  }
0x29b: {  	v60 =	vld [tilespmem:s24+$0xC440];
	v38 =	vmul.f32 v34, v33;
	v39 =	vmul.f32 v36, v35;
	v56 =	vadd.f32 v52, v51  }
0x29c: {  	v62 =	vld [tilespmem:s24+$0x4450];
	v6 =	vadd.f32 v49, v6;
	v11 =	vmul.f32 v50, v40;
	v3 =	vadd.f32 v3, v57  }
0x29d: {  	v25 =	vmul.f32 v26, v25;
	v61 =	vmul.f32 v32, v31;
	v23 =	vadd.f32 v59, v56;
	v63 =	vld [tilespmem:s24+$0xC450]  }
0x29e: {  	v41 =	vld [tilespmem:s24+$0x4460];
	v40 =	vmul.f32 v55, v53;
	v6 =	vadd.f32 v54, v6;
	v3 =	vadd.f32 v11, v3  }
0x29f: {  	v42 =	vld [tilespmem:s24+$0xC460];
	v27 =	vmul.f32 v28, v27;
	v43 =	vadd.f32 v39, v38;
	v20 =	vadd.f32 v61, v23  }
0x2a0: {  	v44 =	vmul.f32 v60, v58;
	v45 =	vld [tilespmem:s24+$0x4470];
	v6 =	vadd.f32 v17, v6;
	v3 =	vadd.f32 v40, v3  }
0x2a1: {  	v47 =	vld [tilespmem:s24+$0xC470];
	v21 =	vmul.f32 v22, v21;
	v48 =	vadd.f32 v27, v43;
	v46 =	vadd.f32 v25, v20  }
0x2a2: {  	v50 =	vld [tilespmem:s24+$0xC5E0];
	v6 =	vadd.f32 v8, v6;
	v49 =	vmul.f32 v63, v62;
	v3 =	vadd.f32 v44, v3  }
0x2a3: {  	v15 =	vmul.f32 v16, v15;
	v53 =	vld [tilespmem:s24+$0x45F0];
	v52 =	vadd.f32 v21, v48;
	v51 =	vadd.f32 v19, v46  }
0x2a4: {  	v55 =	vld [tilespmem:s24+$0xC5F0];
	v54 =	vmul.f32 v42, v41;
	v5 =	vadd.f32 v5, v6;
	v3 =	vadd.f32 v49, v3  }
0x2a5: {  	v9 =	vmul.f32 v10, v9;
	v56 =	vadd.f32 v15, v52;
	v12 =	vadd.f32 v12, v51  }
0x2a6: {  	v2 =	vadd.f32 v2, v5;
	v5 =	vmul.f32 v47, v45;
	v3 =	vadd.f32 v54, v3  }
0x2a7: {  	v58 =	vadd.f32 v9, v56;
	v4 =	vmul.f32 v50, v4;
	v57 =	vadd.f32 v7, v12  }
0x2a8: {  	(xrf2) =	vadd.scan.msk.f32 $0xffff, v2;
	v2 =	vadd.f32 v5, v3  }
0x2a9: {  	(xrf2) =	vadd.scan.msk.f32 $0xffff, v57;
	v3 =	vadd.f32 v4, v58;
	v4 =	vmul.f32 v55, v53  }
0x2aa: {  	(xrf2) =	vadd.scan.msk.f32 $0xffff, v2  }
0x2ab: {  	v2 =	vadd.f32 v4, v3;
	_ =	sdelay $0x1  }
0x2ac: {  	(xrf2) =	vadd.scan.msk.f32 $0xffff, v2;
	_ =	sdelay $0x4  }
0x2ad: {  	s19 =	simm.s32 $0x2;
	s0 =	simm.s32 $0x0;
	v2, _, _ =	vpop (xrf2)  }
0x2ae: {  	s19 =	sand.u32 $0xE, s19;
	s22 =	sand.u32 $0xC, s0;
	v3, _, _ =	vpop (xrf2)  }
0x2af: {  	s21 =	simm.s32 $0x1;
	v60 =	vmov s19;
	v61 =	vmov s22;
	v59, _, _ =	vpop (xrf2)  }
0x2b0: {  	s25 =	sand.u32 $0xD, s21;
	vm14 =	veq.s32 v60, v1;
	vm0 =	veq.s32 v61, v1;
	v6 =	vperm.xlane v59, v0  }
0x2b1: {  	s3 =	simm.s32 $0x3;
	v62 =	vmov s25;
	v4 =	vimm.f32 $0.0e+00;
	v3 =	vperm.xlane v3, v0  }
0x2b2: {  	s3 =	sand.u32 $0xF, s3;
	vm1 =	veq.s32 v62, v1;
	v2 =	vperm.xlane v2, v0;
	v63, _, _ =	vpop (xrf2);
	v4 =	vsel vm0, v6, v4  }
0x2b3: {  	v5 =	vmov s3;
	v3 =	vsel vm1, v3, v4;
	v4 =	vperm.xlane v63, v0  }
0x2b4: {  	vm15 =	veq.s32 v5, v1;
	v2 =	vsel vm14, v2, v3  }
0x2b5: {  	p1 =	sne.s32 s3, $0xF;
	v2 =	vsel vm15, v4, v2  }
0x2b6: {  	v3 =	vsub.f32 @!p1 $0.0e+00, v2;
	_ =	sdelay $0x1  }
0x2b7: {  	v3 =	vmul.f32 @!p1 $1.442695020e+00, v3;
	_ =	sdelay $0x1  }
0x2b8: {  	(erf) = vpow2.f32 @!p1 v3;
	_ =	sdelay $0x8  }
0x2b9: {  	v3 =	vpop @!p1 (erf)  }
0x2ba: {  	v3 =	vadd.f32 @!p1 $1.000000000e+00, v3;
	_ =	sdelay $0x1  }
0x2bb: {  	(erf) = vrcp.f32 @!p1 v3;
	_ =	sdelay $0x8  }
0x2bc: {  	s19 =	simm.s32 $0x800;
	s3 =	simm.s32 $0x10574;
	v3 =	vpop @!p1 (erf)  }
.LBB2_8:
0x2bd: {  	s22 =	sshra.s32 s19, $0x2;
	[tilespmem:s3+$0x0] =	vst @!p1 v3;
	s21 =	smov.u32 s0  }
0x2be: {  	v8 =	vld [tilespmem:s22+$0x4570]  }
0x2bf: {  	v9 =	vld [tilespmem:s22+$0xC570]  }
0x2c0: {  	v3 =	vld [tilespmem:s22+$0x45E0]  }
0x2c1: {  	v10 =	vld [tilespmem:s22+$0x4560]  }
0x2c2: {  	v11 =	vld [tilespmem:s22+$0xC560]  }
0x2c3: {  	v12 =	vld [tilespmem:s22+$0x44F0]  }
0x2c4: {  	v13 =	vld [tilespmem:s22+$0xC4F0]  }
0x2c5: {  	v4 =	vld [tilespmem:s22+$0x45D0]  }
0x2c6: {  	v5 =	vld [tilespmem:s22+$0xC5D0]  }
0x2c7: {  	v14 =	vld [tilespmem:s22+$0x4550]  }
0x2c8: {  	v15 =	vld [tilespmem:s22+$0xC550]  }
0x2c9: {  	v16 =	vld [tilespmem:s22+$0x44E0]  }
0x2ca: {  	v17 =	vld [tilespmem:s22+$0xC4E0]  }
0x2cb: {  	v6 =	vld [tilespmem:s22+$0x45C0]  }
0x2cc: {  	v7 =	vld [tilespmem:s22+$0xC5C0]  }
0x2cd: {  	v18 =	vld [tilespmem:s22+$0x4540]  }
0x2ce: {  	v19 =	vld [tilespmem:s22+$0xC540]  }
0x2cf: {  	v20 =	vld [tilespmem:s22+$0x44D0]  }
0x2d0: {  	v21 =	vld [tilespmem:s22+$0xC4D0]  }
0x2d1: {  	v22 =	vld [tilespmem:s22+$0x45B0]  }
0x2d2: {  	v23 =	vld [tilespmem:s22+$0xC5B0]  }
0x2d3: {  	v24 =	vld [tilespmem:s22+$0x4530]  }
0x2d4: {  	v25 =	vld [tilespmem:s22+$0xC530]  }
0x2d5: {  	v26 =	vld [tilespmem:s22+$0x44C0]  }
0x2d6: {  	v27 =	vld [tilespmem:s22+$0xC4C0]  }
0x2d7: {  	v28 =	vld [tilespmem:s22+$0x45A0]  }
0x2d8: {  	v29 =	vld [tilespmem:s22+$0xC5A0]  }
0x2d9: {  	v30 =	vld [tilespmem:s22+$0x4520]  }
0x2da: {  	v31 =	vld [tilespmem:s22+$0xC520]  }
0x2db: {  	v32 =	vld [tilespmem:s22+$0x44B0]  }
0x2dc: {  	v33 =	vld [tilespmem:s22+$0xC4B0]  }
0x2dd: {  	v34 =	vld [tilespmem:s22+$0x4580]  }
0x2de: {  	v35 =	vld [tilespmem:s22+$0xC580]  }
0x2df: {  	v36 =	vld [tilespmem:s22+$0x4590]  }
0x2e0: {  	v37 =	vld [tilespmem:s22+$0xC590]  }
0x2e1: {  	v38 =	vld [tilespmem:s22+$0x4500]  }
0x2e2: {  	v39 =	vld [tilespmem:s22+$0xC500]  }
0x2e3: {  	v40 =	vld [tilespmem:s22+$0x4510]  }
0x2e4: {  	v41 =	vld [tilespmem:s22+$0xC510]  }
0x2e5: {  	v42 =	vld [tilespmem:s22+$0x44A0]  }
0x2e6: {  	v43 =	vld [tilespmem:s22+$0xC4A0]  }
0x2e7: {  	v44 =	vld [tilespmem:s22+$0x4480]  }
0x2e8: {  	v45 =	vld [tilespmem:s22+$0xC480]  }
0x2e9: {  	v46 =	vld [tilespmem:s22+$0x4490]  }
0x2ea: {  	v47 =	vld [tilespmem:s22+$0xC490]  }
0x2eb: {  	v48 =	vld [tilespmem:s22+$0xC400]  }
0x2ec: {  	v8 =	vmul.f32 v9, v8;
	v10 =	vmul.f32 v11, v10;
	v49 =	vld [tilespmem:s22+$0x4400]  }
0x2ed: {  	v11 =	vmul.f32 v39, v38;
	v38 =	vmul.f32 v41, v40;
	v9 =	vld [tilespmem:s22+$0x4410]  }
0x2ee: {  	v12 =	vmul.f32 v13, v12;
	v13 =	vmul.f32 v15, v14;
	v39 =	vld [tilespmem:s22+$0xC410]  }
0x2ef: {  	v15 =	vmul.f32 v17, v16;
	v16 =	vmul.f32 v31, v30;
	v11 =	vadd.f32 v38, v11;
	v14 =	vld [tilespmem:s22+$0x4420]  }
0x2f0: {  	v30 =	vmul.f32 v45, v44;
	v31 =	vmul.f32 v47, v46;
	v17 =	vld [tilespmem:s22+$0xC420]  }
0x2f1: {  	v18 =	vmul.f32 v19, v18;
	v11 =	vadd.f32 v16, v11;
	v16 =	vmul.f32 v25, v24;
	v38 =	vld [tilespmem:s22+$0x4430]  }
0x2f2: {  	v20 =	vmul.f32 v21, v20;
	v25 =	vmul.f32 v43, v42;
	v24 =	vadd.f32 v31, v30;
	v19 =	vld [tilespmem:s22+$0xC430]  }
0x2f3: {  	v11 =	vadd.f32 v16, v11;
	v21 =	vmul.f32 v48, v49;
	v9 =	vmul.f32 v39, v9;
	v30 =	vld [tilespmem:s22+$0x4440]  }
0x2f4: {  	v26 =	vmul.f32 v27, v26;
	v24 =	vadd.f32 v25, v24;
	v25 =	vmul.f32 v33, v32;
	v16 =	vld [tilespmem:s22+$0xC440]  }
0x2f5: {  	v11 =	vadd.f32 v18, v11;
	v9 =	vadd.f32 v9, v21;
	v14 =	vmul.f32 v17, v14;
	v17 =	vld [tilespmem:s22+$0x4450]  }
0x2f6: {  	v21 =	vadd.f32 v25, v24;
	v24 =	vmul.f32 v35, v34;
	v25 =	vmul.f32 v37, v36;
	v18 =	vld [tilespmem:s22+$0xC450]  }
0x2f7: {  	v11 =	vadd.f32 v13, v11;
	v9 =	vadd.f32 v14, v9;
	v14 =	vmul.f32 v19, v38;
	v19 =	vld [tilespmem:s22+$0x4460]  }
0x2f8: {  	v21 =	vadd.f32 v26, v21;
	v24 =	vadd.f32 v25, v24;
	v25 =	vmul.f32 v29, v28;
	v13 =	vld [tilespmem:s22+$0xC460]  }
0x2f9: {  	v10 =	vadd.f32 v10, v11;
	v9 =	vadd.f32 v14, v9;
	v14 =	vmul.f32 v16, v30;
	v16 =	vld [tilespmem:s22+$0x4470]  }
0x2fa: {  	v22 =	vmul.f32 v23, v22;
	v20 =	vadd.f32 v20, v21;
	v21 =	vadd.f32 v25, v24;
	v11 =	vld [tilespmem:s22+$0xC470]  }
0x2fb: {  	v8 =	vadd.f32 v8, v10;
	v9 =	vadd.f32 v14, v9;
	v14 =	vmul.f32 v18, v17;
	v10 =	vld [tilespmem:s22+$0xC5E0]  }
0x2fc: {  	v6 =	vmul.f32 v7, v6;
	v15 =	vadd.f32 v15, v20;
	v17 =	vadd.f32 v22, v21;
	v7 =	vld [tilespmem:s22+$0x45F0]  }
0x2fd: {  	v9 =	vadd.f32 v14, v9;
	v13 =	vmul.f32 v13, v19;
	v14 =	vld [tilespmem:s22+$0xC5F0];
	(xrf2) =	vadd.scan.msk.f32 $0xffff, v8  }
0x2fe: {  	v4 =	vmul.f32 v5, v4;
	v8 =	vadd.f32 v12, v15;
	v6 =	vadd.f32 v6, v17  }
0x2ff: {  	v5 =	vadd.f32 v13, v9;
	v9 =	vmul.f32 v11, v16  }
0x300: {  	v4 =	vadd.f32 v4, v6;
	v3 =	vmul.f32 v10, v3;
	(xrf2) =	vadd.scan.msk.f32 $0xffff, v8  }
0x301: {  	v5 =	vadd.f32 v9, v5  }
0x302: {  	v3 =	vadd.f32 v3, v4;
	v4 =	vmul.f32 v14, v7  }
0x303: {  	(xrf2) =	vadd.scan.msk.f32 $0xffff, v5  }
0x304: {  	v4 =	vadd.f32 v4, v3;
	_ =	sdelay $0x1  }
0x305: {  	(xrf2) =	vadd.scan.msk.f32 $0xffff, v4  }
0x306: {  	v3, _, _ =	vpop (xrf2);
	_ =	sdelay $0x2  }
0x307: {  	v4, _, _ =	vpop (xrf2)  }
0x308: {  	s22 =	sadd.s32 $0x7, s0  }
0x309: {  	s23 =	sadd.s32 $0x6, s21;
	s0 =	sadd.s32 $0x4, s0;
	s22 =	sand.u32 $0xF, s22  }
0x30a: {  	s21 =	sadd.s32 $0x5, s21;
	s23 =	sand.u32 $0xE, s23;
	s24 =	sand.u32 $0xC, s0;
	v5 =	vmov s22;
	v6, _, _ =	vpop (xrf2)  }
0x30b: {  	s21 =	sand.u32 $0xD, s21;
	p0 =	slt.u32 s0, $0x7C;
	v8 =	vmov s24;
	v7 =	vmov s23;
	v10 =	vperm.xlane v6, v0  }
0x30c: {  	v9 =	vmov s21;
	vm0 =	veq.s32 v8, v1;
	v4 =	vperm.xlane v4, v0  }
0x30d: {  	vm1 =	veq.s32 v9, v1;
	v3 =	vperm.xlane v3, v0;
	v2 =	vsel vm0, v10, v2;
	v6, _, _ =	vpop (xrf2)  }
0x30e: {  	vm0 =	veq.s32 v7, v1;
	v2 =	vsel vm1, v4, v2;
	v4 =	vperm.xlane v6, v0  }
0x30f: {  	v2 =	vsel vm0, v3, v2;
	vm0 =	veq.s32 v5, v1  }
0x310: {  	p1 =	sne.s32 s22, $0xF;
	v2 =	vsel vm0, v4, v2  }
0x311: {  	v3 =	vsub.f32 @!p1 $0.0e+00, v2;
	_ =	sdelay $0x1  }
0x312: {  	v3 =	vmul.f32 @!p1 $1.442695020e+00, v3;
	_ =	sdelay $0x1  }
0x313: {  	(erf) = vpow2.f32 @!p1 v3;
	_ =	sdelay $0x8  }
0x314: {  	v3 =	vpop @!p1 (erf)  }
0x315: {  	v3 =	vadd.f32 @!p1 $1.000000000e+00, v3;
	_ =	sdelay $0x1  }
0x316: {  	(erf) = vrcp.f32 @!p1 v3;
	_ =	sdelay $0x4  }
.Ltmp3:
0x317: {  	(pc) =	sbr.rel @p0 .LBB2_8-.Ltmp3, $2  }
0x318: {  	_ =	sdelay $0x2  }
0x319: {  	s19 =	sadd.s32 $0x800, s19;
	s3 =	sadd.s32 $0x4, s3;
	v3 =	vpop @!p1 (erf)  }
0x31a: {  	[tilespmem:s3+$0x0] =	vst @!p1 v3  }
0x31b: {  	[hbm4b:s10+s4] =	stream.linear.scatter [tilespmem:s29], [sflag:$0x3], $0x80, $0x38;
	[tilespmem:$0x10600] =	vst v63  }
0x31c: {  	_ =	swait.ge [sflag:s30], $0x80  }
0x31d: {  	[sflag:s30] =	ssyncset.done $0x0  }
0x31e: {  	[sflag:s30] =	ssyncadd.s32 $0xFFFFFF80  }
0x31f: {  	_ =	swait.ge [sflag:s30], $0x80  }
0x320: {  	[sflag:s30] =	ssyncset.done $0x0  }
0x321: {  	s31 =	sadd.s32 $0x1, s31;
	[sflag:s30] =	ssyncadd.s32 $0xFFFFFF80  }
0x322: {  	p0 =	sne.s32 s31, s11;
	_ =	swait.ge [sflag:s30], $0x80  }
.Ltmp4:
0x323: {  	[sflag:s30] =	ssyncset.done $0x0;
	(pc) =	sbr.rel @p0 .LBB2_1-.Ltmp4, $4  }
0x324: {  	[sflag:s30] =	ssyncadd.s32 $0xFFFFFF80  }
0x325: {  	_ =	swait.ge [sflag:s30], $0x80  }
0x326: {  	[sflag:s30] =	ssyncset.done $0x0  }
0x327: {  	[sflag:s30] =	ssyncadd.s32 $0xFFFFFF80  }
0x328: {  	_ =	sfence.sel $0x180000  }
0x329: {  	[bflag:$0x0] =	sbarrier.arrive $0xFFFF  }
0x32a: {  	_ =	strace $0x90000047  }
0x32b: {  	s0 =	stileid.u32;
	[bflag:$0x2] =	sbarrier.arrive $0xFFFF  }
0x32c: {  	p0 =	sne.s32 s0, $0x0;
	s0 =	rddreg [dreg:$0x5]  }
0x32d: {  	s0 =	sadd.s32 @!p0 $0x100000, s0  }
0x32e: {  	[sflag:s0] =	ssyncadd.tile.s32 @!p0 $0x1;
	_ =	shalt  }
.Lfunc_end2:
_tile_overlayer_lowered:
.L_overlay_start_2:
0x32f: {  	(tag) =	ssettag $0x2  }
0x330: {  	s0 =	rddreg [dreg:$0x0];
	s2 =	stileid.u32  }
0x331: {  	s1 =	rddreg [dreg:$0x1];
	p0 =	sne.s32 s2, $0x0  }
0x332: {  	s3 =	rddreg [dreg:$0x2];
	[bflag:$0x3] =	sbarrier.arrive $0xFFFF;
	s2 =	simm.s32 @!p0 $0x1C04  }
0x333: {  	[timem:s3], [sflag:s2] =	dma.local @!p0 [hbm:s0], s1  }
0x334: {  	s0 =	simm.s32 @!p0 $0x4  }
0x335: {  	_ =	swait.ge @!p0 [sflag:s0], s1  }
0x336: {  	s1 =	ssub.s32 @!p0 $0x0, s1;
	[sflag:s0] =	ssyncset.done @!p0 $0x0  }
0x337: {  	[sflag:s0] =	ssyncadd.s32 @!p0 s1  }
0x338: {  	[bflag:$0x3] =	sbarrier.arrive $0xFFFF  }
0x339: {  	_ =	shalt  }

</sc_bundles>
